<compile_context>
chip_gen: v7x
topology: tpu7x:2x2x1
jax: 0.10.2.dev20260603
libtpu: 0.0.44.dev20260713+nightly
codegen_flags: <defaults>
</compile_context>

<pallas_src>
import functools

import jax
import jax.numpy as jnp
from jax import lax
from jax.experimental import pallas as pl
from jax.experimental.pallas import tpu as pltpu
from jax.experimental.pallas import tpu_sc as plsc

_B = 16384
_H = 200
_D = 32
_L = 16

_NW = 32
_RW = _B // _NW
_CB = 8
_NCH = _RW // _CB
_H0 = 128
_H1 = _H - _H0

_mesh = plsc.VectorSubcoreMesh(core_axis_name="c", subcore_axis_name="s")


def _pool_sums(x0, x1, emb):

    @functools.partial(
        pl.kernel,
        out_type=jax.ShapeDtypeStruct((_B, _D), jnp.float32),
        mesh=_mesh,
        scratch_types=[
            pltpu.VMEM((_CB, _H0), jnp.int32),
            pltpu.VMEM((_CB, _H0), jnp.int32),
            pltpu.VMEM((_CB, _H1), jnp.int32),
            pltpu.VMEM((_CB, _H1), jnp.int32),
            pltpu.VMEM((_CB * _H, _D), jnp.float32),
            pltpu.VMEM((_CB * _H, _D), jnp.float32),
            pltpu.VMEM((_RW, _D), jnp.float32),
            pltpu.SemaphoreType.DMA,
            pltpu.SemaphoreType.DMA,
            pltpu.SemaphoreType.DMA,
            pltpu.SemaphoreType.DMA,
        ],
        compiler_params=pltpu.CompilerParams(use_tc_tiling_on_sc=False),
    )
    def k(x0_hbm, x1_hbm, emb_hbm, out_hbm, ia_a, ia_b, ib_a, ib_b,
          rows_a, rows_b, out_v, isem_a, isem_b, gsem_a, gsem_b):
        ias = (ia_a, ia_b)
        ibs = (ib_a, ib_b)
        rows = (rows_a, rows_b)
        isems = (isem_a, isem_b)
        gsems = (gsem_a, gsem_b)

        wid = lax.axis_index("s") * 2 + lax.axis_index("c")
        row0 = wid * _RW

        class _IdxPair:
            def __init__(self, g, p):
                sl = pl.ds(row0 + g * _CB, _CB)
                self.c0 = pltpu.make_async_copy(
                    x0_hbm.at[sl], ias[p], isems[p])
                self.c1 = pltpu.make_async_copy(
                    x1_hbm.at[sl], ibs[p], isems[p])

            def start(self):
                self.c0.start()
                self.c1.start()

            def wait(self):
                self.c0.wait()
                self.c1.wait()

        idx_cp = _IdxPair

        def gathers_start(p):
            for e in range(_CB):
                pltpu.make_async_copy(
                    emb_hbm.at[ias[p].at[e]],
                    rows[p].at[pl.ds(e * _H, _H0)], gsems[p]).start()
                pltpu.make_async_copy(
                    emb_hbm.at[ibs[p].at[e]],
                    rows[p].at[pl.ds(e * _H + _H0, _H1)], gsems[p]).start()

        def gathers_wait(p):
            for e in range(_CB):
                pltpu.make_async_copy(
                    emb_hbm.at[ias[p].at[e]],
                    rows[p].at[pl.ds(e * _H, _H0)], gsems[p]).wait()
                pltpu.make_async_copy(
                    emb_hbm.at[ibs[p].at[e]],
                    rows[p].at[pl.ds(e * _H + _H0, _H1)], gsems[p]).wait()

        def compute(g, p):
            r_v = rows[p]
            for e in range(_CB):
                def body(t, acc, e=e):
                    a0, a1, b0, b1 = acc
                    base = e * _H + t * 8
                    for u in range(0, 8, 2):
                        a0 = a0 + r_v[base + u, pl.ds(0, _L)]
                        a1 = a1 + r_v[base + u, pl.ds(_L, _L)]
                        b0 = b0 + r_v[base + u + 1, pl.ds(0, _L)]
                        b1 = b1 + r_v[base + u + 1, pl.ds(_L, _L)]
                    return (a0, a1, b0, b1)
                z = jnp.zeros((_L,), jnp.float32)
                a0, a1, b0, b1 = lax.fori_loop(0, _H // 8, body, (z, z, z, z))
                out_v[g * _CB + e, pl.ds(0, _L)] = a0 + b0
                out_v[g * _CB + e, pl.ds(_L, _L)] = a1 + b1

        c0 = idx_cp(0, 0)
        c0.start()
        c0.wait()
        gathers_start(0)
        idx_cp(1, 1).start()

        @pl.loop(0, _NCH, step=2)
        def _(g):
            idx_cp(g + 1, 1).wait()
            gathers_start(1)
            gathers_wait(0)
            @pl.when(g + 2 < _NCH)
            def _():
                idx_cp(g + 2, 0).start()
            compute(g, 0)
            @pl.when(g + 2 < _NCH)
            def _():
                idx_cp(g + 2, 0).wait()
                gathers_start(0)
            gathers_wait(1)
            @pl.when(g + 3 < _NCH)
            def _():
                idx_cp(g + 3, 1).start()
            compute(g + 1, 1)

        pltpu.sync_copy(out_v, out_hbm.at[pl.ds(wid * _RW, _RW)])

    return k(x0, x1, emb)


_P = 250880


def _relayout(emb_t):
    nb = _P // 1024
    last = (emb_t.shape[1] - 1) // 1024

    def body(a0, a1, a2, a3, o_ref):
        i0 = lax.broadcasted_iota(jnp.int32, (_D, _D), 0)
        i1 = lax.broadcasted_iota(jnp.int32, (_D, _D), 1)
        eye = (i0 == i1).astype(jnp.float32)
        parts = [jnp.einsum('dc,dj->cj', a[...], eye,
                            preferred_element_type=jnp.float32)
                 for a in (a0, a1, a2, a3)]
        o_ref[...] = jnp.concatenate(parts, axis=1)

    return pl.pallas_call(
        body,
        grid=(nb,),
        in_specs=[pl.BlockSpec(
            (_D, 1024), (lambda i, a=a: (0, jnp.minimum(nb * a + i, last))))
            for a in range(4)],
        out_specs=pl.BlockSpec((1024, 128), lambda i: (i, 0)),
        out_shape=jax.ShapeDtypeStruct((_P, 128), jnp.float32),
    )(emb_t, emb_t, emb_t, emb_t)


def _mlp(sums, w1t, b1, w2t, b2):
    def body(s_ref, w1_ref, b1_ref, w2_ref, b2_ref, o_ref):
        mean = s_ref[...] * (1.0 / _H)
        h = jnp.dot(mean, w1_ref[...], preferred_element_type=jnp.float32)
        h = jax.nn.sigmoid(h + b1_ref[...])
        t = jnp.dot(h, w2_ref[...], preferred_element_type=jnp.float32)
        o_ref[...] = jax.nn.sigmoid(t + b2_ref[...])

    return pl.pallas_call(
        body,
        out_shape=jax.ShapeDtypeStruct((_B, 1), jnp.float32),
    )(sums, w1t, b1, w2t, b2)


def kernel(x, emb, W1, b1, W2, b2):
    xi = x.astype(jnp.int32)
    xk = 4 * (xi % _P) + xi // _P
    x0 = lax.slice(xk, (0, 0), (_B, _H0))
    x1 = lax.slice(xk, (0, _H0), (_B, _H))
    emb_lin = _relayout(emb.T).reshape(4 * _P, _D)
    sums = _pool_sums(x0, x1, emb_lin)
    return _mlp(sums, W1.T, b1.reshape(1, 16), W2.T, b2.reshape(1, 1))

# --- scband reference (transcript-rebuilt; emitter-appended) ---
"""Pipeline reference for scband-reviewer-46059229282422 (READ-ONLY COPY).

The authoritative reference and input builder live on the scoring server;
editing this copy changes nothing except your own understanding.
"""

import jax, jax.numpy as jnp
import numpy as np

VOCAB = 1000000
DIM = 32
BATCH = 16384
HIST = 200

def setup_inputs(seed: int = 0) -> dict:
    key = jax.random.key(seed)
    k1, k2, k3, k4, k5, k6 = jax.random.split(key, 6)
    x = jax.random.randint(k1, (BATCH, HIST), 0, VOCAB, dtype=jnp.int64) if jax.config.jax_enable_x64 else jax.random.randint(k1, (BATCH, HIST), 0, VOCAB, dtype=jnp.int32)
    emb = jax.random.normal(k2, (VOCAB, DIM), dtype=jnp.float32)
    W1 = jax.random.normal(k3, (16, DIM), dtype=jnp.float32) * (1.0 / np.sqrt(DIM))
    b1 = jax.random.normal(k4, (16,), dtype=jnp.float32) * 0.01
    W2 = jax.random.normal(k5, (1, 16), dtype=jnp.float32) * (1.0 / 4.0)
    b2 = jax.random.normal(k6, (1,), dtype=jnp.float32) * 0.01
    return {"x": x, "emb": emb, "W1": W1, "b1": b1, "W2": W2, "b2": b2}

def reference(x, emb, W1, b1, W2, b2):
    # embedding lookup (gather)
    embed = jnp.take(emb, x, axis=0)              # [B, L, D]
    mean = jnp.mean(embed, axis=1)                # [B, D]
    first = mean @ W1.T + b1                      # [B, 16]
    sigmoid = jax.nn.sigmoid(first)
    third = sigmoid @ W2.T + b2                   # [B, 1]
    # dropout is identity in eval mode
    sig = jax.nn.sigmoid(third)
    return sig

if __name__ == "__main__":
    import jax
    _d = setup_inputs()
    print(jax.jit(kernel)(*tuple(_d.values())))

</pallas_src>

<mosaic_0001>
#map = affine_map<(d0, d1) -> (0, 0)>
module attributes {stable_mosaic.version = 14 : i64} {
  func.func @k(%arg0: i32, %arg1: i32, %arg2: memref<16384x128xi32, #tpu.memory_space<hbm>>, %arg3: memref<16384x72xi32, #tpu.memory_space<hbm>>, %arg4: memref<1003520x32xf32, #tpu.memory_space<hbm>>, %arg5: memref<16384x32xf32, #tpu.memory_space<hbm>>, %arg6: memref<8x128xi32, #tpu.memory_space<vmem>>, %arg7: memref<8x128xi32, #tpu.memory_space<vmem>>, %arg8: memref<8x72xi32, #tpu.memory_space<vmem>>, %arg9: memref<8x72xi32, #tpu.memory_space<vmem>>, %arg10: memref<1600x32xf32, #tpu.memory_space<vmem>>, %arg11: memref<1600x32xf32, #tpu.memory_space<vmem>>, %arg12: memref<512x32xf32, #tpu.memory_space<vmem>>, %arg13: memref<!tpu.dma_semaphore, #tpu.memory_space<semaphore_mem>>, %arg14: memref<!tpu.dma_semaphore, #tpu.memory_space<semaphore_mem>>, %arg15: memref<!tpu.dma_semaphore, #tpu.memory_space<semaphore_mem>>, %arg16: memref<!tpu.dma_semaphore, #tpu.memory_space<semaphore_mem>>) attributes {dimension_semantics = [#tpu.dimension_semantics<core_parallel>, #tpu.dimension_semantics<subcore_parallel>], iteration_bounds = array<i64: 2, 16>, scalar_prefetch = 0 : i64, scratch_operands = 11 : i64, tpu.core_type = #tpu.core_type<sc_vector_subcore>, window_params = [{transform_indices = #map}, {transform_indices = #map}, {transform_indices = #map}, {transform_indices = #map}]} {
    %mul3A = arith.constant 2 : i32
    %mul3A_0 = arith.muli %arg1, %mul3A : i32
    %add3A = arith.addi %mul3A_0, %arg0 : i32
    %mul3A_1 = arith.constant 512 : i32
    %mul3A_2 = arith.muli %add3A, %mul3A_1 : i32
    %add3A_3 = arith.constant 0 : i32
    %add3A_4 = arith.addi %mul3A_2, %add3A_3 : i32
    %dma_start3A = arith.constant 0 : i32
    %dma_start3A_5 = tpu.memref_slice %arg2[%add3A_4, %dma_start3A] : memref<16384x128xi32, #tpu.memory_space<hbm>> -> memref<8x128xi32, #tpu.memory_space<hbm>>
    %dma_start3A_6 = arith.constant 0 : i32
    %dma_start3A_7 = tpu.memref_slice %arg2[%add3A_4, %dma_start3A_6] : memref<16384x128xi32, #tpu.memory_space<hbm>> -> memref<8x128xi32, #tpu.memory_space<hbm>>
    tpu.enqueue_dma source(%dma_start3A_7 : memref<8x128xi32, #tpu.memory_space<hbm>>) target(%arg6 : memref<8x128xi32, #tpu.memory_space<vmem>>) target_semaphore(%arg13 : memref<!tpu.dma_semaphore, #tpu.memory_space<semaphore_mem>>)
    %dma_start3A_8 = arith.constant 0 : i32
    %dma_start3A_9 = tpu.memref_slice %arg3[%add3A_4, %dma_start3A_8] : memref<16384x72xi32, #tpu.memory_space<hbm>> -> memref<8x72xi32, #tpu.memory_space<hbm>>
    %dma_start3A_10 = arith.constant 0 : i32
    %dma_start3A_11 = tpu.memref_slice %arg3[%add3A_4, %dma_start3A_10] : memref<16384x72xi32, #tpu.memory_space<hbm>> -> memref<8x72xi32, #tpu.memory_space<hbm>>
    tpu.enqueue_dma source(%dma_start3A_11 : memref<8x72xi32, #tpu.memory_space<hbm>>) target(%arg8 : memref<8x72xi32, #tpu.memory_space<vmem>>) target_semaphore(%arg13 : memref<!tpu.dma_semaphore, #tpu.memory_space<semaphore_mem>>)
    %dma_wait3A = arith.constant 0 : i32
    %dma_wait3A_12 = tpu.memref_slice %arg2[%add3A_4, %dma_wait3A] : memref<16384x128xi32, #tpu.memory_space<hbm>> -> memref<8x128xi32, #tpu.memory_space<hbm>>
    %dma_wait3A_13 = arith.constant 0 : i32
    %dma_wait3A_14 = tpu.memref_slice %arg2[%add3A_4, %dma_wait3A_13] : memref<16384x128xi32, #tpu.memory_space<hbm>> -> memref<8x128xi32, #tpu.memory_space<hbm>>
    tpu.wait_dma2 semaphore(%arg13 : memref<!tpu.dma_semaphore, #tpu.memory_space<semaphore_mem>>) src(%dma_wait3A_14 : memref<8x128xi32, #tpu.memory_space<hbm>>) dst(%arg6 : memref<8x128xi32, #tpu.memory_space<vmem>>)
    %dma_wait3A_15 = arith.constant 0 : i32
    %dma_wait3A_16 = tpu.memref_slice %arg3[%add3A_4, %dma_wait3A_15] : memref<16384x72xi32, #tpu.memory_space<hbm>> -> memref<8x72xi32, #tpu.memory_space<hbm>>
    %dma_wait3A_17 = arith.constant 0 : i32
    %dma_wait3A_18 = tpu.memref_slice %arg3[%add3A_4, %dma_wait3A_17] : memref<16384x72xi32, #tpu.memory_space<hbm>> -> memref<8x72xi32, #tpu.memory_space<hbm>>
    tpu.wait_dma2 semaphore(%arg13 : memref<!tpu.dma_semaphore, #tpu.memory_space<semaphore_mem>>) src(%dma_wait3A_18 : memref<8x72xi32, #tpu.memory_space<hbm>>) dst(%arg8 : memref<8x72xi32, #tpu.memory_space<vmem>>)
    %dma_start3A_19 = arith.constant 0 : i32
    %dma_start3A_20 = arith.constant 0 : i32
    %dma_start3A_21 = arith.constant 0 : i32
    %dma_start3A_22 = tpu.memref_slice %arg10[%dma_start3A_20, %dma_start3A_21] : memref<1600x32xf32, #tpu.memory_space<vmem>> -> memref<128x32xf32, #tpu.memory_space<vmem>>
    %dma_start3A_23 = arith.constant 0 : i32
    %dma_start3A_24 = tpu.memref_slice %arg6[%dma_start3A_19, %dma_start3A_23] : memref<8x128xi32, #tpu.memory_space<vmem>> -> memref<1x128xi32, #tpu.memory_space<vmem>>
    %dma_start3A_25 = tpu.memref_squeeze %dma_start3A_24 : memref<1x128xi32, #tpu.memory_space<vmem>> -> memref<128xi32, #tpu.memory_space<vmem>>
    %dma_start3A_26 = arith.constant 0 : i32
    %dma_start3A_27 = arith.constant 0 : i32
    %dma_start3A_28 = tpu.memref_slice %arg4[%dma_start3A_26, %dma_start3A_27] : memref<1003520x32xf32, #tpu.memory_space<hbm>> -> memref<1003520x32xf32, #tpu.memory_space<hbm>>
    tpu.enqueue_indirect_dma source(%dma_start3A_28 : memref<1003520x32xf32, #tpu.memory_space<hbm>>) target(%dma_start3A_22 : memref<128x32xf32, #tpu.memory_space<vmem>>) offsets(%dma_start3A_25 : memref<128xi32, #tpu.memory_space<vmem>>) semaphore(%arg15 : memref<!tpu.dma_semaphore, #tpu.memory_space<semaphore_mem>>)
    %dma_start3A_29 = arith.constant 0 : i32
    %dma_start3A_30 = arith.constant 128 : i32
    %dma_start3A_31 = arith.constant 0 : i32
    %dma_start3A_32 = tpu.memref_slice %arg10[%dma_start3A_30, %dma_start3A_31] : memref<1600x32xf32, #tpu.memory_space<vmem>> -> memref<72x32xf32, #tpu.memory_space<vmem>>
    %dma_start3A_33 = arith.constant 0 : i32
    %dma_start3A_34 = tpu.memref_slice %arg8[%dma_start3A_29, %dma_start3A_33] : memref<8x72xi32, #tpu.memory_space<vmem>> -> memref<1x72xi32, #tpu.memory_space<vmem>>
    %dma_start3A_35 = tpu.memref_squeeze %dma_start3A_34 : memref<1x72xi32, #tpu.memory_space<vmem>> -> memref<72xi32, #tpu.memory_space<vmem>>
    %dma_start3A_36 = arith.constant 0 : i32
    %dma_start3A_37 = arith.constant 0 : i32
    %dma_start3A_38 = tpu.memref_slice %arg4[%dma_start3A_36, %dma_start3A_37] : memref<1003520x32xf32, #tpu.memory_space<hbm>> -> memref<1003520x32xf32, #tpu.memory_space<hbm>>
    tpu.enqueue_indirect_dma source(%dma_start3A_38 : memref<1003520x32xf32, #tpu.memory_space<hbm>>) target(%dma_start3A_32 : memref<72x32xf32, #tpu.memory_space<vmem>>) offsets(%dma_start3A_35 : memref<72xi32, #tpu.memory_space<vmem>>) semaphore(%arg15 : memref<!tpu.dma_semaphore, #tpu.memory_space<semaphore_mem>>)
    %dma_start3A_39 = arith.constant 1 : i32
    %dma_start3A_40 = arith.constant 200 : i32
    %dma_start3A_41 = arith.constant 0 : i32
    %dma_start3A_42 = tpu.memref_slice %arg10[%dma_start3A_40, %dma_start3A_41] : memref<1600x32xf32, #tpu.memory_space<vmem>> -> memref<128x32xf32, #tpu.memory_space<vmem>>
    %dma_start3A_43 = arith.constant 0 : i32
    %dma_start3A_44 = tpu.memref_slice %arg6[%dma_start3A_39, %dma_start3A_43] : memref<8x128xi32, #tpu.memory_space<vmem>> -> memref<1x128xi32, #tpu.memory_space<vmem>>
    %dma_start3A_45 = tpu.memref_squeeze %dma_start3A_44 : memref<1x128xi32, #tpu.memory_space<vmem>> -> memref<128xi32, #tpu.memory_space<vmem>>
    %dma_start3A_46 = arith.constant 0 : i32
    %dma_start3A_47 = arith.constant 0 : i32
    %dma_start3A_48 = tpu.memref_slice %arg4[%dma_start3A_46, %dma_start3A_47] : memref<1003520x32xf32, #tpu.memory_space<hbm>> -> memref<1003520x32xf32, #tpu.memory_space<hbm>>
    tpu.enqueue_indirect_dma source(%dma_start3A_48 : memref<1003520x32xf32, #tpu.memory_space<hbm>>) target(%dma_start3A_42 : memref<128x32xf32, #tpu.memory_space<vmem>>) offsets(%dma_start3A_45 : memref<128xi32, #tpu.memory_space<vmem>>) semaphore(%arg15 : memref<!tpu.dma_semaphore, #tpu.memory_space<semaphore_mem>>)
    %dma_start3A_49 = arith.constant 1 : i32
    %dma_start3A_50 = arith.constant 328 : i32
    %dma_start3A_51 = arith.constant 0 : i32
    %dma_start3A_52 = tpu.memref_slice %arg10[%dma_start3A_50, %dma_start3A_51] : memref<1600x32xf32, #tpu.memory_space<vmem>> -> memref<72x32xf32, #tpu.memory_space<vmem>>
    %dma_start3A_53 = arith.constant 0 : i32
    %dma_start3A_54 = tpu.memref_slice %arg8[%dma_start3A_49, %dma_start3A_53] : memref<8x72xi32, #tpu.memory_space<vmem>> -> memref<1x72xi32, #tpu.memory_space<vmem>>
    %dma_start3A_55 = tpu.memref_squeeze %dma_start3A_54 : memref<1x72xi32, #tpu.memory_space<vmem>> -> memref<72xi32, #tpu.memory_space<vmem>>
    %dma_start3A_56 = arith.constant 0 : i32
    %dma_start3A_57 = arith.constant 0 : i32
    %dma_start3A_58 = tpu.memref_slice %arg4[%dma_start3A_56, %dma_start3A_57] : memref<1003520x32xf32, #tpu.memory_space<hbm>> -> memref<1003520x32xf32, #tpu.memory_space<hbm>>
    tpu.enqueue_indirect_dma source(%dma_start3A_58 : memref<1003520x32xf32, #tpu.memory_space<hbm>>) target(%dma_start3A_52 : memref<72x32xf32, #tpu.memory_space<vmem>>) offsets(%dma_start3A_55 : memref<72xi32, #tpu.memory_space<vmem>>) semaphore(%arg15 : memref<!tpu.dma_semaphore, #tpu.memory_space<semaphore_mem>>)
    %dma_start3A_59 = arith.constant 2 : i32
    %dma_start3A_60 = arith.constant 400 : i32
    %dma_start3A_61 = arith.constant 0 : i32
    %dma_start3A_62 = tpu.memref_slice %arg10[%dma_start3A_60, %dma_start3A_61] : memref<1600x32xf32, #tpu.memory_space<vmem>> -> memref<128x32xf32, #tpu.memory_space<vmem>>
    %dma_start3A_63 = arith.constant 0 : i32
    %dma_start3A_64 = tpu.memref_slice %arg6[%dma_start3A_59, %dma_start3A_63] : memref<8x128xi32, #tpu.memory_space<vmem>> -> memref<1x128xi32, #tpu.memory_space<vmem>>
    %dma_start3A_65 = tpu.memref_squeeze %dma_start3A_64 : memref<1x128xi32, #tpu.memory_space<vmem>> -> memref<128xi32, #tpu.memory_space<vmem>>
    %dma_start3A_66 = arith.constant 0 : i32
    %dma_start3A_67 = arith.constant 0 : i32
    %dma_start3A_68 = tpu.memref_slice %arg4[%dma_start3A_66, %dma_start3A_67] : memref<1003520x32xf32, #tpu.memory_space<hbm>> -> memref<1003520x32xf32, #tpu.memory_space<hbm>>
    tpu.enqueue_indirect_dma source(%dma_start3A_68 : memref<1003520x32xf32, #tpu.memory_space<hbm>>) target(%dma_start3A_62 : memref<128x32xf32, #tpu.memory_space<vmem>>) offsets(%dma_start3A_65 : memref<128xi32, #tpu.memory_space<vmem>>) semaphore(%arg15 : memref<!tpu.dma_semaphore, #tpu.memory_space<semaphore_mem>>)
    %dma_start3A_69 = arith.constant 2 : i32
    %dma_start3A_70 = arith.constant 528 : i32
    %dma_start3A_71 = arith.constant 0 : i32
    %dma_start3A_72 = tpu.memref_slice %arg10[%dma_start3A_70, %dma_start3A_71] : memref<1600x32xf32, #tpu.memory_space<vmem>> -> memref<72x32xf32, #tpu.memory_space<vmem>>
    %dma_start3A_73 = arith.constant 0 : i32
    %dma_start3A_74 = tpu.memref_slice %arg8[%dma_start3A_69, %dma_start3A_73] : memref<8x72xi32, #tpu.memory_space<vmem>> -> memref<1x72xi32, #tpu.memory_space<vmem>>
    %dma_start3A_75 = tpu.memref_squeeze %dma_start3A_74 : memref<1x72xi32, #tpu.memory_space<vmem>> -> memref<72xi32, #tpu.memory_space<vmem>>
    %dma_start3A_76 = arith.constant 0 : i32
    %dma_start3A_77 = arith.constant 0 : i32
    %dma_start3A_78 = tpu.memref_slice %arg4[%dma_start3A_76, %dma_start3A_77] : memref<1003520x32xf32, #tpu.memory_space<hbm>> -> memref<1003520x32xf32, #tpu.memory_space<hbm>>
    tpu.enqueue_indirect_dma source(%dma_start3A_78 : memref<1003520x32xf32, #tpu.memory_space<hbm>>) target(%dma_start3A_72 : memref<72x32xf32, #tpu.memory_space<vmem>>) offsets(%dma_start3A_75 : memref<72xi32, #tpu.memory_space<vmem>>) semaphore(%arg15 : memref<!tpu.dma_semaphore, #tpu.memory_space<semaphore_mem>>)
    %dma_start3A_79 = arith.constant 3 : i32
    %dma_start3A_80 = arith.constant 600 : i32
    %dma_start3A_81 = arith.constant 0 : i32
    %dma_start3A_82 = tpu.memref_slice %arg10[%dma_start3A_80, %dma_start3A_81] : memref<1600x32xf32, #tpu.memory_space<vmem>> -> memref<128x32xf32, #tpu.memory_space<vmem>>
    %dma_start3A_83 = arith.constant 0 : i32
    %dma_start3A_84 = tpu.memref_slice %arg6[%dma_start3A_79, %dma_start3A_83] : memref<8x128xi32, #tpu.memory_space<vmem>> -> memref<1x128xi32, #tpu.memory_space<vmem>>
    %dma_start3A_85 = tpu.memref_squeeze %dma_start3A_84 : memref<1x128xi32, #tpu.memory_space<vmem>> -> memref<128xi32, #tpu.memory_space<vmem>>
    %dma_start3A_86 = arith.constant 0 : i32
    %dma_start3A_87 = arith.constant 0 : i32
    %dma_start3A_88 = tpu.memref_slice %arg4[%dma_start3A_86, %dma_start3A_87] : memref<1003520x32xf32, #tpu.memory_space<hbm>> -> memref<1003520x32xf32, #tpu.memory_space<hbm>>
    tpu.enqueue_indirect_dma source(%dma_start3A_88 : memref<1003520x32xf32, #tpu.memory_space<hbm>>) target(%dma_start3A_82 : memref<128x32xf32, #tpu.memory_space<vmem>>) offsets(%dma_start3A_85 : memref<128xi32, #tpu.memory_space<vmem>>) semaphore(%arg15 : memref<!tpu.dma_semaphore, #tpu.memory_space<semaphore_mem>>)
    %dma_start3A_89 = arith.constant 3 : i32
    %dma_start3A_90 = arith.constant 728 : i32
    %dma_start3A_91 = arith.constant 0 : i32
    %dma_start3A_92 = tpu.memref_slice %arg10[%dma_start3A_90, %dma_start3A_91] : memref<1600x32xf32, #tpu.memory_space<vmem>> -> memref<72x32xf32, #tpu.memory_space<vmem>>
    %dma_start3A_93 = arith.constant 0 : i32
    %dma_start3A_94 = tpu.memref_slice %arg8[%dma_start3A_89, %dma_start3A_93] : memref<8x72xi32, #tpu.memory_space<vmem>> -> memref<1x72xi32, #tpu.memory_space<vmem>>
    %dma_start3A_95 = tpu.memref_squeeze %dma_start3A_94 : memref<1x72xi32, #tpu.memory_space<vmem>> -> memref<72xi32, #tpu.memory_space<vmem>>
    %dma_start3A_96 = arith.constant 0 : i32
    %dma_start3A_97 = arith.constant 0 : i32
    %dma_start3A_98 = tpu.memref_slice %arg4[%dma_start3A_96, %dma_start3A_97] : memref<1003520x32xf32, #tpu.memory_space<hbm>> -> memref<1003520x32xf32, #tpu.memory_space<hbm>>
    tpu.enqueue_indirect_dma source(%dma_start3A_98 : memref<1003520x32xf32, #tpu.memory_space<hbm>>) target(%dma_start3A_92 : memref<72x32xf32, #tpu.memory_space<vmem>>) offsets(%dma_start3A_95 : memref<72xi32, #tpu.memory_space<vmem>>) semaphore(%arg15 : memref<!tpu.dma_semaphore, #tpu.memory_space<semaphore_mem>>)
    %dma_start3A_99 = arith.constant 4 : i32
    %dma_start3A_100 = arith.constant 800 : i32
    %dma_start3A_101 = arith.constant 0 : i32
    %dma_start3A_102 = tpu.memref_slice %arg10[%dma_start3A_100, %dma_start3A_101] : memref<1600x32xf32, #tpu.memory_space<vmem>> -> memref<128x32xf32, #tpu.memory_space<vmem>>
    %dma_start3A_103 = arith.constant 0 : i32
    %dma_start3A_104 = tpu.memref_slice %arg6[%dma_start3A_99, %dma_start3A_103] : memref<8x128xi32, #tpu.memory_space<vmem>> -> memref<1x128xi32, #tpu.memory_space<vmem>>
    %dma_start3A_105 = tpu.memref_squeeze %dma_start3A_104 : memref<1x128xi32, #tpu.memory_space<vmem>> -> memref<128xi32, #tpu.memory_space<vmem>>
    %dma_start3A_106 = arith.constant 0 : i32
    %dma_start3A_107 = arith.constant 0 : i32
    %dma_start3A_108 = tpu.memref_slice %arg4[%dma_start3A_106, %dma_start3A_107] : memref<1003520x32xf32, #tpu.memory_space<hbm>> -> memref<1003520x32xf32, #tpu.memory_space<hbm>>
    tpu.enqueue_indirect_dma source(%dma_start3A_108 : memref<1003520x32xf32, #tpu.memory_space<hbm>>) target(%dma_start3A_102 : memref<128x32xf32, #tpu.memory_space<vmem>>) offsets(%dma_start3A_105 : memref<128xi32, #tpu.memory_space<vmem>>) semaphore(%arg15 : memref<!tpu.dma_semaphore, #tpu.memory_space<semaphore_mem>>)
    %dma_start3A_109 = arith.constant 4 : i32
    %dma_start3A_110 = arith.constant 928 : i32
    %dma_start3A_111 = arith.constant 0 : i32
    %dma_start3A_112 = tpu.memref_slice %arg10[%dma_start3A_110, %dma_start3A_111] : memref<1600x32xf32, #tpu.memory_space<vmem>> -> memref<72x32xf32, #tpu.memory_space<vmem>>
    %dma_start3A_113 = arith.constant 0 : i32
    %dma_start3A_114 = tpu.memref_slice %arg8[%dma_start3A_109, %dma_start3A_113] : memref<8x72xi32, #tpu.memory_space<vmem>> -> memref<1x72xi32, #tpu.memory_space<vmem>>
    %dma_start3A_115 = tpu.memref_squeeze %dma_start3A_114 : memref<1x72xi32, #tpu.memory_space<vmem>> -> memref<72xi32, #tpu.memory_space<vmem>>
    %dma_start3A_116 = arith.constant 0 : i32
    %dma_start3A_117 = arith.constant 0 : i32
    %dma_start3A_118 = tpu.memref_slice %arg4[%dma_start3A_116, %dma_start3A_117] : memref<1003520x32xf32, #tpu.memory_space<hbm>> -> memref<1003520x32xf32, #tpu.memory_space<hbm>>
    tpu.enqueue_indirect_dma source(%dma_start3A_118 : memref<1003520x32xf32, #tpu.memory_space<hbm>>) target(%dma_start3A_112 : memref<72x32xf32, #tpu.memory_space<vmem>>) offsets(%dma_start3A_115 : memref<72xi32, #tpu.memory_space<vmem>>) semaphore(%arg15 : memref<!tpu.dma_semaphore, #tpu.memory_space<semaphore_mem>>)
    %dma_start3A_119 = arith.constant 5 : i32
    %dma_start3A_120 = arith.constant 1000 : i32
    %dma_start3A_121 = arith.constant 0 : i32
    %dma_start3A_122 = tpu.memref_slice %arg10[%dma_start3A_120, %dma_start3A_121] : memref<1600x32xf32, #tpu.memory_space<vmem>> -> memref<128x32xf32, #tpu.memory_space<vmem>>
    %dma_start3A_123 = arith.constant 0 : i32
    %dma_start3A_124 = tpu.memref_slice %arg6[%dma_start3A_119, %dma_start3A_123] : memref<8x128xi32, #tpu.memory_space<vmem>> -> memref<1x128xi32, #tpu.memory_space<vmem>>
    %dma_start3A_125 = tpu.memref_squeeze %dma_start3A_124 : memref<1x128xi32, #tpu.memory_space<vmem>> -> memref<128xi32, #tpu.memory_space<vmem>>
    %dma_start3A_126 = arith.constant 0 : i32
    %dma_start3A_127 = arith.constant 0 : i32
    %dma_start3A_128 = tpu.memref_slice %arg4[%dma_start3A_126, %dma_start3A_127] : memref<1003520x32xf32, #tpu.memory_space<hbm>> -> memref<1003520x32xf32, #tpu.memory_space<hbm>>
    tpu.enqueue_indirect_dma source(%dma_start3A_128 : memref<1003520x32xf32, #tpu.memory_space<hbm>>) target(%dma_start3A_122 : memref<128x32xf32, #tpu.memory_space<vmem>>) offsets(%dma_start3A_125 : memref<128xi32, #tpu.memory_space<vmem>>) semaphore(%arg15 : memref<!tpu.dma_semaphore, #tpu.memory_space<semaphore_mem>>)
    %dma_start3A_129 = arith.constant 5 : i32
    %dma_start3A_130 = arith.constant 1128 : i32
    %dma_start3A_131 = arith.constant 0 : i32
    %dma_start3A_132 = tpu.memref_slice %arg10[%dma_start3A_130, %dma_start3A_131] : memref<1600x32xf32, #tpu.memory_space<vmem>> -> memref<72x32xf32, #tpu.memory_space<vmem>>
    %dma_start3A_133 = arith.constant 0 : i32
    %dma_start3A_134 = tpu.memref_slice %arg8[%dma_start3A_129, %dma_start3A_133] : memref<8x72xi32, #tpu.memory_space<vmem>> -> memref<1x72xi32, #tpu.memory_space<vmem>>
    %dma_start3A_135 = tpu.memref_squeeze %dma_start3A_134 : memref<1x72xi32, #tpu.memory_space<vmem>> -> memref<72xi32, #tpu.memory_space<vmem>>
    %dma_start3A_136 = arith.constant 0 : i32
    %dma_start3A_137 = arith.constant 0 : i32
    %dma_start3A_138 = tpu.memref_slice %arg4[%dma_start3A_136, %dma_start3A_137] : memref<1003520x32xf32, #tpu.memory_space<hbm>> -> memref<1003520x32xf32, #tpu.memory_space<hbm>>
    tpu.enqueue_indirect_dma source(%dma_start3A_138 : memref<1003520x32xf32, #tpu.memory_space<hbm>>) target(%dma_start3A_132 : memref<72x32xf32, #tpu.memory_space<vmem>>) offsets(%dma_start3A_135 : memref<72xi32, #tpu.memory_space<vmem>>) semaphore(%arg15 : memref<!tpu.dma_semaphore, #tpu.memory_space<semaphore_mem>>)
    %dma_start3A_139 = arith.constant 6 : i32
    %dma_start3A_140 = arith.constant 1200 : i32
    %dma_start3A_141 = arith.constant 0 : i32
    %dma_start3A_142 = tpu.memref_slice %arg10[%dma_start3A_140, %dma_start3A_141] : memref<1600x32xf32, #tpu.memory_space<vmem>> -> memref<128x32xf32, #tpu.memory_space<vmem>>
    %dma_start3A_143 = arith.constant 0 : i32
    %dma_start3A_144 = tpu.memref_slice %arg6[%dma_start3A_139, %dma_start3A_143] : memref<8x128xi32, #tpu.memory_space<vmem>> -> memref<1x128xi32, #tpu.memory_space<vmem>>
    %dma_start3A_145 = tpu.memref_squeeze %dma_start3A_144 : memref<1x128xi32, #tpu.memory_space<vmem>> -> memref<128xi32, #tpu.memory_space<vmem>>
    %dma_start3A_146 = arith.constant 0 : i32
    %dma_start3A_147 = arith.constant 0 : i32
    %dma_start3A_148 = tpu.memref_slice %arg4[%dma_start3A_146, %dma_start3A_147] : memref<1003520x32xf32, #tpu.memory_space<hbm>> -> memref<1003520x32xf32, #tpu.memory_space<hbm>>
    tpu.enqueue_indirect_dma source(%dma_start3A_148 : memref<1003520x32xf32, #tpu.memory_space<hbm>>) target(%dma_start3A_142 : memref<128x32xf32, #tpu.memory_space<vmem>>) offsets(%dma_start3A_145 : memref<128xi32, #tpu.memory_space<vmem>>) semaphore(%arg15 : memref<!tpu.dma_semaphore, #tpu.memory_space<semaphore_mem>>)
    %dma_start3A_149 = arith.constant 6 : i32
    %dma_start3A_150 = arith.constant 1328 : i32
    %dma_start3A_151 = arith.constant 0 : i32
    %dma_start3A_152 = tpu.memref_slice %arg10[%dma_start3A_150, %dma_start3A_151] : memref<1600x32xf32, #tpu.memory_space<vmem>> -> memref<72x32xf32, #tpu.memory_space<vmem>>
    %dma_start3A_153 = arith.constant 0 : i32
    %dma_start3A_154 = tpu.memref_slice %arg8[%dma_start3A_149, %dma_start3A_153] : memref<8x72xi32, #tpu.memory_space<vmem>> -> memref<1x72xi32, #tpu.memory_space<vmem>>
    %dma_start3A_155 = tpu.memref_squeeze %dma_start3A_154 : memref<1x72xi32, #tpu.memory_space<vmem>> -> memref<72xi32, #tpu.memory_space<vmem>>
    %dma_start3A_156 = arith.constant 0 : i32
    %dma_start3A_157 = arith.constant 0 : i32
    %dma_start3A_158 = tpu.memref_slice %arg4[%dma_start3A_156, %dma_start3A_157] : memref<1003520x32xf32, #tpu.memory_space<hbm>> -> memref<1003520x32xf32, #tpu.memory_space<hbm>>
    tpu.enqueue_indirect_dma source(%dma_start3A_158 : memref<1003520x32xf32, #tpu.memory_space<hbm>>) target(%dma_start3A_152 : memref<72x32xf32, #tpu.memory_space<vmem>>) offsets(%dma_start3A_155 : memref<72xi32, #tpu.memory_space<vmem>>) semaphore(%arg15 : memref<!tpu.dma_semaphore, #tpu.memory_space<semaphore_mem>>)
    %dma_start3A_159 = arith.constant 7 : i32
    %dma_start3A_160 = arith.constant 1400 : i32
    %dma_start3A_161 = arith.constant 0 : i32
    %dma_start3A_162 = tpu.memref_slice %arg10[%dma_start3A_160, %dma_start3A_161] : memref<1600x32xf32, #tpu.memory_space<vmem>> -> memref<128x32xf32, #tpu.memory_space<vmem>>
    %dma_start3A_163 = arith.constant 0 : i32
    %dma_start3A_164 = tpu.memref_slice %arg6[%dma_start3A_159, %dma_start3A_163] : memref<8x128xi32, #tpu.memory_space<vmem>> -> memref<1x128xi32, #tpu.memory_space<vmem>>
    %dma_start3A_165 = tpu.memref_squeeze %dma_start3A_164 : memref<1x128xi32, #tpu.memory_space<vmem>> -> memref<128xi32, #tpu.memory_space<vmem>>
    %dma_start3A_166 = arith.constant 0 : i32
    %dma_start3A_167 = arith.constant 0 : i32
    %dma_start3A_168 = tpu.memref_slice %arg4[%dma_start3A_166, %dma_start3A_167] : memref<1003520x32xf32, #tpu.memory_space<hbm>> -> memref<1003520x32xf32, #tpu.memory_space<hbm>>
    tpu.enqueue_indirect_dma source(%dma_start3A_168 : memref<1003520x32xf32, #tpu.memory_space<hbm>>) target(%dma_start3A_162 : memref<128x32xf32, #tpu.memory_space<vmem>>) offsets(%dma_start3A_165 : memref<128xi32, #tpu.memory_space<vmem>>) semaphore(%arg15 : memref<!tpu.dma_semaphore, #tpu.memory_space<semaphore_mem>>)
    %dma_start3A_169 = arith.constant 7 : i32
    %dma_start3A_170 = arith.constant 1528 : i32
    %dma_start3A_171 = arith.constant 0 : i32
    %dma_start3A_172 = tpu.memref_slice %arg10[%dma_start3A_170, %dma_start3A_171] : memref<1600x32xf32, #tpu.memory_space<vmem>> -> memref<72x32xf32, #tpu.memory_space<vmem>>
    %dma_start3A_173 = arith.constant 0 : i32
    %dma_start3A_174 = tpu.memref_slice %arg8[%dma_start3A_169, %dma_start3A_173] : memref<8x72xi32, #tpu.memory_space<vmem>> -> memref<1x72xi32, #tpu.memory_space<vmem>>
    %dma_start3A_175 = tpu.memref_squeeze %dma_start3A_174 : memref<1x72xi32, #tpu.memory_space<vmem>> -> memref<72xi32, #tpu.memory_space<vmem>>
    %dma_start3A_176 = arith.constant 0 : i32
    %dma_start3A_177 = arith.constant 0 : i32
    %dma_start3A_178 = tpu.memref_slice %arg4[%dma_start3A_176, %dma_start3A_177] : memref<1003520x32xf32, #tpu.memory_space<hbm>> -> memref<1003520x32xf32, #tpu.memory_space<hbm>>
    tpu.enqueue_indirect_dma source(%dma_start3A_178 : memref<1003520x32xf32, #tpu.memory_space<hbm>>) target(%dma_start3A_172 : memref<72x32xf32, #tpu.memory_space<vmem>>) offsets(%dma_start3A_175 : memref<72xi32, #tpu.memory_space<vmem>>) semaphore(%arg15 : memref<!tpu.dma_semaphore, #tpu.memory_space<semaphore_mem>>)
    %add3A_179 = arith.constant 8 : i32
    %add3A_180 = arith.addi %mul3A_2, %add3A_179 : i32
    %dma_start3A_181 = arith.constant 0 : i32
    %dma_start3A_182 = tpu.memref_slice %arg2[%add3A_180, %dma_start3A_181] : memref<16384x128xi32, #tpu.memory_space<hbm>> -> memref<8x128xi32, #tpu.memory_space<hbm>>
    %dma_start3A_183 = arith.constant 0 : i32
    %dma_start3A_184 = tpu.memref_slice %arg2[%add3A_180, %dma_start3A_183] : memref<16384x128xi32, #tpu.memory_space<hbm>> -> memref<8x128xi32, #tpu.memory_space<hbm>>
    tpu.enqueue_dma source(%dma_start3A_184 : memref<8x128xi32, #tpu.memory_space<hbm>>) target(%arg7 : memref<8x128xi32, #tpu.memory_space<vmem>>) target_semaphore(%arg14 : memref<!tpu.dma_semaphore, #tpu.memory_space<semaphore_mem>>)
    %dma_start3A_185 = arith.constant 0 : i32
    %dma_start3A_186 = tpu.memref_slice %arg3[%add3A_180, %dma_start3A_185] : memref<16384x72xi32, #tpu.memory_space<hbm>> -> memref<8x72xi32, #tpu.memory_space<hbm>>
    %dma_start3A_187 = arith.constant 0 : i32
    %dma_start3A_188 = tpu.memref_slice %arg3[%add3A_180, %dma_start3A_187] : memref<16384x72xi32, #tpu.memory_space<hbm>> -> memref<8x72xi32, #tpu.memory_space<hbm>>
    tpu.enqueue_dma source(%dma_start3A_188 : memref<8x72xi32, #tpu.memory_space<hbm>>) target(%arg9 : memref<8x72xi32, #tpu.memory_space<vmem>>) target_semaphore(%arg14 : memref<!tpu.dma_semaphore, #tpu.memory_space<semaphore_mem>>)
    %scan3A = arith.constant 0 : i32
    %scan3A_189 = arith.constant 32 : i32
    %scan3A_190 = arith.addi %scan3A, %scan3A_189 : i32
    %scan3A_191 = arith.constant 1 : i32
    scf.for %scan3A_195 = %scan3A to %scan3A_190 step %scan3A_191  : i32 {
      %mul3A_196 = arith.constant 2 : i32
      %mul3A_197 = arith.muli %scan3A_195, %mul3A_196 : i32
      %add3A_198 = arith.constant 0 : i32
      %add3A_199 = arith.addi %add3A_198, %mul3A_197 : i32
      %add3A_200 = arith.constant 1 : i32
      %add3A_201 = arith.addi %add3A_199, %add3A_200 : i32
      %mul3A_202 = arith.constant 8 : i32
      %mul3A_203 = arith.muli %add3A_201, %mul3A_202 : i32
      %add3A_204 = arith.addi %mul3A_2, %mul3A_203 : i32
      %dma_wait3A_205 = arith.constant 0 : i32
      %dma_wait3A_206 = tpu.memref_slice %arg2[%add3A_204, %dma_wait3A_205] : memref<16384x128xi32, #tpu.memory_space<hbm>> -> memref<8x128xi32, #tpu.memory_space<hbm>>
      %dma_wait3A_207 = arith.constant 0 : i32
      %dma_wait3A_208 = tpu.memref_slice %arg2[%add3A_204, %dma_wait3A_207] : memref<16384x128xi32, #tpu.memory_space<hbm>> -> memref<8x128xi32, #tpu.memory_space<hbm>>
      tpu.wait_dma2 semaphore(%arg14 : memref<!tpu.dma_semaphore, #tpu.memory_space<semaphore_mem>>) src(%dma_wait3A_208 : memref<8x128xi32, #tpu.memory_space<hbm>>) dst(%arg7 : memref<8x128xi32, #tpu.memory_space<vmem>>)
      %dma_wait3A_209 = arith.constant 0 : i32
      %dma_wait3A_210 = tpu.memref_slice %arg3[%add3A_204, %dma_wait3A_209] : memref<16384x72xi32, #tpu.memory_space<hbm>> -> memref<8x72xi32, #tpu.memory_space<hbm>>
      %dma_wait3A_211 = arith.constant 0 : i32
      %dma_wait3A_212 = tpu.memref_slice %arg3[%add3A_204, %dma_wait3A_211] : memref<16384x72xi32, #tpu.memory_space<hbm>> -> memref<8x72xi32, #tpu.memory_space<hbm>>
      tpu.wait_dma2 semaphore(%arg14 : memref<!tpu.dma_semaphore, #tpu.memory_space<semaphore_mem>>) src(%dma_wait3A_212 : memref<8x72xi32, #tpu.memory_space<hbm>>) dst(%arg9 : memref<8x72xi32, #tpu.memory_space<vmem>>)
      %dma_start3A_213 = arith.constant 0 : i32
      %dma_start3A_214 = arith.constant 0 : i32
      %dma_start3A_215 = arith.constant 0 : i32
      %dma_start3A_216 = tpu.memref_slice %arg11[%dma_start3A_214, %dma_start3A_215] : memref<1600x32xf32, #tpu.memory_space<vmem>> -> memref<128x32xf32, #tpu.memory_space<vmem>>
      %dma_start3A_217 = arith.constant 0 : i32
      %dma_start3A_218 = tpu.memref_slice %arg7[%dma_start3A_213, %dma_start3A_217] : memref<8x128xi32, #tpu.memory_space<vmem>> -> memref<1x128xi32, #tpu.memory_space<vmem>>
      %dma_start3A_219 = tpu.memref_squeeze %dma_start3A_218 : memref<1x128xi32, #tpu.memory_space<vmem>> -> memref<128xi32, #tpu.memory_space<vmem>>
      %dma_start3A_220 = arith.constant 0 : i32
      %dma_start3A_221 = arith.constant 0 : i32
      %dma_start3A_222 = tpu.memref_slice %arg4[%dma_start3A_220, %dma_start3A_221] : memref<1003520x32xf32, #tpu.memory_space<hbm>> -> memref<1003520x32xf32, #tpu.memory_space<hbm>>
      tpu.enqueue_indirect_dma source(%dma_start3A_222 : memref<1003520x32xf32, #tpu.memory_space<hbm>>) target(%dma_start3A_216 : memref<128x32xf32, #tpu.memory_space<vmem>>) offsets(%dma_start3A_219 : memref<128xi32, #tpu.memory_space<vmem>>) semaphore(%arg16 : memref<!tpu.dma_semaphore, #tpu.memory_space<semaphore_mem>>)
      %dma_start3A_223 = arith.constant 0 : i32
      %dma_start3A_224 = arith.constant 128 : i32
      %dma_start3A_225 = arith.constant 0 : i32
      %dma_start3A_226 = tpu.memref_slice %arg11[%dma_start3A_224, %dma_start3A_225] : memref<1600x32xf32, #tpu.memory_space<vmem>> -> memref<72x32xf32, #tpu.memory_space<vmem>>
      %dma_start3A_227 = arith.constant 0 : i32
      %dma_start3A_228 = tpu.memref_slice %arg9[%dma_start3A_223, %dma_start3A_227] : memref<8x72xi32, #tpu.memory_space<vmem>> -> memref<1x72xi32, #tpu.memory_space<vmem>>
      %dma_start3A_229 = tpu.memref_squeeze %dma_start3A_228 : memref<1x72xi32, #tpu.memory_space<vmem>> -> memref<72xi32, #tpu.memory_space<vmem>>
      %dma_start3A_230 = arith.constant 0 : i32
      %dma_start3A_231 = arith.constant 0 : i32
      %dma_start3A_232 = tpu.memref_slice %arg4[%dma_start3A_230, %dma_start3A_231] : memref<1003520x32xf32, #tpu.memory_space<hbm>> -> memref<1003520x32xf32, #tpu.memory_space<hbm>>
      tpu.enqueue_indirect_dma source(%dma_start3A_232 : memref<1003520x32xf32, #tpu.memory_space<hbm>>) target(%dma_start3A_226 : memref<72x32xf32, #tpu.memory_space<vmem>>) offsets(%dma_start3A_229 : memref<72xi32, #tpu.memory_space<vmem>>) semaphore(%arg16 : memref<!tpu.dma_semaphore, #tpu.memory_space<semaphore_mem>>)
      %dma_start3A_233 = arith.constant 1 : i32
      %dma_start3A_234 = arith.constant 200 : i32
      %dma_start3A_235 = arith.constant 0 : i32
      %dma_start3A_236 = tpu.memref_slice %arg11[%dma_start3A_234, %dma_start3A_235] : memref<1600x32xf32, #tpu.memory_space<vmem>> -> memref<128x32xf32, #tpu.memory_space<vmem>>
      %dma_start3A_237 = arith.constant 0 : i32
      %dma_start3A_238 = tpu.memref_slice %arg7[%dma_start3A_233, %dma_start3A_237] : memref<8x128xi32, #tpu.memory_space<vmem>> -> memref<1x128xi32, #tpu.memory_space<vmem>>
      %dma_start3A_239 = tpu.memref_squeeze %dma_start3A_238 : memref<1x128xi32, #tpu.memory_space<vmem>> -> memref<128xi32, #tpu.memory_space<vmem>>
      %dma_start3A_240 = arith.constant 0 : i32
      %dma_start3A_241 = arith.constant 0 : i32
      %dma_start3A_242 = tpu.memref_slice %arg4[%dma_start3A_240, %dma_start3A_241] : memref<1003520x32xf32, #tpu.memory_space<hbm>> -> memref<1003520x32xf32, #tpu.memory_space<hbm>>
      tpu.enqueue_indirect_dma source(%dma_start3A_242 : memref<1003520x32xf32, #tpu.memory_space<hbm>>) target(%dma_start3A_236 : memref<128x32xf32, #tpu.memory_space<vmem>>) offsets(%dma_start3A_239 : memref<128xi32, #tpu.memory_space<vmem>>) semaphore(%arg16 : memref<!tpu.dma_semaphore, #tpu.memory_space<semaphore_mem>>)
      %dma_start3A_243 = arith.constant 1 : i32
      %dma_start3A_244 = arith.constant 328 : i32
      %dma_start3A_245 = arith.constant 0 : i32
      %dma_start3A_246 = tpu.memref_slice %arg11[%dma_start3A_244, %dma_start3A_245] : memref<1600x32xf32, #tpu.memory_space<vmem>> -> memref<72x32xf32, #tpu.memory_space<vmem>>
      %dma_start3A_247 = arith.constant 0 : i32
      %dma_start3A_248 = tpu.memref_slice %arg9[%dma_start3A_243, %dma_start3A_247] : memref<8x72xi32, #tpu.memory_space<vmem>> -> memref<1x72xi32, #tpu.memory_space<vmem>>
      %dma_start3A_249 = tpu.memref_squeeze %dma_start3A_248 : memref<1x72xi32, #tpu.memory_space<vmem>> -> memref<72xi32, #tpu.memory_space<vmem>>
      %dma_start3A_250 = arith.constant 0 : i32
      %dma_start3A_251 = arith.constant 0 : i32
      %dma_start3A_252 = tpu.memref_slice %arg4[%dma_start3A_250, %dma_start3A_251] : memref<1003520x32xf32, #tpu.memory_space<hbm>> -> memref<1003520x32xf32, #tpu.memory_space<hbm>>
      tpu.enqueue_indirect_dma source(%dma_start3A_252 : memref<1003520x32xf32, #tpu.memory_space<hbm>>) target(%dma_start3A_246 : memref<72x32xf32, #tpu.memory_space<vmem>>) offsets(%dma_start3A_249 : memref<72xi32, #tpu.memory_space<vmem>>) semaphore(%arg16 : memref<!tpu.dma_semaphore, #tpu.memory_space<semaphore_mem>>)
      %dma_start3A_253 = arith.constant 2 : i32
      %dma_start3A_254 = arith.constant 400 : i32
      %dma_start3A_255 = arith.constant 0 : i32
      %dma_start3A_256 = tpu.memref_slice %arg11[%dma_start3A_254, %dma_start3A_255] : memref<1600x32xf32, #tpu.memory_space<vmem>> -> memref<128x32xf32, #tpu.memory_space<vmem>>
      %dma_start3A_257 = arith.constant 0 : i32
      %dma_start3A_258 = tpu.memref_slice %arg7[%dma_start3A_253, %dma_start3A_257] : memref<8x128xi32, #tpu.memory_space<vmem>> -> memref<1x128xi32, #tpu.memory_space<vmem>>
      %dma_start3A_259 = tpu.memref_squeeze %dma_start3A_258 : memref<1x128xi32, #tpu.memory_space<vmem>> -> memref<128xi32, #tpu.memory_space<vmem>>
      %dma_start3A_260 = arith.constant 0 : i32
      %dma_start3A_261 = arith.constant 0 : i32
      %dma_start3A_262 = tpu.memref_slice %arg4[%dma_start3A_260, %dma_start3A_261] : memref<1003520x32xf32, #tpu.memory_space<hbm>> -> memref<1003520x32xf32, #tpu.memory_space<hbm>>
      tpu.enqueue_indirect_dma source(%dma_start3A_262 : memref<1003520x32xf32, #tpu.memory_space<hbm>>) target(%dma_start3A_256 : memref<128x32xf32, #tpu.memory_space<vmem>>) offsets(%dma_start3A_259 : memref<128xi32, #tpu.memory_space<vmem>>) semaphore(%arg16 : memref<!tpu.dma_semaphore, #tpu.memory_space<semaphore_mem>>)
      %dma_start3A_263 = arith.constant 2 : i32
      %dma_start3A_264 = arith.constant 528 : i32
      %dma_start3A_265 = arith.constant 0 : i32
      %dma_start3A_266 = tpu.memref_slice %arg11[%dma_start3A_264, %dma_start3A_265] : memref<1600x32xf32, #tpu.memory_space<vmem>> -> memref<72x32xf32, #tpu.memory_space<vmem>>
      %dma_start3A_267 = arith.constant 0 : i32
      %dma_start3A_268 = tpu.memref_slice %arg9[%dma_start3A_263, %dma_start3A_267] : memref<8x72xi32, #tpu.memory_space<vmem>> -> memref<1x72xi32, #tpu.memory_space<vmem>>
      %dma_start3A_269 = tpu.memref_squeeze %dma_start3A_268 : memref<1x72xi32, #tpu.memory_space<vmem>> -> memref<72xi32, #tpu.memory_space<vmem>>
      %dma_start3A_270 = arith.constant 0 : i32
      %dma_start3A_271 = arith.constant 0 : i32
      %dma_start3A_272 = tpu.memref_slice %arg4[%dma_start3A_270, %dma_start3A_271] : memref<1003520x32xf32, #tpu.memory_space<hbm>> -> memref<1003520x32xf32, #tpu.memory_space<hbm>>
      tpu.enqueue_indirect_dma source(%dma_start3A_272 : memref<1003520x32xf32, #tpu.memory_space<hbm>>) target(%dma_start3A_266 : memref<72x32xf32, #tpu.memory_space<vmem>>) offsets(%dma_start3A_269 : memref<72xi32, #tpu.memory_space<vmem>>) semaphore(%arg16 : memref<!tpu.dma_semaphore, #tpu.memory_space<semaphore_mem>>)
      %dma_start3A_273 = arith.constant 3 : i32
      %dma_start3A_274 = arith.constant 600 : i32
      %dma_start3A_275 = arith.constant 0 : i32
      %dma_start3A_276 = tpu.memref_slice %arg11[%dma_start3A_274, %dma_start3A_275] : memref<1600x32xf32, #tpu.memory_space<vmem>> -> memref<128x32xf32, #tpu.memory_space<vmem>>
      %dma_start3A_277 = arith.constant 0 : i32
      %dma_start3A_278 = tpu.memref_slice %arg7[%dma_start3A_273, %dma_start3A_277] : memref<8x128xi32, #tpu.memory_space<vmem>> -> memref<1x128xi32, #tpu.memory_space<vmem>>
      %dma_start3A_279 = tpu.memref_squeeze %dma_start3A_278 : memref<1x128xi32, #tpu.memory_space<vmem>> -> memref<128xi32, #tpu.memory_space<vmem>>
      %dma_start3A_280 = arith.constant 0 : i32
      %dma_start3A_281 = arith.constant 0 : i32
      %dma_start3A_282 = tpu.memref_slice %arg4[%dma_start3A_280, %dma_start3A_281] : memref<1003520x32xf32, #tpu.memory_space<hbm>> -> memref<1003520x32xf32, #tpu.memory_space<hbm>>
      tpu.enqueue_indirect_dma source(%dma_start3A_282 : memref<1003520x32xf32, #tpu.memory_space<hbm>>) target(%dma_start3A_276 : memref<128x32xf32, #tpu.memory_space<vmem>>) offsets(%dma_start3A_279 : memref<128xi32, #tpu.memory_space<vmem>>) semaphore(%arg16 : memref<!tpu.dma_semaphore, #tpu.memory_space<semaphore_mem>>)
      %dma_start3A_283 = arith.constant 3 : i32
      %dma_start3A_284 = arith.constant 728 : i32
      %dma_start3A_285 = arith.constant 0 : i32
      %dma_start3A_286 = tpu.memref_slice %arg11[%dma_start3A_284, %dma_start3A_285] : memref<1600x32xf32, #tpu.memory_space<vmem>> -> memref<72x32xf32, #tpu.memory_space<vmem>>
      %dma_start3A_287 = arith.constant 0 : i32
      %dma_start3A_288 = tpu.memref_slice %arg9[%dma_start3A_283, %dma_start3A_287] : memref<8x72xi32, #tpu.memory_space<vmem>> -> memref<1x72xi32, #tpu.memory_space<vmem>>
      %dma_start3A_289 = tpu.memref_squeeze %dma_start3A_288 : memref<1x72xi32, #tpu.memory_space<vmem>> -> memref<72xi32, #tpu.memory_space<vmem>>
      %dma_start3A_290 = arith.constant 0 : i32
      %dma_start3A_291 = arith.constant 0 : i32
      %dma_start3A_292 = tpu.memref_slice %arg4[%dma_start3A_290, %dma_start3A_291] : memref<1003520x32xf32, #tpu.memory_space<hbm>> -> memref<1003520x32xf32, #tpu.memory_space<hbm>>
      tpu.enqueue_indirect_dma source(%dma_start3A_292 : memref<1003520x32xf32, #tpu.memory_space<hbm>>) target(%dma_start3A_286 : memref<72x32xf32, #tpu.memory_space<vmem>>) offsets(%dma_start3A_289 : memref<72xi32, #tpu.memory_space<vmem>>) semaphore(%arg16 : memref<!tpu.dma_semaphore, #tpu.memory_space<semaphore_mem>>)
      %dma_start3A_293 = arith.constant 4 : i32
      %dma_start3A_294 = arith.constant 800 : i32
      %dma_start3A_295 = arith.constant 0 : i32
      %dma_start3A_296 = tpu.memref_slice %arg11[%dma_start3A_294, %dma_start3A_295] : memref<1600x32xf32, #tpu.memory_space<vmem>> -> memref<128x32xf32, #tpu.memory_space<vmem>>
      %dma_start3A_297 = arith.constant 0 : i32
      %dma_start3A_298 = tpu.memref_slice %arg7[%dma_start3A_293, %dma_start3A_297] : memref<8x128xi32, #tpu.memory_space<vmem>> -> memref<1x128xi32, #tpu.memory_space<vmem>>
      %dma_start3A_299 = tpu.memref_squeeze %dma_start3A_298 : memref<1x128xi32, #tpu.memory_space<vmem>> -> memref<128xi32, #tpu.memory_space<vmem>>
      %dma_start3A_300 = arith.constant 0 : i32
      %dma_start3A_301 = arith.constant 0 : i32
      %dma_start3A_302 = tpu.memref_slice %arg4[%dma_start3A_300, %dma_start3A_301] : memref<1003520x32xf32, #tpu.memory_space<hbm>> -> memref<1003520x32xf32, #tpu.memory_space<hbm>>
      tpu.enqueue_indirect_dma source(%dma_start3A_302 : memref<1003520x32xf32, #tpu.memory_space<hbm>>) target(%dma_start3A_296 : memref<128x32xf32, #tpu.memory_space<vmem>>) offsets(%dma_start3A_299 : memref<128xi32, #tpu.memory_space<vmem>>) semaphore(%arg16 : memref<!tpu.dma_semaphore, #tpu.memory_space<semaphore_mem>>)
      %dma_start3A_303 = arith.constant 4 : i32
      %dma_start3A_304 = arith.constant 928 : i32
      %dma_start3A_305 = arith.constant 0 : i32
      %dma_start3A_306 = tpu.memref_slice %arg11[%dma_start3A_304, %dma_start3A_305] : memref<1600x32xf32, #tpu.memory_space<vmem>> -> memref<72x32xf32, #tpu.memory_space<vmem>>
      %dma_start3A_307 = arith.constant 0 : i32
      %dma_start3A_308 = tpu.memref_slice %arg9[%dma_start3A_303, %dma_start3A_307] : memref<8x72xi32, #tpu.memory_space<vmem>> -> memref<1x72xi32, #tpu.memory_space<vmem>>
      %dma_start3A_309 = tpu.memref_squeeze %dma_start3A_308 : memref<1x72xi32, #tpu.memory_space<vmem>> -> memref<72xi32, #tpu.memory_space<vmem>>
      %dma_start3A_310 = arith.constant 0 : i32
      %dma_start3A_311 = arith.constant 0 : i32
      %dma_start3A_312 = tpu.memref_slice %arg4[%dma_start3A_310, %dma_start3A_311] : memref<1003520x32xf32, #tpu.memory_space<hbm>> -> memref<1003520x32xf32, #tpu.memory_space<hbm>>
      tpu.enqueue_indirect_dma source(%dma_start3A_312 : memref<1003520x32xf32, #tpu.memory_space<hbm>>) target(%dma_start3A_306 : memref<72x32xf32, #tpu.memory_space<vmem>>) offsets(%dma_start3A_309 : memref<72xi32, #tpu.memory_space<vmem>>) semaphore(%arg16 : memref<!tpu.dma_semaphore, #tpu.memory_space<semaphore_mem>>)
      %dma_start3A_313 = arith.constant 5 : i32
      %dma_start3A_314 = arith.constant 1000 : i32
      %dma_start3A_315 = arith.constant 0 : i32
      %dma_start3A_316 = tpu.memref_slice %arg11[%dma_start3A_314, %dma_start3A_315] : memref<1600x32xf32, #tpu.memory_space<vmem>> -> memref<128x32xf32, #tpu.memory_space<vmem>>
      %dma_start3A_317 = arith.constant 0 : i32
      %dma_start3A_318 = tpu.memref_slice %arg7[%dma_start3A_313, %dma_start3A_317] : memref<8x128xi32, #tpu.memory_space<vmem>> -> memref<1x128xi32, #tpu.memory_space<vmem>>
      %dma_start3A_319 = tpu.memref_squeeze %dma_start3A_318 : memref<1x128xi32, #tpu.memory_space<vmem>> -> memref<128xi32, #tpu.memory_space<vmem>>
      %dma_start3A_320 = arith.constant 0 : i32
      %dma_start3A_321 = arith.constant 0 : i32
      %dma_start3A_322 = tpu.memref_slice %arg4[%dma_start3A_320, %dma_start3A_321] : memref<1003520x32xf32, #tpu.memory_space<hbm>> -> memref<1003520x32xf32, #tpu.memory_space<hbm>>
      tpu.enqueue_indirect_dma source(%dma_start3A_322 : memref<1003520x32xf32, #tpu.memory_space<hbm>>) target(%dma_start3A_316 : memref<128x32xf32, #tpu.memory_space<vmem>>) offsets(%dma_start3A_319 : memref<128xi32, #tpu.memory_space<vmem>>) semaphore(%arg16 : memref<!tpu.dma_semaphore, #tpu.memory_space<semaphore_mem>>)
      %dma_start3A_323 = arith.constant 5 : i32
      %dma_start3A_324 = arith.constant 1128 : i32
      %dma_start3A_325 = arith.constant 0 : i32
      %dma_start3A_326 = tpu.memref_slice %arg11[%dma_start3A_324, %dma_start3A_325] : memref<1600x32xf32, #tpu.memory_space<vmem>> -> memref<72x32xf32, #tpu.memory_space<vmem>>
      %dma_start3A_327 = arith.constant 0 : i32
      %dma_start3A_328 = tpu.memref_slice %arg9[%dma_start3A_323, %dma_start3A_327] : memref<8x72xi32, #tpu.memory_space<vmem>> -> memref<1x72xi32, #tpu.memory_space<vmem>>
      %dma_start3A_329 = tpu.memref_squeeze %dma_start3A_328 : memref<1x72xi32, #tpu.memory_space<vmem>> -> memref<72xi32, #tpu.memory_space<vmem>>
      %dma_start3A_330 = arith.constant 0 : i32
      %dma_start3A_331 = arith.constant 0 : i32
      %dma_start3A_332 = tpu.memref_slice %arg4[%dma_start3A_330, %dma_start3A_331] : memref<1003520x32xf32, #tpu.memory_space<hbm>> -> memref<1003520x32xf32, #tpu.memory_space<hbm>>
      tpu.enqueue_indirect_dma source(%dma_start3A_332 : memref<1003520x32xf32, #tpu.memory_space<hbm>>) target(%dma_start3A_326 : memref<72x32xf32, #tpu.memory_space<vmem>>) offsets(%dma_start3A_329 : memref<72xi32, #tpu.memory_space<vmem>>) semaphore(%arg16 : memref<!tpu.dma_semaphore, #tpu.memory_space<semaphore_mem>>)
      %dma_start3A_333 = arith.constant 6 : i32
      %dma_start3A_334 = arith.constant 1200 : i32
      %dma_start3A_335 = arith.constant 0 : i32
      %dma_start3A_336 = tpu.memref_slice %arg11[%dma_start3A_334, %dma_start3A_335] : memref<1600x32xf32, #tpu.memory_space<vmem>> -> memref<128x32xf32, #tpu.memory_space<vmem>>
      %dma_start3A_337 = arith.constant 0 : i32
      %dma_start3A_338 = tpu.memref_slice %arg7[%dma_start3A_333, %dma_start3A_337] : memref<8x128xi32, #tpu.memory_space<vmem>> -> memref<1x128xi32, #tpu.memory_space<vmem>>
      %dma_start3A_339 = tpu.memref_squeeze %dma_start3A_338 : memref<1x128xi32, #tpu.memory_space<vmem>> -> memref<128xi32, #tpu.memory_space<vmem>>
      %dma_start3A_340 = arith.constant 0 : i32
      %dma_start3A_341 = arith.constant 0 : i32
      %dma_start3A_342 = tpu.memref_slice %arg4[%dma_start3A_340, %dma_start3A_341] : memref<1003520x32xf32, #tpu.memory_space<hbm>> -> memref<1003520x32xf32, #tpu.memory_space<hbm>>
      tpu.enqueue_indirect_dma source(%dma_start3A_342 : memref<1003520x32xf32, #tpu.memory_space<hbm>>) target(%dma_start3A_336 : memref<128x32xf32, #tpu.memory_space<vmem>>) offsets(%dma_start3A_339 : memref<128xi32, #tpu.memory_space<vmem>>) semaphore(%arg16 : memref<!tpu.dma_semaphore, #tpu.memory_space<semaphore_mem>>)
      %dma_start3A_343 = arith.constant 6 : i32
      %dma_start3A_344 = arith.constant 1328 : i32
      %dma_start3A_345 = arith.constant 0 : i32
      %dma_start3A_346 = tpu.memref_slice %arg11[%dma_start3A_344, %dma_start3A_345] : memref<1600x32xf32, #tpu.memory_space<vmem>> -> memref<72x32xf32, #tpu.memory_space<vmem>>
      %dma_start3A_347 = arith.constant 0 : i32
      %dma_start3A_348 = tpu.memref_slice %arg9[%dma_start3A_343, %dma_start3A_347] : memref<8x72xi32, #tpu.memory_space<vmem>> -> memref<1x72xi32, #tpu.memory_space<vmem>>
      %dma_start3A_349 = tpu.memref_squeeze %dma_start3A_348 : memref<1x72xi32, #tpu.memory_space<vmem>> -> memref<72xi32, #tpu.memory_space<vmem>>
      %dma_start3A_350 = arith.constant 0 : i32
      %dma_start3A_351 = arith.constant 0 : i32
      %dma_start3A_352 = tpu.memref_slice %arg4[%dma_start3A_350, %dma_start3A_351] : memref<1003520x32xf32, #tpu.memory_space<hbm>> -> memref<1003520x32xf32, #tpu.memory_space<hbm>>
      tpu.enqueue_indirect_dma source(%dma_start3A_352 : memref<1003520x32xf32, #tpu.memory_space<hbm>>) target(%dma_start3A_346 : memref<72x32xf32, #tpu.memory_space<vmem>>) offsets(%dma_start3A_349 : memref<72xi32, #tpu.memory_space<vmem>>) semaphore(%arg16 : memref<!tpu.dma_semaphore, #tpu.memory_space<semaphore_mem>>)
      %dma_start3A_353 = arith.constant 7 : i32
      %dma_start3A_354 = arith.constant 1400 : i32
      %dma_start3A_355 = arith.constant 0 : i32
      %dma_start3A_356 = tpu.memref_slice %arg11[%dma_start3A_354, %dma_start3A_355] : memref<1600x32xf32, #tpu.memory_space<vmem>> -> memref<128x32xf32, #tpu.memory_space<vmem>>
      %dma_start3A_357 = arith.constant 0 : i32
      %dma_start3A_358 = tpu.memref_slice %arg7[%dma_start3A_353, %dma_start3A_357] : memref<8x128xi32, #tpu.memory_space<vmem>> -> memref<1x128xi32, #tpu.memory_space<vmem>>
      %dma_start3A_359 = tpu.memref_squeeze %dma_start3A_358 : memref<1x128xi32, #tpu.memory_space<vmem>> -> memref<128xi32, #tpu.memory_space<vmem>>
      %dma_start3A_360 = arith.constant 0 : i32
      %dma_start3A_361 = arith.constant 0 : i32
      %dma_start3A_362 = tpu.memref_slice %arg4[%dma_start3A_360, %dma_start3A_361] : memref<1003520x32xf32, #tpu.memory_space<hbm>> -> memref<1003520x32xf32, #tpu.memory_space<hbm>>
      tpu.enqueue_indirect_dma source(%dma_start3A_362 : memref<1003520x32xf32, #tpu.memory_space<hbm>>) target(%dma_start3A_356 : memref<128x32xf32, #tpu.memory_space<vmem>>) offsets(%dma_start3A_359 : memref<128xi32, #tpu.memory_space<vmem>>) semaphore(%arg16 : memref<!tpu.dma_semaphore, #tpu.memory_space<semaphore_mem>>)
      %dma_start3A_363 = arith.constant 7 : i32
      %dma_start3A_364 = arith.constant 1528 : i32
      %dma_start3A_365 = arith.constant 0 : i32
      %dma_start3A_366 = tpu.memref_slice %arg11[%dma_start3A_364, %dma_start3A_365] : memref<1600x32xf32, #tpu.memory_space<vmem>> -> memref<72x32xf32, #tpu.memory_space<vmem>>
      %dma_start3A_367 = arith.constant 0 : i32
      %dma_start3A_368 = tpu.memref_slice %arg9[%dma_start3A_363, %dma_start3A_367] : memref<8x72xi32, #tpu.memory_space<vmem>> -> memref<1x72xi32, #tpu.memory_space<vmem>>
      %dma_start3A_369 = tpu.memref_squeeze %dma_start3A_368 : memref<1x72xi32, #tpu.memory_space<vmem>> -> memref<72xi32, #tpu.memory_space<vmem>>
      %dma_start3A_370 = arith.constant 0 : i32
      %dma_start3A_371 = arith.constant 0 : i32
      %dma_start3A_372 = tpu.memref_slice %arg4[%dma_start3A_370, %dma_start3A_371] : memref<1003520x32xf32, #tpu.memory_space<hbm>> -> memref<1003520x32xf32, #tpu.memory_space<hbm>>
      tpu.enqueue_indirect_dma source(%dma_start3A_372 : memref<1003520x32xf32, #tpu.memory_space<hbm>>) target(%dma_start3A_366 : memref<72x32xf32, #tpu.memory_space<vmem>>) offsets(%dma_start3A_369 : memref<72xi32, #tpu.memory_space<vmem>>) semaphore(%arg16 : memref<!tpu.dma_semaphore, #tpu.memory_space<semaphore_mem>>)
      %dma_wait3A_373 = arith.constant 0 : i32
      %dma_wait3A_374 = arith.constant 0 : i32
      %dma_wait3A_375 = arith.constant 0 : i32
      %dma_wait3A_376 = tpu.memref_slice %arg10[%dma_wait3A_374, %dma_wait3A_375] : memref<1600x32xf32, #tpu.memory_space<vmem>> -> memref<128x32xf32, #tpu.memory_space<vmem>>
      %dma_wait3A_377 = arith.constant 0 : i32
      %dma_wait3A_378 = tpu.memref_slice %arg6[%dma_wait3A_373, %dma_wait3A_377] : memref<8x128xi32, #tpu.memory_space<vmem>> -> memref<1x128xi32, #tpu.memory_space<vmem>>
      %dma_wait3A_379 = tpu.memref_squeeze %dma_wait3A_378 : memref<1x128xi32, #tpu.memory_space<vmem>> -> memref<128xi32, #tpu.memory_space<vmem>>
      %dma_wait3A_380 = arith.constant 0 : i32
      %dma_wait3A_381 = arith.constant 0 : i32
      %dma_wait3A_382 = tpu.memref_slice %arg4[%dma_wait3A_380, %dma_wait3A_381] : memref<1003520x32xf32, #tpu.memory_space<hbm>> -> memref<1003520x32xf32, #tpu.memory_space<hbm>>
      tpu.wait_indirect_dma semaphore(%arg15 : memref<!tpu.dma_semaphore, #tpu.memory_space<semaphore_mem>>) src(%dma_wait3A_382 : memref<1003520x32xf32, #tpu.memory_space<hbm>>) dst(%dma_wait3A_376 : memref<128x32xf32, #tpu.memory_space<vmem>>)
      %dma_wait3A_383 = arith.constant 0 : i32
      %dma_wait3A_384 = arith.constant 128 : i32
      %dma_wait3A_385 = arith.constant 0 : i32
      %dma_wait3A_386 = tpu.memref_slice %arg10[%dma_wait3A_384, %dma_wait3A_385] : memref<1600x32xf32, #tpu.memory_space<vmem>> -> memref<72x32xf32, #tpu.memory_space<vmem>>
      %dma_wait3A_387 = arith.constant 0 : i32
      %dma_wait3A_388 = tpu.memref_slice %arg8[%dma_wait3A_383, %dma_wait3A_387] : memref<8x72xi32, #tpu.memory_space<vmem>> -> memref<1x72xi32, #tpu.memory_space<vmem>>
      %dma_wait3A_389 = tpu.memref_squeeze %dma_wait3A_388 : memref<1x72xi32, #tpu.memory_space<vmem>> -> memref<72xi32, #tpu.memory_space<vmem>>
      %dma_wait3A_390 = arith.constant 0 : i32
      %dma_wait3A_391 = arith.constant 0 : i32
      %dma_wait3A_392 = tpu.memref_slice %arg4[%dma_wait3A_390, %dma_wait3A_391] : memref<1003520x32xf32, #tpu.memory_space<hbm>> -> memref<1003520x32xf32, #tpu.memory_space<hbm>>
      tpu.wait_indirect_dma semaphore(%arg15 : memref<!tpu.dma_semaphore, #tpu.memory_space<semaphore_mem>>) src(%dma_wait3A_392 : memref<1003520x32xf32, #tpu.memory_space<hbm>>) dst(%dma_wait3A_386 : memref<72x32xf32, #tpu.memory_space<vmem>>)
      %dma_wait3A_393 = arith.constant 1 : i32
      %dma_wait3A_394 = arith.constant 200 : i32
      %dma_wait3A_395 = arith.constant 0 : i32
      %dma_wait3A_396 = tpu.memref_slice %arg10[%dma_wait3A_394, %dma_wait3A_395] : memref<1600x32xf32, #tpu.memory_space<vmem>> -> memref<128x32xf32, #tpu.memory_space<vmem>>
      %dma_wait3A_397 = arith.constant 0 : i32
      %dma_wait3A_398 = tpu.memref_slice %arg6[%dma_wait3A_393, %dma_wait3A_397] : memref<8x128xi32, #tpu.memory_space<vmem>> -> memref<1x128xi32, #tpu.memory_space<vmem>>
      %dma_wait3A_399 = tpu.memref_squeeze %dma_wait3A_398 : memref<1x128xi32, #tpu.memory_space<vmem>> -> memref<128xi32, #tpu.memory_space<vmem>>
      %dma_wait3A_400 = arith.constant 0 : i32
      %dma_wait3A_401 = arith.constant 0 : i32
      %dma_wait3A_402 = tpu.memref_slice %arg4[%dma_wait3A_400, %dma_wait3A_401] : memref<1003520x32xf32, #tpu.memory_space<hbm>> -> memref<1003520x32xf32, #tpu.memory_space<hbm>>
      tpu.wait_indirect_dma semaphore(%arg15 : memref<!tpu.dma_semaphore, #tpu.memory_space<semaphore_mem>>) src(%dma_wait3A_402 : memref<1003520x32xf32, #tpu.memory_space<hbm>>) dst(%dma_wait3A_396 : memref<128x32xf32, #tpu.memory_space<vmem>>)
      %dma_wait3A_403 = arith.constant 1 : i32
      %dma_wait3A_404 = arith.constant 328 : i32
      %dma_wait3A_405 = arith.constant 0 : i32
      %dma_wait3A_406 = tpu.memref_slice %arg10[%dma_wait3A_404, %dma_wait3A_405] : memref<1600x32xf32, #tpu.memory_space<vmem>> -> memref<72x32xf32, #tpu.memory_space<vmem>>
      %dma_wait3A_407 = arith.constant 0 : i32
      %dma_wait3A_408 = tpu.memref_slice %arg8[%dma_wait3A_403, %dma_wait3A_407] : memref<8x72xi32, #tpu.memory_space<vmem>> -> memref<1x72xi32, #tpu.memory_space<vmem>>
      %dma_wait3A_409 = tpu.memref_squeeze %dma_wait3A_408 : memref<1x72xi32, #tpu.memory_space<vmem>> -> memref<72xi32, #tpu.memory_space<vmem>>
      %dma_wait3A_410 = arith.constant 0 : i32
      %dma_wait3A_411 = arith.constant 0 : i32
      %dma_wait3A_412 = tpu.memref_slice %arg4[%dma_wait3A_410, %dma_wait3A_411] : memref<1003520x32xf32, #tpu.memory_space<hbm>> -> memref<1003520x32xf32, #tpu.memory_space<hbm>>
      tpu.wait_indirect_dma semaphore(%arg15 : memref<!tpu.dma_semaphore, #tpu.memory_space<semaphore_mem>>) src(%dma_wait3A_412 : memref<1003520x32xf32, #tpu.memory_space<hbm>>) dst(%dma_wait3A_406 : memref<72x32xf32, #tpu.memory_space<vmem>>)
      %dma_wait3A_413 = arith.constant 2 : i32
      %dma_wait3A_414 = arith.constant 400 : i32
      %dma_wait3A_415 = arith.constant 0 : i32
      %dma_wait3A_416 = tpu.memref_slice %arg10[%dma_wait3A_414, %dma_wait3A_415] : memref<1600x32xf32, #tpu.memory_space<vmem>> -> memref<128x32xf32, #tpu.memory_space<vmem>>
      %dma_wait3A_417 = arith.constant 0 : i32
      %dma_wait3A_418 = tpu.memref_slice %arg6[%dma_wait3A_413, %dma_wait3A_417] : memref<8x128xi32, #tpu.memory_space<vmem>> -> memref<1x128xi32, #tpu.memory_space<vmem>>
      %dma_wait3A_419 = tpu.memref_squeeze %dma_wait3A_418 : memref<1x128xi32, #tpu.memory_space<vmem>> -> memref<128xi32, #tpu.memory_space<vmem>>
      %dma_wait3A_420 = arith.constant 0 : i32
      %dma_wait3A_421 = arith.constant 0 : i32
      %dma_wait3A_422 = tpu.memref_slice %arg4[%dma_wait3A_420, %dma_wait3A_421] : memref<1003520x32xf32, #tpu.memory_space<hbm>> -> memref<1003520x32xf32, #tpu.memory_space<hbm>>
      tpu.wait_indirect_dma semaphore(%arg15 : memref<!tpu.dma_semaphore, #tpu.memory_space<semaphore_mem>>) src(%dma_wait3A_422 : memref<1003520x32xf32, #tpu.memory_space<hbm>>) dst(%dma_wait3A_416 : memref<128x32xf32, #tpu.memory_space<vmem>>)
      %dma_wait3A_423 = arith.constant 2 : i32
      %dma_wait3A_424 = arith.constant 528 : i32
      %dma_wait3A_425 = arith.constant 0 : i32
      %dma_wait3A_426 = tpu.memref_slice %arg10[%dma_wait3A_424, %dma_wait3A_425] : memref<1600x32xf32, #tpu.memory_space<vmem>> -> memref<72x32xf32, #tpu.memory_space<vmem>>
      %dma_wait3A_427 = arith.constant 0 : i32
      %dma_wait3A_428 = tpu.memref_slice %arg8[%dma_wait3A_423, %dma_wait3A_427] : memref<8x72xi32, #tpu.memory_space<vmem>> -> memref<1x72xi32, #tpu.memory_space<vmem>>
      %dma_wait3A_429 = tpu.memref_squeeze %dma_wait3A_428 : memref<1x72xi32, #tpu.memory_space<vmem>> -> memref<72xi32, #tpu.memory_space<vmem>>
      %dma_wait3A_430 = arith.constant 0 : i32
      %dma_wait3A_431 = arith.constant 0 : i32
      %dma_wait3A_432 = tpu.memref_slice %arg4[%dma_wait3A_430, %dma_wait3A_431] : memref<1003520x32xf32, #tpu.memory_space<hbm>> -> memref<1003520x32xf32, #tpu.memory_space<hbm>>
      tpu.wait_indirect_dma semaphore(%arg15 : memref<!tpu.dma_semaphore, #tpu.memory_space<semaphore_mem>>) src(%dma_wait3A_432 : memref<1003520x32xf32, #tpu.memory_space<hbm>>) dst(%dma_wait3A_426 : memref<72x32xf32, #tpu.memory_space<vmem>>)
      %dma_wait3A_433 = arith.constant 3 : i32
      %dma_wait3A_434 = arith.constant 600 : i32
      %dma_wait3A_435 = arith.constant 0 : i32
      %dma_wait3A_436 = tpu.memref_slice %arg10[%dma_wait3A_434, %dma_wait3A_435] : memref<1600x32xf32, #tpu.memory_space<vmem>> -> memref<128x32xf32, #tpu.memory_space<vmem>>
      %dma_wait3A_437 = arith.constant 0 : i32
      %dma_wait3A_438 = tpu.memref_slice %arg6[%dma_wait3A_433, %dma_wait3A_437] : memref<8x128xi32, #tpu.memory_space<vmem>> -> memref<1x128xi32, #tpu.memory_space<vmem>>
      %dma_wait3A_439 = tpu.memref_squeeze %dma_wait3A_438 : memref<1x128xi32, #tpu.memory_space<vmem>> -> memref<128xi32, #tpu.memory_space<vmem>>
      %dma_wait3A_440 = arith.constant 0 : i32
      %dma_wait3A_441 = arith.constant 0 : i32
      %dma_wait3A_442 = tpu.memref_slice %arg4[%dma_wait3A_440, %dma_wait3A_441] : memref<1003520x32xf32, #tpu.memory_space<hbm>> -> memref<1003520x32xf32, #tpu.memory_space<hbm>>
      tpu.wait_indirect_dma semaphore(%arg15 : memref<!tpu.dma_semaphore, #tpu.memory_space<semaphore_mem>>) src(%dma_wait3A_442 : memref<1003520x32xf32, #tpu.memory_space<hbm>>) dst(%dma_wait3A_436 : memref<128x32xf32, #tpu.memory_space<vmem>>)
      %dma_wait3A_443 = arith.constant 3 : i32
      %dma_wait3A_444 = arith.constant 728 : i32
      %dma_wait3A_445 = arith.constant 0 : i32
      %dma_wait3A_446 = tpu.memref_slice %arg10[%dma_wait3A_444, %dma_wait3A_445] : memref<1600x32xf32, #tpu.memory_space<vmem>> -> memref<72x32xf32, #tpu.memory_space<vmem>>
      %dma_wait3A_447 = arith.constant 0 : i32
      %dma_wait3A_448 = tpu.memref_slice %arg8[%dma_wait3A_443, %dma_wait3A_447] : memref<8x72xi32, #tpu.memory_space<vmem>> -> memref<1x72xi32, #tpu.memory_space<vmem>>
      %dma_wait3A_449 = tpu.memref_squeeze %dma_wait3A_448 : memref<1x72xi32, #tpu.memory_space<vmem>> -> memref<72xi32, #tpu.memory_space<vmem>>
      %dma_wait3A_450 = arith.constant 0 : i32
      %dma_wait3A_451 = arith.constant 0 : i32
      %dma_wait3A_452 = tpu.memref_slice %arg4[%dma_wait3A_450, %dma_wait3A_451] : memref<1003520x32xf32, #tpu.memory_space<hbm>> -> memref<1003520x32xf32, #tpu.memory_space<hbm>>
      tpu.wait_indirect_dma semaphore(%arg15 : memref<!tpu.dma_semaphore, #tpu.memory_space<semaphore_mem>>) src(%dma_wait3A_452 : memref<1003520x32xf32, #tpu.memory_space<hbm>>) dst(%dma_wait3A_446 : memref<72x32xf32, #tpu.memory_space<vmem>>)
      %dma_wait3A_453 = arith.constant 4 : i32
      %dma_wait3A_454 = arith.constant 800 : i32
      %dma_wait3A_455 = arith.constant 0 : i32
      %dma_wait3A_456 = tpu.memref_slice %arg10[%dma_wait3A_454, %dma_wait3A_455] : memref<1600x32xf32, #tpu.memory_space<vmem>> -> memref<128x32xf32, #tpu.memory_space<vmem>>
      %dma_wait3A_457 = arith.constant 0 : i32
      %dma_wait3A_458 = tpu.memref_slice %arg6[%dma_wait3A_453, %dma_wait3A_457] : memref<8x128xi32, #tpu.memory_space<vmem>> -> memref<1x128xi32, #tpu.memory_space<vmem>>
      %dma_wait3A_459 = tpu.memref_squeeze %dma_wait3A_458 : memref<1x128xi32, #tpu.memory_space<vmem>> -> memref<128xi32, #tpu.memory_space<vmem>>
      %dma_wait3A_460 = arith.constant 0 : i32
      %dma_wait3A_461 = arith.constant 0 : i32
      %dma_wait3A_462 = tpu.memref_slice %arg4[%dma_wait3A_460, %dma_wait3A_461] : memref<1003520x32xf32, #tpu.memory_space<hbm>> -> memref<1003520x32xf32, #tpu.memory_space<hbm>>
      tpu.wait_indirect_dma semaphore(%arg15 : memref<!tpu.dma_semaphore, #tpu.memory_space<semaphore_mem>>) src(%dma_wait3A_462 : memref<1003520x32xf32, #tpu.memory_space<hbm>>) dst(%dma_wait3A_456 : memref<128x32xf32, #tpu.memory_space<vmem>>)
      %dma_wait3A_463 = arith.constant 4 : i32
      %dma_wait3A_464 = arith.constant 928 : i32
      %dma_wait3A_465 = arith.constant 0 : i32
      %dma_wait3A_466 = tpu.memref_slice %arg10[%dma_wait3A_464, %dma_wait3A_465] : memref<1600x32xf32, #tpu.memory_space<vmem>> -> memref<72x32xf32, #tpu.memory_space<vmem>>
      %dma_wait3A_467 = arith.constant 0 : i32
      %dma_wait3A_468 = tpu.memref_slice %arg8[%dma_wait3A_463, %dma_wait3A_467] : memref<8x72xi32, #tpu.memory_space<vmem>> -> memref<1x72xi32, #tpu.memory_space<vmem>>
      %dma_wait3A_469 = tpu.memref_squeeze %dma_wait3A_468 : memref<1x72xi32, #tpu.memory_space<vmem>> -> memref<72xi32, #tpu.memory_space<vmem>>
      %dma_wait3A_470 = arith.constant 0 : i32
      %dma_wait3A_471 = arith.constant 0 : i32
      %dma_wait3A_472 = tpu.memref_slice %arg4[%dma_wait3A_470, %dma_wait3A_471] : memref<1003520x32xf32, #tpu.memory_space<hbm>> -> memref<1003520x32xf32, #tpu.memory_space<hbm>>
      tpu.wait_indirect_dma semaphore(%arg15 : memref<!tpu.dma_semaphore, #tpu.memory_space<semaphore_mem>>) src(%dma_wait3A_472 : memref<1003520x32xf32, #tpu.memory_space<hbm>>) dst(%dma_wait3A_466 : memref<72x32xf32, #tpu.memory_space<vmem>>)
      %dma_wait3A_473 = arith.constant 5 : i32
      %dma_wait3A_474 = arith.constant 1000 : i32
      %dma_wait3A_475 = arith.constant 0 : i32
      %dma_wait3A_476 = tpu.memref_slice %arg10[%dma_wait3A_474, %dma_wait3A_475] : memref<1600x32xf32, #tpu.memory_space<vmem>> -> memref<128x32xf32, #tpu.memory_space<vmem>>
      %dma_wait3A_477 = arith.constant 0 : i32
      %dma_wait3A_478 = tpu.memref_slice %arg6[%dma_wait3A_473, %dma_wait3A_477] : memref<8x128xi32, #tpu.memory_space<vmem>> -> memref<1x128xi32, #tpu.memory_space<vmem>>
      %dma_wait3A_479 = tpu.memref_squeeze %dma_wait3A_478 : memref<1x128xi32, #tpu.memory_space<vmem>> -> memref<128xi32, #tpu.memory_space<vmem>>
      %dma_wait3A_480 = arith.constant 0 : i32
      %dma_wait3A_481 = arith.constant 0 : i32
      %dma_wait3A_482 = tpu.memref_slice %arg4[%dma_wait3A_480, %dma_wait3A_481] : memref<1003520x32xf32, #tpu.memory_space<hbm>> -> memref<1003520x32xf32, #tpu.memory_space<hbm>>
      tpu.wait_indirect_dma semaphore(%arg15 : memref<!tpu.dma_semaphore, #tpu.memory_space<semaphore_mem>>) src(%dma_wait3A_482 : memref<1003520x32xf32, #tpu.memory_space<hbm>>) dst(%dma_wait3A_476 : memref<128x32xf32, #tpu.memory_space<vmem>>)
      %dma_wait3A_483 = arith.constant 5 : i32
      %dma_wait3A_484 = arith.constant 1128 : i32
      %dma_wait3A_485 = arith.constant 0 : i32
      %dma_wait3A_486 = tpu.memref_slice %arg10[%dma_wait3A_484, %dma_wait3A_485] : memref<1600x32xf32, #tpu.memory_space<vmem>> -> memref<72x32xf32, #tpu.memory_space<vmem>>
      %dma_wait3A_487 = arith.constant 0 : i32
      %dma_wait3A_488 = tpu.memref_slice %arg8[%dma_wait3A_483, %dma_wait3A_487] : memref<8x72xi32, #tpu.memory_space<vmem>> -> memref<1x72xi32, #tpu.memory_space<vmem>>
      %dma_wait3A_489 = tpu.memref_squeeze %dma_wait3A_488 : memref<1x72xi32, #tpu.memory_space<vmem>> -> memref<72xi32, #tpu.memory_space<vmem>>
      %dma_wait3A_490 = arith.constant 0 : i32
      %dma_wait3A_491 = arith.constant 0 : i32
      %dma_wait3A_492 = tpu.memref_slice %arg4[%dma_wait3A_490, %dma_wait3A_491] : memref<1003520x32xf32, #tpu.memory_space<hbm>> -> memref<1003520x32xf32, #tpu.memory_space<hbm>>
      tpu.wait_indirect_dma semaphore(%arg15 : memref<!tpu.dma_semaphore, #tpu.memory_space<semaphore_mem>>) src(%dma_wait3A_492 : memref<1003520x32xf32, #tpu.memory_space<hbm>>) dst(%dma_wait3A_486 : memref<72x32xf32, #tpu.memory_space<vmem>>)
      %dma_wait3A_493 = arith.constant 6 : i32
      %dma_wait3A_494 = arith.constant 1200 : i32
      %dma_wait3A_495 = arith.constant 0 : i32
      %dma_wait3A_496 = tpu.memref_slice %arg10[%dma_wait3A_494, %dma_wait3A_495] : memref<1600x32xf32, #tpu.memory_space<vmem>> -> memref<128x32xf32, #tpu.memory_space<vmem>>
      %dma_wait3A_497 = arith.constant 0 : i32
      %dma_wait3A_498 = tpu.memref_slice %arg6[%dma_wait3A_493, %dma_wait3A_497] : memref<8x128xi32, #tpu.memory_space<vmem>> -> memref<1x128xi32, #tpu.memory_space<vmem>>
      %dma_wait3A_499 = tpu.memref_squeeze %dma_wait3A_498 : memref<1x128xi32, #tpu.memory_space<vmem>> -> memref<128xi32, #tpu.memory_space<vmem>>
      %dma_wait3A_500 = arith.constant 0 : i32
      %dma_wait3A_501 = arith.constant 0 : i32
      %dma_wait3A_502 = tpu.memref_slice %arg4[%dma_wait3A_500, %dma_wait3A_501] : memref<1003520x32xf32, #tpu.memory_space<hbm>> -> memref<1003520x32xf32, #tpu.memory_space<hbm>>
      tpu.wait_indirect_dma semaphore(%arg15 : memref<!tpu.dma_semaphore, #tpu.memory_space<semaphore_mem>>) src(%dma_wait3A_502 : memref<1003520x32xf32, #tpu.memory_space<hbm>>) dst(%dma_wait3A_496 : memref<128x32xf32, #tpu.memory_space<vmem>>)
      %dma_wait3A_503 = arith.constant 6 : i32
      %dma_wait3A_504 = arith.constant 1328 : i32
      %dma_wait3A_505 = arith.constant 0 : i32
      %dma_wait3A_506 = tpu.memref_slice %arg10[%dma_wait3A_504, %dma_wait3A_505] : memref<1600x32xf32, #tpu.memory_space<vmem>> -> memref<72x32xf32, #tpu.memory_space<vmem>>
      %dma_wait3A_507 = arith.constant 0 : i32
      %dma_wait3A_508 = tpu.memref_slice %arg8[%dma_wait3A_503, %dma_wait3A_507] : memref<8x72xi32, #tpu.memory_space<vmem>> -> memref<1x72xi32, #tpu.memory_space<vmem>>
      %dma_wait3A_509 = tpu.memref_squeeze %dma_wait3A_508 : memref<1x72xi32, #tpu.memory_space<vmem>> -> memref<72xi32, #tpu.memory_space<vmem>>
      %dma_wait3A_510 = arith.constant 0 : i32
      %dma_wait3A_511 = arith.constant 0 : i32
      %dma_wait3A_512 = tpu.memref_slice %arg4[%dma_wait3A_510, %dma_wait3A_511] : memref<1003520x32xf32, #tpu.memory_space<hbm>> -> memref<1003520x32xf32, #tpu.memory_space<hbm>>
      tpu.wait_indirect_dma semaphore(%arg15 : memref<!tpu.dma_semaphore, #tpu.memory_space<semaphore_mem>>) src(%dma_wait3A_512 : memref<1003520x32xf32, #tpu.memory_space<hbm>>) dst(%dma_wait3A_506 : memref<72x32xf32, #tpu.memory_space<vmem>>)
      %dma_wait3A_513 = arith.constant 7 : i32
      %dma_wait3A_514 = arith.constant 1400 : i32
      %dma_wait3A_515 = arith.constant 0 : i32
      %dma_wait3A_516 = tpu.memref_slice %arg10[%dma_wait3A_514, %dma_wait3A_515] : memref<1600x32xf32, #tpu.memory_space<vmem>> -> memref<128x32xf32, #tpu.memory_space<vmem>>
      %dma_wait3A_517 = arith.constant 0 : i32
      %dma_wait3A_518 = tpu.memref_slice %arg6[%dma_wait3A_513, %dma_wait3A_517] : memref<8x128xi32, #tpu.memory_space<vmem>> -> memref<1x128xi32, #tpu.memory_space<vmem>>
      %dma_wait3A_519 = tpu.memref_squeeze %dma_wait3A_518 : memref<1x128xi32, #tpu.memory_space<vmem>> -> memref<128xi32, #tpu.memory_space<vmem>>
      %dma_wait3A_520 = arith.constant 0 : i32
      %dma_wait3A_521 = arith.constant 0 : i32
      %dma_wait3A_522 = tpu.memref_slice %arg4[%dma_wait3A_520, %dma_wait3A_521] : memref<1003520x32xf32, #tpu.memory_space<hbm>> -> memref<1003520x32xf32, #tpu.memory_space<hbm>>
      tpu.wait_indirect_dma semaphore(%arg15 : memref<!tpu.dma_semaphore, #tpu.memory_space<semaphore_mem>>) src(%dma_wait3A_522 : memref<1003520x32xf32, #tpu.memory_space<hbm>>) dst(%dma_wait3A_516 : memref<128x32xf32, #tpu.memory_space<vmem>>)
      %dma_wait3A_523 = arith.constant 7 : i32
      %dma_wait3A_524 = arith.constant 1528 : i32
      %dma_wait3A_525 = arith.constant 0 : i32
      %dma_wait3A_526 = tpu.memref_slice %arg10[%dma_wait3A_524, %dma_wait3A_525] : memref<1600x32xf32, #tpu.memory_space<vmem>> -> memref<72x32xf32, #tpu.memory_space<vmem>>
      %dma_wait3A_527 = arith.constant 0 : i32
      %dma_wait3A_528 = tpu.memref_slice %arg8[%dma_wait3A_523, %dma_wait3A_527] : memref<8x72xi32, #tpu.memory_space<vmem>> -> memref<1x72xi32, #tpu.memory_space<vmem>>
      %dma_wait3A_529 = tpu.memref_squeeze %dma_wait3A_528 : memref<1x72xi32, #tpu.memory_space<vmem>> -> memref<72xi32, #tpu.memory_space<vmem>>
      %dma_wait3A_530 = arith.constant 0 : i32
      %dma_wait3A_531 = arith.constant 0 : i32
      %dma_wait3A_532 = tpu.memref_slice %arg4[%dma_wait3A_530, %dma_wait3A_531] : memref<1003520x32xf32, #tpu.memory_space<hbm>> -> memref<1003520x32xf32, #tpu.memory_space<hbm>>
      tpu.wait_indirect_dma semaphore(%arg15 : memref<!tpu.dma_semaphore, #tpu.memory_space<semaphore_mem>>) src(%dma_wait3A_532 : memref<1003520x32xf32, #tpu.memory_space<hbm>>) dst(%dma_wait3A_526 : memref<72x32xf32, #tpu.memory_space<vmem>>)
      %add3A_533 = arith.constant 2 : i32
      %add3A_534 = arith.addi %add3A_199, %add3A_533 : i32
      %lt3A = arith.constant 64 : i32
      %lt3A_535 = arith.cmpi slt, %add3A_534, %lt3A : i32
      %convert_element_type3A = arith.extui %lt3A_535 : i1 to i32
      %cond3A = arith.constant 0 : i32
      %cond3A_536 = arith.cmpi ne, %convert_element_type3A, %cond3A : i32
      scf.if %cond3A_536 {
        %add3A_1159 = arith.constant 2 : i32
        %add3A_1160 = arith.addi %add3A_199, %add3A_1159 : i32
        %mul3A_1161 = arith.constant 8 : i32
        %mul3A_1162 = arith.muli %add3A_1160, %mul3A_1161 : i32
        %add3A_1163 = arith.addi %mul3A_2, %mul3A_1162 : i32
        %dma_start3A_1164 = arith.constant 0 : i32
        %dma_start3A_1165 = tpu.memref_slice %arg2[%add3A_1163, %dma_start3A_1164] : memref<16384x128xi32, #tpu.memory_space<hbm>> -> memref<8x128xi32, #tpu.memory_space<hbm>>
        %dma_start3A_1166 = arith.constant 0 : i32
        %dma_start3A_1167 = tpu.memref_slice %arg2[%add3A_1163, %dma_start3A_1166] : memref<16384x128xi32, #tpu.memory_space<hbm>> -> memref<8x128xi32, #tpu.memory_space<hbm>>
        tpu.enqueue_dma source(%dma_start3A_1167 : memref<8x128xi32, #tpu.memory_space<hbm>>) target(%arg6 : memref<8x128xi32, #tpu.memory_space<vmem>>) target_semaphore(%arg13 : memref<!tpu.dma_semaphore, #tpu.memory_space<semaphore_mem>>)
        %dma_start3A_1168 = arith.constant 0 : i32
        %dma_start3A_1169 = tpu.memref_slice %arg3[%add3A_1163, %dma_start3A_1168] : memref<16384x72xi32, #tpu.memory_space<hbm>> -> memref<8x72xi32, #tpu.memory_space<hbm>>
        %dma_start3A_1170 = arith.constant 0 : i32
        %dma_start3A_1171 = tpu.memref_slice %arg3[%add3A_1163, %dma_start3A_1170] : memref<16384x72xi32, #tpu.memory_space<hbm>> -> memref<8x72xi32, #tpu.memory_space<hbm>>
        tpu.enqueue_dma source(%dma_start3A_1171 : memref<8x72xi32, #tpu.memory_space<hbm>>) target(%arg8 : memref<8x72xi32, #tpu.memory_space<vmem>>) target_semaphore(%arg13 : memref<!tpu.dma_semaphore, #tpu.memory_space<semaphore_mem>>)
      } else {
      }
      %broadcast_in_dim3A = arith.constant 0.000000e+00 : f32
      %broadcast_in_dim3A_537 = vector.broadcast %broadcast_in_dim3A : f32 to vector<16xf32>
      %scan3A_538 = arith.constant 0 : i32
      %scan3A_539 = arith.constant 25 : i32
      %scan3A_540 = arith.addi %scan3A_538, %scan3A_539 : i32
      %scan3A_541 = arith.constant 1 : i32
      %scan3A_542:4 = scf.for %scan3A_1159 = %scan3A_538 to %scan3A_540 step %scan3A_541 iter_args(%scan3A_1160 = %broadcast_in_dim3A_537, %scan3A_1161 = %broadcast_in_dim3A_537, %scan3A_1162 = %broadcast_in_dim3A_537, %scan3A_1163 = %broadcast_in_dim3A_537) -> (vector<16xf32>, vector<16xf32>, vector<16xf32>, vector<16xf32>)  : i32 {
        %mul3A_1164 = arith.constant 8 : i32
        %mul3A_1165 = arith.muli %scan3A_1159, %mul3A_1164 : i32
        %add3A_1166 = arith.constant 0 : i32
        %add3A_1167 = arith.addi %add3A_1166, %mul3A_1165 : i32
        %add3A_1168 = arith.constant 0 : i32
        %add3A_1169 = arith.addi %add3A_1167, %add3A_1168 : i32
        %get3A = arith.index_cast %add3A_1169 : i32 to index
        %get3A_1170 = arith.constant 0 : index
        %get3A_1171 = tpu.vector_load %arg10[%get3A, %get3A_1170] {strides = array<i32>} : memref<1600x32xf32, #tpu.memory_space<vmem>>, vector<1x16xf32>,
        %get3A_1172 = vector.shape_cast %get3A_1171 : vector<1x16xf32> to vector<16xf32>
        %add3A_1173 = arith.addf %scan3A_1160, %get3A_1172 : vector<16xf32>
        %add3A_1174 = arith.constant 0 : i32
        %add3A_1175 = arith.addi %add3A_1167, %add3A_1174 : i32
        %get3A_1176 = arith.index_cast %add3A_1175 : i32 to index
        %get3A_1177 = arith.constant 16 : index
        %get3A_1178 = tpu.vector_load %arg10[%get3A_1176, %get3A_1177] {strides = array<i32>} : memref<1600x32xf32, #tpu.memory_space<vmem>>, vector<1x16xf32>,
        %get3A_1179 = vector.shape_cast %get3A_1178 : vector<1x16xf32> to vector<16xf32>
        %add3A_1180 = arith.addf %scan3A_1161, %get3A_1179 : vector<16xf32>
        %add3A_1181 = arith.constant 0 : i32
        %add3A_1182 = arith.addi %add3A_1167, %add3A_1181 : i32
        %add3A_1183 = arith.constant 1 : i32
        %add3A_1184 = arith.addi %add3A_1182, %add3A_1183 : i32
        %get3A_1185 = arith.index_cast %add3A_1184 : i32 to index
        %get3A_1186 = arith.constant 0 : index
        %get3A_1187 = tpu.vector_load %arg10[%get3A_1185, %get3A_1186] {strides = array<i32>} : memref<1600x32xf32, #tpu.memory_space<vmem>>, vector<1x16xf32>,
        %get3A_1188 = vector.shape_cast %get3A_1187 : vector<1x16xf32> to vector<16xf32>
        %add3A_1189 = arith.addf %scan3A_1162, %get3A_1188 : vector<16xf32>
        %add3A_1190 = arith.constant 0 : i32
        %add3A_1191 = arith.addi %add3A_1167, %add3A_1190 : i32
        %add3A_1192 = arith.constant 1 : i32
        %add3A_1193 = arith.addi %add3A_1191, %add3A_1192 : i32
        %get3A_1194 = arith.index_cast %add3A_1193 : i32 to index
        %get3A_1195 = arith.constant 16 : index
        %get3A_1196 = tpu.vector_load %arg10[%get3A_1194, %get3A_1195] {strides = array<i32>} : memref<1600x32xf32, #tpu.memory_space<vmem>>, vector<1x16xf32>,
        %get3A_1197 = vector.shape_cast %get3A_1196 : vector<1x16xf32> to vector<16xf32>
        %add3A_1198 = arith.addf %scan3A_1163, %get3A_1197 : vector<16xf32>
        %add3A_1199 = arith.constant 2 : i32
        %add3A_1200 = arith.addi %add3A_1167, %add3A_1199 : i32
        %get3A_1201 = arith.index_cast %add3A_1200 : i32 to index
        %get3A_1202 = arith.constant 0 : index
        %get3A_1203 = tpu.vector_load %arg10[%get3A_1201, %get3A_1202] {strides = array<i32>} : memref<1600x32xf32, #tpu.memory_space<vmem>>, vector<1x16xf32>,
        %get3A_1204 = vector.shape_cast %get3A_1203 : vector<1x16xf32> to vector<16xf32>
        %add3A_1205 = arith.addf %add3A_1173, %get3A_1204 : vector<16xf32>
        %add3A_1206 = arith.constant 2 : i32
        %add3A_1207 = arith.addi %add3A_1167, %add3A_1206 : i32
        %get3A_1208 = arith.index_cast %add3A_1207 : i32 to index
        %get3A_1209 = arith.constant 16 : index
        %get3A_1210 = tpu.vector_load %arg10[%get3A_1208, %get3A_1209] {strides = array<i32>} : memref<1600x32xf32, #tpu.memory_space<vmem>>, vector<1x16xf32>,
        %get3A_1211 = vector.shape_cast %get3A_1210 : vector<1x16xf32> to vector<16xf32>
        %add3A_1212 = arith.addf %add3A_1180, %get3A_1211 : vector<16xf32>
        %add3A_1213 = arith.constant 2 : i32
        %add3A_1214 = arith.addi %add3A_1167, %add3A_1213 : i32
        %add3A_1215 = arith.constant 1 : i32
        %add3A_1216 = arith.addi %add3A_1214, %add3A_1215 : i32
        %get3A_1217 = arith.index_cast %add3A_1216 : i32 to index
        %get3A_1218 = arith.constant 0 : index
        %get3A_1219 = tpu.vector_load %arg10[%get3A_1217, %get3A_1218] {strides = array<i32>} : memref<1600x32xf32, #tpu.memory_space<vmem>>, vector<1x16xf32>,
        %get3A_1220 = vector.shape_cast %get3A_1219 : vector<1x16xf32> to vector<16xf32>
        %add3A_1221 = arith.addf %add3A_1189, %get3A_1220 : vector<16xf32>
        %add3A_1222 = arith.constant 2 : i32
        %add3A_1223 = arith.addi %add3A_1167, %add3A_1222 : i32
        %add3A_1224 = arith.constant 1 : i32
        %add3A_1225 = arith.addi %add3A_1223, %add3A_1224 : i32
        %get3A_1226 = arith.index_cast %add3A_1225 : i32 to index
        %get3A_1227 = arith.constant 16 : index
        %get3A_1228 = tpu.vector_load %arg10[%get3A_1226, %get3A_1227] {strides = array<i32>} : memref<1600x32xf32, #tpu.memory_space<vmem>>, vector<1x16xf32>,
        %get3A_1229 = vector.shape_cast %get3A_1228 : vector<1x16xf32> to vector<16xf32>
        %add3A_1230 = arith.addf %add3A_1198, %get3A_1229 : vector<16xf32>
        %add3A_1231 = arith.constant 4 : i32
        %add3A_1232 = arith.addi %add3A_1167, %add3A_1231 : i32
        %get3A_1233 = arith.index_cast %add3A_1232 : i32 to index
        %get3A_1234 = arith.constant 0 : index
        %get3A_1235 = tpu.vector_load %arg10[%get3A_1233, %get3A_1234] {strides = array<i32>} : memref<1600x32xf32, #tpu.memory_space<vmem>>, vector<1x16xf32>,
        %get3A_1236 = vector.shape_cast %get3A_1235 : vector<1x16xf32> to vector<16xf32>
        %add3A_1237 = arith.addf %add3A_1205, %get3A_1236 : vector<16xf32>
        %add3A_1238 = arith.constant 4 : i32
        %add3A_1239 = arith.addi %add3A_1167, %add3A_1238 : i32
        %get3A_1240 = arith.index_cast %add3A_1239 : i32 to index
        %get3A_1241 = arith.constant 16 : index
        %get3A_1242 = tpu.vector_load %arg10[%get3A_1240, %get3A_1241] {strides = array<i32>} : memref<1600x32xf32, #tpu.memory_space<vmem>>, vector<1x16xf32>,
        %get3A_1243 = vector.shape_cast %get3A_1242 : vector<1x16xf32> to vector<16xf32>
        %add3A_1244 = arith.addf %add3A_1212, %get3A_1243 : vector<16xf32>
        %add3A_1245 = arith.constant 4 : i32
        %add3A_1246 = arith.addi %add3A_1167, %add3A_1245 : i32
        %add3A_1247 = arith.constant 1 : i32
        %add3A_1248 = arith.addi %add3A_1246, %add3A_1247 : i32
        %get3A_1249 = arith.index_cast %add3A_1248 : i32 to index
        %get3A_1250 = arith.constant 0 : index
        %get3A_1251 = tpu.vector_load %arg10[%get3A_1249, %get3A_1250] {strides = array<i32>} : memref<1600x32xf32, #tpu.memory_space<vmem>>, vector<1x16xf32>,
        %get3A_1252 = vector.shape_cast %get3A_1251 : vector<1x16xf32> to vector<16xf32>
        %add3A_1253 = arith.addf %add3A_1221, %get3A_1252 : vector<16xf32>
        %add3A_1254 = arith.constant 4 : i32
        %add3A_1255 = arith.addi %add3A_1167, %add3A_1254 : i32
        %add3A_1256 = arith.constant 1 : i32
        %add3A_1257 = arith.addi %add3A_1255, %add3A_1256 : i32
        %get3A_1258 = arith.index_cast %add3A_1257 : i32 to index
        %get3A_1259 = arith.constant 16 : index
        %get3A_1260 = tpu.vector_load %arg10[%get3A_1258, %get3A_1259] {strides = array<i32>} : memref<1600x32xf32, #tpu.memory_space<vmem>>, vector<1x16xf32>,
        %get3A_1261 = vector.shape_cast %get3A_1260 : vector<1x16xf32> to vector<16xf32>
        %add3A_1262 = arith.addf %add3A_1230, %get3A_1261 : vector<16xf32>
        %add3A_1263 = arith.constant 6 : i32
        %add3A_1264 = arith.addi %add3A_1167, %add3A_1263 : i32
        %get3A_1265 = arith.index_cast %add3A_1264 : i32 to index
        %get3A_1266 = arith.constant 0 : index
        %get3A_1267 = tpu.vector_load %arg10[%get3A_1265, %get3A_1266] {strides = array<i32>} : memref<1600x32xf32, #tpu.memory_space<vmem>>, vector<1x16xf32>,
        %get3A_1268 = vector.shape_cast %get3A_1267 : vector<1x16xf32> to vector<16xf32>
        %add3A_1269 = arith.addf %add3A_1237, %get3A_1268 : vector<16xf32>
        %add3A_1270 = arith.constant 6 : i32
        %add3A_1271 = arith.addi %add3A_1167, %add3A_1270 : i32
        %get3A_1272 = arith.index_cast %add3A_1271 : i32 to index
        %get3A_1273 = arith.constant 16 : index
        %get3A_1274 = tpu.vector_load %arg10[%get3A_1272, %get3A_1273] {strides = array<i32>} : memref<1600x32xf32, #tpu.memory_space<vmem>>, vector<1x16xf32>,
        %get3A_1275 = vector.shape_cast %get3A_1274 : vector<1x16xf32> to vector<16xf32>
        %add3A_1276 = arith.addf %add3A_1244, %get3A_1275 : vector<16xf32>
        %add3A_1277 = arith.constant 6 : i32
        %add3A_1278 = arith.addi %add3A_1167, %add3A_1277 : i32
        %add3A_1279 = arith.constant 1 : i32
        %add3A_1280 = arith.addi %add3A_1278, %add3A_1279 : i32
        %get3A_1281 = arith.index_cast %add3A_1280 : i32 to index
        %get3A_1282 = arith.constant 0 : index
        %get3A_1283 = tpu.vector_load %arg10[%get3A_1281, %get3A_1282] {strides = array<i32>} : memref<1600x32xf32, #tpu.memory_space<vmem>>, vector<1x16xf32>,
        %get3A_1284 = vector.shape_cast %get3A_1283 : vector<1x16xf32> to vector<16xf32>
        %add3A_1285 = arith.addf %add3A_1253, %get3A_1284 : vector<16xf32>
        %add3A_1286 = arith.constant 6 : i32
        %add3A_1287 = arith.addi %add3A_1167, %add3A_1286 : i32
        %add3A_1288 = arith.constant 1 : i32
        %add3A_1289 = arith.addi %add3A_1287, %add3A_1288 : i32
        %get3A_1290 = arith.index_cast %add3A_1289 : i32 to index
        %get3A_1291 = arith.constant 16 : index
        %get3A_1292 = tpu.vector_load %arg10[%get3A_1290, %get3A_1291] {strides = array<i32>} : memref<1600x32xf32, #tpu.memory_space<vmem>>, vector<1x16xf32>,
        %get3A_1293 = vector.shape_cast %get3A_1292 : vector<1x16xf32> to vector<16xf32>
        %add3A_1294 = arith.addf %add3A_1262, %get3A_1293 : vector<16xf32>
        scf.yield %add3A_1269, %add3A_1276, %add3A_1285, %add3A_1294 : vector<16xf32>, vector<16xf32>, vector<16xf32>, vector<16xf32>
      }
      %scan3A_543 = arith.constant 25 : i32
      %add3A_544 = arith.addf %scan3A_542#0, %scan3A_542#2 : vector<16xf32>
      %mul3A_545 = arith.constant 8 : i32
      %mul3A_546 = arith.muli %add3A_199, %mul3A_545 : i32
      %add3A_547 = arith.constant 0 : i32
      %add3A_548 = arith.addi %mul3A_546, %add3A_547 : i32
      %swap3A = arith.index_cast %add3A_548 : i32 to index
      %swap3A_549 = arith.constant 0 : index
      %swap3A_550 = tpu.vector_load %arg12[%swap3A, %swap3A_549] {strides = array<i32>} : memref<512x32xf32, #tpu.memory_space<vmem>>, vector<1x16xf32>,
      %swap3A_551 = vector.shape_cast %swap3A_550 : vector<1x16xf32> to vector<16xf32>
      %swap3A_552 = vector.shape_cast %add3A_544 : vector<16xf32> to vector<1x16xf32>
      tpu.vector_store %arg12[%swap3A, %swap3A_549], %swap3A_552 {strides = array<i32>} : memref<512x32xf32, #tpu.memory_space<vmem>>, vector<1x16xf32>,
      %add3A_553 = arith.addf %scan3A_542#1, %scan3A_542#3 : vector<16xf32>
      %mul3A_554 = arith.constant 8 : i32
      %mul3A_555 = arith.muli %add3A_199, %mul3A_554 : i32
      %add3A_556 = arith.constant 0 : i32
      %add3A_557 = arith.addi %mul3A_555, %add3A_556 : i32
      %swap3A_558 = arith.index_cast %add3A_557 : i32 to index
      %swap3A_559 = arith.constant 16 : index
      %swap3A_560 = tpu.vector_load %arg12[%swap3A_558, %swap3A_559] {strides = array<i32>} : memref<512x32xf32, #tpu.memory_space<vmem>>, vector<1x16xf32>,
      %swap3A_561 = vector.shape_cast %swap3A_560 : vector<1x16xf32> to vector<16xf32>
      %swap3A_562 = vector.shape_cast %add3A_553 : vector<16xf32> to vector<1x16xf32>
      tpu.vector_store %arg12[%swap3A_558, %swap3A_559], %swap3A_562 {strides = array<i32>} : memref<512x32xf32, #tpu.memory_space<vmem>>, vector<1x16xf32>,
      %broadcast_in_dim3A_563 = arith.constant 0.000000e+00 : f32
      %broadcast_in_dim3A_564 = vector.broadcast %broadcast_in_dim3A_563 : f32 to vector<16xf32>
      %scan3A_565 = arith.constant 0 : i32
      %scan3A_566 = arith.constant 25 : i32
      %scan3A_567 = arith.addi %scan3A_565, %scan3A_566 : i32
      %scan3A_568 = arith.constant 1 : i32
      %scan3A_569:4 = scf.for %scan3A_1159 = %scan3A_565 to %scan3A_567 step %scan3A_568 iter_args(%scan3A_1160 = %broadcast_in_dim3A_564, %scan3A_1161 = %broadcast_in_dim3A_564, %scan3A_1162 = %broadcast_in_dim3A_564, %scan3A_1163 = %broadcast_in_dim3A_564) -> (vector<16xf32>, vector<16xf32>, vector<16xf32>, vector<16xf32>)  : i32 {
        %mul3A_1164 = arith.constant 8 : i32
        %mul3A_1165 = arith.muli %scan3A_1159, %mul3A_1164 : i32
        %add3A_1166 = arith.constant 200 : i32
        %add3A_1167 = arith.addi %add3A_1166, %mul3A_1165 : i32
        %add3A_1168 = arith.constant 0 : i32
        %add3A_1169 = arith.addi %add3A_1167, %add3A_1168 : i32
        %get3A = arith.index_cast %add3A_1169 : i32 to index
        %get3A_1170 = arith.constant 0 : index
        %get3A_1171 = tpu.vector_load %arg10[%get3A, %get3A_1170] {strides = array<i32>} : memref<1600x32xf32, #tpu.memory_space<vmem>>, vector<1x16xf32>,
        %get3A_1172 = vector.shape_cast %get3A_1171 : vector<1x16xf32> to vector<16xf32>
        %add3A_1173 = arith.addf %scan3A_1160, %get3A_1172 : vector<16xf32>
        %add3A_1174 = arith.constant 0 : i32
        %add3A_1175 = arith.addi %add3A_1167, %add3A_1174 : i32
        %get3A_1176 = arith.index_cast %add3A_1175 : i32 to index
        %get3A_1177 = arith.constant 16 : index
        %get3A_1178 = tpu.vector_load %arg10[%get3A_1176, %get3A_1177] {strides = array<i32>} : memref<1600x32xf32, #tpu.memory_space<vmem>>, vector<1x16xf32>,
        %get3A_1179 = vector.shape_cast %get3A_1178 : vector<1x16xf32> to vector<16xf32>
        %add3A_1180 = arith.addf %scan3A_1161, %get3A_1179 : vector<16xf32>
        %add3A_1181 = arith.constant 0 : i32
        %add3A_1182 = arith.addi %add3A_1167, %add3A_1181 : i32
        %add3A_1183 = arith.constant 1 : i32
        %add3A_1184 = arith.addi %add3A_1182, %add3A_1183 : i32
        %get3A_1185 = arith.index_cast %add3A_1184 : i32 to index
        %get3A_1186 = arith.constant 0 : index
        %get3A_1187 = tpu.vector_load %arg10[%get3A_1185, %get3A_1186] {strides = array<i32>} : memref<1600x32xf32, #tpu.memory_space<vmem>>, vector<1x16xf32>,
        %get3A_1188 = vector.shape_cast %get3A_1187 : vector<1x16xf32> to vector<16xf32>
        %add3A_1189 = arith.addf %scan3A_1162, %get3A_1188 : vector<16xf32>
        %add3A_1190 = arith.constant 0 : i32
        %add3A_1191 = arith.addi %add3A_1167, %add3A_1190 : i32
        %add3A_1192 = arith.constant 1 : i32
        %add3A_1193 = arith.addi %add3A_1191, %add3A_1192 : i32
        %get3A_1194 = arith.index_cast %add3A_1193 : i32 to index
        %get3A_1195 = arith.constant 16 : index
        %get3A_1196 = tpu.vector_load %arg10[%get3A_1194, %get3A_1195] {strides = array<i32>} : memref<1600x32xf32, #tpu.memory_space<vmem>>, vector<1x16xf32>,
        %get3A_1197 = vector.shape_cast %get3A_1196 : vector<1x16xf32> to vector<16xf32>
        %add3A_1198 = arith.addf %scan3A_1163, %get3A_1197 : vector<16xf32>
        %add3A_1199 = arith.constant 2 : i32
        %add3A_1200 = arith.addi %add3A_1167, %add3A_1199 : i32
        %get3A_1201 = arith.index_cast %add3A_1200 : i32 to index
        %get3A_1202 = arith.constant 0 : index
        %get3A_1203 = tpu.vector_load %arg10[%get3A_1201, %get3A_1202] {strides = array<i32>} : memref<1600x32xf32, #tpu.memory_space<vmem>>, vector<1x16xf32>,
        %get3A_1204 = vector.shape_cast %get3A_1203 : vector<1x16xf32> to vector<16xf32>
        %add3A_1205 = arith.addf %add3A_1173, %get3A_1204 : vector<16xf32>
        %add3A_1206 = arith.constant 2 : i32
        %add3A_1207 = arith.addi %add3A_1167, %add3A_1206 : i32
        %get3A_1208 = arith.index_cast %add3A_1207 : i32 to index
        %get3A_1209 = arith.constant 16 : index
        %get3A_1210 = tpu.vector_load %arg10[%get3A_1208, %get3A_1209] {strides = array<i32>} : memref<1600x32xf32, #tpu.memory_space<vmem>>, vector<1x16xf32>,
        %get3A_1211 = vector.shape_cast %get3A_1210 : vector<1x16xf32> to vector<16xf32>
        %add3A_1212 = arith.addf %add3A_1180, %get3A_1211 : vector<16xf32>
        %add3A_1213 = arith.constant 2 : i32
        %add3A_1214 = arith.addi %add3A_1167, %add3A_1213 : i32
        %add3A_1215 = arith.constant 1 : i32
        %add3A_1216 = arith.addi %add3A_1214, %add3A_1215 : i32
        %get3A_1217 = arith.index_cast %add3A_1216 : i32 to index
        %get3A_1218 = arith.constant 0 : index
        %get3A_1219 = tpu.vector_load %arg10[%get3A_1217, %get3A_1218] {strides = array<i32>} : memref<1600x32xf32, #tpu.memory_space<vmem>>, vector<1x16xf32>,
        %get3A_1220 = vector.shape_cast %get3A_1219 : vector<1x16xf32> to vector<16xf32>
        %add3A_1221 = arith.addf %add3A_1189, %get3A_1220 : vector<16xf32>
        %add3A_1222 = arith.constant 2 : i32
        %add3A_1223 = arith.addi %add3A_1167, %add3A_1222 : i32
        %add3A_1224 = arith.constant 1 : i32
        %add3A_1225 = arith.addi %add3A_1223, %add3A_1224 : i32
        %get3A_1226 = arith.index_cast %add3A_1225 : i32 to index
        %get3A_1227 = arith.constant 16 : index
        %get3A_1228 = tpu.vector_load %arg10[%get3A_1226, %get3A_1227] {strides = array<i32>} : memref<1600x32xf32, #tpu.memory_space<vmem>>, vector<1x16xf32>,
        %get3A_1229 = vector.shape_cast %get3A_1228 : vector<1x16xf32> to vector<16xf32>
        %add3A_1230 = arith.addf %add3A_1198, %get3A_1229 : vector<16xf32>
        %add3A_1231 = arith.constant 4 : i32
        %add3A_1232 = arith.addi %add3A_1167, %add3A_1231 : i32
        %get3A_1233 = arith.index_cast %add3A_1232 : i32 to index
        %get3A_1234 = arith.constant 0 : index
        %get3A_1235 = tpu.vector_load %arg10[%get3A_1233, %get3A_1234] {strides = array<i32>} : memref<1600x32xf32, #tpu.memory_space<vmem>>, vector<1x16xf32>,
        %get3A_1236 = vector.shape_cast %get3A_1235 : vector<1x16xf32> to vector<16xf32>
        %add3A_1237 = arith.addf %add3A_1205, %get3A_1236 : vector<16xf32>
        %add3A_1238 = arith.constant 4 : i32
        %add3A_1239 = arith.addi %add3A_1167, %add3A_1238 : i32
        %get3A_1240 = arith.index_cast %add3A_1239 : i32 to index
        %get3A_1241 = arith.constant 16 : index
        %get3A_1242 = tpu.vector_load %arg10[%get3A_1240, %get3A_1241] {strides = array<i32>} : memref<1600x32xf32, #tpu.memory_space<vmem>>, vector<1x16xf32>,
        %get3A_1243 = vector.shape_cast %get3A_1242 : vector<1x16xf32> to vector<16xf32>
        %add3A_1244 = arith.addf %add3A_1212, %get3A_1243 : vector<16xf32>
        %add3A_1245 = arith.constant 4 : i32
        %add3A_1246 = arith.addi %add3A_1167, %add3A_1245 : i32
        %add3A_1247 = arith.constant 1 : i32
        %add3A_1248 = arith.addi %add3A_1246, %add3A_1247 : i32
        %get3A_1249 = arith.index_cast %add3A_1248 : i32 to index
        %get3A_1250 = arith.constant 0 : index
        %get3A_1251 = tpu.vector_load %arg10[%get3A_1249, %get3A_1250] {strides = array<i32>} : memref<1600x32xf32, #tpu.memory_space<vmem>>, vector<1x16xf32>,
        %get3A_1252 = vector.shape_cast %get3A_1251 : vector<1x16xf32> to vector<16xf32>
        %add3A_1253 = arith.addf %add3A_1221, %get3A_1252 : vector<16xf32>
        %add3A_1254 = arith.constant 4 : i32
        %add3A_1255 = arith.addi %add3A_1167, %add3A_1254 : i32
        %add3A_1256 = arith.constant 1 : i32
        %add3A_1257 = arith.addi %add3A_1255, %add3A_1256 : i32
        %get3A_1258 = arith.index_cast %add3A_1257 : i32 to index
        %get3A_1259 = arith.constant 16 : index
        %get3A_1260 = tpu.vector_load %arg10[%get3A_1258, %get3A_1259] {strides = array<i32>} : memref<1600x32xf32, #tpu.memory_space<vmem>>, vector<1x16xf32>,
        %get3A_1261 = vector.shape_cast %get3A_1260 : vector<1x16xf32> to vector<16xf32>
        %add3A_1262 = arith.addf %add3A_1230, %get3A_1261 : vector<16xf32>
        %add3A_1263 = arith.constant 6 : i32
        %add3A_1264 = arith.addi %add3A_1167, %add3A_1263 : i32
        %get3A_1265 = arith.index_cast %add3A_1264 : i32 to index
        %get3A_1266 = arith.constant 0 : index
        %get3A_1267 = tpu.vector_load %arg10[%get3A_1265, %get3A_1266] {strides = array<i32>} : memref<1600x32xf32, #tpu.memory_space<vmem>>, vector<1x16xf32>,
        %get3A_1268 = vector.shape_cast %get3A_1267 : vector<1x16xf32> to vector<16xf32>
        %add3A_1269 = arith.addf %add3A_1237, %get3A_1268 : vector<16xf32>
        %add3A_1270 = arith.constant 6 : i32
        %add3A_1271 = arith.addi %add3A_1167, %add3A_1270 : i32
        %get3A_1272 = arith.index_cast %add3A_1271 : i32 to index
        %get3A_1273 = arith.constant 16 : index
        %get3A_1274 = tpu.vector_load %arg10[%get3A_1272, %get3A_1273] {strides = array<i32>} : memref<1600x32xf32, #tpu.memory_space<vmem>>, vector<1x16xf32>,
        %get3A_1275 = vector.shape_cast %get3A_1274 : vector<1x16xf32> to vector<16xf32>
        %add3A_1276 = arith.addf %add3A_1244, %get3A_1275 : vector<16xf32>
        %add3A_1277 = arith.constant 6 : i32
        %add3A_1278 = arith.addi %add3A_1167, %add3A_1277 : i32
        %add3A_1279 = arith.constant 1 : i32
        %add3A_1280 = arith.addi %add3A_1278, %add3A_1279 : i32
        %get3A_1281 = arith.index_cast %add3A_1280 : i32 to index
        %get3A_1282 = arith.constant 0 : index
        %get3A_1283 = tpu.vector_load %arg10[%get3A_1281, %get3A_1282] {strides = array<i32>} : memref<1600x32xf32, #tpu.memory_space<vmem>>, vector<1x16xf32>,
        %get3A_1284 = vector.shape_cast %get3A_1283 : vector<1x16xf32> to vector<16xf32>
        %add3A_1285 = arith.addf %add3A_1253, %get3A_1284 : vector<16xf32>
        %add3A_1286 = arith.constant 6 : i32
        %add3A_1287 = arith.addi %add3A_1167, %add3A_1286 : i32
        %add3A_1288 = arith.constant 1 : i32
        %add3A_1289 = arith.addi %add3A_1287, %add3A_1288 : i32
        %get3A_1290 = arith.index_cast %add3A_1289 : i32 to index
        %get3A_1291 = arith.constant 16 : index
        %get3A_1292 = tpu.vector_load %arg10[%get3A_1290, %get3A_1291] {strides = array<i32>} : memref<1600x32xf32, #tpu.memory_space<vmem>>, vector<1x16xf32>,
        %get3A_1293 = vector.shape_cast %get3A_1292 : vector<1x16xf32> to vector<16xf32>
        %add3A_1294 = arith.addf %add3A_1262, %get3A_1293 : vector<16xf32>
        scf.yield %add3A_1269, %add3A_1276, %add3A_1285, %add3A_1294 : vector<16xf32>, vector<16xf32>, vector<16xf32>, vector<16xf32>
      }
      %scan3A_570 = arith.constant 25 : i32
      %add3A_571 = arith.addf %scan3A_569#0, %scan3A_569#2 : vector<16xf32>
      %mul3A_572 = arith.constant 8 : i32
      %mul3A_573 = arith.muli %add3A_199, %mul3A_572 : i32
      %add3A_574 = arith.constant 1 : i32
      %add3A_575 = arith.addi %mul3A_573, %add3A_574 : i32
      %swap3A_576 = arith.index_cast %add3A_575 : i32 to index
      %swap3A_577 = arith.constant 0 : index
      %swap3A_578 = tpu.vector_load %arg12[%swap3A_576, %swap3A_577] {strides = array<i32>} : memref<512x32xf32, #tpu.memory_space<vmem>>, vector<1x16xf32>,
      %swap3A_579 = vector.shape_cast %swap3A_578 : vector<1x16xf32> to vector<16xf32>
      %swap3A_580 = vector.shape_cast %add3A_571 : vector<16xf32> to vector<1x16xf32>
      tpu.vector_store %arg12[%swap3A_576, %swap3A_577], %swap3A_580 {strides = array<i32>} : memref<512x32xf32, #tpu.memory_space<vmem>>, vector<1x16xf32>,
      %add3A_581 = arith.addf %scan3A_569#1, %scan3A_569#3 : vector<16xf32>
      %mul3A_582 = arith.constant 8 : i32
      %mul3A_583 = arith.muli %add3A_199, %mul3A_582 : i32
      %add3A_584 = arith.constant 1 : i32
      %add3A_585 = arith.addi %mul3A_583, %add3A_584 : i32
      %swap3A_586 = arith.index_cast %add3A_585 : i32 to index
      %swap3A_587 = arith.constant 16 : index
      %swap3A_588 = tpu.vector_load %arg12[%swap3A_586, %swap3A_587] {strides = array<i32>} : memref<512x32xf32, #tpu.memory_space<vmem>>, vector<1x16xf32>,
      %swap3A_589 = vector.shape_cast %swap3A_588 : vector<1x16xf32> to vector<16xf32>
      %swap3A_590 = vector.shape_cast %add3A_581 : vector<16xf32> to vector<1x16xf32>
      tpu.vector_store %arg12[%swap3A_586, %swap3A_587], %swap3A_590 {strides = array<i32>} : memref<512x32xf32, #tpu.memory_space<vmem>>, vector<1x16xf32>,
      %broadcast_in_dim3A_591 = arith.constant 0.000000e+00 : f32
      %broadcast_in_dim3A_592 = vector.broadcast %broadcast_in_dim3A_591 : f32 to vector<16xf32>
      %scan3A_593 = arith.constant 0 : i32
      %scan3A_594 = arith.constant 25 : i32
      %scan3A_595 = arith.addi %scan3A_593, %scan3A_594 : i32
      %scan3A_596 = arith.constant 1 : i32
      %scan3A_597:4 = scf.for %scan3A_1159 = %scan3A_593 to %scan3A_595 step %scan3A_596 iter_args(%scan3A_1160 = %broadcast_in_dim3A_592, %scan3A_1161 = %broadcast_in_dim3A_592, %scan3A_1162 = %broadcast_in_dim3A_592, %scan3A_1163 = %broadcast_in_dim3A_592) -> (vector<16xf32>, vector<16xf32>, vector<16xf32>, vector<16xf32>)  : i32 {
        %mul3A_1164 = arith.constant 8 : i32
        %mul3A_1165 = arith.muli %scan3A_1159, %mul3A_1164 : i32
        %add3A_1166 = arith.constant 400 : i32
        %add3A_1167 = arith.addi %add3A_1166, %mul3A_1165 : i32
        %add3A_1168 = arith.constant 0 : i32
        %add3A_1169 = arith.addi %add3A_1167, %add3A_1168 : i32
        %get3A = arith.index_cast %add3A_1169 : i32 to index
        %get3A_1170 = arith.constant 0 : index
        %get3A_1171 = tpu.vector_load %arg10[%get3A, %get3A_1170] {strides = array<i32>} : memref<1600x32xf32, #tpu.memory_space<vmem>>, vector<1x16xf32>,
        %get3A_1172 = vector.shape_cast %get3A_1171 : vector<1x16xf32> to vector<16xf32>
        %add3A_1173 = arith.addf %scan3A_1160, %get3A_1172 : vector<16xf32>
        %add3A_1174 = arith.constant 0 : i32
        %add3A_1175 = arith.addi %add3A_1167, %add3A_1174 : i32
        %get3A_1176 = arith.index_cast %add3A_1175 : i32 to index
        %get3A_1177 = arith.constant 16 : index
        %get3A_1178 = tpu.vector_load %arg10[%get3A_1176, %get3A_1177] {strides = array<i32>} : memref<1600x32xf32, #tpu.memory_space<vmem>>, vector<1x16xf32>,
        %get3A_1179 = vector.shape_cast %get3A_1178 : vector<1x16xf32> to vector<16xf32>
        %add3A_1180 = arith.addf %scan3A_1161, %get3A_1179 : vector<16xf32>
        %add3A_1181 = arith.constant 0 : i32
        %add3A_1182 = arith.addi %add3A_1167, %add3A_1181 : i32
        %add3A_1183 = arith.constant 1 : i32
        %add3A_1184 = arith.addi %add3A_1182, %add3A_1183 : i32
        %get3A_1185 = arith.index_cast %add3A_1184 : i32 to index
        %get3A_1186 = arith.constant 0 : index
        %get3A_1187 = tpu.vector_load %arg10[%get3A_1185, %get3A_1186] {strides = array<i32>} : memref<1600x32xf32, #tpu.memory_space<vmem>>, vector<1x16xf32>,
        %get3A_1188 = vector.shape_cast %get3A_1187 : vector<1x16xf32> to vector<16xf32>
        %add3A_1189 = arith.addf %scan3A_1162, %get3A_1188 : vector<16xf32>
        %add3A_1190 = arith.constant 0 : i32
        %add3A_1191 = arith.addi %add3A_1167, %add3A_1190 : i32
        %add3A_1192 = arith.constant 1 : i32
        %add3A_1193 = arith.addi %add3A_1191, %add3A_1192 : i32
        %get3A_1194 = arith.index_cast %add3A_1193 : i32 to index
        %get3A_1195 = arith.constant 16 : index
        %get3A_1196 = tpu.vector_load %arg10[%get3A_1194, %get3A_1195] {strides = array<i32>} : memref<1600x32xf32, #tpu.memory_space<vmem>>, vector<1x16xf32>,
        %get3A_1197 = vector.shape_cast %get3A_1196 : vector<1x16xf32> to vector<16xf32>
        %add3A_1198 = arith.addf %scan3A_1163, %get3A_1197 : vector<16xf32>
        %add3A_1199 = arith.constant 2 : i32
        %add3A_1200 = arith.addi %add3A_1167, %add3A_1199 : i32
        %get3A_1201 = arith.index_cast %add3A_1200 : i32 to index
        %get3A_1202 = arith.constant 0 : index
        %get3A_1203 = tpu.vector_load %arg10[%get3A_1201, %get3A_1202] {strides = array<i32>} : memref<1600x32xf32, #tpu.memory_space<vmem>>, vector<1x16xf32>,
        %get3A_1204 = vector.shape_cast %get3A_1203 : vector<1x16xf32> to vector<16xf32>
        %add3A_1205 = arith.addf %add3A_1173, %get3A_1204 : vector<16xf32>
        %add3A_1206 = arith.constant 2 : i32
        %add3A_1207 = arith.addi %add3A_1167, %add3A_1206 : i32
        %get3A_1208 = arith.index_cast %add3A_1207 : i32 to index
        %get3A_1209 = arith.constant 16 : index
        %get3A_1210 = tpu.vector_load %arg10[%get3A_1208, %get3A_1209] {strides = array<i32>} : memref<1600x32xf32, #tpu.memory_space<vmem>>, vector<1x16xf32>,
        %get3A_1211 = vector.shape_cast %get3A_1210 : vector<1x16xf32> to vector<16xf32>
        %add3A_1212 = arith.addf %add3A_1180, %get3A_1211 : vector<16xf32>
        %add3A_1213 = arith.constant 2 : i32
        %add3A_1214 = arith.addi %add3A_1167, %add3A_1213 : i32
        %add3A_1215 = arith.constant 1 : i32
        %add3A_1216 = arith.addi %add3A_1214, %add3A_1215 : i32
        %get3A_1217 = arith.index_cast %add3A_1216 : i32 to index
        %get3A_1218 = arith.constant 0 : index
        %get3A_1219 = tpu.vector_load %arg10[%get3A_1217, %get3A_1218] {strides = array<i32>} : memref<1600x32xf32, #tpu.memory_space<vmem>>, vector<1x16xf32>,
        %get3A_1220 = vector.shape_cast %get3A_1219 : vector<1x16xf32> to vector<16xf32>
        %add3A_1221 = arith.addf %add3A_1189, %get3A_1220 : vector<16xf32>
        %add3A_1222 = arith.constant 2 : i32
        %add3A_1223 = arith.addi %add3A_1167, %add3A_1222 : i32
        %add3A_1224 = arith.constant 1 : i32
        %add3A_1225 = arith.addi %add3A_1223, %add3A_1224 : i32
        %get3A_1226 = arith.index_cast %add3A_1225 : i32 to index
        %get3A_1227 = arith.constant 16 : index
        %get3A_1228 = tpu.vector_load %arg10[%get3A_1226, %get3A_1227] {strides = array<i32>} : memref<1600x32xf32, #tpu.memory_space<vmem>>, vector<1x16xf32>,
        %get3A_1229 = vector.shape_cast %get3A_1228 : vector<1x16xf32> to vector<16xf32>
        %add3A_1230 = arith.addf %add3A_1198, %get3A_1229 : vector<16xf32>
        %add3A_1231 = arith.constant 4 : i32
        %add3A_1232 = arith.addi %add3A_1167, %add3A_1231 : i32
        %get3A_1233 = arith.index_cast %add3A_1232 : i32 to index
        %get3A_1234 = arith.constant 0 : index
        %get3A_1235 = tpu.vector_load %arg10[%get3A_1233, %get3A_1234] {strides = array<i32>} : memref<1600x32xf32, #tpu.memory_space<vmem>>, vector<1x16xf32>,
        %get3A_1236 = vector.shape_cast %get3A_1235 : vector<1x16xf32> to vector<16xf32>
        %add3A_1237 = arith.addf %add3A_1205, %get3A_1236 : vector<16xf32>
        %add3A_1238 = arith.constant 4 : i32
        %add3A_1239 = arith.addi %add3A_1167, %add3A_1238 : i32
        %get3A_1240 = arith.index_cast %add3A_1239 : i32 to index
        %get3A_1241 = arith.constant 16 : index
        %get3A_1242 = tpu.vector_load %arg10[%get3A_1240, %get3A_1241] {strides = array<i32>} : memref<1600x32xf32, #tpu.memory_space<vmem>>, vector<1x16xf32>,
        %get3A_1243 = vector.shape_cast %get3A_1242 : vector<1x16xf32> to vector<16xf32>
        %add3A_1244 = arith.addf %add3A_1212, %get3A_1243 : vector<16xf32>
        %add3A_1245 = arith.constant 4 : i32
        %add3A_1246 = arith.addi %add3A_1167, %add3A_1245 : i32
        %add3A_1247 = arith.constant 1 : i32
        %add3A_1248 = arith.addi %add3A_1246, %add3A_1247 : i32
        %get3A_1249 = arith.index_cast %add3A_1248 : i32 to index
        %get3A_1250 = arith.constant 0 : index
        %get3A_1251 = tpu.vector_load %arg10[%get3A_1249, %get3A_1250] {strides = array<i32>} : memref<1600x32xf32, #tpu.memory_space<vmem>>, vector<1x16xf32>,
        %get3A_1252 = vector.shape_cast %get3A_1251 : vector<1x16xf32> to vector<16xf32>
        %add3A_1253 = arith.addf %add3A_1221, %get3A_1252 : vector<16xf32>
        %add3A_1254 = arith.constant 4 : i32
        %add3A_1255 = arith.addi %add3A_1167, %add3A_1254 : i32
        %add3A_1256 = arith.constant 1 : i32
        %add3A_1257 = arith.addi %add3A_1255, %add3A_1256 : i32
        %get3A_1258 = arith.index_cast %add3A_1257 : i32 to index
        %get3A_1259 = arith.constant 16 : index
        %get3A_1260 = tpu.vector_load %arg10[%get3A_1258, %get3A_1259] {strides = array<i32>} : memref<1600x32xf32, #tpu.memory_space<vmem>>, vector<1x16xf32>,
        %get3A_1261 = vector.shape_cast %get3A_1260 : vector<1x16xf32> to vector<16xf32>
        %add3A_1262 = arith.addf %add3A_1230, %get3A_1261 : vector<16xf32>
        %add3A_1263 = arith.constant 6 : i32
        %add3A_1264 = arith.addi %add3A_1167, %add3A_1263 : i32
        %get3A_1265 = arith.index_cast %add3A_1264 : i32 to index
        %get3A_1266 = arith.constant 0 : index
        %get3A_1267 = tpu.vector_load %arg10[%get3A_1265, %get3A_1266] {strides = array<i32>} : memref<1600x32xf32, #tpu.memory_space<vmem>>, vector<1x16xf32>,
        %get3A_1268 = vector.shape_cast %get3A_1267 : vector<1x16xf32> to vector<16xf32>
        %add3A_1269 = arith.addf %add3A_1237, %get3A_1268 : vector<16xf32>
        %add3A_1270 = arith.constant 6 : i32
        %add3A_1271 = arith.addi %add3A_1167, %add3A_1270 : i32
        %get3A_1272 = arith.index_cast %add3A_1271 : i32 to index
        %get3A_1273 = arith.constant 16 : index
        %get3A_1274 = tpu.vector_load %arg10[%get3A_1272, %get3A_1273] {strides = array<i32>} : memref<1600x32xf32, #tpu.memory_space<vmem>>, vector<1x16xf32>,
        %get3A_1275 = vector.shape_cast %get3A_1274 : vector<1x16xf32> to vector<16xf32>
        %add3A_1276 = arith.addf %add3A_1244, %get3A_1275 : vector<16xf32>
        %add3A_1277 = arith.constant 6 : i32
        %add3A_1278 = arith.addi %add3A_1167, %add3A_1277 : i32
        %add3A_1279 = arith.constant 1 : i32
        %add3A_1280 = arith.addi %add3A_1278, %add3A_1279 : i32
        %get3A_1281 = arith.index_cast %add3A_1280 : i32 to index
        %get3A_1282 = arith.constant 0 : index
        %get3A_1283 = tpu.vector_load %arg10[%get3A_1281, %get3A_1282] {strides = array<i32>} : memref<1600x32xf32, #tpu.memory_space<vmem>>, vector<1x16xf32>,
        %get3A_1284 = vector.shape_cast %get3A_1283 : vector<1x16xf32> to vector<16xf32>
        %add3A_1285 = arith.addf %add3A_1253, %get3A_1284 : vector<16xf32>
        %add3A_1286 = arith.constant 6 : i32
        %add3A_1287 = arith.addi %add3A_1167, %add3A_1286 : i32
        %add3A_1288 = arith.constant 1 : i32
        %add3A_1289 = arith.addi %add3A_1287, %add3A_1288 : i32
        %get3A_1290 = arith.index_cast %add3A_1289 : i32 to index
        %get3A_1291 = arith.constant 16 : index
        %get3A_1292 = tpu.vector_load %arg10[%get3A_1290, %get3A_1291] {strides = array<i32>} : memref<1600x32xf32, #tpu.memory_space<vmem>>, vector<1x16xf32>,
        %get3A_1293 = vector.shape_cast %get3A_1292 : vector<1x16xf32> to vector<16xf32>
        %add3A_1294 = arith.addf %add3A_1262, %get3A_1293 : vector<16xf32>
        scf.yield %add3A_1269, %add3A_1276, %add3A_1285, %add3A_1294 : vector<16xf32>, vector<16xf32>, vector<16xf32>, vector<16xf32>
      }
      %scan3A_598 = arith.constant 25 : i32
      %add3A_599 = arith.addf %scan3A_597#0, %scan3A_597#2 : vector<16xf32>
      %mul3A_600 = arith.constant 8 : i32
      %mul3A_601 = arith.muli %add3A_199, %mul3A_600 : i32
      %add3A_602 = arith.constant 2 : i32
      %add3A_603 = arith.addi %mul3A_601, %add3A_602 : i32
      %swap3A_604 = arith.index_cast %add3A_603 : i32 to index
      %swap3A_605 = arith.constant 0 : index
      %swap3A_606 = tpu.vector_load %arg12[%swap3A_604, %swap3A_605] {strides = array<i32>} : memref<512x32xf32, #tpu.memory_space<vmem>>, vector<1x16xf32>,
      %swap3A_607 = vector.shape_cast %swap3A_606 : vector<1x16xf32> to vector<16xf32>
      %swap3A_608 = vector.shape_cast %add3A_599 : vector<16xf32> to vector<1x16xf32>
      tpu.vector_store %arg12[%swap3A_604, %swap3A_605], %swap3A_608 {strides = array<i32>} : memref<512x32xf32, #tpu.memory_space<vmem>>, vector<1x16xf32>,
      %add3A_609 = arith.addf %scan3A_597#1, %scan3A_597#3 : vector<16xf32>
      %mul3A_610 = arith.constant 8 : i32
      %mul3A_611 = arith.muli %add3A_199, %mul3A_610 : i32
      %add3A_612 = arith.constant 2 : i32
      %add3A_613 = arith.addi %mul3A_611, %add3A_612 : i32
      %swap3A_614 = arith.index_cast %add3A_613 : i32 to index
      %swap3A_615 = arith.constant 16 : index
      %swap3A_616 = tpu.vector_load %arg12[%swap3A_614, %swap3A_615] {strides = array<i32>} : memref<512x32xf32, #tpu.memory_space<vmem>>, vector<1x16xf32>,
      %swap3A_617 = vector.shape_cast %swap3A_616 : vector<1x16xf32> to vector<16xf32>
      %swap3A_618 = vector.shape_cast %add3A_609 : vector<16xf32> to vector<1x16xf32>
      tpu.vector_store %arg12[%swap3A_614, %swap3A_615], %swap3A_618 {strides = array<i32>} : memref<512x32xf32, #tpu.memory_space<vmem>>, vector<1x16xf32>,
      %broadcast_in_dim3A_619 = arith.constant 0.000000e+00 : f32
      %broadcast_in_dim3A_620 = vector.broadcast %broadcast_in_dim3A_619 : f32 to vector<16xf32>
      %scan3A_621 = arith.constant 0 : i32
      %scan3A_622 = arith.constant 25 : i32
      %scan3A_623 = arith.addi %scan3A_621, %scan3A_622 : i32
      %scan3A_624 = arith.constant 1 : i32
      %scan3A_625:4 = scf.for %scan3A_1159 = %scan3A_621 to %scan3A_623 step %scan3A_624 iter_args(%scan3A_1160 = %broadcast_in_dim3A_620, %scan3A_1161 = %broadcast_in_dim3A_620, %scan3A_1162 = %broadcast_in_dim3A_620, %scan3A_1163 = %broadcast_in_dim3A_620) -> (vector<16xf32>, vector<16xf32>, vector<16xf32>, vector<16xf32>)  : i32 {
        %mul3A_1164 = arith.constant 8 : i32
        %mul3A_1165 = arith.muli %scan3A_1159, %mul3A_1164 : i32
        %add3A_1166 = arith.constant 600 : i32
        %add3A_1167 = arith.addi %add3A_1166, %mul3A_1165 : i32
        %add3A_1168 = arith.constant 0 : i32
        %add3A_1169 = arith.addi %add3A_1167, %add3A_1168 : i32
        %get3A = arith.index_cast %add3A_1169 : i32 to index
        %get3A_1170 = arith.constant 0 : index
        %get3A_1171 = tpu.vector_load %arg10[%get3A, %get3A_1170] {strides = array<i32>} : memref<1600x32xf32, #tpu.memory_space<vmem>>, vector<1x16xf32>,
        %get3A_1172 = vector.shape_cast %get3A_1171 : vector<1x16xf32> to vector<16xf32>
        %add3A_1173 = arith.addf %scan3A_1160, %get3A_1172 : vector<16xf32>
        %add3A_1174 = arith.constant 0 : i32
        %add3A_1175 = arith.addi %add3A_1167, %add3A_1174 : i32
        %get3A_1176 = arith.index_cast %add3A_1175 : i32 to index
        %get3A_1177 = arith.constant 16 : index
        %get3A_1178 = tpu.vector_load %arg10[%get3A_1176, %get3A_1177] {strides = array<i32>} : memref<1600x32xf32, #tpu.memory_space<vmem>>, vector<1x16xf32>,
        %get3A_1179 = vector.shape_cast %get3A_1178 : vector<1x16xf32> to vector<16xf32>
        %add3A_1180 = arith.addf %scan3A_1161, %get3A_1179 : vector<16xf32>
        %add3A_1181 = arith.constant 0 : i32
        %add3A_1182 = arith.addi %add3A_1167, %add3A_1181 : i32
        %add3A_1183 = arith.constant 1 : i32
        %add3A_1184 = arith.addi %add3A_1182, %add3A_1183 : i32
        %get3A_1185 = arith.index_cast %add3A_1184 : i32 to index
        %get3A_1186 = arith.constant 0 : index
        %get3A_1187 = tpu.vector_load %arg10[%get3A_1185, %get3A_1186] {strides = array<i32>} : memref<1600x32xf32, #tpu.memory_space<vmem>>, vector<1x16xf32>,
        %get3A_1188 = vector.shape_cast %get3A_1187 : vector<1x16xf32> to vector<16xf32>
        %add3A_1189 = arith.addf %scan3A_1162, %get3A_1188 : vector<16xf32>
        %add3A_1190 = arith.constant 0 : i32
        %add3A_1191 = arith.addi %add3A_1167, %add3A_1190 : i32
        %add3A_1192 = arith.constant 1 : i32
        %add3A_1193 = arith.addi %add3A_1191, %add3A_1192 : i32
        %get3A_1194 = arith.index_cast %add3A_1193 : i32 to index
        %get3A_1195 = arith.constant 16 : index
        %get3A_1196 = tpu.vector_load %arg10[%get3A_1194, %get3A_1195] {strides = array<i32>} : memref<1600x32xf32, #tpu.memory_space<vmem>>, vector<1x16xf32>,
        %get3A_1197 = vector.shape_cast %get3A_1196 : vector<1x16xf32> to vector<16xf32>
        %add3A_1198 = arith.addf %scan3A_1163, %get3A_1197 : vector<16xf32>
        %add3A_1199 = arith.constant 2 : i32
        %add3A_1200 = arith.addi %add3A_1167, %add3A_1199 : i32
        %get3A_1201 = arith.index_cast %add3A_1200 : i32 to index
        %get3A_1202 = arith.constant 0 : index
        %get3A_1203 = tpu.vector_load %arg10[%get3A_1201, %get3A_1202] {strides = array<i32>} : memref<1600x32xf32, #tpu.memory_space<vmem>>, vector<1x16xf32>,
        %get3A_1204 = vector.shape_cast %get3A_1203 : vector<1x16xf32> to vector<16xf32>
        %add3A_1205 = arith.addf %add3A_1173, %get3A_1204 : vector<16xf32>
        %add3A_1206 = arith.constant 2 : i32
        %add3A_1207 = arith.addi %add3A_1167, %add3A_1206 : i32
        %get3A_1208 = arith.index_cast %add3A_1207 : i32 to index
        %get3A_1209 = arith.constant 16 : index
        %get3A_1210 = tpu.vector_load %arg10[%get3A_1208, %get3A_1209] {strides = array<i32>} : memref<1600x32xf32, #tpu.memory_space<vmem>>, vector<1x16xf32>,
        %get3A_1211 = vector.shape_cast %get3A_1210 : vector<1x16xf32> to vector<16xf32>
        %add3A_1212 = arith.addf %add3A_1180, %get3A_1211 : vector<16xf32>
        %add3A_1213 = arith.constant 2 : i32
        %add3A_1214 = arith.addi %add3A_1167, %add3A_1213 : i32
        %add3A_1215 = arith.constant 1 : i32
        %add3A_1216 = arith.addi %add3A_1214, %add3A_1215 : i32
        %get3A_1217 = arith.index_cast %add3A_1216 : i32 to index
        %get3A_1218 = arith.constant 0 : index
        %get3A_1219 = tpu.vector_load %arg10[%get3A_1217, %get3A_1218] {strides = array<i32>} : memref<1600x32xf32, #tpu.memory_space<vmem>>, vector<1x16xf32>,
        %get3A_1220 = vector.shape_cast %get3A_1219 : vector<1x16xf32> to vector<16xf32>
        %add3A_1221 = arith.addf %add3A_1189, %get3A_1220 : vector<16xf32>
        %add3A_1222 = arith.constant 2 : i32
        %add3A_1223 = arith.addi %add3A_1167, %add3A_1222 : i32
        %add3A_1224 = arith.constant 1 : i32
        %add3A_1225 = arith.addi %add3A_1223, %add3A_1224 : i32
        %get3A_1226 = arith.index_cast %add3A_1225 : i32 to index
        %get3A_1227 = arith.constant 16 : index
        %get3A_1228 = tpu.vector_load %arg10[%get3A_1226, %get3A_1227] {strides = array<i32>} : memref<1600x32xf32, #tpu.memory_space<vmem>>, vector<1x16xf32>,
        %get3A_1229 = vector.shape_cast %get3A_1228 : vector<1x16xf32> to vector<16xf32>
        %add3A_1230 = arith.addf %add3A_1198, %get3A_1229 : vector<16xf32>
        %add3A_1231 = arith.constant 4 : i32
        %add3A_1232 = arith.addi %add3A_1167, %add3A_1231 : i32
        %get3A_1233 = arith.index_cast %add3A_1232 : i32 to index
        %get3A_1234 = arith.constant 0 : index
        %get3A_1235 = tpu.vector_load %arg10[%get3A_1233, %get3A_1234] {strides = array<i32>} : memref<1600x32xf32, #tpu.memory_space<vmem>>, vector<1x16xf32>,
        %get3A_1236 = vector.shape_cast %get3A_1235 : vector<1x16xf32> to vector<16xf32>
        %add3A_1237 = arith.addf %add3A_1205, %get3A_1236 : vector<16xf32>
        %add3A_1238 = arith.constant 4 : i32
        %add3A_1239 = arith.addi %add3A_1167, %add3A_1238 : i32
        %get3A_1240 = arith.index_cast %add3A_1239 : i32 to index
        %get3A_1241 = arith.constant 16 : index
        %get3A_1242 = tpu.vector_load %arg10[%get3A_1240, %get3A_1241] {strides = array<i32>} : memref<1600x32xf32, #tpu.memory_space<vmem>>, vector<1x16xf32>,
        %get3A_1243 = vector.shape_cast %get3A_1242 : vector<1x16xf32> to vector<16xf32>
        %add3A_1244 = arith.addf %add3A_1212, %get3A_1243 : vector<16xf32>
        %add3A_1245 = arith.constant 4 : i32
        %add3A_1246 = arith.addi %add3A_1167, %add3A_1245 : i32
        %add3A_1247 = arith.constant 1 : i32
        %add3A_1248 = arith.addi %add3A_1246, %add3A_1247 : i32
        %get3A_1249 = arith.index_cast %add3A_1248 : i32 to index
        %get3A_1250 = arith.constant 0 : index
        %get3A_1251 = tpu.vector_load %arg10[%get3A_1249, %get3A_1250] {strides = array<i32>} : memref<1600x32xf32, #tpu.memory_space<vmem>>, vector<1x16xf32>,
        %get3A_1252 = vector.shape_cast %get3A_1251 : vector<1x16xf32> to vector<16xf32>
        %add3A_1253 = arith.addf %add3A_1221, %get3A_1252 : vector<16xf32>
        %add3A_1254 = arith.constant 4 : i32
        %add3A_1255 = arith.addi %add3A_1167, %add3A_1254 : i32
        %add3A_1256 = arith.constant 1 : i32
        %add3A_1257 = arith.addi %add3A_1255, %add3A_1256 : i32
        %get3A_1258 = arith.index_cast %add3A_1257 : i32 to index
        %get3A_1259 = arith.constant 16 : index
        %get3A_1260 = tpu.vector_load %arg10[%get3A_1258, %get3A_1259] {strides = array<i32>} : memref<1600x32xf32, #tpu.memory_space<vmem>>, vector<1x16xf32>,
        %get3A_1261 = vector.shape_cast %get3A_1260 : vector<1x16xf32> to vector<16xf32>
        %add3A_1262 = arith.addf %add3A_1230, %get3A_1261 : vector<16xf32>
        %add3A_1263 = arith.constant 6 : i32
        %add3A_1264 = arith.addi %add3A_1167, %add3A_1263 : i32
        %get3A_1265 = arith.index_cast %add3A_1264 : i32 to index
        %get3A_1266 = arith.constant 0 : index
        %get3A_1267 = tpu.vector_load %arg10[%get3A_1265, %get3A_1266] {strides = array<i32>} : memref<1600x32xf32, #tpu.memory_space<vmem>>, vector<1x16xf32>,
        %get3A_1268 = vector.shape_cast %get3A_1267 : vector<1x16xf32> to vector<16xf32>
        %add3A_1269 = arith.addf %add3A_1237, %get3A_1268 : vector<16xf32>
        %add3A_1270 = arith.constant 6 : i32
        %add3A_1271 = arith.addi %add3A_1167, %add3A_1270 : i32
        %get3A_1272 = arith.index_cast %add3A_1271 : i32 to index
        %get3A_1273 = arith.constant 16 : index
        %get3A_1274 = tpu.vector_load %arg10[%get3A_1272, %get3A_1273] {strides = array<i32>} : memref<1600x32xf32, #tpu.memory_space<vmem>>, vector<1x16xf32>,
        %get3A_1275 = vector.shape_cast %get3A_1274 : vector<1x16xf32> to vector<16xf32>
        %add3A_1276 = arith.addf %add3A_1244, %get3A_1275 : vector<16xf32>
        %add3A_1277 = arith.constant 6 : i32
        %add3A_1278 = arith.addi %add3A_1167, %add3A_1277 : i32
        %add3A_1279 = arith.constant 1 : i32
        %add3A_1280 = arith.addi %add3A_1278, %add3A_1279 : i32
        %get3A_1281 = arith.index_cast %add3A_1280 : i32 to index
        %get3A_1282 = arith.constant 0 : index
        %get3A_1283 = tpu.vector_load %arg10[%get3A_1281, %get3A_1282] {strides = array<i32>} : memref<1600x32xf32, #tpu.memory_space<vmem>>, vector<1x16xf32>,
        %get3A_1284 = vector.shape_cast %get3A_1283 : vector<1x16xf32> to vector<16xf32>
        %add3A_1285 = arith.addf %add3A_1253, %get3A_1284 : vector<16xf32>
        %add3A_1286 = arith.constant 6 : i32
        %add3A_1287 = arith.addi %add3A_1167, %add3A_1286 : i32
        %add3A_1288 = arith.constant 1 : i32
        %add3A_1289 = arith.addi %add3A_1287, %add3A_1288 : i32
        %get3A_1290 = arith.index_cast %add3A_1289 : i32 to index
        %get3A_1291 = arith.constant 16 : index
        %get3A_1292 = tpu.vector_load %arg10[%get3A_1290, %get3A_1291] {strides = array<i32>} : memref<1600x32xf32, #tpu.memory_space<vmem>>, vector<1x16xf32>,
        %get3A_1293 = vector.shape_cast %get3A_1292 : vector<1x16xf32> to vector<16xf32>
        %add3A_1294 = arith.addf %add3A_1262, %get3A_1293 : vector<16xf32>
        scf.yield %add3A_1269, %add3A_1276, %add3A_1285, %add3A_1294 : vector<16xf32>, vector<16xf32>, vector<16xf32>, vector<16xf32>
      }
      %scan3A_626 = arith.constant 25 : i32
      %add3A_627 = arith.addf %scan3A_625#0, %scan3A_625#2 : vector<16xf32>
      %mul3A_628 = arith.constant 8 : i32
      %mul3A_629 = arith.muli %add3A_199, %mul3A_628 : i32
      %add3A_630 = arith.constant 3 : i32
      %add3A_631 = arith.addi %mul3A_629, %add3A_630 : i32
      %swap3A_632 = arith.index_cast %add3A_631 : i32 to index
      %swap3A_633 = arith.constant 0 : index
      %swap3A_634 = tpu.vector_load %arg12[%swap3A_632, %swap3A_633] {strides = array<i32>} : memref<512x32xf32, #tpu.memory_space<vmem>>, vector<1x16xf32>,
      %swap3A_635 = vector.shape_cast %swap3A_634 : vector<1x16xf32> to vector<16xf32>
      %swap3A_636 = vector.shape_cast %add3A_627 : vector<16xf32> to vector<1x16xf32>
      tpu.vector_store %arg12[%swap3A_632, %swap3A_633], %swap3A_636 {strides = array<i32>} : memref<512x32xf32, #tpu.memory_space<vmem>>, vector<1x16xf32>,
      %add3A_637 = arith.addf %scan3A_625#1, %scan3A_625#3 : vector<16xf32>
      %mul3A_638 = arith.constant 8 : i32
      %mul3A_639 = arith.muli %add3A_199, %mul3A_638 : i32
      %add3A_640 = arith.constant 3 : i32
      %add3A_641 = arith.addi %mul3A_639, %add3A_640 : i32
      %swap3A_642 = arith.index_cast %add3A_641 : i32 to index
      %swap3A_643 = arith.constant 16 : index
      %swap3A_644 = tpu.vector_load %arg12[%swap3A_642, %swap3A_643] {strides = array<i32>} : memref<512x32xf32, #tpu.memory_space<vmem>>, vector<1x16xf32>,
      %swap3A_645 = vector.shape_cast %swap3A_644 : vector<1x16xf32> to vector<16xf32>
      %swap3A_646 = vector.shape_cast %add3A_637 : vector<16xf32> to vector<1x16xf32>
      tpu.vector_store %arg12[%swap3A_642, %swap3A_643], %swap3A_646 {strides = array<i32>} : memref<512x32xf32, #tpu.memory_space<vmem>>, vector<1x16xf32>,
      %broadcast_in_dim3A_647 = arith.constant 0.000000e+00 : f32
      %broadcast_in_dim3A_648 = vector.broadcast %broadcast_in_dim3A_647 : f32 to vector<16xf32>
      %scan3A_649 = arith.constant 0 : i32
      %scan3A_650 = arith.constant 25 : i32
      %scan3A_651 = arith.addi %scan3A_649, %scan3A_650 : i32
      %scan3A_652 = arith.constant 1 : i32
      %scan3A_653:4 = scf.for %scan3A_1159 = %scan3A_649 to %scan3A_651 step %scan3A_652 iter_args(%scan3A_1160 = %broadcast_in_dim3A_648, %scan3A_1161 = %broadcast_in_dim3A_648, %scan3A_1162 = %broadcast_in_dim3A_648, %scan3A_1163 = %broadcast_in_dim3A_648) -> (vector<16xf32>, vector<16xf32>, vector<16xf32>, vector<16xf32>)  : i32 {
        %mul3A_1164 = arith.constant 8 : i32
        %mul3A_1165 = arith.muli %scan3A_1159, %mul3A_1164 : i32
        %add3A_1166 = arith.constant 800 : i32
        %add3A_1167 = arith.addi %add3A_1166, %mul3A_1165 : i32
        %add3A_1168 = arith.constant 0 : i32
        %add3A_1169 = arith.addi %add3A_1167, %add3A_1168 : i32
        %get3A = arith.index_cast %add3A_1169 : i32 to index
        %get3A_1170 = arith.constant 0 : index
        %get3A_1171 = tpu.vector_load %arg10[%get3A, %get3A_1170] {strides = array<i32>} : memref<1600x32xf32, #tpu.memory_space<vmem>>, vector<1x16xf32>,
        %get3A_1172 = vector.shape_cast %get3A_1171 : vector<1x16xf32> to vector<16xf32>
        %add3A_1173 = arith.addf %scan3A_1160, %get3A_1172 : vector<16xf32>
        %add3A_1174 = arith.constant 0 : i32
        %add3A_1175 = arith.addi %add3A_1167, %add3A_1174 : i32
        %get3A_1176 = arith.index_cast %add3A_1175 : i32 to index
        %get3A_1177 = arith.constant 16 : index
        %get3A_1178 = tpu.vector_load %arg10[%get3A_1176, %get3A_1177] {strides = array<i32>} : memref<1600x32xf32, #tpu.memory_space<vmem>>, vector<1x16xf32>,
        %get3A_1179 = vector.shape_cast %get3A_1178 : vector<1x16xf32> to vector<16xf32>
        %add3A_1180 = arith.addf %scan3A_1161, %get3A_1179 : vector<16xf32>
        %add3A_1181 = arith.constant 0 : i32
        %add3A_1182 = arith.addi %add3A_1167, %add3A_1181 : i32
        %add3A_1183 = arith.constant 1 : i32
        %add3A_1184 = arith.addi %add3A_1182, %add3A_1183 : i32
        %get3A_1185 = arith.index_cast %add3A_1184 : i32 to index
        %get3A_1186 = arith.constant 0 : index
        %get3A_1187 = tpu.vector_load %arg10[%get3A_1185, %get3A_1186] {strides = array<i32>} : memref<1600x32xf32, #tpu.memory_space<vmem>>, vector<1x16xf32>,
        %get3A_1188 = vector.shape_cast %get3A_1187 : vector<1x16xf32> to vector<16xf32>
        %add3A_1189 = arith.addf %scan3A_1162, %get3A_1188 : vector<16xf32>
        %add3A_1190 = arith.constant 0 : i32
        %add3A_1191 = arith.addi %add3A_1167, %add3A_1190 : i32
        %add3A_1192 = arith.constant 1 : i32
        %add3A_1193 = arith.addi %add3A_1191, %add3A_1192 : i32
        %get3A_1194 = arith.index_cast %add3A_1193 : i32 to index
        %get3A_1195 = arith.constant 16 : index
        %get3A_1196 = tpu.vector_load %arg10[%get3A_1194, %get3A_1195] {strides = array<i32>} : memref<1600x32xf32, #tpu.memory_space<vmem>>, vector<1x16xf32>,
        %get3A_1197 = vector.shape_cast %get3A_1196 : vector<1x16xf32> to vector<16xf32>
        %add3A_1198 = arith.addf %scan3A_1163, %get3A_1197 : vector<16xf32>
        %add3A_1199 = arith.constant 2 : i32
        %add3A_1200 = arith.addi %add3A_1167, %add3A_1199 : i32
        %get3A_1201 = arith.index_cast %add3A_1200 : i32 to index
        %get3A_1202 = arith.constant 0 : index
        %get3A_1203 = tpu.vector_load %arg10[%get3A_1201, %get3A_1202] {strides = array<i32>} : memref<1600x32xf32, #tpu.memory_space<vmem>>, vector<1x16xf32>,
        %get3A_1204 = vector.shape_cast %get3A_1203 : vector<1x16xf32> to vector<16xf32>
        %add3A_1205 = arith.addf %add3A_1173, %get3A_1204 : vector<16xf32>
        %add3A_1206 = arith.constant 2 : i32
        %add3A_1207 = arith.addi %add3A_1167, %add3A_1206 : i32
        %get3A_1208 = arith.index_cast %add3A_1207 : i32 to index
        %get3A_1209 = arith.constant 16 : index
        %get3A_1210 = tpu.vector_load %arg10[%get3A_1208, %get3A_1209] {strides = array<i32>} : memref<1600x32xf32, #tpu.memory_space<vmem>>, vector<1x16xf32>,
        %get3A_1211 = vector.shape_cast %get3A_1210 : vector<1x16xf32> to vector<16xf32>
        %add3A_1212 = arith.addf %add3A_1180, %get3A_1211 : vector<16xf32>
        %add3A_1213 = arith.constant 2 : i32
        %add3A_1214 = arith.addi %add3A_1167, %add3A_1213 : i32
        %add3A_1215 = arith.constant 1 : i32
        %add3A_1216 = arith.addi %add3A_1214, %add3A_1215 : i32
        %get3A_1217 = arith.index_cast %add3A_1216 : i32 to index
        %get3A_1218 = arith.constant 0 : index
        %get3A_1219 = tpu.vector_load %arg10[%get3A_1217, %get3A_1218] {strides = array<i32>} : memref<1600x32xf32, #tpu.memory_space<vmem>>, vector<1x16xf32>,
        %get3A_1220 = vector.shape_cast %get3A_1219 : vector<1x16xf32> to vector<16xf32>
        %add3A_1221 = arith.addf %add3A_1189, %get3A_1220 : vector<16xf32>
        %add3A_1222 = arith.constant 2 : i32
        %add3A_1223 = arith.addi %add3A_1167, %add3A_1222 : i32
        %add3A_1224 = arith.constant 1 : i32
        %add3A_1225 = arith.addi %add3A_1223, %add3A_1224 : i32
        %get3A_1226 = arith.index_cast %add3A_1225 : i32 to index
        %get3A_1227 = arith.constant 16 : index
        %get3A_1228 = tpu.vector_load %arg10[%get3A_1226, %get3A_1227] {strides = array<i32>} : memref<1600x32xf32, #tpu.memory_space<vmem>>, vector<1x16xf32>,
        %get3A_1229 = vector.shape_cast %get3A_1228 : vector<1x16xf32> to vector<16xf32>
        %add3A_1230 = arith.addf %add3A_1198, %get3A_1229 : vector<16xf32>
        %add3A_1231 = arith.constant 4 : i32
        %add3A_1232 = arith.addi %add3A_1167, %add3A_1231 : i32
        %get3A_1233 = arith.index_cast %add3A_1232 : i32 to index
        %get3A_1234 = arith.constant 0 : index
        %get3A_1235 = tpu.vector_load %arg10[%get3A_1233, %get3A_1234] {strides = array<i32>} : memref<1600x32xf32, #tpu.memory_space<vmem>>, vector<1x16xf32>,
        %get3A_1236 = vector.shape_cast %get3A_1235 : vector<1x16xf32> to vector<16xf32>
        %add3A_1237 = arith.addf %add3A_1205, %get3A_1236 : vector<16xf32>
        %add3A_1238 = arith.constant 4 : i32
        %add3A_1239 = arith.addi %add3A_1167, %add3A_1238 : i32
        %get3A_1240 = arith.index_cast %add3A_1239 : i32 to index
        %get3A_1241 = arith.constant 16 : index
        %get3A_1242 = tpu.vector_load %arg10[%get3A_1240, %get3A_1241] {strides = array<i32>} : memref<1600x32xf32, #tpu.memory_space<vmem>>, vector<1x16xf32>,
        %get3A_1243 = vector.shape_cast %get3A_1242 : vector<1x16xf32> to vector<16xf32>
        %add3A_1244 = arith.addf %add3A_1212, %get3A_1243 : vector<16xf32>
        %add3A_1245 = arith.constant 4 : i32
        %add3A_1246 = arith.addi %add3A_1167, %add3A_1245 : i32
        %add3A_1247 = arith.constant 1 : i32
        %add3A_1248 = arith.addi %add3A_1246, %add3A_1247 : i32
        %get3A_1249 = arith.index_cast %add3A_1248 : i32 to index
        %get3A_1250 = arith.constant 0 : index
        %get3A_1251 = tpu.vector_load %arg10[%get3A_1249, %get3A_1250] {strides = array<i32>} : memref<1600x32xf32, #tpu.memory_space<vmem>>, vector<1x16xf32>,
        %get3A_1252 = vector.shape_cast %get3A_1251 : vector<1x16xf32> to vector<16xf32>
        %add3A_1253 = arith.addf %add3A_1221, %get3A_1252 : vector<16xf32>
        %add3A_1254 = arith.constant 4 : i32
        %add3A_1255 = arith.addi %add3A_1167, %add3A_1254 : i32
        %add3A_1256 = arith.constant 1 : i32
        %add3A_1257 = arith.addi %add3A_1255, %add3A_1256 : i32
        %get3A_1258 = arith.index_cast %add3A_1257 : i32 to index
        %get3A_1259 = arith.constant 16 : index
        %get3A_1260 = tpu.vector_load %arg10[%get3A_1258, %get3A_1259] {strides = array<i32>} : memref<1600x32xf32, #tpu.memory_space<vmem>>, vector<1x16xf32>,
        %get3A_1261 = vector.shape_cast %get3A_1260 : vector<1x16xf32> to vector<16xf32>
        %add3A_1262 = arith.addf %add3A_1230, %get3A_1261 : vector<16xf32>
        %add3A_1263 = arith.constant 6 : i32
        %add3A_1264 = arith.addi %add3A_1167, %add3A_1263 : i32
        %get3A_1265 = arith.index_cast %add3A_1264 : i32 to index
        %get3A_1266 = arith.constant 0 : index
        %get3A_1267 = tpu.vector_load %arg10[%get3A_1265, %get3A_1266] {strides = array<i32>} : memref<1600x32xf32, #tpu.memory_space<vmem>>, vector<1x16xf32>,
        %get3A_1268 = vector.shape_cast %get3A_1267 : vector<1x16xf32> to vector<16xf32>
        %add3A_1269 = arith.addf %add3A_1237, %get3A_1268 : vector<16xf32>
        %add3A_1270 = arith.constant 6 : i32
        %add3A_1271 = arith.addi %add3A_1167, %add3A_1270 : i32
        %get3A_1272 = arith.index_cast %add3A_1271 : i32 to index
        %get3A_1273 = arith.constant 16 : index
        %get3A_1274 = tpu.vector_load %arg10[%get3A_1272, %get3A_1273] {strides = array<i32>} : memref<1600x32xf32, #tpu.memory_space<vmem>>, vector<1x16xf32>,
        %get3A_1275 = vector.shape_cast %get3A_1274 : vector<1x16xf32> to vector<16xf32>
        %add3A_1276 = arith.addf %add3A_1244, %get3A_1275 : vector<16xf32>
        %add3A_1277 = arith.constant 6 : i32
        %add3A_1278 = arith.addi %add3A_1167, %add3A_1277 : i32
        %add3A_1279 = arith.constant 1 : i32
        %add3A_1280 = arith.addi %add3A_1278, %add3A_1279 : i32
        %get3A_1281 = arith.index_cast %add3A_1280 : i32 to index
        %get3A_1282 = arith.constant 0 : index
        %get3A_1283 = tpu.vector_load %arg10[%get3A_1281, %get3A_1282] {strides = array<i32>} : memref<1600x32xf32, #tpu.memory_space<vmem>>, vector<1x16xf32>,
        %get3A_1284 = vector.shape_cast %get3A_1283 : vector<1x16xf32> to vector<16xf32>
        %add3A_1285 = arith.addf %add3A_1253, %get3A_1284 : vector<16xf32>
        %add3A_1286 = arith.constant 6 : i32
        %add3A_1287 = arith.addi %add3A_1167, %add3A_1286 : i32
        %add3A_1288 = arith.constant 1 : i32
        %add3A_1289 = arith.addi %add3A_1287, %add3A_1288 : i32
        %get3A_1290 = arith.index_cast %add3A_1289 : i32 to index
        %get3A_1291 = arith.constant 16 : index
        %get3A_1292 = tpu.vector_load %arg10[%get3A_1290, %get3A_1291] {strides = array<i32>} : memref<1600x32xf32, #tpu.memory_space<vmem>>, vector<1x16xf32>,
        %get3A_1293 = vector.shape_cast %get3A_1292 : vector<1x16xf32> to vector<16xf32>
        %add3A_1294 = arith.addf %add3A_1262, %get3A_1293 : vector<16xf32>
        scf.yield %add3A_1269, %add3A_1276, %add3A_1285, %add3A_1294 : vector<16xf32>, vector<16xf32>, vector<16xf32>, vector<16xf32>
      }
      %scan3A_654 = arith.constant 25 : i32
      %add3A_655 = arith.addf %scan3A_653#0, %scan3A_653#2 : vector<16xf32>
      %mul3A_656 = arith.constant 8 : i32
      %mul3A_657 = arith.muli %add3A_199, %mul3A_656 : i32
      %add3A_658 = arith.constant 4 : i32
      %add3A_659 = arith.addi %mul3A_657, %add3A_658 : i32
      %swap3A_660 = arith.index_cast %add3A_659 : i32 to index
      %swap3A_661 = arith.constant 0 : index
      %swap3A_662 = tpu.vector_load %arg12[%swap3A_660, %swap3A_661] {strides = array<i32>} : memref<512x32xf32, #tpu.memory_space<vmem>>, vector<1x16xf32>,
      %swap3A_663 = vector.shape_cast %swap3A_662 : vector<1x16xf32> to vector<16xf32>
      %swap3A_664 = vector.shape_cast %add3A_655 : vector<16xf32> to vector<1x16xf32>
      tpu.vector_store %arg12[%swap3A_660, %swap3A_661], %swap3A_664 {strides = array<i32>} : memref<512x32xf32, #tpu.memory_space<vmem>>, vector<1x16xf32>,
      %add3A_665 = arith.addf %scan3A_653#1, %scan3A_653#3 : vector<16xf32>
      %mul3A_666 = arith.constant 8 : i32
      %mul3A_667 = arith.muli %add3A_199, %mul3A_666 : i32
      %add3A_668 = arith.constant 4 : i32
      %add3A_669 = arith.addi %mul3A_667, %add3A_668 : i32
      %swap3A_670 = arith.index_cast %add3A_669 : i32 to index
      %swap3A_671 = arith.constant 16 : index
      %swap3A_672 = tpu.vector_load %arg12[%swap3A_670, %swap3A_671] {strides = array<i32>} : memref<512x32xf32, #tpu.memory_space<vmem>>, vector<1x16xf32>,
      %swap3A_673 = vector.shape_cast %swap3A_672 : vector<1x16xf32> to vector<16xf32>
      %swap3A_674 = vector.shape_cast %add3A_665 : vector<16xf32> to vector<1x16xf32>
      tpu.vector_store %arg12[%swap3A_670, %swap3A_671], %swap3A_674 {strides = array<i32>} : memref<512x32xf32, #tpu.memory_space<vmem>>, vector<1x16xf32>,
      %broadcast_in_dim3A_675 = arith.constant 0.000000e+00 : f32
      %broadcast_in_dim3A_676 = vector.broadcast %broadcast_in_dim3A_675 : f32 to vector<16xf32>
      %scan3A_677 = arith.constant 0 : i32
      %scan3A_678 = arith.constant 25 : i32
      %scan3A_679 = arith.addi %scan3A_677, %scan3A_678 : i32
      %scan3A_680 = arith.constant 1 : i32
      %scan3A_681:4 = scf.for %scan3A_1159 = %scan3A_677 to %scan3A_679 step %scan3A_680 iter_args(%scan3A_1160 = %broadcast_in_dim3A_676, %scan3A_1161 = %broadcast_in_dim3A_676, %scan3A_1162 = %broadcast_in_dim3A_676, %scan3A_1163 = %broadcast_in_dim3A_676) -> (vector<16xf32>, vector<16xf32>, vector<16xf32>, vector<16xf32>)  : i32 {
        %mul3A_1164 = arith.constant 8 : i32
        %mul3A_1165 = arith.muli %scan3A_1159, %mul3A_1164 : i32
        %add3A_1166 = arith.constant 1000 : i32
        %add3A_1167 = arith.addi %add3A_1166, %mul3A_1165 : i32
        %add3A_1168 = arith.constant 0 : i32
        %add3A_1169 = arith.addi %add3A_1167, %add3A_1168 : i32
        %get3A = arith.index_cast %add3A_1169 : i32 to index
        %get3A_1170 = arith.constant 0 : index
        %get3A_1171 = tpu.vector_load %arg10[%get3A, %get3A_1170] {strides = array<i32>} : memref<1600x32xf32, #tpu.memory_space<vmem>>, vector<1x16xf32>,
        %get3A_1172 = vector.shape_cast %get3A_1171 : vector<1x16xf32> to vector<16xf32>
        %add3A_1173 = arith.addf %scan3A_1160, %get3A_1172 : vector<16xf32>
        %add3A_1174 = arith.constant 0 : i32
        %add3A_1175 = arith.addi %add3A_1167, %add3A_1174 : i32
        %get3A_1176 = arith.index_cast %add3A_1175 : i32 to index
        %get3A_1177 = arith.constant 16 : index
        %get3A_1178 = tpu.vector_load %arg10[%get3A_1176, %get3A_1177] {strides = array<i32>} : memref<1600x32xf32, #tpu.memory_space<vmem>>, vector<1x16xf32>,
        %get3A_1179 = vector.shape_cast %get3A_1178 : vector<1x16xf32> to vector<16xf32>
        %add3A_1180 = arith.addf %scan3A_1161, %get3A_1179 : vector<16xf32>
        %add3A_1181 = arith.constant 0 : i32
        %add3A_1182 = arith.addi %add3A_1167, %add3A_1181 : i32
        %add3A_1183 = arith.constant 1 : i32
        %add3A_1184 = arith.addi %add3A_1182, %add3A_1183 : i32
        %get3A_1185 = arith.index_cast %add3A_1184 : i32 to index
        %get3A_1186 = arith.constant 0 : index
        %get3A_1187 = tpu.vector_load %arg10[%get3A_1185, %get3A_1186] {strides = array<i32>} : memref<1600x32xf32, #tpu.memory_space<vmem>>, vector<1x16xf32>,
        %get3A_1188 = vector.shape_cast %get3A_1187 : vector<1x16xf32> to vector<16xf32>
        %add3A_1189 = arith.addf %scan3A_1162, %get3A_1188 : vector<16xf32>
        %add3A_1190 = arith.constant 0 : i32
        %add3A_1191 = arith.addi %add3A_1167, %add3A_1190 : i32
        %add3A_1192 = arith.constant 1 : i32
        %add3A_1193 = arith.addi %add3A_1191, %add3A_1192 : i32
        %get3A_1194 = arith.index_cast %add3A_1193 : i32 to index
        %get3A_1195 = arith.constant 16 : index
        %get3A_1196 = tpu.vector_load %arg10[%get3A_1194, %get3A_1195] {strides = array<i32>} : memref<1600x32xf32, #tpu.memory_space<vmem>>, vector<1x16xf32>,
        %get3A_1197 = vector.shape_cast %get3A_1196 : vector<1x16xf32> to vector<16xf32>
        %add3A_1198 = arith.addf %scan3A_1163, %get3A_1197 : vector<16xf32>
        %add3A_1199 = arith.constant 2 : i32
        %add3A_1200 = arith.addi %add3A_1167, %add3A_1199 : i32
        %get3A_1201 = arith.index_cast %add3A_1200 : i32 to index
        %get3A_1202 = arith.constant 0 : index
        %get3A_1203 = tpu.vector_load %arg10[%get3A_1201, %get3A_1202] {strides = array<i32>} : memref<1600x32xf32, #tpu.memory_space<vmem>>, vector<1x16xf32>,
        %get3A_1204 = vector.shape_cast %get3A_1203 : vector<1x16xf32> to vector<16xf32>
        %add3A_1205 = arith.addf %add3A_1173, %get3A_1204 : vector<16xf32>
        %add3A_1206 = arith.constant 2 : i32
        %add3A_1207 = arith.addi %add3A_1167, %add3A_1206 : i32
        %get3A_1208 = arith.index_cast %add3A_1207 : i32 to index
        %get3A_1209 = arith.constant 16 : index
        %get3A_1210 = tpu.vector_load %arg10[%get3A_1208, %get3A_1209] {strides = array<i32>} : memref<1600x32xf32, #tpu.memory_space<vmem>>, vector<1x16xf32>,
        %get3A_1211 = vector.shape_cast %get3A_1210 : vector<1x16xf32> to vector<16xf32>
        %add3A_1212 = arith.addf %add3A_1180, %get3A_1211 : vector<16xf32>
        %add3A_1213 = arith.constant 2 : i32
        %add3A_1214 = arith.addi %add3A_1167, %add3A_1213 : i32
        %add3A_1215 = arith.constant 1 : i32
        %add3A_1216 = arith.addi %add3A_1214, %add3A_1215 : i32
        %get3A_1217 = arith.index_cast %add3A_1216 : i32 to index
        %get3A_1218 = arith.constant 0 : index
        %get3A_1219 = tpu.vector_load %arg10[%get3A_1217, %get3A_1218] {strides = array<i32>} : memref<1600x32xf32, #tpu.memory_space<vmem>>, vector<1x16xf32>,
        %get3A_1220 = vector.shape_cast %get3A_1219 : vector<1x16xf32> to vector<16xf32>
        %add3A_1221 = arith.addf %add3A_1189, %get3A_1220 : vector<16xf32>
        %add3A_1222 = arith.constant 2 : i32
        %add3A_1223 = arith.addi %add3A_1167, %add3A_1222 : i32
        %add3A_1224 = arith.constant 1 : i32
        %add3A_1225 = arith.addi %add3A_1223, %add3A_1224 : i32
        %get3A_1226 = arith.index_cast %add3A_1225 : i32 to index
        %get3A_1227 = arith.constant 16 : index
        %get3A_1228 = tpu.vector_load %arg10[%get3A_1226, %get3A_1227] {strides = array<i32>} : memref<1600x32xf32, #tpu.memory_space<vmem>>, vector<1x16xf32>,
        %get3A_1229 = vector.shape_cast %get3A_1228 : vector<1x16xf32> to vector<16xf32>
        %add3A_1230 = arith.addf %add3A_1198, %get3A_1229 : vector<16xf32>
        %add3A_1231 = arith.constant 4 : i32
        %add3A_1232 = arith.addi %add3A_1167, %add3A_1231 : i32
        %get3A_1233 = arith.index_cast %add3A_1232 : i32 to index
        %get3A_1234 = arith.constant 0 : index
        %get3A_1235 = tpu.vector_load %arg10[%get3A_1233, %get3A_1234] {strides = array<i32>} : memref<1600x32xf32, #tpu.memory_space<vmem>>, vector<1x16xf32>,
        %get3A_1236 = vector.shape_cast %get3A_1235 : vector<1x16xf32> to vector<16xf32>
        %add3A_1237 = arith.addf %add3A_1205, %get3A_1236 : vector<16xf32>
        %add3A_1238 = arith.constant 4 : i32
        %add3A_1239 = arith.addi %add3A_1167, %add3A_1238 : i32
        %get3A_1240 = arith.index_cast %add3A_1239 : i32 to index
        %get3A_1241 = arith.constant 16 : index
        %get3A_1242 = tpu.vector_load %arg10[%get3A_1240, %get3A_1241] {strides = array<i32>} : memref<1600x32xf32, #tpu.memory_space<vmem>>, vector<1x16xf32>,
        %get3A_1243 = vector.shape_cast %get3A_1242 : vector<1x16xf32> to vector<16xf32>
        %add3A_1244 = arith.addf %add3A_1212, %get3A_1243 : vector<16xf32>
        %add3A_1245 = arith.constant 4 : i32
        %add3A_1246 = arith.addi %add3A_1167, %add3A_1245 : i32
        %add3A_1247 = arith.constant 1 : i32
        %add3A_1248 = arith.addi %add3A_1246, %add3A_1247 : i32
        %get3A_1249 = arith.index_cast %add3A_1248 : i32 to index
        %get3A_1250 = arith.constant 0 : index
        %get3A_1251 = tpu.vector_load %arg10[%get3A_1249, %get3A_1250] {strides = array<i32>} : memref<1600x32xf32, #tpu.memory_space<vmem>>, vector<1x16xf32>,
        %get3A_1252 = vector.shape_cast %get3A_1251 : vector<1x16xf32> to vector<16xf32>
        %add3A_1253 = arith.addf %add3A_1221, %get3A_1252 : vector<16xf32>
        %add3A_1254 = arith.constant 4 : i32
        %add3A_1255 = arith.addi %add3A_1167, %add3A_1254 : i32
        %add3A_1256 = arith.constant 1 : i32
        %add3A_1257 = arith.addi %add3A_1255, %add3A_1256 : i32
        %get3A_1258 = arith.index_cast %add3A_1257 : i32 to index
        %get3A_1259 = arith.constant 16 : index
        %get3A_1260 = tpu.vector_load %arg10[%get3A_1258, %get3A_1259] {strides = array<i32>} : memref<1600x32xf32, #tpu.memory_space<vmem>>, vector<1x16xf32>,
        %get3A_1261 = vector.shape_cast %get3A_1260 : vector<1x16xf32> to vector<16xf32>
        %add3A_1262 = arith.addf %add3A_1230, %get3A_1261 : vector<16xf32>
        %add3A_1263 = arith.constant 6 : i32
        %add3A_1264 = arith.addi %add3A_1167, %add3A_1263 : i32
        %get3A_1265 = arith.index_cast %add3A_1264 : i32 to index
        %get3A_1266 = arith.constant 0 : index
        %get3A_1267 = tpu.vector_load %arg10[%get3A_1265, %get3A_1266] {strides = array<i32>} : memref<1600x32xf32, #tpu.memory_space<vmem>>, vector<1x16xf32>,
        %get3A_1268 = vector.shape_cast %get3A_1267 : vector<1x16xf32> to vector<16xf32>
        %add3A_1269 = arith.addf %add3A_1237, %get3A_1268 : vector<16xf32>
        %add3A_1270 = arith.constant 6 : i32
        %add3A_1271 = arith.addi %add3A_1167, %add3A_1270 : i32
        %get3A_1272 = arith.index_cast %add3A_1271 : i32 to index
        %get3A_1273 = arith.constant 16 : index
        %get3A_1274 = tpu.vector_load %arg10[%get3A_1272, %get3A_1273] {strides = array<i32>} : memref<1600x32xf32, #tpu.memory_space<vmem>>, vector<1x16xf32>,
        %get3A_1275 = vector.shape_cast %get3A_1274 : vector<1x16xf32> to vector<16xf32>
        %add3A_1276 = arith.addf %add3A_1244, %get3A_1275 : vector<16xf32>
        %add3A_1277 = arith.constant 6 : i32
        %add3A_1278 = arith.addi %add3A_1167, %add3A_1277 : i32
        %add3A_1279 = arith.constant 1 : i32
        %add3A_1280 = arith.addi %add3A_1278, %add3A_1279 : i32
        %get3A_1281 = arith.index_cast %add3A_1280 : i32 to index
        %get3A_1282 = arith.constant 0 : index
        %get3A_1283 = tpu.vector_load %arg10[%get3A_1281, %get3A_1282] {strides = array<i32>} : memref<1600x32xf32, #tpu.memory_space<vmem>>, vector<1x16xf32>,
        %get3A_1284 = vector.shape_cast %get3A_1283 : vector<1x16xf32> to vector<16xf32>
        %add3A_1285 = arith.addf %add3A_1253, %get3A_1284 : vector<16xf32>
        %add3A_1286 = arith.constant 6 : i32
        %add3A_1287 = arith.addi %add3A_1167, %add3A_1286 : i32
        %add3A_1288 = arith.constant 1 : i32
        %add3A_1289 = arith.addi %add3A_1287, %add3A_1288 : i32
        %get3A_1290 = arith.index_cast %add3A_1289 : i32 to index
        %get3A_1291 = arith.constant 16 : index
        %get3A_1292 = tpu.vector_load %arg10[%get3A_1290, %get3A_1291] {strides = array<i32>} : memref<1600x32xf32, #tpu.memory_space<vmem>>, vector<1x16xf32>,
        %get3A_1293 = vector.shape_cast %get3A_1292 : vector<1x16xf32> to vector<16xf32>
        %add3A_1294 = arith.addf %add3A_1262, %get3A_1293 : vector<16xf32>
        scf.yield %add3A_1269, %add3A_1276, %add3A_1285, %add3A_1294 : vector<16xf32>, vector<16xf32>, vector<16xf32>, vector<16xf32>
      }
      %scan3A_682 = arith.constant 25 : i32
      %add3A_683 = arith.addf %scan3A_681#0, %scan3A_681#2 : vector<16xf32>
      %mul3A_684 = arith.constant 8 : i32
      %mul3A_685 = arith.muli %add3A_199, %mul3A_684 : i32
      %add3A_686 = arith.constant 5 : i32
      %add3A_687 = arith.addi %mul3A_685, %add3A_686 : i32
      %swap3A_688 = arith.index_cast %add3A_687 : i32 to index
      %swap3A_689 = arith.constant 0 : index
      %swap3A_690 = tpu.vector_load %arg12[%swap3A_688, %swap3A_689] {strides = array<i32>} : memref<512x32xf32, #tpu.memory_space<vmem>>, vector<1x16xf32>,
      %swap3A_691 = vector.shape_cast %swap3A_690 : vector<1x16xf32> to vector<16xf32>
      %swap3A_692 = vector.shape_cast %add3A_683 : vector<16xf32> to vector<1x16xf32>
      tpu.vector_store %arg12[%swap3A_688, %swap3A_689], %swap3A_692 {strides = array<i32>} : memref<512x32xf32, #tpu.memory_space<vmem>>, vector<1x16xf32>,
      %add3A_693 = arith.addf %scan3A_681#1, %scan3A_681#3 : vector<16xf32>
      %mul3A_694 = arith.constant 8 : i32
      %mul3A_695 = arith.muli %add3A_199, %mul3A_694 : i32
      %add3A_696 = arith.constant 5 : i32
      %add3A_697 = arith.addi %mul3A_695, %add3A_696 : i32
      %swap3A_698 = arith.index_cast %add3A_697 : i32 to index
      %swap3A_699 = arith.constant 16 : index
      %swap3A_700 = tpu.vector_load %arg12[%swap3A_698, %swap3A_699] {strides = array<i32>} : memref<512x32xf32, #tpu.memory_space<vmem>>, vector<1x16xf32>,
      %swap3A_701 = vector.shape_cast %swap3A_700 : vector<1x16xf32> to vector<16xf32>
      %swap3A_702 = vector.shape_cast %add3A_693 : vector<16xf32> to vector<1x16xf32>
      tpu.vector_store %arg12[%swap3A_698, %swap3A_699], %swap3A_702 {strides = array<i32>} : memref<512x32xf32, #tpu.memory_space<vmem>>, vector<1x16xf32>,
      %broadcast_in_dim3A_703 = arith.constant 0.000000e+00 : f32
      %broadcast_in_dim3A_704 = vector.broadcast %broadcast_in_dim3A_703 : f32 to vector<16xf32>
      %scan3A_705 = arith.constant 0 : i32
      %scan3A_706 = arith.constant 25 : i32
      %scan3A_707 = arith.addi %scan3A_705, %scan3A_706 : i32
      %scan3A_708 = arith.constant 1 : i32
      %scan3A_709:4 = scf.for %scan3A_1159 = %scan3A_705 to %scan3A_707 step %scan3A_708 iter_args(%scan3A_1160 = %broadcast_in_dim3A_704, %scan3A_1161 = %broadcast_in_dim3A_704, %scan3A_1162 = %broadcast_in_dim3A_704, %scan3A_1163 = %broadcast_in_dim3A_704) -> (vector<16xf32>, vector<16xf32>, vector<16xf32>, vector<16xf32>)  : i32 {
        %mul3A_1164 = arith.constant 8 : i32
        %mul3A_1165 = arith.muli %scan3A_1159, %mul3A_1164 : i32
        %add3A_1166 = arith.constant 1200 : i32
        %add3A_1167 = arith.addi %add3A_1166, %mul3A_1165 : i32
        %add3A_1168 = arith.constant 0 : i32
        %add3A_1169 = arith.addi %add3A_1167, %add3A_1168 : i32
        %get3A = arith.index_cast %add3A_1169 : i32 to index
        %get3A_1170 = arith.constant 0 : index
        %get3A_1171 = tpu.vector_load %arg10[%get3A, %get3A_1170] {strides = array<i32>} : memref<1600x32xf32, #tpu.memory_space<vmem>>, vector<1x16xf32>,
        %get3A_1172 = vector.shape_cast %get3A_1171 : vector<1x16xf32> to vector<16xf32>
        %add3A_1173 = arith.addf %scan3A_1160, %get3A_1172 : vector<16xf32>
        %add3A_1174 = arith.constant 0 : i32
        %add3A_1175 = arith.addi %add3A_1167, %add3A_1174 : i32
        %get3A_1176 = arith.index_cast %add3A_1175 : i32 to index
        %get3A_1177 = arith.constant 16 : index
        %get3A_1178 = tpu.vector_load %arg10[%get3A_1176, %get3A_1177] {strides = array<i32>} : memref<1600x32xf32, #tpu.memory_space<vmem>>, vector<1x16xf32>,
        %get3A_1179 = vector.shape_cast %get3A_1178 : vector<1x16xf32> to vector<16xf32>
        %add3A_1180 = arith.addf %scan3A_1161, %get3A_1179 : vector<16xf32>
        %add3A_1181 = arith.constant 0 : i32
        %add3A_1182 = arith.addi %add3A_1167, %add3A_1181 : i32
        %add3A_1183 = arith.constant 1 : i32
        %add3A_1184 = arith.addi %add3A_1182, %add3A_1183 : i32
        %get3A_1185 = arith.index_cast %add3A_1184 : i32 to index
        %get3A_1186 = arith.constant 0 : index
        %get3A_1187 = tpu.vector_load %arg10[%get3A_1185, %get3A_1186] {strides = array<i32>} : memref<1600x32xf32, #tpu.memory_space<vmem>>, vector<1x16xf32>,
        %get3A_1188 = vector.shape_cast %get3A_1187 : vector<1x16xf32> to vector<16xf32>
        %add3A_1189 = arith.addf %scan3A_1162, %get3A_1188 : vector<16xf32>
        %add3A_1190 = arith.constant 0 : i32
        %add3A_1191 = arith.addi %add3A_1167, %add3A_1190 : i32
        %add3A_1192 = arith.constant 1 : i32
        %add3A_1193 = arith.addi %add3A_1191, %add3A_1192 : i32
        %get3A_1194 = arith.index_cast %add3A_1193 : i32 to index
        %get3A_1195 = arith.constant 16 : index
        %get3A_1196 = tpu.vector_load %arg10[%get3A_1194, %get3A_1195] {strides = array<i32>} : memref<1600x32xf32, #tpu.memory_space<vmem>>, vector<1x16xf32>,
        %get3A_1197 = vector.shape_cast %get3A_1196 : vector<1x16xf32> to vector<16xf32>
        %add3A_1198 = arith.addf %scan3A_1163, %get3A_1197 : vector<16xf32>
        %add3A_1199 = arith.constant 2 : i32
        %add3A_1200 = arith.addi %add3A_1167, %add3A_1199 : i32
        %get3A_1201 = arith.index_cast %add3A_1200 : i32 to index
        %get3A_1202 = arith.constant 0 : index
        %get3A_1203 = tpu.vector_load %arg10[%get3A_1201, %get3A_1202] {strides = array<i32>} : memref<1600x32xf32, #tpu.memory_space<vmem>>, vector<1x16xf32>,
        %get3A_1204 = vector.shape_cast %get3A_1203 : vector<1x16xf32> to vector<16xf32>
        %add3A_1205 = arith.addf %add3A_1173, %get3A_1204 : vector<16xf32>
        %add3A_1206 = arith.constant 2 : i32
        %add3A_1207 = arith.addi %add3A_1167, %add3A_1206 : i32
        %get3A_1208 = arith.index_cast %add3A_1207 : i32 to index
        %get3A_1209 = arith.constant 16 : index
        %get3A_1210 = tpu.vector_load %arg10[%get3A_1208, %get3A_1209] {strides = array<i32>} : memref<1600x32xf32, #tpu.memory_space<vmem>>, vector<1x16xf32>,
        %get3A_1211 = vector.shape_cast %get3A_1210 : vector<1x16xf32> to vector<16xf32>
        %add3A_1212 = arith.addf %add3A_1180, %get3A_1211 : vector<16xf32>
        %add3A_1213 = arith.constant 2 : i32
        %add3A_1214 = arith.addi %add3A_1167, %add3A_1213 : i32
        %add3A_1215 = arith.constant 1 : i32
        %add3A_1216 = arith.addi %add3A_1214, %add3A_1215 : i32
        %get3A_1217 = arith.index_cast %add3A_1216 : i32 to index
        %get3A_1218 = arith.constant 0 : index
        %get3A_1219 = tpu.vector_load %arg10[%get3A_1217, %get3A_1218] {strides = array<i32>} : memref<1600x32xf32, #tpu.memory_space<vmem>>, vector<1x16xf32>,
        %get3A_1220 = vector.shape_cast %get3A_1219 : vector<1x16xf32> to vector<16xf32>
        %add3A_1221 = arith.addf %add3A_1189, %get3A_1220 : vector<16xf32>
        %add3A_1222 = arith.constant 2 : i32
        %add3A_1223 = arith.addi %add3A_1167, %add3A_1222 : i32
        %add3A_1224 = arith.constant 1 : i32
        %add3A_1225 = arith.addi %add3A_1223, %add3A_1224 : i32
        %get3A_1226 = arith.index_cast %add3A_1225 : i32 to index
        %get3A_1227 = arith.constant 16 : index
        %get3A_1228 = tpu.vector_load %arg10[%get3A_1226, %get3A_1227] {strides = array<i32>} : memref<1600x32xf32, #tpu.memory_space<vmem>>, vector<1x16xf32>,
        %get3A_1229 = vector.shape_cast %get3A_1228 : vector<1x16xf32> to vector<16xf32>
        %add3A_1230 = arith.addf %add3A_1198, %get3A_1229 : vector<16xf32>
        %add3A_1231 = arith.constant 4 : i32
        %add3A_1232 = arith.addi %add3A_1167, %add3A_1231 : i32
        %get3A_1233 = arith.index_cast %add3A_1232 : i32 to index
        %get3A_1234 = arith.constant 0 : index
        %get3A_1235 = tpu.vector_load %arg10[%get3A_1233, %get3A_1234] {strides = array<i32>} : memref<1600x32xf32, #tpu.memory_space<vmem>>, vector<1x16xf32>,
        %get3A_1236 = vector.shape_cast %get3A_1235 : vector<1x16xf32> to vector<16xf32>
        %add3A_1237 = arith.addf %add3A_1205, %get3A_1236 : vector<16xf32>
        %add3A_1238 = arith.constant 4 : i32
        %add3A_1239 = arith.addi %add3A_1167, %add3A_1238 : i32
        %get3A_1240 = arith.index_cast %add3A_1239 : i32 to index
        %get3A_1241 = arith.constant 16 : index
        %get3A_1242 = tpu.vector_load %arg10[%get3A_1240, %get3A_1241] {strides = array<i32>} : memref<1600x32xf32, #tpu.memory_space<vmem>>, vector<1x16xf32>,
        %get3A_1243 = vector.shape_cast %get3A_1242 : vector<1x16xf32> to vector<16xf32>
        %add3A_1244 = arith.addf %add3A_1212, %get3A_1243 : vector<16xf32>
        %add3A_1245 = arith.constant 4 : i32
        %add3A_1246 = arith.addi %add3A_1167, %add3A_1245 : i32
        %add3A_1247 = arith.constant 1 : i32
        %add3A_1248 = arith.addi %add3A_1246, %add3A_1247 : i32
        %get3A_1249 = arith.index_cast %add3A_1248 : i32 to index
        %get3A_1250 = arith.constant 0 : index
        %get3A_1251 = tpu.vector_load %arg10[%get3A_1249, %get3A_1250] {strides = array<i32>} : memref<1600x32xf32, #tpu.memory_space<vmem>>, vector<1x16xf32>,
        %get3A_1252 = vector.shape_cast %get3A_1251 : vector<1x16xf32> to vector<16xf32>
        %add3A_1253 = arith.addf %add3A_1221, %get3A_1252 : vector<16xf32>
        %add3A_1254 = arith.constant 4 : i32
        %add3A_1255 = arith.addi %add3A_1167, %add3A_1254 : i32
        %add3A_1256 = arith.constant 1 : i32
        %add3A_1257 = arith.addi %add3A_1255, %add3A_1256 : i32
        %get3A_1258 = arith.index_cast %add3A_1257 : i32 to index
        %get3A_1259 = arith.constant 16 : index
        %get3A_1260 = tpu.vector_load %arg10[%get3A_1258, %get3A_1259] {strides = array<i32>} : memref<1600x32xf32, #tpu.memory_space<vmem>>, vector<1x16xf32>,
        %get3A_1261 = vector.shape_cast %get3A_1260 : vector<1x16xf32> to vector<16xf32>
        %add3A_1262 = arith.addf %add3A_1230, %get3A_1261 : vector<16xf32>
        %add3A_1263 = arith.constant 6 : i32
        %add3A_1264 = arith.addi %add3A_1167, %add3A_1263 : i32
        %get3A_1265 = arith.index_cast %add3A_1264 : i32 to index
        %get3A_1266 = arith.constant 0 : index
        %get3A_1267 = tpu.vector_load %arg10[%get3A_1265, %get3A_1266] {strides = array<i32>} : memref<1600x32xf32, #tpu.memory_space<vmem>>, vector<1x16xf32>,
        %get3A_1268 = vector.shape_cast %get3A_1267 : vector<1x16xf32> to vector<16xf32>
        %add3A_1269 = arith.addf %add3A_1237, %get3A_1268 : vector<16xf32>
        %add3A_1270 = arith.constant 6 : i32
        %add3A_1271 = arith.addi %add3A_1167, %add3A_1270 : i32
        %get3A_1272 = arith.index_cast %add3A_1271 : i32 to index
        %get3A_1273 = arith.constant 16 : index
        %get3A_1274 = tpu.vector_load %arg10[%get3A_1272, %get3A_1273] {strides = array<i32>} : memref<1600x32xf32, #tpu.memory_space<vmem>>, vector<1x16xf32>,
        %get3A_1275 = vector.shape_cast %get3A_1274 : vector<1x16xf32> to vector<16xf32>
        %add3A_1276 = arith.addf %add3A_1244, %get3A_1275 : vector<16xf32>
        %add3A_1277 = arith.constant 6 : i32
        %add3A_1278 = arith.addi %add3A_1167, %add3A_1277 : i32
        %add3A_1279 = arith.constant 1 : i32
        %add3A_1280 = arith.addi %add3A_1278, %add3A_1279 : i32
        %get3A_1281 = arith.index_cast %add3A_1280 : i32 to index
        %get3A_1282 = arith.constant 0 : index
        %get3A_1283 = tpu.vector_load %arg10[%get3A_1281, %get3A_1282] {strides = array<i32>} : memref<1600x32xf32, #tpu.memory_space<vmem>>, vector<1x16xf32>,
        %get3A_1284 = vector.shape_cast %get3A_1283 : vector<1x16xf32> to vector<16xf32>
        %add3A_1285 = arith.addf %add3A_1253, %get3A_1284 : vector<16xf32>
        %add3A_1286 = arith.constant 6 : i32
        %add3A_1287 = arith.addi %add3A_1167, %add3A_1286 : i32
        %add3A_1288 = arith.constant 1 : i32
        %add3A_1289 = arith.addi %add3A_1287, %add3A_1288 : i32
        %get3A_1290 = arith.index_cast %add3A_1289 : i32 to index
        %get3A_1291 = arith.constant 16 : index
        %get3A_1292 = tpu.vector_load %arg10[%get3A_1290, %get3A_1291] {strides = array<i32>} : memref<1600x32xf32, #tpu.memory_space<vmem>>, vector<1x16xf32>,
        %get3A_1293 = vector.shape_cast %get3A_1292 : vector<1x16xf32> to vector<16xf32>
        %add3A_1294 = arith.addf %add3A_1262, %get3A_1293 : vector<16xf32>
        scf.yield %add3A_1269, %add3A_1276, %add3A_1285, %add3A_1294 : vector<16xf32>, vector<16xf32>, vector<16xf32>, vector<16xf32>
      }
      %scan3A_710 = arith.constant 25 : i32
      %add3A_711 = arith.addf %scan3A_709#0, %scan3A_709#2 : vector<16xf32>
      %mul3A_712 = arith.constant 8 : i32
      %mul3A_713 = arith.muli %add3A_199, %mul3A_712 : i32
      %add3A_714 = arith.constant 6 : i32
      %add3A_715 = arith.addi %mul3A_713, %add3A_714 : i32
      %swap3A_716 = arith.index_cast %add3A_715 : i32 to index
      %swap3A_717 = arith.constant 0 : index
      %swap3A_718 = tpu.vector_load %arg12[%swap3A_716, %swap3A_717] {strides = array<i32>} : memref<512x32xf32, #tpu.memory_space<vmem>>, vector<1x16xf32>,
      %swap3A_719 = vector.shape_cast %swap3A_718 : vector<1x16xf32> to vector<16xf32>
      %swap3A_720 = vector.shape_cast %add3A_711 : vector<16xf32> to vector<1x16xf32>
      tpu.vector_store %arg12[%swap3A_716, %swap3A_717], %swap3A_720 {strides = array<i32>} : memref<512x32xf32, #tpu.memory_space<vmem>>, vector<1x16xf32>,
      %add3A_721 = arith.addf %scan3A_709#1, %scan3A_709#3 : vector<16xf32>
      %mul3A_722 = arith.constant 8 : i32
      %mul3A_723 = arith.muli %add3A_199, %mul3A_722 : i32
      %add3A_724 = arith.constant 6 : i32
      %add3A_725 = arith.addi %mul3A_723, %add3A_724 : i32
      %swap3A_726 = arith.index_cast %add3A_725 : i32 to index
      %swap3A_727 = arith.constant 16 : index
      %swap3A_728 = tpu.vector_load %arg12[%swap3A_726, %swap3A_727] {strides = array<i32>} : memref<512x32xf32, #tpu.memory_space<vmem>>, vector<1x16xf32>,
      %swap3A_729 = vector.shape_cast %swap3A_728 : vector<1x16xf32> to vector<16xf32>
      %swap3A_730 = vector.shape_cast %add3A_721 : vector<16xf32> to vector<1x16xf32>
      tpu.vector_store %arg12[%swap3A_726, %swap3A_727], %swap3A_730 {strides = array<i32>} : memref<512x32xf32, #tpu.memory_space<vmem>>, vector<1x16xf32>,
      %broadcast_in_dim3A_731 = arith.constant 0.000000e+00 : f32
      %broadcast_in_dim3A_732 = vector.broadcast %broadcast_in_dim3A_731 : f32 to vector<16xf32>
      %scan3A_733 = arith.constant 0 : i32
      %scan3A_734 = arith.constant 25 : i32
      %scan3A_735 = arith.addi %scan3A_733, %scan3A_734 : i32
      %scan3A_736 = arith.constant 1 : i32
      %scan3A_737:4 = scf.for %scan3A_1159 = %scan3A_733 to %scan3A_735 step %scan3A_736 iter_args(%scan3A_1160 = %broadcast_in_dim3A_732, %scan3A_1161 = %broadcast_in_dim3A_732, %scan3A_1162 = %broadcast_in_dim3A_732, %scan3A_1163 = %broadcast_in_dim3A_732) -> (vector<16xf32>, vector<16xf32>, vector<16xf32>, vector<16xf32>)  : i32 {
        %mul3A_1164 = arith.constant 8 : i32
        %mul3A_1165 = arith.muli %scan3A_1159, %mul3A_1164 : i32
        %add3A_1166 = arith.constant 1400 : i32
        %add3A_1167 = arith.addi %add3A_1166, %mul3A_1165 : i32
        %add3A_1168 = arith.constant 0 : i32
        %add3A_1169 = arith.addi %add3A_1167, %add3A_1168 : i32
        %get3A = arith.index_cast %add3A_1169 : i32 to index
        %get3A_1170 = arith.constant 0 : index
        %get3A_1171 = tpu.vector_load %arg10[%get3A, %get3A_1170] {strides = array<i32>} : memref<1600x32xf32, #tpu.memory_space<vmem>>, vector<1x16xf32>,
        %get3A_1172 = vector.shape_cast %get3A_1171 : vector<1x16xf32> to vector<16xf32>
        %add3A_1173 = arith.addf %scan3A_1160, %get3A_1172 : vector<16xf32>
        %add3A_1174 = arith.constant 0 : i32
        %add3A_1175 = arith.addi %add3A_1167, %add3A_1174 : i32
        %get3A_1176 = arith.index_cast %add3A_1175 : i32 to index
        %get3A_1177 = arith.constant 16 : index
        %get3A_1178 = tpu.vector_load %arg10[%get3A_1176, %get3A_1177] {strides = array<i32>} : memref<1600x32xf32, #tpu.memory_space<vmem>>, vector<1x16xf32>,
        %get3A_1179 = vector.shape_cast %get3A_1178 : vector<1x16xf32> to vector<16xf32>
        %add3A_1180 = arith.addf %scan3A_1161, %get3A_1179 : vector<16xf32>
        %add3A_1181 = arith.constant 0 : i32
        %add3A_1182 = arith.addi %add3A_1167, %add3A_1181 : i32
        %add3A_1183 = arith.constant 1 : i32
        %add3A_1184 = arith.addi %add3A_1182, %add3A_1183 : i32
        %get3A_1185 = arith.index_cast %add3A_1184 : i32 to index
        %get3A_1186 = arith.constant 0 : index
        %get3A_1187 = tpu.vector_load %arg10[%get3A_1185, %get3A_1186] {strides = array<i32>} : memref<1600x32xf32, #tpu.memory_space<vmem>>, vector<1x16xf32>,
        %get3A_1188 = vector.shape_cast %get3A_1187 : vector<1x16xf32> to vector<16xf32>
        %add3A_1189 = arith.addf %scan3A_1162, %get3A_1188 : vector<16xf32>
        %add3A_1190 = arith.constant 0 : i32
        %add3A_1191 = arith.addi %add3A_1167, %add3A_1190 : i32
        %add3A_1192 = arith.constant 1 : i32
        %add3A_1193 = arith.addi %add3A_1191, %add3A_1192 : i32
        %get3A_1194 = arith.index_cast %add3A_1193 : i32 to index
        %get3A_1195 = arith.constant 16 : index
        %get3A_1196 = tpu.vector_load %arg10[%get3A_1194, %get3A_1195] {strides = array<i32>} : memref<1600x32xf32, #tpu.memory_space<vmem>>, vector<1x16xf32>,
        %get3A_1197 = vector.shape_cast %get3A_1196 : vector<1x16xf32> to vector<16xf32>
        %add3A_1198 = arith.addf %scan3A_1163, %get3A_1197 : vector<16xf32>
        %add3A_1199 = arith.constant 2 : i32
        %add3A_1200 = arith.addi %add3A_1167, %add3A_1199 : i32
        %get3A_1201 = arith.index_cast %add3A_1200 : i32 to index
        %get3A_1202 = arith.constant 0 : index
        %get3A_1203 = tpu.vector_load %arg10[%get3A_1201, %get3A_1202] {strides = array<i32>} : memref<1600x32xf32, #tpu.memory_space<vmem>>, vector<1x16xf32>,
        %get3A_1204 = vector.shape_cast %get3A_1203 : vector<1x16xf32> to vector<16xf32>
        %add3A_1205 = arith.addf %add3A_1173, %get3A_1204 : vector<16xf32>
        %add3A_1206 = arith.constant 2 : i32
        %add3A_1207 = arith.addi %add3A_1167, %add3A_1206 : i32
        %get3A_1208 = arith.index_cast %add3A_1207 : i32 to index
        %get3A_1209 = arith.constant 16 : index
        %get3A_1210 = tpu.vector_load %arg10[%get3A_1208, %get3A_1209] {strides = array<i32>} : memref<1600x32xf32, #tpu.memory_space<vmem>>, vector<1x16xf32>,
        %get3A_1211 = vector.shape_cast %get3A_1210 : vector<1x16xf32> to vector<16xf32>
        %add3A_1212 = arith.addf %add3A_1180, %get3A_1211 : vector<16xf32>
        %add3A_1213 = arith.constant 2 : i32
        %add3A_1214 = arith.addi %add3A_1167, %add3A_1213 : i32
        %add3A_1215 = arith.constant 1 : i32
        %add3A_1216 = arith.addi %add3A_1214, %add3A_1215 : i32
        %get3A_1217 = arith.index_cast %add3A_1216 : i32 to index
        %get3A_1218 = arith.constant 0 : index
        %get3A_1219 = tpu.vector_load %arg10[%get3A_1217, %get3A_1218] {strides = array<i32>} : memref<1600x32xf32, #tpu.memory_space<vmem>>, vector<1x16xf32>,
        %get3A_1220 = vector.shape_cast %get3A_1219 : vector<1x16xf32> to vector<16xf32>
        %add3A_1221 = arith.addf %add3A_1189, %get3A_1220 : vector<16xf32>
        %add3A_1222 = arith.constant 2 : i32
        %add3A_1223 = arith.addi %add3A_1167, %add3A_1222 : i32
        %add3A_1224 = arith.constant 1 : i32
        %add3A_1225 = arith.addi %add3A_1223, %add3A_1224 : i32
        %get3A_1226 = arith.index_cast %add3A_1225 : i32 to index
        %get3A_1227 = arith.constant 16 : index
        %get3A_1228 = tpu.vector_load %arg10[%get3A_1226, %get3A_1227] {strides = array<i32>} : memref<1600x32xf32, #tpu.memory_space<vmem>>, vector<1x16xf32>,
        %get3A_1229 = vector.shape_cast %get3A_1228 : vector<1x16xf32> to vector<16xf32>
        %add3A_1230 = arith.addf %add3A_1198, %get3A_1229 : vector<16xf32>
        %add3A_1231 = arith.constant 4 : i32
        %add3A_1232 = arith.addi %add3A_1167, %add3A_1231 : i32
        %get3A_1233 = arith.index_cast %add3A_1232 : i32 to index
        %get3A_1234 = arith.constant 0 : index
        %get3A_1235 = tpu.vector_load %arg10[%get3A_1233, %get3A_1234] {strides = array<i32>} : memref<1600x32xf32, #tpu.memory_space<vmem>>, vector<1x16xf32>,
        %get3A_1236 = vector.shape_cast %get3A_1235 : vector<1x16xf32> to vector<16xf32>
        %add3A_1237 = arith.addf %add3A_1205, %get3A_1236 : vector<16xf32>
        %add3A_1238 = arith.constant 4 : i32
        %add3A_1239 = arith.addi %add3A_1167, %add3A_1238 : i32
        %get3A_1240 = arith.index_cast %add3A_1239 : i32 to index
        %get3A_1241 = arith.constant 16 : index
        %get3A_1242 = tpu.vector_load %arg10[%get3A_1240, %get3A_1241] {strides = array<i32>} : memref<1600x32xf32, #tpu.memory_space<vmem>>, vector<1x16xf32>,
        %get3A_1243 = vector.shape_cast %get3A_1242 : vector<1x16xf32> to vector<16xf32>
        %add3A_1244 = arith.addf %add3A_1212, %get3A_1243 : vector<16xf32>
        %add3A_1245 = arith.constant 4 : i32
        %add3A_1246 = arith.addi %add3A_1167, %add3A_1245 : i32
        %add3A_1247 = arith.constant 1 : i32
        %add3A_1248 = arith.addi %add3A_1246, %add3A_1247 : i32
        %get3A_1249 = arith.index_cast %add3A_1248 : i32 to index
        %get3A_1250 = arith.constant 0 : index
        %get3A_1251 = tpu.vector_load %arg10[%get3A_1249, %get3A_1250] {strides = array<i32>} : memref<1600x32xf32, #tpu.memory_space<vmem>>, vector<1x16xf32>,
        %get3A_1252 = vector.shape_cast %get3A_1251 : vector<1x16xf32> to vector<16xf32>
        %add3A_1253 = arith.addf %add3A_1221, %get3A_1252 : vector<16xf32>
        %add3A_1254 = arith.constant 4 : i32
        %add3A_1255 = arith.addi %add3A_1167, %add3A_1254 : i32
        %add3A_1256 = arith.constant 1 : i32
        %add3A_1257 = arith.addi %add3A_1255, %add3A_1256 : i32
        %get3A_1258 = arith.index_cast %add3A_1257 : i32 to index
        %get3A_1259 = arith.constant 16 : index
        %get3A_1260 = tpu.vector_load %arg10[%get3A_1258, %get3A_1259] {strides = array<i32>} : memref<1600x32xf32, #tpu.memory_space<vmem>>, vector<1x16xf32>,
        %get3A_1261 = vector.shape_cast %get3A_1260 : vector<1x16xf32> to vector<16xf32>
        %add3A_1262 = arith.addf %add3A_1230, %get3A_1261 : vector<16xf32>
        %add3A_1263 = arith.constant 6 : i32
        %add3A_1264 = arith.addi %add3A_1167, %add3A_1263 : i32
        %get3A_1265 = arith.index_cast %add3A_1264 : i32 to index
        %get3A_1266 = arith.constant 0 : index
        %get3A_1267 = tpu.vector_load %arg10[%get3A_1265, %get3A_1266] {strides = array<i32>} : memref<1600x32xf32, #tpu.memory_space<vmem>>, vector<1x16xf32>,
        %get3A_1268 = vector.shape_cast %get3A_1267 : vector<1x16xf32> to vector<16xf32>
        %add3A_1269 = arith.addf %add3A_1237, %get3A_1268 : vector<16xf32>
        %add3A_1270 = arith.constant 6 : i32
        %add3A_1271 = arith.addi %add3A_1167, %add3A_1270 : i32
        %get3A_1272 = arith.index_cast %add3A_1271 : i32 to index
        %get3A_1273 = arith.constant 16 : index
        %get3A_1274 = tpu.vector_load %arg10[%get3A_1272, %get3A_1273] {strides = array<i32>} : memref<1600x32xf32, #tpu.memory_space<vmem>>, vector<1x16xf32>,
        %get3A_1275 = vector.shape_cast %get3A_1274 : vector<1x16xf32> to vector<16xf32>
        %add3A_1276 = arith.addf %add3A_1244, %get3A_1275 : vector<16xf32>
        %add3A_1277 = arith.constant 6 : i32
        %add3A_1278 = arith.addi %add3A_1167, %add3A_1277 : i32
        %add3A_1279 = arith.constant 1 : i32
        %add3A_1280 = arith.addi %add3A_1278, %add3A_1279 : i32
        %get3A_1281 = arith.index_cast %add3A_1280 : i32 to index
        %get3A_1282 = arith.constant 0 : index
        %get3A_1283 = tpu.vector_load %arg10[%get3A_1281, %get3A_1282] {strides = array<i32>} : memref<1600x32xf32, #tpu.memory_space<vmem>>, vector<1x16xf32>,
        %get3A_1284 = vector.shape_cast %get3A_1283 : vector<1x16xf32> to vector<16xf32>
        %add3A_1285 = arith.addf %add3A_1253, %get3A_1284 : vector<16xf32>
        %add3A_1286 = arith.constant 6 : i32
        %add3A_1287 = arith.addi %add3A_1167, %add3A_1286 : i32
        %add3A_1288 = arith.constant 1 : i32
        %add3A_1289 = arith.addi %add3A_1287, %add3A_1288 : i32
        %get3A_1290 = arith.index_cast %add3A_1289 : i32 to index
        %get3A_1291 = arith.constant 16 : index
        %get3A_1292 = tpu.vector_load %arg10[%get3A_1290, %get3A_1291] {strides = array<i32>} : memref<1600x32xf32, #tpu.memory_space<vmem>>, vector<1x16xf32>,
        %get3A_1293 = vector.shape_cast %get3A_1292 : vector<1x16xf32> to vector<16xf32>
        %add3A_1294 = arith.addf %add3A_1262, %get3A_1293 : vector<16xf32>
        scf.yield %add3A_1269, %add3A_1276, %add3A_1285, %add3A_1294 : vector<16xf32>, vector<16xf32>, vector<16xf32>, vector<16xf32>
      }
      %scan3A_738 = arith.constant 25 : i32
      %add3A_739 = arith.addf %scan3A_737#0, %scan3A_737#2 : vector<16xf32>
      %mul3A_740 = arith.constant 8 : i32
      %mul3A_741 = arith.muli %add3A_199, %mul3A_740 : i32
      %add3A_742 = arith.constant 7 : i32
      %add3A_743 = arith.addi %mul3A_741, %add3A_742 : i32
      %swap3A_744 = arith.index_cast %add3A_743 : i32 to index
      %swap3A_745 = arith.constant 0 : index
      %swap3A_746 = tpu.vector_load %arg12[%swap3A_744, %swap3A_745] {strides = array<i32>} : memref<512x32xf32, #tpu.memory_space<vmem>>, vector<1x16xf32>,
      %swap3A_747 = vector.shape_cast %swap3A_746 : vector<1x16xf32> to vector<16xf32>
      %swap3A_748 = vector.shape_cast %add3A_739 : vector<16xf32> to vector<1x16xf32>
      tpu.vector_store %arg12[%swap3A_744, %swap3A_745], %swap3A_748 {strides = array<i32>} : memref<512x32xf32, #tpu.memory_space<vmem>>, vector<1x16xf32>,
      %add3A_749 = arith.addf %scan3A_737#1, %scan3A_737#3 : vector<16xf32>
      %mul3A_750 = arith.constant 8 : i32
      %mul3A_751 = arith.muli %add3A_199, %mul3A_750 : i32
      %add3A_752 = arith.constant 7 : i32
      %add3A_753 = arith.addi %mul3A_751, %add3A_752 : i32
      %swap3A_754 = arith.index_cast %add3A_753 : i32 to index
      %swap3A_755 = arith.constant 16 : index
      %swap3A_756 = tpu.vector_load %arg12[%swap3A_754, %swap3A_755] {strides = array<i32>} : memref<512x32xf32, #tpu.memory_space<vmem>>, vector<1x16xf32>,
      %swap3A_757 = vector.shape_cast %swap3A_756 : vector<1x16xf32> to vector<16xf32>
      %swap3A_758 = vector.shape_cast %add3A_749 : vector<16xf32> to vector<1x16xf32>
      tpu.vector_store %arg12[%swap3A_754, %swap3A_755], %swap3A_758 {strides = array<i32>} : memref<512x32xf32, #tpu.memory_space<vmem>>, vector<1x16xf32>,
      %add3A_759 = arith.constant 2 : i32
      %add3A_760 = arith.addi %add3A_199, %add3A_759 : i32
      %lt3A_761 = arith.constant 64 : i32
      %lt3A_762 = arith.cmpi slt, %add3A_760, %lt3A_761 : i32
      %convert_element_type3A_763 = arith.extui %lt3A_762 : i1 to i32
      %cond3A_764 = arith.constant 0 : i32
      %cond3A_765 = arith.cmpi ne, %convert_element_type3A_763, %cond3A_764 : i32
      scf.if %cond3A_765 {
        %add3A_1159 = arith.constant 2 : i32
        %add3A_1160 = arith.addi %add3A_199, %add3A_1159 : i32
        %mul3A_1161 = arith.constant 8 : i32
        %mul3A_1162 = arith.muli %add3A_1160, %mul3A_1161 : i32
        %add3A_1163 = arith.addi %mul3A_2, %mul3A_1162 : i32
        %dma_wait3A_1164 = arith.constant 0 : i32
        %dma_wait3A_1165 = tpu.memref_slice %arg2[%add3A_1163, %dma_wait3A_1164] : memref<16384x128xi32, #tpu.memory_space<hbm>> -> memref<8x128xi32, #tpu.memory_space<hbm>>
        %dma_wait3A_1166 = arith.constant 0 : i32
        %dma_wait3A_1167 = tpu.memref_slice %arg2[%add3A_1163, %dma_wait3A_1166] : memref<16384x128xi32, #tpu.memory_space<hbm>> -> memref<8x128xi32, #tpu.memory_space<hbm>>
        tpu.wait_dma2 semaphore(%arg13 : memref<!tpu.dma_semaphore, #tpu.memory_space<semaphore_mem>>) src(%dma_wait3A_1167 : memref<8x128xi32, #tpu.memory_space<hbm>>) dst(%arg6 : memref<8x128xi32, #tpu.memory_space<vmem>>)
        %dma_wait3A_1168 = arith.constant 0 : i32
        %dma_wait3A_1169 = tpu.memref_slice %arg3[%add3A_1163, %dma_wait3A_1168] : memref<16384x72xi32, #tpu.memory_space<hbm>> -> memref<8x72xi32, #tpu.memory_space<hbm>>
        %dma_wait3A_1170 = arith.constant 0 : i32
        %dma_wait3A_1171 = tpu.memref_slice %arg3[%add3A_1163, %dma_wait3A_1170] : memref<16384x72xi32, #tpu.memory_space<hbm>> -> memref<8x72xi32, #tpu.memory_space<hbm>>
        tpu.wait_dma2 semaphore(%arg13 : memref<!tpu.dma_semaphore, #tpu.memory_space<semaphore_mem>>) src(%dma_wait3A_1171 : memref<8x72xi32, #tpu.memory_space<hbm>>) dst(%arg8 : memref<8x72xi32, #tpu.memory_space<vmem>>)
        %dma_start3A_1172 = arith.constant 0 : i32
        %dma_start3A_1173 = arith.constant 0 : i32
        %dma_start3A_1174 = arith.constant 0 : i32
        %dma_start3A_1175 = tpu.memref_slice %arg10[%dma_start3A_1173, %dma_start3A_1174] : memref<1600x32xf32, #tpu.memory_space<vmem>> -> memref<128x32xf32, #tpu.memory_space<vmem>>
        %dma_start3A_1176 = arith.constant 0 : i32
        %dma_start3A_1177 = tpu.memref_slice %arg6[%dma_start3A_1172, %dma_start3A_1176] : memref<8x128xi32, #tpu.memory_space<vmem>> -> memref<1x128xi32, #tpu.memory_space<vmem>>
        %dma_start3A_1178 = tpu.memref_squeeze %dma_start3A_1177 : memref<1x128xi32, #tpu.memory_space<vmem>> -> memref<128xi32, #tpu.memory_space<vmem>>
        %dma_start3A_1179 = arith.constant 0 : i32
        %dma_start3A_1180 = arith.constant 0 : i32
        %dma_start3A_1181 = tpu.memref_slice %arg4[%dma_start3A_1179, %dma_start3A_1180] : memref<1003520x32xf32, #tpu.memory_space<hbm>> -> memref<1003520x32xf32, #tpu.memory_space<hbm>>
        tpu.enqueue_indirect_dma source(%dma_start3A_1181 : memref<1003520x32xf32, #tpu.memory_space<hbm>>) target(%dma_start3A_1175 : memref<128x32xf32, #tpu.memory_space<vmem>>) offsets(%dma_start3A_1178 : memref<128xi32, #tpu.memory_space<vmem>>) semaphore(%arg15 : memref<!tpu.dma_semaphore, #tpu.memory_space<semaphore_mem>>)
        %dma_start3A_1182 = arith.constant 0 : i32
        %dma_start3A_1183 = arith.constant 128 : i32
        %dma_start3A_1184 = arith.constant 0 : i32
        %dma_start3A_1185 = tpu.memref_slice %arg10[%dma_start3A_1183, %dma_start3A_1184] : memref<1600x32xf32, #tpu.memory_space<vmem>> -> memref<72x32xf32, #tpu.memory_space<vmem>>
        %dma_start3A_1186 = arith.constant 0 : i32
        %dma_start3A_1187 = tpu.memref_slice %arg8[%dma_start3A_1182, %dma_start3A_1186] : memref<8x72xi32, #tpu.memory_space<vmem>> -> memref<1x72xi32, #tpu.memory_space<vmem>>
        %dma_start3A_1188 = tpu.memref_squeeze %dma_start3A_1187 : memref<1x72xi32, #tpu.memory_space<vmem>> -> memref<72xi32, #tpu.memory_space<vmem>>
        %dma_start3A_1189 = arith.constant 0 : i32
        %dma_start3A_1190 = arith.constant 0 : i32
        %dma_start3A_1191 = tpu.memref_slice %arg4[%dma_start3A_1189, %dma_start3A_1190] : memref<1003520x32xf32, #tpu.memory_space<hbm>> -> memref<1003520x32xf32, #tpu.memory_space<hbm>>
        tpu.enqueue_indirect_dma source(%dma_start3A_1191 : memref<1003520x32xf32, #tpu.memory_space<hbm>>) target(%dma_start3A_1185 : memref<72x32xf32, #tpu.memory_space<vmem>>) offsets(%dma_start3A_1188 : memref<72xi32, #tpu.memory_space<vmem>>) semaphore(%arg15 : memref<!tpu.dma_semaphore, #tpu.memory_space<semaphore_mem>>)
        %dma_start3A_1192 = arith.constant 1 : i32
        %dma_start3A_1193 = arith.constant 200 : i32
        %dma_start3A_1194 = arith.constant 0 : i32
        %dma_start3A_1195 = tpu.memref_slice %arg10[%dma_start3A_1193, %dma_start3A_1194] : memref<1600x32xf32, #tpu.memory_space<vmem>> -> memref<128x32xf32, #tpu.memory_space<vmem>>
        %dma_start3A_1196 = arith.constant 0 : i32
        %dma_start3A_1197 = tpu.memref_slice %arg6[%dma_start3A_1192, %dma_start3A_1196] : memref<8x128xi32, #tpu.memory_space<vmem>> -> memref<1x128xi32, #tpu.memory_space<vmem>>
        %dma_start3A_1198 = tpu.memref_squeeze %dma_start3A_1197 : memref<1x128xi32, #tpu.memory_space<vmem>> -> memref<128xi32, #tpu.memory_space<vmem>>
        %dma_start3A_1199 = arith.constant 0 : i32
        %dma_start3A_1200 = arith.constant 0 : i32
        %dma_start3A_1201 = tpu.memref_slice %arg4[%dma_start3A_1199, %dma_start3A_1200] : memref<1003520x32xf32, #tpu.memory_space<hbm>> -> memref<1003520x32xf32, #tpu.memory_space<hbm>>
        tpu.enqueue_indirect_dma source(%dma_start3A_1201 : memref<1003520x32xf32, #tpu.memory_space<hbm>>) target(%dma_start3A_1195 : memref<128x32xf32, #tpu.memory_space<vmem>>) offsets(%dma_start3A_1198 : memref<128xi32, #tpu.memory_space<vmem>>) semaphore(%arg15 : memref<!tpu.dma_semaphore, #tpu.memory_space<semaphore_mem>>)
        %dma_start3A_1202 = arith.constant 1 : i32
        %dma_start3A_1203 = arith.constant 328 : i32
        %dma_start3A_1204 = arith.constant 0 : i32
        %dma_start3A_1205 = tpu.memref_slice %arg10[%dma_start3A_1203, %dma_start3A_1204] : memref<1600x32xf32, #tpu.memory_space<vmem>> -> memref<72x32xf32, #tpu.memory_space<vmem>>
        %dma_start3A_1206 = arith.constant 0 : i32
        %dma_start3A_1207 = tpu.memref_slice %arg8[%dma_start3A_1202, %dma_start3A_1206] : memref<8x72xi32, #tpu.memory_space<vmem>> -> memref<1x72xi32, #tpu.memory_space<vmem>>
        %dma_start3A_1208 = tpu.memref_squeeze %dma_start3A_1207 : memref<1x72xi32, #tpu.memory_space<vmem>> -> memref<72xi32, #tpu.memory_space<vmem>>
        %dma_start3A_1209 = arith.constant 0 : i32
        %dma_start3A_1210 = arith.constant 0 : i32
        %dma_start3A_1211 = tpu.memref_slice %arg4[%dma_start3A_1209, %dma_start3A_1210] : memref<1003520x32xf32, #tpu.memory_space<hbm>> -> memref<1003520x32xf32, #tpu.memory_space<hbm>>
        tpu.enqueue_indirect_dma source(%dma_start3A_1211 : memref<1003520x32xf32, #tpu.memory_space<hbm>>) target(%dma_start3A_1205 : memref<72x32xf32, #tpu.memory_space<vmem>>) offsets(%dma_start3A_1208 : memref<72xi32, #tpu.memory_space<vmem>>) semaphore(%arg15 : memref<!tpu.dma_semaphore, #tpu.memory_space<semaphore_mem>>)
        %dma_start3A_1212 = arith.constant 2 : i32
        %dma_start3A_1213 = arith.constant 400 : i32
        %dma_start3A_1214 = arith.constant 0 : i32
        %dma_start3A_1215 = tpu.memref_slice %arg10[%dma_start3A_1213, %dma_start3A_1214] : memref<1600x32xf32, #tpu.memory_space<vmem>> -> memref<128x32xf32, #tpu.memory_space<vmem>>
        %dma_start3A_1216 = arith.constant 0 : i32
        %dma_start3A_1217 = tpu.memref_slice %arg6[%dma_start3A_1212, %dma_start3A_1216] : memref<8x128xi32, #tpu.memory_space<vmem>> -> memref<1x128xi32, #tpu.memory_space<vmem>>
        %dma_start3A_1218 = tpu.memref_squeeze %dma_start3A_1217 : memref<1x128xi32, #tpu.memory_space<vmem>> -> memref<128xi32, #tpu.memory_space<vmem>>
        %dma_start3A_1219 = arith.constant 0 : i32
        %dma_start3A_1220 = arith.constant 0 : i32
        %dma_start3A_1221 = tpu.memref_slice %arg4[%dma_start3A_1219, %dma_start3A_1220] : memref<1003520x32xf32, #tpu.memory_space<hbm>> -> memref<1003520x32xf32, #tpu.memory_space<hbm>>
        tpu.enqueue_indirect_dma source(%dma_start3A_1221 : memref<1003520x32xf32, #tpu.memory_space<hbm>>) target(%dma_start3A_1215 : memref<128x32xf32, #tpu.memory_space<vmem>>) offsets(%dma_start3A_1218 : memref<128xi32, #tpu.memory_space<vmem>>) semaphore(%arg15 : memref<!tpu.dma_semaphore, #tpu.memory_space<semaphore_mem>>)
        %dma_start3A_1222 = arith.constant 2 : i32
        %dma_start3A_1223 = arith.constant 528 : i32
        %dma_start3A_1224 = arith.constant 0 : i32
        %dma_start3A_1225 = tpu.memref_slice %arg10[%dma_start3A_1223, %dma_start3A_1224] : memref<1600x32xf32, #tpu.memory_space<vmem>> -> memref<72x32xf32, #tpu.memory_space<vmem>>
        %dma_start3A_1226 = arith.constant 0 : i32
        %dma_start3A_1227 = tpu.memref_slice %arg8[%dma_start3A_1222, %dma_start3A_1226] : memref<8x72xi32, #tpu.memory_space<vmem>> -> memref<1x72xi32, #tpu.memory_space<vmem>>
        %dma_start3A_1228 = tpu.memref_squeeze %dma_start3A_1227 : memref<1x72xi32, #tpu.memory_space<vmem>> -> memref<72xi32, #tpu.memory_space<vmem>>
        %dma_start3A_1229 = arith.constant 0 : i32
        %dma_start3A_1230 = arith.constant 0 : i32
        %dma_start3A_1231 = tpu.memref_slice %arg4[%dma_start3A_1229, %dma_start3A_1230] : memref<1003520x32xf32, #tpu.memory_space<hbm>> -> memref<1003520x32xf32, #tpu.memory_space<hbm>>
        tpu.enqueue_indirect_dma source(%dma_start3A_1231 : memref<1003520x32xf32, #tpu.memory_space<hbm>>) target(%dma_start3A_1225 : memref<72x32xf32, #tpu.memory_space<vmem>>) offsets(%dma_start3A_1228 : memref<72xi32, #tpu.memory_space<vmem>>) semaphore(%arg15 : memref<!tpu.dma_semaphore, #tpu.memory_space<semaphore_mem>>)
        %dma_start3A_1232 = arith.constant 3 : i32
        %dma_start3A_1233 = arith.constant 600 : i32
        %dma_start3A_1234 = arith.constant 0 : i32
        %dma_start3A_1235 = tpu.memref_slice %arg10[%dma_start3A_1233, %dma_start3A_1234] : memref<1600x32xf32, #tpu.memory_space<vmem>> -> memref<128x32xf32, #tpu.memory_space<vmem>>
        %dma_start3A_1236 = arith.constant 0 : i32
        %dma_start3A_1237 = tpu.memref_slice %arg6[%dma_start3A_1232, %dma_start3A_1236] : memref<8x128xi32, #tpu.memory_space<vmem>> -> memref<1x128xi32, #tpu.memory_space<vmem>>
        %dma_start3A_1238 = tpu.memref_squeeze %dma_start3A_1237 : memref<1x128xi32, #tpu.memory_space<vmem>> -> memref<128xi32, #tpu.memory_space<vmem>>
        %dma_start3A_1239 = arith.constant 0 : i32
        %dma_start3A_1240 = arith.constant 0 : i32
        %dma_start3A_1241 = tpu.memref_slice %arg4[%dma_start3A_1239, %dma_start3A_1240] : memref<1003520x32xf32, #tpu.memory_space<hbm>> -> memref<1003520x32xf32, #tpu.memory_space<hbm>>
        tpu.enqueue_indirect_dma source(%dma_start3A_1241 : memref<1003520x32xf32, #tpu.memory_space<hbm>>) target(%dma_start3A_1235 : memref<128x32xf32, #tpu.memory_space<vmem>>) offsets(%dma_start3A_1238 : memref<128xi32, #tpu.memory_space<vmem>>) semaphore(%arg15 : memref<!tpu.dma_semaphore, #tpu.memory_space<semaphore_mem>>)
        %dma_start3A_1242 = arith.constant 3 : i32
        %dma_start3A_1243 = arith.constant 728 : i32
        %dma_start3A_1244 = arith.constant 0 : i32
        %dma_start3A_1245 = tpu.memref_slice %arg10[%dma_start3A_1243, %dma_start3A_1244] : memref<1600x32xf32, #tpu.memory_space<vmem>> -> memref<72x32xf32, #tpu.memory_space<vmem>>
        %dma_start3A_1246 = arith.constant 0 : i32
        %dma_start3A_1247 = tpu.memref_slice %arg8[%dma_start3A_1242, %dma_start3A_1246] : memref<8x72xi32, #tpu.memory_space<vmem>> -> memref<1x72xi32, #tpu.memory_space<vmem>>
        %dma_start3A_1248 = tpu.memref_squeeze %dma_start3A_1247 : memref<1x72xi32, #tpu.memory_space<vmem>> -> memref<72xi32, #tpu.memory_space<vmem>>
        %dma_start3A_1249 = arith.constant 0 : i32
        %dma_start3A_1250 = arith.constant 0 : i32
        %dma_start3A_1251 = tpu.memref_slice %arg4[%dma_start3A_1249, %dma_start3A_1250] : memref<1003520x32xf32, #tpu.memory_space<hbm>> -> memref<1003520x32xf32, #tpu.memory_space<hbm>>
        tpu.enqueue_indirect_dma source(%dma_start3A_1251 : memref<1003520x32xf32, #tpu.memory_space<hbm>>) target(%dma_start3A_1245 : memref<72x32xf32, #tpu.memory_space<vmem>>) offsets(%dma_start3A_1248 : memref<72xi32, #tpu.memory_space<vmem>>) semaphore(%arg15 : memref<!tpu.dma_semaphore, #tpu.memory_space<semaphore_mem>>)
        %dma_start3A_1252 = arith.constant 4 : i32
        %dma_start3A_1253 = arith.constant 800 : i32
        %dma_start3A_1254 = arith.constant 0 : i32
        %dma_start3A_1255 = tpu.memref_slice %arg10[%dma_start3A_1253, %dma_start3A_1254] : memref<1600x32xf32, #tpu.memory_space<vmem>> -> memref<128x32xf32, #tpu.memory_space<vmem>>
        %dma_start3A_1256 = arith.constant 0 : i32
        %dma_start3A_1257 = tpu.memref_slice %arg6[%dma_start3A_1252, %dma_start3A_1256] : memref<8x128xi32, #tpu.memory_space<vmem>> -> memref<1x128xi32, #tpu.memory_space<vmem>>
        %dma_start3A_1258 = tpu.memref_squeeze %dma_start3A_1257 : memref<1x128xi32, #tpu.memory_space<vmem>> -> memref<128xi32, #tpu.memory_space<vmem>>
        %dma_start3A_1259 = arith.constant 0 : i32
        %dma_start3A_1260 = arith.constant 0 : i32
        %dma_start3A_1261 = tpu.memref_slice %arg4[%dma_start3A_1259, %dma_start3A_1260] : memref<1003520x32xf32, #tpu.memory_space<hbm>> -> memref<1003520x32xf32, #tpu.memory_space<hbm>>
        tpu.enqueue_indirect_dma source(%dma_start3A_1261 : memref<1003520x32xf32, #tpu.memory_space<hbm>>) target(%dma_start3A_1255 : memref<128x32xf32, #tpu.memory_space<vmem>>) offsets(%dma_start3A_1258 : memref<128xi32, #tpu.memory_space<vmem>>) semaphore(%arg15 : memref<!tpu.dma_semaphore, #tpu.memory_space<semaphore_mem>>)
        %dma_start3A_1262 = arith.constant 4 : i32
        %dma_start3A_1263 = arith.constant 928 : i32
        %dma_start3A_1264 = arith.constant 0 : i32
        %dma_start3A_1265 = tpu.memref_slice %arg10[%dma_start3A_1263, %dma_start3A_1264] : memref<1600x32xf32, #tpu.memory_space<vmem>> -> memref<72x32xf32, #tpu.memory_space<vmem>>
        %dma_start3A_1266 = arith.constant 0 : i32
        %dma_start3A_1267 = tpu.memref_slice %arg8[%dma_start3A_1262, %dma_start3A_1266] : memref<8x72xi32, #tpu.memory_space<vmem>> -> memref<1x72xi32, #tpu.memory_space<vmem>>
        %dma_start3A_1268 = tpu.memref_squeeze %dma_start3A_1267 : memref<1x72xi32, #tpu.memory_space<vmem>> -> memref<72xi32, #tpu.memory_space<vmem>>
        %dma_start3A_1269 = arith.constant 0 : i32
        %dma_start3A_1270 = arith.constant 0 : i32
        %dma_start3A_1271 = tpu.memref_slice %arg4[%dma_start3A_1269, %dma_start3A_1270] : memref<1003520x32xf32, #tpu.memory_space<hbm>> -> memref<1003520x32xf32, #tpu.memory_space<hbm>>
        tpu.enqueue_indirect_dma source(%dma_start3A_1271 : memref<1003520x32xf32, #tpu.memory_space<hbm>>) target(%dma_start3A_1265 : memref<72x32xf32, #tpu.memory_space<vmem>>) offsets(%dma_start3A_1268 : memref<72xi32, #tpu.memory_space<vmem>>) semaphore(%arg15 : memref<!tpu.dma_semaphore, #tpu.memory_space<semaphore_mem>>)
        %dma_start3A_1272 = arith.constant 5 : i32
        %dma_start3A_1273 = arith.constant 1000 : i32
        %dma_start3A_1274 = arith.constant 0 : i32
        %dma_start3A_1275 = tpu.memref_slice %arg10[%dma_start3A_1273, %dma_start3A_1274] : memref<1600x32xf32, #tpu.memory_space<vmem>> -> memref<128x32xf32, #tpu.memory_space<vmem>>
        %dma_start3A_1276 = arith.constant 0 : i32
        %dma_start3A_1277 = tpu.memref_slice %arg6[%dma_start3A_1272, %dma_start3A_1276] : memref<8x128xi32, #tpu.memory_space<vmem>> -> memref<1x128xi32, #tpu.memory_space<vmem>>
        %dma_start3A_1278 = tpu.memref_squeeze %dma_start3A_1277 : memref<1x128xi32, #tpu.memory_space<vmem>> -> memref<128xi32, #tpu.memory_space<vmem>>
        %dma_start3A_1279 = arith.constant 0 : i32
        %dma_start3A_1280 = arith.constant 0 : i32
        %dma_start3A_1281 = tpu.memref_slice %arg4[%dma_start3A_1279, %dma_start3A_1280] : memref<1003520x32xf32, #tpu.memory_space<hbm>> -> memref<1003520x32xf32, #tpu.memory_space<hbm>>
        tpu.enqueue_indirect_dma source(%dma_start3A_1281 : memref<1003520x32xf32, #tpu.memory_space<hbm>>) target(%dma_start3A_1275 : memref<128x32xf32, #tpu.memory_space<vmem>>) offsets(%dma_start3A_1278 : memref<128xi32, #tpu.memory_space<vmem>>) semaphore(%arg15 : memref<!tpu.dma_semaphore, #tpu.memory_space<semaphore_mem>>)
        %dma_start3A_1282 = arith.constant 5 : i32
        %dma_start3A_1283 = arith.constant 1128 : i32
        %dma_start3A_1284 = arith.constant 0 : i32
        %dma_start3A_1285 = tpu.memref_slice %arg10[%dma_start3A_1283, %dma_start3A_1284] : memref<1600x32xf32, #tpu.memory_space<vmem>> -> memref<72x32xf32, #tpu.memory_space<vmem>>
        %dma_start3A_1286 = arith.constant 0 : i32
        %dma_start3A_1287 = tpu.memref_slice %arg8[%dma_start3A_1282, %dma_start3A_1286] : memref<8x72xi32, #tpu.memory_space<vmem>> -> memref<1x72xi32, #tpu.memory_space<vmem>>
        %dma_start3A_1288 = tpu.memref_squeeze %dma_start3A_1287 : memref<1x72xi32, #tpu.memory_space<vmem>> -> memref<72xi32, #tpu.memory_space<vmem>>
        %dma_start3A_1289 = arith.constant 0 : i32
        %dma_start3A_1290 = arith.constant 0 : i32
        %dma_start3A_1291 = tpu.memref_slice %arg4[%dma_start3A_1289, %dma_start3A_1290] : memref<1003520x32xf32, #tpu.memory_space<hbm>> -> memref<1003520x32xf32, #tpu.memory_space<hbm>>
        tpu.enqueue_indirect_dma source(%dma_start3A_1291 : memref<1003520x32xf32, #tpu.memory_space<hbm>>) target(%dma_start3A_1285 : memref<72x32xf32, #tpu.memory_space<vmem>>) offsets(%dma_start3A_1288 : memref<72xi32, #tpu.memory_space<vmem>>) semaphore(%arg15 : memref<!tpu.dma_semaphore, #tpu.memory_space<semaphore_mem>>)
        %dma_start3A_1292 = arith.constant 6 : i32
        %dma_start3A_1293 = arith.constant 1200 : i32
        %dma_start3A_1294 = arith.constant 0 : i32
        %dma_start3A_1295 = tpu.memref_slice %arg10[%dma_start3A_1293, %dma_start3A_1294] : memref<1600x32xf32, #tpu.memory_space<vmem>> -> memref<128x32xf32, #tpu.memory_space<vmem>>
        %dma_start3A_1296 = arith.constant 0 : i32
        %dma_start3A_1297 = tpu.memref_slice %arg6[%dma_start3A_1292, %dma_start3A_1296] : memref<8x128xi32, #tpu.memory_space<vmem>> -> memref<1x128xi32, #tpu.memory_space<vmem>>
        %dma_start3A_1298 = tpu.memref_squeeze %dma_start3A_1297 : memref<1x128xi32, #tpu.memory_space<vmem>> -> memref<128xi32, #tpu.memory_space<vmem>>
        %dma_start3A_1299 = arith.constant 0 : i32
        %dma_start3A_1300 = arith.constant 0 : i32
        %dma_start3A_1301 = tpu.memref_slice %arg4[%dma_start3A_1299, %dma_start3A_1300] : memref<1003520x32xf32, #tpu.memory_space<hbm>> -> memref<1003520x32xf32, #tpu.memory_space<hbm>>
        tpu.enqueue_indirect_dma source(%dma_start3A_1301 : memref<1003520x32xf32, #tpu.memory_space<hbm>>) target(%dma_start3A_1295 : memref<128x32xf32, #tpu.memory_space<vmem>>) offsets(%dma_start3A_1298 : memref<128xi32, #tpu.memory_space<vmem>>) semaphore(%arg15 : memref<!tpu.dma_semaphore, #tpu.memory_space<semaphore_mem>>)
        %dma_start3A_1302 = arith.constant 6 : i32
        %dma_start3A_1303 = arith.constant 1328 : i32
        %dma_start3A_1304 = arith.constant 0 : i32
        %dma_start3A_1305 = tpu.memref_slice %arg10[%dma_start3A_1303, %dma_start3A_1304] : memref<1600x32xf32, #tpu.memory_space<vmem>> -> memref<72x32xf32, #tpu.memory_space<vmem>>
        %dma_start3A_1306 = arith.constant 0 : i32
        %dma_start3A_1307 = tpu.memref_slice %arg8[%dma_start3A_1302, %dma_start3A_1306] : memref<8x72xi32, #tpu.memory_space<vmem>> -> memref<1x72xi32, #tpu.memory_space<vmem>>
        %dma_start3A_1308 = tpu.memref_squeeze %dma_start3A_1307 : memref<1x72xi32, #tpu.memory_space<vmem>> -> memref<72xi32, #tpu.memory_space<vmem>>
        %dma_start3A_1309 = arith.constant 0 : i32
        %dma_start3A_1310 = arith.constant 0 : i32
        %dma_start3A_1311 = tpu.memref_slice %arg4[%dma_start3A_1309, %dma_start3A_1310] : memref<1003520x32xf32, #tpu.memory_space<hbm>> -> memref<1003520x32xf32, #tpu.memory_space<hbm>>
        tpu.enqueue_indirect_dma source(%dma_start3A_1311 : memref<1003520x32xf32, #tpu.memory_space<hbm>>) target(%dma_start3A_1305 : memref<72x32xf32, #tpu.memory_space<vmem>>) offsets(%dma_start3A_1308 : memref<72xi32, #tpu.memory_space<vmem>>) semaphore(%arg15 : memref<!tpu.dma_semaphore, #tpu.memory_space<semaphore_mem>>)
        %dma_start3A_1312 = arith.constant 7 : i32
        %dma_start3A_1313 = arith.constant 1400 : i32
        %dma_start3A_1314 = arith.constant 0 : i32
        %dma_start3A_1315 = tpu.memref_slice %arg10[%dma_start3A_1313, %dma_start3A_1314] : memref<1600x32xf32, #tpu.memory_space<vmem>> -> memref<128x32xf32, #tpu.memory_space<vmem>>
        %dma_start3A_1316 = arith.constant 0 : i32
        %dma_start3A_1317 = tpu.memref_slice %arg6[%dma_start3A_1312, %dma_start3A_1316] : memref<8x128xi32, #tpu.memory_space<vmem>> -> memref<1x128xi32, #tpu.memory_space<vmem>>
        %dma_start3A_1318 = tpu.memref_squeeze %dma_start3A_1317 : memref<1x128xi32, #tpu.memory_space<vmem>> -> memref<128xi32, #tpu.memory_space<vmem>>
        %dma_start3A_1319 = arith.constant 0 : i32
        %dma_start3A_1320 = arith.constant 0 : i32
        %dma_start3A_1321 = tpu.memref_slice %arg4[%dma_start3A_1319, %dma_start3A_1320] : memref<1003520x32xf32, #tpu.memory_space<hbm>> -> memref<1003520x32xf32, #tpu.memory_space<hbm>>
        tpu.enqueue_indirect_dma source(%dma_start3A_1321 : memref<1003520x32xf32, #tpu.memory_space<hbm>>) target(%dma_start3A_1315 : memref<128x32xf32, #tpu.memory_space<vmem>>) offsets(%dma_start3A_1318 : memref<128xi32, #tpu.memory_space<vmem>>) semaphore(%arg15 : memref<!tpu.dma_semaphore, #tpu.memory_space<semaphore_mem>>)
        %dma_start3A_1322 = arith.constant 7 : i32
        %dma_start3A_1323 = arith.constant 1528 : i32
        %dma_start3A_1324 = arith.constant 0 : i32
        %dma_start3A_1325 = tpu.memref_slice %arg10[%dma_start3A_1323, %dma_start3A_1324] : memref<1600x32xf32, #tpu.memory_space<vmem>> -> memref<72x32xf32, #tpu.memory_space<vmem>>
        %dma_start3A_1326 = arith.constant 0 : i32
        %dma_start3A_1327 = tpu.memref_slice %arg8[%dma_start3A_1322, %dma_start3A_1326] : memref<8x72xi32, #tpu.memory_space<vmem>> -> memref<1x72xi32, #tpu.memory_space<vmem>>
        %dma_start3A_1328 = tpu.memref_squeeze %dma_start3A_1327 : memref<1x72xi32, #tpu.memory_space<vmem>> -> memref<72xi32, #tpu.memory_space<vmem>>
        %dma_start3A_1329 = arith.constant 0 : i32
        %dma_start3A_1330 = arith.constant 0 : i32
        %dma_start3A_1331 = tpu.memref_slice %arg4[%dma_start3A_1329, %dma_start3A_1330] : memref<1003520x32xf32, #tpu.memory_space<hbm>> -> memref<1003520x32xf32, #tpu.memory_space<hbm>>
        tpu.enqueue_indirect_dma source(%dma_start3A_1331 : memref<1003520x32xf32, #tpu.memory_space<hbm>>) target(%dma_start3A_1325 : memref<72x32xf32, #tpu.memory_space<vmem>>) offsets(%dma_start3A_1328 : memref<72xi32, #tpu.memory_space<vmem>>) semaphore(%arg15 : memref<!tpu.dma_semaphore, #tpu.memory_space<semaphore_mem>>)
      } else {
      }
      %dma_wait3A_766 = arith.constant 0 : i32
      %dma_wait3A_767 = arith.constant 0 : i32
      %dma_wait3A_768 = arith.constant 0 : i32
      %dma_wait3A_769 = tpu.memref_slice %arg11[%dma_wait3A_767, %dma_wait3A_768] : memref<1600x32xf32, #tpu.memory_space<vmem>> -> memref<128x32xf32, #tpu.memory_space<vmem>>
      %dma_wait3A_770 = arith.constant 0 : i32
      %dma_wait3A_771 = tpu.memref_slice %arg7[%dma_wait3A_766, %dma_wait3A_770] : memref<8x128xi32, #tpu.memory_space<vmem>> -> memref<1x128xi32, #tpu.memory_space<vmem>>
      %dma_wait3A_772 = tpu.memref_squeeze %dma_wait3A_771 : memref<1x128xi32, #tpu.memory_space<vmem>> -> memref<128xi32, #tpu.memory_space<vmem>>
      %dma_wait3A_773 = arith.constant 0 : i32
      %dma_wait3A_774 = arith.constant 0 : i32
      %dma_wait3A_775 = tpu.memref_slice %arg4[%dma_wait3A_773, %dma_wait3A_774] : memref<1003520x32xf32, #tpu.memory_space<hbm>> -> memref<1003520x32xf32, #tpu.memory_space<hbm>>
      tpu.wait_indirect_dma semaphore(%arg16 : memref<!tpu.dma_semaphore, #tpu.memory_space<semaphore_mem>>) src(%dma_wait3A_775 : memref<1003520x32xf32, #tpu.memory_space<hbm>>) dst(%dma_wait3A_769 : memref<128x32xf32, #tpu.memory_space<vmem>>)
      %dma_wait3A_776 = arith.constant 0 : i32
      %dma_wait3A_777 = arith.constant 128 : i32
      %dma_wait3A_778 = arith.constant 0 : i32
      %dma_wait3A_779 = tpu.memref_slice %arg11[%dma_wait3A_777, %dma_wait3A_778] : memref<1600x32xf32, #tpu.memory_space<vmem>> -> memref<72x32xf32, #tpu.memory_space<vmem>>
      %dma_wait3A_780 = arith.constant 0 : i32
      %dma_wait3A_781 = tpu.memref_slice %arg9[%dma_wait3A_776, %dma_wait3A_780] : memref<8x72xi32, #tpu.memory_space<vmem>> -> memref<1x72xi32, #tpu.memory_space<vmem>>
      %dma_wait3A_782 = tpu.memref_squeeze %dma_wait3A_781 : memref<1x72xi32, #tpu.memory_space<vmem>> -> memref<72xi32, #tpu.memory_space<vmem>>
      %dma_wait3A_783 = arith.constant 0 : i32
      %dma_wait3A_784 = arith.constant 0 : i32
      %dma_wait3A_785 = tpu.memref_slice %arg4[%dma_wait3A_783, %dma_wait3A_784] : memref<1003520x32xf32, #tpu.memory_space<hbm>> -> memref<1003520x32xf32, #tpu.memory_space<hbm>>
      tpu.wait_indirect_dma semaphore(%arg16 : memref<!tpu.dma_semaphore, #tpu.memory_space<semaphore_mem>>) src(%dma_wait3A_785 : memref<1003520x32xf32, #tpu.memory_space<hbm>>) dst(%dma_wait3A_779 : memref<72x32xf32, #tpu.memory_space<vmem>>)
      %dma_wait3A_786 = arith.constant 1 : i32
      %dma_wait3A_787 = arith.constant 200 : i32
      %dma_wait3A_788 = arith.constant 0 : i32
      %dma_wait3A_789 = tpu.memref_slice %arg11[%dma_wait3A_787, %dma_wait3A_788] : memref<1600x32xf32, #tpu.memory_space<vmem>> -> memref<128x32xf32, #tpu.memory_space<vmem>>
      %dma_wait3A_790 = arith.constant 0 : i32
      %dma_wait3A_791 = tpu.memref_slice %arg7[%dma_wait3A_786, %dma_wait3A_790] : memref<8x128xi32, #tpu.memory_space<vmem>> -> memref<1x128xi32, #tpu.memory_space<vmem>>
      %dma_wait3A_792 = tpu.memref_squeeze %dma_wait3A_791 : memref<1x128xi32, #tpu.memory_space<vmem>> -> memref<128xi32, #tpu.memory_space<vmem>>
      %dma_wait3A_793 = arith.constant 0 : i32
      %dma_wait3A_794 = arith.constant 0 : i32
      %dma_wait3A_795 = tpu.memref_slice %arg4[%dma_wait3A_793, %dma_wait3A_794] : memref<1003520x32xf32, #tpu.memory_space<hbm>> -> memref<1003520x32xf32, #tpu.memory_space<hbm>>
      tpu.wait_indirect_dma semaphore(%arg16 : memref<!tpu.dma_semaphore, #tpu.memory_space<semaphore_mem>>) src(%dma_wait3A_795 : memref<1003520x32xf32, #tpu.memory_space<hbm>>) dst(%dma_wait3A_789 : memref<128x32xf32, #tpu.memory_space<vmem>>)
      %dma_wait3A_796 = arith.constant 1 : i32
      %dma_wait3A_797 = arith.constant 328 : i32
      %dma_wait3A_798 = arith.constant 0 : i32
      %dma_wait3A_799 = tpu.memref_slice %arg11[%dma_wait3A_797, %dma_wait3A_798] : memref<1600x32xf32, #tpu.memory_space<vmem>> -> memref<72x32xf32, #tpu.memory_space<vmem>>
      %dma_wait3A_800 = arith.constant 0 : i32
      %dma_wait3A_801 = tpu.memref_slice %arg9[%dma_wait3A_796, %dma_wait3A_800] : memref<8x72xi32, #tpu.memory_space<vmem>> -> memref<1x72xi32, #tpu.memory_space<vmem>>
      %dma_wait3A_802 = tpu.memref_squeeze %dma_wait3A_801 : memref<1x72xi32, #tpu.memory_space<vmem>> -> memref<72xi32, #tpu.memory_space<vmem>>
      %dma_wait3A_803 = arith.constant 0 : i32
      %dma_wait3A_804 = arith.constant 0 : i32
      %dma_wait3A_805 = tpu.memref_slice %arg4[%dma_wait3A_803, %dma_wait3A_804] : memref<1003520x32xf32, #tpu.memory_space<hbm>> -> memref<1003520x32xf32, #tpu.memory_space<hbm>>
      tpu.wait_indirect_dma semaphore(%arg16 : memref<!tpu.dma_semaphore, #tpu.memory_space<semaphore_mem>>) src(%dma_wait3A_805 : memref<1003520x32xf32, #tpu.memory_space<hbm>>) dst(%dma_wait3A_799 : memref<72x32xf32, #tpu.memory_space<vmem>>)
      %dma_wait3A_806 = arith.constant 2 : i32
      %dma_wait3A_807 = arith.constant 400 : i32
      %dma_wait3A_808 = arith.constant 0 : i32
      %dma_wait3A_809 = tpu.memref_slice %arg11[%dma_wait3A_807, %dma_wait3A_808] : memref<1600x32xf32, #tpu.memory_space<vmem>> -> memref<128x32xf32, #tpu.memory_space<vmem>>
      %dma_wait3A_810 = arith.constant 0 : i32
      %dma_wait3A_811 = tpu.memref_slice %arg7[%dma_wait3A_806, %dma_wait3A_810] : memref<8x128xi32, #tpu.memory_space<vmem>> -> memref<1x128xi32, #tpu.memory_space<vmem>>
      %dma_wait3A_812 = tpu.memref_squeeze %dma_wait3A_811 : memref<1x128xi32, #tpu.memory_space<vmem>> -> memref<128xi32, #tpu.memory_space<vmem>>
      %dma_wait3A_813 = arith.constant 0 : i32
      %dma_wait3A_814 = arith.constant 0 : i32
      %dma_wait3A_815 = tpu.memref_slice %arg4[%dma_wait3A_813, %dma_wait3A_814] : memref<1003520x32xf32, #tpu.memory_space<hbm>> -> memref<1003520x32xf32, #tpu.memory_space<hbm>>
      tpu.wait_indirect_dma semaphore(%arg16 : memref<!tpu.dma_semaphore, #tpu.memory_space<semaphore_mem>>) src(%dma_wait3A_815 : memref<1003520x32xf32, #tpu.memory_space<hbm>>) dst(%dma_wait3A_809 : memref<128x32xf32, #tpu.memory_space<vmem>>)
      %dma_wait3A_816 = arith.constant 2 : i32
      %dma_wait3A_817 = arith.constant 528 : i32
      %dma_wait3A_818 = arith.constant 0 : i32
      %dma_wait3A_819 = tpu.memref_slice %arg11[%dma_wait3A_817, %dma_wait3A_818] : memref<1600x32xf32, #tpu.memory_space<vmem>> -> memref<72x32xf32, #tpu.memory_space<vmem>>
      %dma_wait3A_820 = arith.constant 0 : i32
      %dma_wait3A_821 = tpu.memref_slice %arg9[%dma_wait3A_816, %dma_wait3A_820] : memref<8x72xi32, #tpu.memory_space<vmem>> -> memref<1x72xi32, #tpu.memory_space<vmem>>
      %dma_wait3A_822 = tpu.memref_squeeze %dma_wait3A_821 : memref<1x72xi32, #tpu.memory_space<vmem>> -> memref<72xi32, #tpu.memory_space<vmem>>
      %dma_wait3A_823 = arith.constant 0 : i32
      %dma_wait3A_824 = arith.constant 0 : i32
      %dma_wait3A_825 = tpu.memref_slice %arg4[%dma_wait3A_823, %dma_wait3A_824] : memref<1003520x32xf32, #tpu.memory_space<hbm>> -> memref<1003520x32xf32, #tpu.memory_space<hbm>>
      tpu.wait_indirect_dma semaphore(%arg16 : memref<!tpu.dma_semaphore, #tpu.memory_space<semaphore_mem>>) src(%dma_wait3A_825 : memref<1003520x32xf32, #tpu.memory_space<hbm>>) dst(%dma_wait3A_819 : memref<72x32xf32, #tpu.memory_space<vmem>>)
      %dma_wait3A_826 = arith.constant 3 : i32
      %dma_wait3A_827 = arith.constant 600 : i32
      %dma_wait3A_828 = arith.constant 0 : i32
      %dma_wait3A_829 = tpu.memref_slice %arg11[%dma_wait3A_827, %dma_wait3A_828] : memref<1600x32xf32, #tpu.memory_space<vmem>> -> memref<128x32xf32, #tpu.memory_space<vmem>>
      %dma_wait3A_830 = arith.constant 0 : i32
      %dma_wait3A_831 = tpu.memref_slice %arg7[%dma_wait3A_826, %dma_wait3A_830] : memref<8x128xi32, #tpu.memory_space<vmem>> -> memref<1x128xi32, #tpu.memory_space<vmem>>
      %dma_wait3A_832 = tpu.memref_squeeze %dma_wait3A_831 : memref<1x128xi32, #tpu.memory_space<vmem>> -> memref<128xi32, #tpu.memory_space<vmem>>
      %dma_wait3A_833 = arith.constant 0 : i32
      %dma_wait3A_834 = arith.constant 0 : i32
      %dma_wait3A_835 = tpu.memref_slice %arg4[%dma_wait3A_833, %dma_wait3A_834] : memref<1003520x32xf32, #tpu.memory_space<hbm>> -> memref<1003520x32xf32, #tpu.memory_space<hbm>>
      tpu.wait_indirect_dma semaphore(%arg16 : memref<!tpu.dma_semaphore, #tpu.memory_space<semaphore_mem>>) src(%dma_wait3A_835 : memref<1003520x32xf32, #tpu.memory_space<hbm>>) dst(%dma_wait3A_829 : memref<128x32xf32, #tpu.memory_space<vmem>>)
      %dma_wait3A_836 = arith.constant 3 : i32
      %dma_wait3A_837 = arith.constant 728 : i32
      %dma_wait3A_838 = arith.constant 0 : i32
      %dma_wait3A_839 = tpu.memref_slice %arg11[%dma_wait3A_837, %dma_wait3A_838] : memref<1600x32xf32, #tpu.memory_space<vmem>> -> memref<72x32xf32, #tpu.memory_space<vmem>>
      %dma_wait3A_840 = arith.constant 0 : i32
      %dma_wait3A_841 = tpu.memref_slice %arg9[%dma_wait3A_836, %dma_wait3A_840] : memref<8x72xi32, #tpu.memory_space<vmem>> -> memref<1x72xi32, #tpu.memory_space<vmem>>
      %dma_wait3A_842 = tpu.memref_squeeze %dma_wait3A_841 : memref<1x72xi32, #tpu.memory_space<vmem>> -> memref<72xi32, #tpu.memory_space<vmem>>
      %dma_wait3A_843 = arith.constant 0 : i32
      %dma_wait3A_844 = arith.constant 0 : i32
      %dma_wait3A_845 = tpu.memref_slice %arg4[%dma_wait3A_843, %dma_wait3A_844] : memref<1003520x32xf32, #tpu.memory_space<hbm>> -> memref<1003520x32xf32, #tpu.memory_space<hbm>>
      tpu.wait_indirect_dma semaphore(%arg16 : memref<!tpu.dma_semaphore, #tpu.memory_space<semaphore_mem>>) src(%dma_wait3A_845 : memref<1003520x32xf32, #tpu.memory_space<hbm>>) dst(%dma_wait3A_839 : memref<72x32xf32, #tpu.memory_space<vmem>>)
      %dma_wait3A_846 = arith.constant 4 : i32
      %dma_wait3A_847 = arith.constant 800 : i32
      %dma_wait3A_848 = arith.constant 0 : i32
      %dma_wait3A_849 = tpu.memref_slice %arg11[%dma_wait3A_847, %dma_wait3A_848] : memref<1600x32xf32, #tpu.memory_space<vmem>> -> memref<128x32xf32, #tpu.memory_space<vmem>>
      %dma_wait3A_850 = arith.constant 0 : i32
      %dma_wait3A_851 = tpu.memref_slice %arg7[%dma_wait3A_846, %dma_wait3A_850] : memref<8x128xi32, #tpu.memory_space<vmem>> -> memref<1x128xi32, #tpu.memory_space<vmem>>
      %dma_wait3A_852 = tpu.memref_squeeze %dma_wait3A_851 : memref<1x128xi32, #tpu.memory_space<vmem>> -> memref<128xi32, #tpu.memory_space<vmem>>
      %dma_wait3A_853 = arith.constant 0 : i32
      %dma_wait3A_854 = arith.constant 0 : i32
      %dma_wait3A_855 = tpu.memref_slice %arg4[%dma_wait3A_853, %dma_wait3A_854] : memref<1003520x32xf32, #tpu.memory_space<hbm>> -> memref<1003520x32xf32, #tpu.memory_space<hbm>>
      tpu.wait_indirect_dma semaphore(%arg16 : memref<!tpu.dma_semaphore, #tpu.memory_space<semaphore_mem>>) src(%dma_wait3A_855 : memref<1003520x32xf32, #tpu.memory_space<hbm>>) dst(%dma_wait3A_849 : memref<128x32xf32, #tpu.memory_space<vmem>>)
      %dma_wait3A_856 = arith.constant 4 : i32
      %dma_wait3A_857 = arith.constant 928 : i32
      %dma_wait3A_858 = arith.constant 0 : i32
      %dma_wait3A_859 = tpu.memref_slice %arg11[%dma_wait3A_857, %dma_wait3A_858] : memref<1600x32xf32, #tpu.memory_space<vmem>> -> memref<72x32xf32, #tpu.memory_space<vmem>>
      %dma_wait3A_860 = arith.constant 0 : i32
      %dma_wait3A_861 = tpu.memref_slice %arg9[%dma_wait3A_856, %dma_wait3A_860] : memref<8x72xi32, #tpu.memory_space<vmem>> -> memref<1x72xi32, #tpu.memory_space<vmem>>
      %dma_wait3A_862 = tpu.memref_squeeze %dma_wait3A_861 : memref<1x72xi32, #tpu.memory_space<vmem>> -> memref<72xi32, #tpu.memory_space<vmem>>
      %dma_wait3A_863 = arith.constant 0 : i32
      %dma_wait3A_864 = arith.constant 0 : i32
      %dma_wait3A_865 = tpu.memref_slice %arg4[%dma_wait3A_863, %dma_wait3A_864] : memref<1003520x32xf32, #tpu.memory_space<hbm>> -> memref<1003520x32xf32, #tpu.memory_space<hbm>>
      tpu.wait_indirect_dma semaphore(%arg16 : memref<!tpu.dma_semaphore, #tpu.memory_space<semaphore_mem>>) src(%dma_wait3A_865 : memref<1003520x32xf32, #tpu.memory_space<hbm>>) dst(%dma_wait3A_859 : memref<72x32xf32, #tpu.memory_space<vmem>>)
      %dma_wait3A_866 = arith.constant 5 : i32
      %dma_wait3A_867 = arith.constant 1000 : i32
      %dma_wait3A_868 = arith.constant 0 : i32
      %dma_wait3A_869 = tpu.memref_slice %arg11[%dma_wait3A_867, %dma_wait3A_868] : memref<1600x32xf32, #tpu.memory_space<vmem>> -> memref<128x32xf32, #tpu.memory_space<vmem>>
      %dma_wait3A_870 = arith.constant 0 : i32
      %dma_wait3A_871 = tpu.memref_slice %arg7[%dma_wait3A_866, %dma_wait3A_870] : memref<8x128xi32, #tpu.memory_space<vmem>> -> memref<1x128xi32, #tpu.memory_space<vmem>>
      %dma_wait3A_872 = tpu.memref_squeeze %dma_wait3A_871 : memref<1x128xi32, #tpu.memory_space<vmem>> -> memref<128xi32, #tpu.memory_space<vmem>>
      %dma_wait3A_873 = arith.constant 0 : i32
      %dma_wait3A_874 = arith.constant 0 : i32
      %dma_wait3A_875 = tpu.memref_slice %arg4[%dma_wait3A_873, %dma_wait3A_874] : memref<1003520x32xf32, #tpu.memory_space<hbm>> -> memref<1003520x32xf32, #tpu.memory_space<hbm>>
      tpu.wait_indirect_dma semaphore(%arg16 : memref<!tpu.dma_semaphore, #tpu.memory_space<semaphore_mem>>) src(%dma_wait3A_875 : memref<1003520x32xf32, #tpu.memory_space<hbm>>) dst(%dma_wait3A_869 : memref<128x32xf32, #tpu.memory_space<vmem>>)
      %dma_wait3A_876 = arith.constant 5 : i32
      %dma_wait3A_877 = arith.constant 1128 : i32
      %dma_wait3A_878 = arith.constant 0 : i32
      %dma_wait3A_879 = tpu.memref_slice %arg11[%dma_wait3A_877, %dma_wait3A_878] : memref<1600x32xf32, #tpu.memory_space<vmem>> -> memref<72x32xf32, #tpu.memory_space<vmem>>
      %dma_wait3A_880 = arith.constant 0 : i32
      %dma_wait3A_881 = tpu.memref_slice %arg9[%dma_wait3A_876, %dma_wait3A_880] : memref<8x72xi32, #tpu.memory_space<vmem>> -> memref<1x72xi32, #tpu.memory_space<vmem>>
      %dma_wait3A_882 = tpu.memref_squeeze %dma_wait3A_881 : memref<1x72xi32, #tpu.memory_space<vmem>> -> memref<72xi32, #tpu.memory_space<vmem>>
      %dma_wait3A_883 = arith.constant 0 : i32
      %dma_wait3A_884 = arith.constant 0 : i32
      %dma_wait3A_885 = tpu.memref_slice %arg4[%dma_wait3A_883, %dma_wait3A_884] : memref<1003520x32xf32, #tpu.memory_space<hbm>> -> memref<1003520x32xf32, #tpu.memory_space<hbm>>
      tpu.wait_indirect_dma semaphore(%arg16 : memref<!tpu.dma_semaphore, #tpu.memory_space<semaphore_mem>>) src(%dma_wait3A_885 : memref<1003520x32xf32, #tpu.memory_space<hbm>>) dst(%dma_wait3A_879 : memref<72x32xf32, #tpu.memory_space<vmem>>)
      %dma_wait3A_886 = arith.constant 6 : i32
      %dma_wait3A_887 = arith.constant 1200 : i32
      %dma_wait3A_888 = arith.constant 0 : i32
      %dma_wait3A_889 = tpu.memref_slice %arg11[%dma_wait3A_887, %dma_wait3A_888] : memref<1600x32xf32, #tpu.memory_space<vmem>> -> memref<128x32xf32, #tpu.memory_space<vmem>>
      %dma_wait3A_890 = arith.constant 0 : i32
      %dma_wait3A_891 = tpu.memref_slice %arg7[%dma_wait3A_886, %dma_wait3A_890] : memref<8x128xi32, #tpu.memory_space<vmem>> -> memref<1x128xi32, #tpu.memory_space<vmem>>
      %dma_wait3A_892 = tpu.memref_squeeze %dma_wait3A_891 : memref<1x128xi32, #tpu.memory_space<vmem>> -> memref<128xi32, #tpu.memory_space<vmem>>
      %dma_wait3A_893 = arith.constant 0 : i32
      %dma_wait3A_894 = arith.constant 0 : i32
      %dma_wait3A_895 = tpu.memref_slice %arg4[%dma_wait3A_893, %dma_wait3A_894] : memref<1003520x32xf32, #tpu.memory_space<hbm>> -> memref<1003520x32xf32, #tpu.memory_space<hbm>>
      tpu.wait_indirect_dma semaphore(%arg16 : memref<!tpu.dma_semaphore, #tpu.memory_space<semaphore_mem>>) src(%dma_wait3A_895 : memref<1003520x32xf32, #tpu.memory_space<hbm>>) dst(%dma_wait3A_889 : memref<128x32xf32, #tpu.memory_space<vmem>>)
      %dma_wait3A_896 = arith.constant 6 : i32
      %dma_wait3A_897 = arith.constant 1328 : i32
      %dma_wait3A_898 = arith.constant 0 : i32
      %dma_wait3A_899 = tpu.memref_slice %arg11[%dma_wait3A_897, %dma_wait3A_898] : memref<1600x32xf32, #tpu.memory_space<vmem>> -> memref<72x32xf32, #tpu.memory_space<vmem>>
      %dma_wait3A_900 = arith.constant 0 : i32
      %dma_wait3A_901 = tpu.memref_slice %arg9[%dma_wait3A_896, %dma_wait3A_900] : memref<8x72xi32, #tpu.memory_space<vmem>> -> memref<1x72xi32, #tpu.memory_space<vmem>>
      %dma_wait3A_902 = tpu.memref_squeeze %dma_wait3A_901 : memref<1x72xi32, #tpu.memory_space<vmem>> -> memref<72xi32, #tpu.memory_space<vmem>>
      %dma_wait3A_903 = arith.constant 0 : i32
      %dma_wait3A_904 = arith.constant 0 : i32
      %dma_wait3A_905 = tpu.memref_slice %arg4[%dma_wait3A_903, %dma_wait3A_904] : memref<1003520x32xf32, #tpu.memory_space<hbm>> -> memref<1003520x32xf32, #tpu.memory_space<hbm>>
      tpu.wait_indirect_dma semaphore(%arg16 : memref<!tpu.dma_semaphore, #tpu.memory_space<semaphore_mem>>) src(%dma_wait3A_905 : memref<1003520x32xf32, #tpu.memory_space<hbm>>) dst(%dma_wait3A_899 : memref<72x32xf32, #tpu.memory_space<vmem>>)
      %dma_wait3A_906 = arith.constant 7 : i32
      %dma_wait3A_907 = arith.constant 1400 : i32
      %dma_wait3A_908 = arith.constant 0 : i32
      %dma_wait3A_909 = tpu.memref_slice %arg11[%dma_wait3A_907, %dma_wait3A_908] : memref<1600x32xf32, #tpu.memory_space<vmem>> -> memref<128x32xf32, #tpu.memory_space<vmem>>
      %dma_wait3A_910 = arith.constant 0 : i32
      %dma_wait3A_911 = tpu.memref_slice %arg7[%dma_wait3A_906, %dma_wait3A_910] : memref<8x128xi32, #tpu.memory_space<vmem>> -> memref<1x128xi32, #tpu.memory_space<vmem>>
      %dma_wait3A_912 = tpu.memref_squeeze %dma_wait3A_911 : memref<1x128xi32, #tpu.memory_space<vmem>> -> memref<128xi32, #tpu.memory_space<vmem>>
      %dma_wait3A_913 = arith.constant 0 : i32
      %dma_wait3A_914 = arith.constant 0 : i32
      %dma_wait3A_915 = tpu.memref_slice %arg4[%dma_wait3A_913, %dma_wait3A_914] : memref<1003520x32xf32, #tpu.memory_space<hbm>> -> memref<1003520x32xf32, #tpu.memory_space<hbm>>
      tpu.wait_indirect_dma semaphore(%arg16 : memref<!tpu.dma_semaphore, #tpu.memory_space<semaphore_mem>>) src(%dma_wait3A_915 : memref<1003520x32xf32, #tpu.memory_space<hbm>>) dst(%dma_wait3A_909 : memref<128x32xf32, #tpu.memory_space<vmem>>)
      %dma_wait3A_916 = arith.constant 7 : i32
      %dma_wait3A_917 = arith.constant 1528 : i32
      %dma_wait3A_918 = arith.constant 0 : i32
      %dma_wait3A_919 = tpu.memref_slice %arg11[%dma_wait3A_917, %dma_wait3A_918] : memref<1600x32xf32, #tpu.memory_space<vmem>> -> memref<72x32xf32, #tpu.memory_space<vmem>>
      %dma_wait3A_920 = arith.constant 0 : i32
      %dma_wait3A_921 = tpu.memref_slice %arg9[%dma_wait3A_916, %dma_wait3A_920] : memref<8x72xi32, #tpu.memory_space<vmem>> -> memref<1x72xi32, #tpu.memory_space<vmem>>
      %dma_wait3A_922 = tpu.memref_squeeze %dma_wait3A_921 : memref<1x72xi32, #tpu.memory_space<vmem>> -> memref<72xi32, #tpu.memory_space<vmem>>
      %dma_wait3A_923 = arith.constant 0 : i32
      %dma_wait3A_924 = arith.constant 0 : i32
      %dma_wait3A_925 = tpu.memref_slice %arg4[%dma_wait3A_923, %dma_wait3A_924] : memref<1003520x32xf32, #tpu.memory_space<hbm>> -> memref<1003520x32xf32, #tpu.memory_space<hbm>>
      tpu.wait_indirect_dma semaphore(%arg16 : memref<!tpu.dma_semaphore, #tpu.memory_space<semaphore_mem>>) src(%dma_wait3A_925 : memref<1003520x32xf32, #tpu.memory_space<hbm>>) dst(%dma_wait3A_919 : memref<72x32xf32, #tpu.memory_space<vmem>>)
      %add3A_926 = arith.constant 3 : i32
      %add3A_927 = arith.addi %add3A_199, %add3A_926 : i32
      %lt3A_928 = arith.constant 64 : i32
      %lt3A_929 = arith.cmpi slt, %add3A_927, %lt3A_928 : i32
      %convert_element_type3A_930 = arith.extui %lt3A_929 : i1 to i32
      %cond3A_931 = arith.constant 0 : i32
      %cond3A_932 = arith.cmpi ne, %convert_element_type3A_930, %cond3A_931 : i32
      scf.if %cond3A_932 {
        %add3A_1159 = arith.constant 3 : i32
        %add3A_1160 = arith.addi %add3A_199, %add3A_1159 : i32
        %mul3A_1161 = arith.constant 8 : i32
        %mul3A_1162 = arith.muli %add3A_1160, %mul3A_1161 : i32
        %add3A_1163 = arith.addi %mul3A_2, %mul3A_1162 : i32
        %dma_start3A_1164 = arith.constant 0 : i32
        %dma_start3A_1165 = tpu.memref_slice %arg2[%add3A_1163, %dma_start3A_1164] : memref<16384x128xi32, #tpu.memory_space<hbm>> -> memref<8x128xi32, #tpu.memory_space<hbm>>
        %dma_start3A_1166 = arith.constant 0 : i32
        %dma_start3A_1167 = tpu.memref_slice %arg2[%add3A_1163, %dma_start3A_1166] : memref<16384x128xi32, #tpu.memory_space<hbm>> -> memref<8x128xi32, #tpu.memory_space<hbm>>
        tpu.enqueue_dma source(%dma_start3A_1167 : memref<8x128xi32, #tpu.memory_space<hbm>>) target(%arg7 : memref<8x128xi32, #tpu.memory_space<vmem>>) target_semaphore(%arg14 : memref<!tpu.dma_semaphore, #tpu.memory_space<semaphore_mem>>)
        %dma_start3A_1168 = arith.constant 0 : i32
        %dma_start3A_1169 = tpu.memref_slice %arg3[%add3A_1163, %dma_start3A_1168] : memref<16384x72xi32, #tpu.memory_space<hbm>> -> memref<8x72xi32, #tpu.memory_space<hbm>>
        %dma_start3A_1170 = arith.constant 0 : i32
        %dma_start3A_1171 = tpu.memref_slice %arg3[%add3A_1163, %dma_start3A_1170] : memref<16384x72xi32, #tpu.memory_space<hbm>> -> memref<8x72xi32, #tpu.memory_space<hbm>>
        tpu.enqueue_dma source(%dma_start3A_1171 : memref<8x72xi32, #tpu.memory_space<hbm>>) target(%arg9 : memref<8x72xi32, #tpu.memory_space<vmem>>) target_semaphore(%arg14 : memref<!tpu.dma_semaphore, #tpu.memory_space<semaphore_mem>>)
      } else {
      }
      %add3A_933 = arith.constant 1 : i32
      %add3A_934 = arith.addi %add3A_199, %add3A_933 : i32
      %broadcast_in_dim3A_935 = arith.constant 0.000000e+00 : f32
      %broadcast_in_dim3A_936 = vector.broadcast %broadcast_in_dim3A_935 : f32 to vector<16xf32>
      %scan3A_937 = arith.constant 0 : i32
      %scan3A_938 = arith.constant 25 : i32
      %scan3A_939 = arith.addi %scan3A_937, %scan3A_938 : i32
      %scan3A_940 = arith.constant 1 : i32
      %scan3A_941:4 = scf.for %scan3A_1159 = %scan3A_937 to %scan3A_939 step %scan3A_940 iter_args(%scan3A_1160 = %broadcast_in_dim3A_936, %scan3A_1161 = %broadcast_in_dim3A_936, %scan3A_1162 = %broadcast_in_dim3A_936, %scan3A_1163 = %broadcast_in_dim3A_936) -> (vector<16xf32>, vector<16xf32>, vector<16xf32>, vector<16xf32>)  : i32 {
        %mul3A_1164 = arith.constant 8 : i32
        %mul3A_1165 = arith.muli %scan3A_1159, %mul3A_1164 : i32
        %add3A_1166 = arith.constant 0 : i32
        %add3A_1167 = arith.addi %add3A_1166, %mul3A_1165 : i32
        %add3A_1168 = arith.constant 0 : i32
        %add3A_1169 = arith.addi %add3A_1167, %add3A_1168 : i32
        %get3A = arith.index_cast %add3A_1169 : i32 to index
        %get3A_1170 = arith.constant 0 : index
        %get3A_1171 = tpu.vector_load %arg11[%get3A, %get3A_1170] {strides = array<i32>} : memref<1600x32xf32, #tpu.memory_space<vmem>>, vector<1x16xf32>,
        %get3A_1172 = vector.shape_cast %get3A_1171 : vector<1x16xf32> to vector<16xf32>
        %add3A_1173 = arith.addf %scan3A_1160, %get3A_1172 : vector<16xf32>
        %add3A_1174 = arith.constant 0 : i32
        %add3A_1175 = arith.addi %add3A_1167, %add3A_1174 : i32
        %get3A_1176 = arith.index_cast %add3A_1175 : i32 to index
        %get3A_1177 = arith.constant 16 : index
        %get3A_1178 = tpu.vector_load %arg11[%get3A_1176, %get3A_1177] {strides = array<i32>} : memref<1600x32xf32, #tpu.memory_space<vmem>>, vector<1x16xf32>,
        %get3A_1179 = vector.shape_cast %get3A_1178 : vector<1x16xf32> to vector<16xf32>
        %add3A_1180 = arith.addf %scan3A_1161, %get3A_1179 : vector<16xf32>
        %add3A_1181 = arith.constant 0 : i32
        %add3A_1182 = arith.addi %add3A_1167, %add3A_1181 : i32
        %add3A_1183 = arith.constant 1 : i32
        %add3A_1184 = arith.addi %add3A_1182, %add3A_1183 : i32
        %get3A_1185 = arith.index_cast %add3A_1184 : i32 to index
        %get3A_1186 = arith.constant 0 : index
        %get3A_1187 = tpu.vector_load %arg11[%get3A_1185, %get3A_1186] {strides = array<i32>} : memref<1600x32xf32, #tpu.memory_space<vmem>>, vector<1x16xf32>,
        %get3A_1188 = vector.shape_cast %get3A_1187 : vector<1x16xf32> to vector<16xf32>
        %add3A_1189 = arith.addf %scan3A_1162, %get3A_1188 : vector<16xf32>
        %add3A_1190 = arith.constant 0 : i32
        %add3A_1191 = arith.addi %add3A_1167, %add3A_1190 : i32
        %add3A_1192 = arith.constant 1 : i32
        %add3A_1193 = arith.addi %add3A_1191, %add3A_1192 : i32
        %get3A_1194 = arith.index_cast %add3A_1193 : i32 to index
        %get3A_1195 = arith.constant 16 : index
        %get3A_1196 = tpu.vector_load %arg11[%get3A_1194, %get3A_1195] {strides = array<i32>} : memref<1600x32xf32, #tpu.memory_space<vmem>>, vector<1x16xf32>,
        %get3A_1197 = vector.shape_cast %get3A_1196 : vector<1x16xf32> to vector<16xf32>
        %add3A_1198 = arith.addf %scan3A_1163, %get3A_1197 : vector<16xf32>
        %add3A_1199 = arith.constant 2 : i32
        %add3A_1200 = arith.addi %add3A_1167, %add3A_1199 : i32
        %get3A_1201 = arith.index_cast %add3A_1200 : i32 to index
        %get3A_1202 = arith.constant 0 : index
        %get3A_1203 = tpu.vector_load %arg11[%get3A_1201, %get3A_1202] {strides = array<i32>} : memref<1600x32xf32, #tpu.memory_space<vmem>>, vector<1x16xf32>,
        %get3A_1204 = vector.shape_cast %get3A_1203 : vector<1x16xf32> to vector<16xf32>
        %add3A_1205 = arith.addf %add3A_1173, %get3A_1204 : vector<16xf32>
        %add3A_1206 = arith.constant 2 : i32
        %add3A_1207 = arith.addi %add3A_1167, %add3A_1206 : i32
        %get3A_1208 = arith.index_cast %add3A_1207 : i32 to index
        %get3A_1209 = arith.constant 16 : index
        %get3A_1210 = tpu.vector_load %arg11[%get3A_1208, %get3A_1209] {strides = array<i32>} : memref<1600x32xf32, #tpu.memory_space<vmem>>, vector<1x16xf32>,
        %get3A_1211 = vector.shape_cast %get3A_1210 : vector<1x16xf32> to vector<16xf32>
        %add3A_1212 = arith.addf %add3A_1180, %get3A_1211 : vector<16xf32>
        %add3A_1213 = arith.constant 2 : i32
        %add3A_1214 = arith.addi %add3A_1167, %add3A_1213 : i32
        %add3A_1215 = arith.constant 1 : i32
        %add3A_1216 = arith.addi %add3A_1214, %add3A_1215 : i32
        %get3A_1217 = arith.index_cast %add3A_1216 : i32 to index
        %get3A_1218 = arith.constant 0 : index
        %get3A_1219 = tpu.vector_load %arg11[%get3A_1217, %get3A_1218] {strides = array<i32>} : memref<1600x32xf32, #tpu.memory_space<vmem>>, vector<1x16xf32>,
        %get3A_1220 = vector.shape_cast %get3A_1219 : vector<1x16xf32> to vector<16xf32>
        %add3A_1221 = arith.addf %add3A_1189, %get3A_1220 : vector<16xf32>
        %add3A_1222 = arith.constant 2 : i32
        %add3A_1223 = arith.addi %add3A_1167, %add3A_1222 : i32
        %add3A_1224 = arith.constant 1 : i32
        %add3A_1225 = arith.addi %add3A_1223, %add3A_1224 : i32
        %get3A_1226 = arith.index_cast %add3A_1225 : i32 to index
        %get3A_1227 = arith.constant 16 : index
        %get3A_1228 = tpu.vector_load %arg11[%get3A_1226, %get3A_1227] {strides = array<i32>} : memref<1600x32xf32, #tpu.memory_space<vmem>>, vector<1x16xf32>,
        %get3A_1229 = vector.shape_cast %get3A_1228 : vector<1x16xf32> to vector<16xf32>
        %add3A_1230 = arith.addf %add3A_1198, %get3A_1229 : vector<16xf32>
        %add3A_1231 = arith.constant 4 : i32
        %add3A_1232 = arith.addi %add3A_1167, %add3A_1231 : i32
        %get3A_1233 = arith.index_cast %add3A_1232 : i32 to index
        %get3A_1234 = arith.constant 0 : index
        %get3A_1235 = tpu.vector_load %arg11[%get3A_1233, %get3A_1234] {strides = array<i32>} : memref<1600x32xf32, #tpu.memory_space<vmem>>, vector<1x16xf32>,
        %get3A_1236 = vector.shape_cast %get3A_1235 : vector<1x16xf32> to vector<16xf32>
        %add3A_1237 = arith.addf %add3A_1205, %get3A_1236 : vector<16xf32>
        %add3A_1238 = arith.constant 4 : i32
        %add3A_1239 = arith.addi %add3A_1167, %add3A_1238 : i32
        %get3A_1240 = arith.index_cast %add3A_1239 : i32 to index
        %get3A_1241 = arith.constant 16 : index
        %get3A_1242 = tpu.vector_load %arg11[%get3A_1240, %get3A_1241] {strides = array<i32>} : memref<1600x32xf32, #tpu.memory_space<vmem>>, vector<1x16xf32>,
        %get3A_1243 = vector.shape_cast %get3A_1242 : vector<1x16xf32> to vector<16xf32>
        %add3A_1244 = arith.addf %add3A_1212, %get3A_1243 : vector<16xf32>
        %add3A_1245 = arith.constant 4 : i32
        %add3A_1246 = arith.addi %add3A_1167, %add3A_1245 : i32
        %add3A_1247 = arith.constant 1 : i32
        %add3A_1248 = arith.addi %add3A_1246, %add3A_1247 : i32
        %get3A_1249 = arith.index_cast %add3A_1248 : i32 to index
        %get3A_1250 = arith.constant 0 : index
        %get3A_1251 = tpu.vector_load %arg11[%get3A_1249, %get3A_1250] {strides = array<i32>} : memref<1600x32xf32, #tpu.memory_space<vmem>>, vector<1x16xf32>,
        %get3A_1252 = vector.shape_cast %get3A_1251 : vector<1x16xf32> to vector<16xf32>
        %add3A_1253 = arith.addf %add3A_1221, %get3A_1252 : vector<16xf32>
        %add3A_1254 = arith.constant 4 : i32
        %add3A_1255 = arith.addi %add3A_1167, %add3A_1254 : i32
        %add3A_1256 = arith.constant 1 : i32
        %add3A_1257 = arith.addi %add3A_1255, %add3A_1256 : i32
        %get3A_1258 = arith.index_cast %add3A_1257 : i32 to index
        %get3A_1259 = arith.constant 16 : index
        %get3A_1260 = tpu.vector_load %arg11[%get3A_1258, %get3A_1259] {strides = array<i32>} : memref<1600x32xf32, #tpu.memory_space<vmem>>, vector<1x16xf32>,
        %get3A_1261 = vector.shape_cast %get3A_1260 : vector<1x16xf32> to vector<16xf32>
        %add3A_1262 = arith.addf %add3A_1230, %get3A_1261 : vector<16xf32>
        %add3A_1263 = arith.constant 6 : i32
        %add3A_1264 = arith.addi %add3A_1167, %add3A_1263 : i32
        %get3A_1265 = arith.index_cast %add3A_1264 : i32 to index
        %get3A_1266 = arith.constant 0 : index
        %get3A_1267 = tpu.vector_load %arg11[%get3A_1265, %get3A_1266] {strides = array<i32>} : memref<1600x32xf32, #tpu.memory_space<vmem>>, vector<1x16xf32>,
        %get3A_1268 = vector.shape_cast %get3A_1267 : vector<1x16xf32> to vector<16xf32>
        %add3A_1269 = arith.addf %add3A_1237, %get3A_1268 : vector<16xf32>
        %add3A_1270 = arith.constant 6 : i32
        %add3A_1271 = arith.addi %add3A_1167, %add3A_1270 : i32
        %get3A_1272 = arith.index_cast %add3A_1271 : i32 to index
        %get3A_1273 = arith.constant 16 : index
        %get3A_1274 = tpu.vector_load %arg11[%get3A_1272, %get3A_1273] {strides = array<i32>} : memref<1600x32xf32, #tpu.memory_space<vmem>>, vector<1x16xf32>,
        %get3A_1275 = vector.shape_cast %get3A_1274 : vector<1x16xf32> to vector<16xf32>
        %add3A_1276 = arith.addf %add3A_1244, %get3A_1275 : vector<16xf32>
        %add3A_1277 = arith.constant 6 : i32
        %add3A_1278 = arith.addi %add3A_1167, %add3A_1277 : i32
        %add3A_1279 = arith.constant 1 : i32
        %add3A_1280 = arith.addi %add3A_1278, %add3A_1279 : i32
        %get3A_1281 = arith.index_cast %add3A_1280 : i32 to index
        %get3A_1282 = arith.constant 0 : index
        %get3A_1283 = tpu.vector_load %arg11[%get3A_1281, %get3A_1282] {strides = array<i32>} : memref<1600x32xf32, #tpu.memory_space<vmem>>, vector<1x16xf32>,
        %get3A_1284 = vector.shape_cast %get3A_1283 : vector<1x16xf32> to vector<16xf32>
        %add3A_1285 = arith.addf %add3A_1253, %get3A_1284 : vector<16xf32>
        %add3A_1286 = arith.constant 6 : i32
        %add3A_1287 = arith.addi %add3A_1167, %add3A_1286 : i32
        %add3A_1288 = arith.constant 1 : i32
        %add3A_1289 = arith.addi %add3A_1287, %add3A_1288 : i32
        %get3A_1290 = arith.index_cast %add3A_1289 : i32 to index
        %get3A_1291 = arith.constant 16 : index
        %get3A_1292 = tpu.vector_load %arg11[%get3A_1290, %get3A_1291] {strides = array<i32>} : memref<1600x32xf32, #tpu.memory_space<vmem>>, vector<1x16xf32>,
        %get3A_1293 = vector.shape_cast %get3A_1292 : vector<1x16xf32> to vector<16xf32>
        %add3A_1294 = arith.addf %add3A_1262, %get3A_1293 : vector<16xf32>
        scf.yield %add3A_1269, %add3A_1276, %add3A_1285, %add3A_1294 : vector<16xf32>, vector<16xf32>, vector<16xf32>, vector<16xf32>
      }
      %scan3A_942 = arith.constant 25 : i32
      %add3A_943 = arith.addf %scan3A_941#0, %scan3A_941#2 : vector<16xf32>
      %mul3A_944 = arith.constant 8 : i32
      %mul3A_945 = arith.muli %add3A_934, %mul3A_944 : i32
      %add3A_946 = arith.constant 0 : i32
      %add3A_947 = arith.addi %mul3A_945, %add3A_946 : i32
      %swap3A_948 = arith.index_cast %add3A_947 : i32 to index
      %swap3A_949 = arith.constant 0 : index
      %swap3A_950 = tpu.vector_load %arg12[%swap3A_948, %swap3A_949] {strides = array<i32>} : memref<512x32xf32, #tpu.memory_space<vmem>>, vector<1x16xf32>,
      %swap3A_951 = vector.shape_cast %swap3A_950 : vector<1x16xf32> to vector<16xf32>
      %swap3A_952 = vector.shape_cast %add3A_943 : vector<16xf32> to vector<1x16xf32>
      tpu.vector_store %arg12[%swap3A_948, %swap3A_949], %swap3A_952 {strides = array<i32>} : memref<512x32xf32, #tpu.memory_space<vmem>>, vector<1x16xf32>,
      %add3A_953 = arith.addf %scan3A_941#1, %scan3A_941#3 : vector<16xf32>
      %mul3A_954 = arith.constant 8 : i32
      %mul3A_955 = arith.muli %add3A_934, %mul3A_954 : i32
      %add3A_956 = arith.constant 0 : i32
      %add3A_957 = arith.addi %mul3A_955, %add3A_956 : i32
      %swap3A_958 = arith.index_cast %add3A_957 : i32 to index
      %swap3A_959 = arith.constant 16 : index
      %swap3A_960 = tpu.vector_load %arg12[%swap3A_958, %swap3A_959] {strides = array<i32>} : memref<512x32xf32, #tpu.memory_space<vmem>>, vector<1x16xf32>,
      %swap3A_961 = vector.shape_cast %swap3A_960 : vector<1x16xf32> to vector<16xf32>
      %swap3A_962 = vector.shape_cast %add3A_953 : vector<16xf32> to vector<1x16xf32>
      tpu.vector_store %arg12[%swap3A_958, %swap3A_959], %swap3A_962 {strides = array<i32>} : memref<512x32xf32, #tpu.memory_space<vmem>>, vector<1x16xf32>,
      %broadcast_in_dim3A_963 = arith.constant 0.000000e+00 : f32
      %broadcast_in_dim3A_964 = vector.broadcast %broadcast_in_dim3A_963 : f32 to vector<16xf32>
      %scan3A_965 = arith.constant 0 : i32
      %scan3A_966 = arith.constant 25 : i32
      %scan3A_967 = arith.addi %scan3A_965, %scan3A_966 : i32
      %scan3A_968 = arith.constant 1 : i32
      %scan3A_969:4 = scf.for %scan3A_1159 = %scan3A_965 to %scan3A_967 step %scan3A_968 iter_args(%scan3A_1160 = %broadcast_in_dim3A_964, %scan3A_1161 = %broadcast_in_dim3A_964, %scan3A_1162 = %broadcast_in_dim3A_964, %scan3A_1163 = %broadcast_in_dim3A_964) -> (vector<16xf32>, vector<16xf32>, vector<16xf32>, vector<16xf32>)  : i32 {
        %mul3A_1164 = arith.constant 8 : i32
        %mul3A_1165 = arith.muli %scan3A_1159, %mul3A_1164 : i32
        %add3A_1166 = arith.constant 200 : i32
        %add3A_1167 = arith.addi %add3A_1166, %mul3A_1165 : i32
        %add3A_1168 = arith.constant 0 : i32
        %add3A_1169 = arith.addi %add3A_1167, %add3A_1168 : i32
        %get3A = arith.index_cast %add3A_1169 : i32 to index
        %get3A_1170 = arith.constant 0 : index
        %get3A_1171 = tpu.vector_load %arg11[%get3A, %get3A_1170] {strides = array<i32>} : memref<1600x32xf32, #tpu.memory_space<vmem>>, vector<1x16xf32>,
        %get3A_1172 = vector.shape_cast %get3A_1171 : vector<1x16xf32> to vector<16xf32>
        %add3A_1173 = arith.addf %scan3A_1160, %get3A_1172 : vector<16xf32>
        %add3A_1174 = arith.constant 0 : i32
        %add3A_1175 = arith.addi %add3A_1167, %add3A_1174 : i32
        %get3A_1176 = arith.index_cast %add3A_1175 : i32 to index
        %get3A_1177 = arith.constant 16 : index
        %get3A_1178 = tpu.vector_load %arg11[%get3A_1176, %get3A_1177] {strides = array<i32>} : memref<1600x32xf32, #tpu.memory_space<vmem>>, vector<1x16xf32>,
        %get3A_1179 = vector.shape_cast %get3A_1178 : vector<1x16xf32> to vector<16xf32>
        %add3A_1180 = arith.addf %scan3A_1161, %get3A_1179 : vector<16xf32>
        %add3A_1181 = arith.constant 0 : i32
        %add3A_1182 = arith.addi %add3A_1167, %add3A_1181 : i32
        %add3A_1183 = arith.constant 1 : i32
        %add3A_1184 = arith.addi %add3A_1182, %add3A_1183 : i32
        %get3A_1185 = arith.index_cast %add3A_1184 : i32 to index
        %get3A_1186 = arith.constant 0 : index
        %get3A_1187 = tpu.vector_load %arg11[%get3A_1185, %get3A_1186] {strides = array<i32>} : memref<1600x32xf32, #tpu.memory_space<vmem>>, vector<1x16xf32>,
        %get3A_1188 = vector.shape_cast %get3A_1187 : vector<1x16xf32> to vector<16xf32>
        %add3A_1189 = arith.addf %scan3A_1162, %get3A_1188 : vector<16xf32>
        %add3A_1190 = arith.constant 0 : i32
        %add3A_1191 = arith.addi %add3A_1167, %add3A_1190 : i32
        %add3A_1192 = arith.constant 1 : i32
        %add3A_1193 = arith.addi %add3A_1191, %add3A_1192 : i32
        %get3A_1194 = arith.index_cast %add3A_1193 : i32 to index
        %get3A_1195 = arith.constant 16 : index
        %get3A_1196 = tpu.vector_load %arg11[%get3A_1194, %get3A_1195] {strides = array<i32>} : memref<1600x32xf32, #tpu.memory_space<vmem>>, vector<1x16xf32>,
        %get3A_1197 = vector.shape_cast %get3A_1196 : vector<1x16xf32> to vector<16xf32>
        %add3A_1198 = arith.addf %scan3A_1163, %get3A_1197 : vector<16xf32>
        %add3A_1199 = arith.constant 2 : i32
        %add3A_1200 = arith.addi %add3A_1167, %add3A_1199 : i32
        %get3A_1201 = arith.index_cast %add3A_1200 : i32 to index
        %get3A_1202 = arith.constant 0 : index
        %get3A_1203 = tpu.vector_load %arg11[%get3A_1201, %get3A_1202] {strides = array<i32>} : memref<1600x32xf32, #tpu.memory_space<vmem>>, vector<1x16xf32>,
        %get3A_1204 = vector.shape_cast %get3A_1203 : vector<1x16xf32> to vector<16xf32>
        %add3A_1205 = arith.addf %add3A_1173, %get3A_1204 : vector<16xf32>
        %add3A_1206 = arith.constant 2 : i32
        %add3A_1207 = arith.addi %add3A_1167, %add3A_1206 : i32
        %get3A_1208 = arith.index_cast %add3A_1207 : i32 to index
        %get3A_1209 = arith.constant 16 : index
        %get3A_1210 = tpu.vector_load %arg11[%get3A_1208, %get3A_1209] {strides = array<i32>} : memref<1600x32xf32, #tpu.memory_space<vmem>>, vector<1x16xf32>,
        %get3A_1211 = vector.shape_cast %get3A_1210 : vector<1x16xf32> to vector<16xf32>
        %add3A_1212 = arith.addf %add3A_1180, %get3A_1211 : vector<16xf32>
        %add3A_1213 = arith.constant 2 : i32
        %add3A_1214 = arith.addi %add3A_1167, %add3A_1213 : i32
        %add3A_1215 = arith.constant 1 : i32
        %add3A_1216 = arith.addi %add3A_1214, %add3A_1215 : i32
        %get3A_1217 = arith.index_cast %add3A_1216 : i32 to index
        %get3A_1218 = arith.constant 0 : index
        %get3A_1219 = tpu.vector_load %arg11[%get3A_1217, %get3A_1218] {strides = array<i32>} : memref<1600x32xf32, #tpu.memory_space<vmem>>, vector<1x16xf32>,
        %get3A_1220 = vector.shape_cast %get3A_1219 : vector<1x16xf32> to vector<16xf32>
        %add3A_1221 = arith.addf %add3A_1189, %get3A_1220 : vector<16xf32>
        %add3A_1222 = arith.constant 2 : i32
        %add3A_1223 = arith.addi %add3A_1167, %add3A_1222 : i32
        %add3A_1224 = arith.constant 1 : i32
        %add3A_1225 = arith.addi %add3A_1223, %add3A_1224 : i32
        %get3A_1226 = arith.index_cast %add3A_1225 : i32 to index
        %get3A_1227 = arith.constant 16 : index
        %get3A_1228 = tpu.vector_load %arg11[%get3A_1226, %get3A_1227] {strides = array<i32>} : memref<1600x32xf32, #tpu.memory_space<vmem>>, vector<1x16xf32>,
        %get3A_1229 = vector.shape_cast %get3A_1228 : vector<1x16xf32> to vector<16xf32>
        %add3A_1230 = arith.addf %add3A_1198, %get3A_1229 : vector<16xf32>
        %add3A_1231 = arith.constant 4 : i32
        %add3A_1232 = arith.addi %add3A_1167, %add3A_1231 : i32
        %get3A_1233 = arith.index_cast %add3A_1232 : i32 to index
        %get3A_1234 = arith.constant 0 : index
        %get3A_1235 = tpu.vector_load %arg11[%get3A_1233, %get3A_1234] {strides = array<i32>} : memref<1600x32xf32, #tpu.memory_space<vmem>>, vector<1x16xf32>,
        %get3A_1236 = vector.shape_cast %get3A_1235 : vector<1x16xf32> to vector<16xf32>
        %add3A_1237 = arith.addf %add3A_1205, %get3A_1236 : vector<16xf32>
        %add3A_1238 = arith.constant 4 : i32
        %add3A_1239 = arith.addi %add3A_1167, %add3A_1238 : i32
        %get3A_1240 = arith.index_cast %add3A_1239 : i32 to index
        %get3A_1241 = arith.constant 16 : index
        %get3A_1242 = tpu.vector_load %arg11[%get3A_1240, %get3A_1241] {strides = array<i32>} : memref<1600x32xf32, #tpu.memory_space<vmem>>, vector<1x16xf32>,
        %get3A_1243 = vector.shape_cast %get3A_1242 : vector<1x16xf32> to vector<16xf32>
        %add3A_1244 = arith.addf %add3A_1212, %get3A_1243 : vector<16xf32>
        %add3A_1245 = arith.constant 4 : i32
        %add3A_1246 = arith.addi %add3A_1167, %add3A_1245 : i32
        %add3A_1247 = arith.constant 1 : i32
        %add3A_1248 = arith.addi %add3A_1246, %add3A_1247 : i32
        %get3A_1249 = arith.index_cast %add3A_1248 : i32 to index
        %get3A_1250 = arith.constant 0 : index
        %get3A_1251 = tpu.vector_load %arg11[%get3A_1249, %get3A_1250] {strides = array<i32>} : memref<1600x32xf32, #tpu.memory_space<vmem>>, vector<1x16xf32>,
        %get3A_1252 = vector.shape_cast %get3A_1251 : vector<1x16xf32> to vector<16xf32>
        %add3A_1253 = arith.addf %add3A_1221, %get3A_1252 : vector<16xf32>
        %add3A_1254 = arith.constant 4 : i32
        %add3A_1255 = arith.addi %add3A_1167, %add3A_1254 : i32
        %add3A_1256 = arith.constant 1 : i32
        %add3A_1257 = arith.addi %add3A_1255, %add3A_1256 : i32
        %get3A_1258 = arith.index_cast %add3A_1257 : i32 to index
        %get3A_1259 = arith.constant 16 : index
        %get3A_1260 = tpu.vector_load %arg11[%get3A_1258, %get3A_1259] {strides = array<i32>} : memref<1600x32xf32, #tpu.memory_space<vmem>>, vector<1x16xf32>,
        %get3A_1261 = vector.shape_cast %get3A_1260 : vector<1x16xf32> to vector<16xf32>
        %add3A_1262 = arith.addf %add3A_1230, %get3A_1261 : vector<16xf32>
        %add3A_1263 = arith.constant 6 : i32
        %add3A_1264 = arith.addi %add3A_1167, %add3A_1263 : i32
        %get3A_1265 = arith.index_cast %add3A_1264 : i32 to index
        %get3A_1266 = arith.constant 0 : index
        %get3A_1267 = tpu.vector_load %arg11[%get3A_1265, %get3A_1266] {strides = array<i32>} : memref<1600x32xf32, #tpu.memory_space<vmem>>, vector<1x16xf32>,
        %get3A_1268 = vector.shape_cast %get3A_1267 : vector<1x16xf32> to vector<16xf32>
        %add3A_1269 = arith.addf %add3A_1237, %get3A_1268 : vector<16xf32>
        %add3A_1270 = arith.constant 6 : i32
        %add3A_1271 = arith.addi %add3A_1167, %add3A_1270 : i32
        %get3A_1272 = arith.index_cast %add3A_1271 : i32 to index
        %get3A_1273 = arith.constant 16 : index
        %get3A_1274 = tpu.vector_load %arg11[%get3A_1272, %get3A_1273] {strides = array<i32>} : memref<1600x32xf32, #tpu.memory_space<vmem>>, vector<1x16xf32>,
        %get3A_1275 = vector.shape_cast %get3A_1274 : vector<1x16xf32> to vector<16xf32>
        %add3A_1276 = arith.addf %add3A_1244, %get3A_1275 : vector<16xf32>
        %add3A_1277 = arith.constant 6 : i32
        %add3A_1278 = arith.addi %add3A_1167, %add3A_1277 : i32
        %add3A_1279 = arith.constant 1 : i32
        %add3A_1280 = arith.addi %add3A_1278, %add3A_1279 : i32
        %get3A_1281 = arith.index_cast %add3A_1280 : i32 to index
        %get3A_1282 = arith.constant 0 : index
        %get3A_1283 = tpu.vector_load %arg11[%get3A_1281, %get3A_1282] {strides = array<i32>} : memref<1600x32xf32, #tpu.memory_space<vmem>>, vector<1x16xf32>,
        %get3A_1284 = vector.shape_cast %get3A_1283 : vector<1x16xf32> to vector<16xf32>
        %add3A_1285 = arith.addf %add3A_1253, %get3A_1284 : vector<16xf32>
        %add3A_1286 = arith.constant 6 : i32
        %add3A_1287 = arith.addi %add3A_1167, %add3A_1286 : i32
        %add3A_1288 = arith.constant 1 : i32
        %add3A_1289 = arith.addi %add3A_1287, %add3A_1288 : i32
        %get3A_1290 = arith.index_cast %add3A_1289 : i32 to index
        %get3A_1291 = arith.constant 16 : index
        %get3A_1292 = tpu.vector_load %arg11[%get3A_1290, %get3A_1291] {strides = array<i32>} : memref<1600x32xf32, #tpu.memory_space<vmem>>, vector<1x16xf32>,
        %get3A_1293 = vector.shape_cast %get3A_1292 : vector<1x16xf32> to vector<16xf32>
        %add3A_1294 = arith.addf %add3A_1262, %get3A_1293 : vector<16xf32>
        scf.yield %add3A_1269, %add3A_1276, %add3A_1285, %add3A_1294 : vector<16xf32>, vector<16xf32>, vector<16xf32>, vector<16xf32>
      }
      %scan3A_970 = arith.constant 25 : i32
      %add3A_971 = arith.addf %scan3A_969#0, %scan3A_969#2 : vector<16xf32>
      %mul3A_972 = arith.constant 8 : i32
      %mul3A_973 = arith.muli %add3A_934, %mul3A_972 : i32
      %add3A_974 = arith.constant 1 : i32
      %add3A_975 = arith.addi %mul3A_973, %add3A_974 : i32
      %swap3A_976 = arith.index_cast %add3A_975 : i32 to index
      %swap3A_977 = arith.constant 0 : index
      %swap3A_978 = tpu.vector_load %arg12[%swap3A_976, %swap3A_977] {strides = array<i32>} : memref<512x32xf32, #tpu.memory_space<vmem>>, vector<1x16xf32>,
      %swap3A_979 = vector.shape_cast %swap3A_978 : vector<1x16xf32> to vector<16xf32>
      %swap3A_980 = vector.shape_cast %add3A_971 : vector<16xf32> to vector<1x16xf32>
      tpu.vector_store %arg12[%swap3A_976, %swap3A_977], %swap3A_980 {strides = array<i32>} : memref<512x32xf32, #tpu.memory_space<vmem>>, vector<1x16xf32>,
      %add3A_981 = arith.addf %scan3A_969#1, %scan3A_969#3 : vector<16xf32>
      %mul3A_982 = arith.constant 8 : i32
      %mul3A_983 = arith.muli %add3A_934, %mul3A_982 : i32
      %add3A_984 = arith.constant 1 : i32
      %add3A_985 = arith.addi %mul3A_983, %add3A_984 : i32
      %swap3A_986 = arith.index_cast %add3A_985 : i32 to index
      %swap3A_987 = arith.constant 16 : index
      %swap3A_988 = tpu.vector_load %arg12[%swap3A_986, %swap3A_987] {strides = array<i32>} : memref<512x32xf32, #tpu.memory_space<vmem>>, vector<1x16xf32>,
      %swap3A_989 = vector.shape_cast %swap3A_988 : vector<1x16xf32> to vector<16xf32>
      %swap3A_990 = vector.shape_cast %add3A_981 : vector<16xf32> to vector<1x16xf32>
      tpu.vector_store %arg12[%swap3A_986, %swap3A_987], %swap3A_990 {strides = array<i32>} : memref<512x32xf32, #tpu.memory_space<vmem>>, vector<1x16xf32>,
      %broadcast_in_dim3A_991 = arith.constant 0.000000e+00 : f32
      %broadcast_in_dim3A_992 = vector.broadcast %broadcast_in_dim3A_991 : f32 to vector<16xf32>
      %scan3A_993 = arith.constant 0 : i32
      %scan3A_994 = arith.constant 25 : i32
      %scan3A_995 = arith.addi %scan3A_993, %scan3A_994 : i32
      %scan3A_996 = arith.constant 1 : i32
      %scan3A_997:4 = scf.for %scan3A_1159 = %scan3A_993 to %scan3A_995 step %scan3A_996 iter_args(%scan3A_1160 = %broadcast_in_dim3A_992, %scan3A_1161 = %broadcast_in_dim3A_992, %scan3A_1162 = %broadcast_in_dim3A_992, %scan3A_1163 = %broadcast_in_dim3A_992) -> (vector<16xf32>, vector<16xf32>, vector<16xf32>, vector<16xf32>)  : i32 {
        %mul3A_1164 = arith.constant 8 : i32
        %mul3A_1165 = arith.muli %scan3A_1159, %mul3A_1164 : i32
        %add3A_1166 = arith.constant 400 : i32
        %add3A_1167 = arith.addi %add3A_1166, %mul3A_1165 : i32
        %add3A_1168 = arith.constant 0 : i32
        %add3A_1169 = arith.addi %add3A_1167, %add3A_1168 : i32
        %get3A = arith.index_cast %add3A_1169 : i32 to index
        %get3A_1170 = arith.constant 0 : index
        %get3A_1171 = tpu.vector_load %arg11[%get3A, %get3A_1170] {strides = array<i32>} : memref<1600x32xf32, #tpu.memory_space<vmem>>, vector<1x16xf32>,
        %get3A_1172 = vector.shape_cast %get3A_1171 : vector<1x16xf32> to vector<16xf32>
        %add3A_1173 = arith.addf %scan3A_1160, %get3A_1172 : vector<16xf32>
        %add3A_1174 = arith.constant 0 : i32
        %add3A_1175 = arith.addi %add3A_1167, %add3A_1174 : i32
        %get3A_1176 = arith.index_cast %add3A_1175 : i32 to index
        %get3A_1177 = arith.constant 16 : index
        %get3A_1178 = tpu.vector_load %arg11[%get3A_1176, %get3A_1177] {strides = array<i32>} : memref<1600x32xf32, #tpu.memory_space<vmem>>, vector<1x16xf32>,
        %get3A_1179 = vector.shape_cast %get3A_1178 : vector<1x16xf32> to vector<16xf32>
        %add3A_1180 = arith.addf %scan3A_1161, %get3A_1179 : vector<16xf32>
        %add3A_1181 = arith.constant 0 : i32
        %add3A_1182 = arith.addi %add3A_1167, %add3A_1181 : i32
        %add3A_1183 = arith.constant 1 : i32
        %add3A_1184 = arith.addi %add3A_1182, %add3A_1183 : i32
        %get3A_1185 = arith.index_cast %add3A_1184 : i32 to index
        %get3A_1186 = arith.constant 0 : index
        %get3A_1187 = tpu.vector_load %arg11[%get3A_1185, %get3A_1186] {strides = array<i32>} : memref<1600x32xf32, #tpu.memory_space<vmem>>, vector<1x16xf32>,
        %get3A_1188 = vector.shape_cast %get3A_1187 : vector<1x16xf32> to vector<16xf32>
        %add3A_1189 = arith.addf %scan3A_1162, %get3A_1188 : vector<16xf32>
        %add3A_1190 = arith.constant 0 : i32
        %add3A_1191 = arith.addi %add3A_1167, %add3A_1190 : i32
        %add3A_1192 = arith.constant 1 : i32
        %add3A_1193 = arith.addi %add3A_1191, %add3A_1192 : i32
        %get3A_1194 = arith.index_cast %add3A_1193 : i32 to index
        %get3A_1195 = arith.constant 16 : index
        %get3A_1196 = tpu.vector_load %arg11[%get3A_1194, %get3A_1195] {strides = array<i32>} : memref<1600x32xf32, #tpu.memory_space<vmem>>, vector<1x16xf32>,
        %get3A_1197 = vector.shape_cast %get3A_1196 : vector<1x16xf32> to vector<16xf32>
        %add3A_1198 = arith.addf %scan3A_1163, %get3A_1197 : vector<16xf32>
        %add3A_1199 = arith.constant 2 : i32
        %add3A_1200 = arith.addi %add3A_1167, %add3A_1199 : i32
        %get3A_1201 = arith.index_cast %add3A_1200 : i32 to index
        %get3A_1202 = arith.constant 0 : index
        %get3A_1203 = tpu.vector_load %arg11[%get3A_1201, %get3A_1202] {strides = array<i32>} : memref<1600x32xf32, #tpu.memory_space<vmem>>, vector<1x16xf32>,
        %get3A_1204 = vector.shape_cast %get3A_1203 : vector<1x16xf32> to vector<16xf32>
        %add3A_1205 = arith.addf %add3A_1173, %get3A_1204 : vector<16xf32>
        %add3A_1206 = arith.constant 2 : i32
        %add3A_1207 = arith.addi %add3A_1167, %add3A_1206 : i32
        %get3A_1208 = arith.index_cast %add3A_1207 : i32 to index
        %get3A_1209 = arith.constant 16 : index
        %get3A_1210 = tpu.vector_load %arg11[%get3A_1208, %get3A_1209] {strides = array<i32>} : memref<1600x32xf32, #tpu.memory_space<vmem>>, vector<1x16xf32>,
        %get3A_1211 = vector.shape_cast %get3A_1210 : vector<1x16xf32> to vector<16xf32>
        %add3A_1212 = arith.addf %add3A_1180, %get3A_1211 : vector<16xf32>
        %add3A_1213 = arith.constant 2 : i32
        %add3A_1214 = arith.addi %add3A_1167, %add3A_1213 : i32
        %add3A_1215 = arith.constant 1 : i32
        %add3A_1216 = arith.addi %add3A_1214, %add3A_1215 : i32
        %get3A_1217 = arith.index_cast %add3A_1216 : i32 to index
        %get3A_1218 = arith.constant 0 : index
        %get3A_1219 = tpu.vector_load %arg11[%get3A_1217, %get3A_1218] {strides = array<i32>} : memref<1600x32xf32, #tpu.memory_space<vmem>>, vector<1x16xf32>,
        %get3A_1220 = vector.shape_cast %get3A_1219 : vector<1x16xf32> to vector<16xf32>
        %add3A_1221 = arith.addf %add3A_1189, %get3A_1220 : vector<16xf32>
        %add3A_1222 = arith.constant 2 : i32
        %add3A_1223 = arith.addi %add3A_1167, %add3A_1222 : i32
        %add3A_1224 = arith.constant 1 : i32
        %add3A_1225 = arith.addi %add3A_1223, %add3A_1224 : i32
        %get3A_1226 = arith.index_cast %add3A_1225 : i32 to index
        %get3A_1227 = arith.constant 16 : index
        %get3A_1228 = tpu.vector_load %arg11[%get3A_1226, %get3A_1227] {strides = array<i32>} : memref<1600x32xf32, #tpu.memory_space<vmem>>, vector<1x16xf32>,
        %get3A_1229 = vector.shape_cast %get3A_1228 : vector<1x16xf32> to vector<16xf32>
        %add3A_1230 = arith.addf %add3A_1198, %get3A_1229 : vector<16xf32>
        %add3A_1231 = arith.constant 4 : i32
        %add3A_1232 = arith.addi %add3A_1167, %add3A_1231 : i32
        %get3A_1233 = arith.index_cast %add3A_1232 : i32 to index
        %get3A_1234 = arith.constant 0 : index
        %get3A_1235 = tpu.vector_load %arg11[%get3A_1233, %get3A_1234] {strides = array<i32>} : memref<1600x32xf32, #tpu.memory_space<vmem>>, vector<1x16xf32>,
        %get3A_1236 = vector.shape_cast %get3A_1235 : vector<1x16xf32> to vector<16xf32>
        %add3A_1237 = arith.addf %add3A_1205, %get3A_1236 : vector<16xf32>
        %add3A_1238 = arith.constant 4 : i32
        %add3A_1239 = arith.addi %add3A_1167, %add3A_1238 : i32
        %get3A_1240 = arith.index_cast %add3A_1239 : i32 to index
        %get3A_1241 = arith.constant 16 : index
        %get3A_1242 = tpu.vector_load %arg11[%get3A_1240, %get3A_1241] {strides = array<i32>} : memref<1600x32xf32, #tpu.memory_space<vmem>>, vector<1x16xf32>,
        %get3A_1243 = vector.shape_cast %get3A_1242 : vector<1x16xf32> to vector<16xf32>
        %add3A_1244 = arith.addf %add3A_1212, %get3A_1243 : vector<16xf32>
        %add3A_1245 = arith.constant 4 : i32
        %add3A_1246 = arith.addi %add3A_1167, %add3A_1245 : i32
        %add3A_1247 = arith.constant 1 : i32
        %add3A_1248 = arith.addi %add3A_1246, %add3A_1247 : i32
        %get3A_1249 = arith.index_cast %add3A_1248 : i32 to index
        %get3A_1250 = arith.constant 0 : index
        %get3A_1251 = tpu.vector_load %arg11[%get3A_1249, %get3A_1250] {strides = array<i32>} : memref<1600x32xf32, #tpu.memory_space<vmem>>, vector<1x16xf32>,
        %get3A_1252 = vector.shape_cast %get3A_1251 : vector<1x16xf32> to vector<16xf32>
        %add3A_1253 = arith.addf %add3A_1221, %get3A_1252 : vector<16xf32>
        %add3A_1254 = arith.constant 4 : i32
        %add3A_1255 = arith.addi %add3A_1167, %add3A_1254 : i32
        %add3A_1256 = arith.constant 1 : i32
        %add3A_1257 = arith.addi %add3A_1255, %add3A_1256 : i32
        %get3A_1258 = arith.index_cast %add3A_1257 : i32 to index
        %get3A_1259 = arith.constant 16 : index
        %get3A_1260 = tpu.vector_load %arg11[%get3A_1258, %get3A_1259] {strides = array<i32>} : memref<1600x32xf32, #tpu.memory_space<vmem>>, vector<1x16xf32>,
        %get3A_1261 = vector.shape_cast %get3A_1260 : vector<1x16xf32> to vector<16xf32>
        %add3A_1262 = arith.addf %add3A_1230, %get3A_1261 : vector<16xf32>
        %add3A_1263 = arith.constant 6 : i32
        %add3A_1264 = arith.addi %add3A_1167, %add3A_1263 : i32
        %get3A_1265 = arith.index_cast %add3A_1264 : i32 to index
        %get3A_1266 = arith.constant 0 : index
        %get3A_1267 = tpu.vector_load %arg11[%get3A_1265, %get3A_1266] {strides = array<i32>} : memref<1600x32xf32, #tpu.memory_space<vmem>>, vector<1x16xf32>,
        %get3A_1268 = vector.shape_cast %get3A_1267 : vector<1x16xf32> to vector<16xf32>
        %add3A_1269 = arith.addf %add3A_1237, %get3A_1268 : vector<16xf32>
        %add3A_1270 = arith.constant 6 : i32
        %add3A_1271 = arith.addi %add3A_1167, %add3A_1270 : i32
        %get3A_1272 = arith.index_cast %add3A_1271 : i32 to index
        %get3A_1273 = arith.constant 16 : index
        %get3A_1274 = tpu.vector_load %arg11[%get3A_1272, %get3A_1273] {strides = array<i32>} : memref<1600x32xf32, #tpu.memory_space<vmem>>, vector<1x16xf32>,
        %get3A_1275 = vector.shape_cast %get3A_1274 : vector<1x16xf32> to vector<16xf32>
        %add3A_1276 = arith.addf %add3A_1244, %get3A_1275 : vector<16xf32>
        %add3A_1277 = arith.constant 6 : i32
        %add3A_1278 = arith.addi %add3A_1167, %add3A_1277 : i32
        %add3A_1279 = arith.constant 1 : i32
        %add3A_1280 = arith.addi %add3A_1278, %add3A_1279 : i32
        %get3A_1281 = arith.index_cast %add3A_1280 : i32 to index
        %get3A_1282 = arith.constant 0 : index
        %get3A_1283 = tpu.vector_load %arg11[%get3A_1281, %get3A_1282] {strides = array<i32>} : memref<1600x32xf32, #tpu.memory_space<vmem>>, vector<1x16xf32>,
        %get3A_1284 = vector.shape_cast %get3A_1283 : vector<1x16xf32> to vector<16xf32>
        %add3A_1285 = arith.addf %add3A_1253, %get3A_1284 : vector<16xf32>
        %add3A_1286 = arith.constant 6 : i32
        %add3A_1287 = arith.addi %add3A_1167, %add3A_1286 : i32
        %add3A_1288 = arith.constant 1 : i32
        %add3A_1289 = arith.addi %add3A_1287, %add3A_1288 : i32
        %get3A_1290 = arith.index_cast %add3A_1289 : i32 to index
        %get3A_1291 = arith.constant 16 : index
        %get3A_1292 = tpu.vector_load %arg11[%get3A_1290, %get3A_1291] {strides = array<i32>} : memref<1600x32xf32, #tpu.memory_space<vmem>>, vector<1x16xf32>,
        %get3A_1293 = vector.shape_cast %get3A_1292 : vector<1x16xf32> to vector<16xf32>
        %add3A_1294 = arith.addf %add3A_1262, %get3A_1293 : vector<16xf32>
        scf.yield %add3A_1269, %add3A_1276, %add3A_1285, %add3A_1294 : vector<16xf32>, vector<16xf32>, vector<16xf32>, vector<16xf32>
      }
      %scan3A_998 = arith.constant 25 : i32
      %add3A_999 = arith.addf %scan3A_997#0, %scan3A_997#2 : vector<16xf32>
      %mul3A_1000 = arith.constant 8 : i32
      %mul3A_1001 = arith.muli %add3A_934, %mul3A_1000 : i32
      %add3A_1002 = arith.constant 2 : i32
      %add3A_1003 = arith.addi %mul3A_1001, %add3A_1002 : i32
      %swap3A_1004 = arith.index_cast %add3A_1003 : i32 to index
      %swap3A_1005 = arith.constant 0 : index
      %swap3A_1006 = tpu.vector_load %arg12[%swap3A_1004, %swap3A_1005] {strides = array<i32>} : memref<512x32xf32, #tpu.memory_space<vmem>>, vector<1x16xf32>,
      %swap3A_1007 = vector.shape_cast %swap3A_1006 : vector<1x16xf32> to vector<16xf32>
      %swap3A_1008 = vector.shape_cast %add3A_999 : vector<16xf32> to vector<1x16xf32>
      tpu.vector_store %arg12[%swap3A_1004, %swap3A_1005], %swap3A_1008 {strides = array<i32>} : memref<512x32xf32, #tpu.memory_space<vmem>>, vector<1x16xf32>,
      %add3A_1009 = arith.addf %scan3A_997#1, %scan3A_997#3 : vector<16xf32>
      %mul3A_1010 = arith.constant 8 : i32
      %mul3A_1011 = arith.muli %add3A_934, %mul3A_1010 : i32
      %add3A_1012 = arith.constant 2 : i32
      %add3A_1013 = arith.addi %mul3A_1011, %add3A_1012 : i32
      %swap3A_1014 = arith.index_cast %add3A_1013 : i32 to index
      %swap3A_1015 = arith.constant 16 : index
      %swap3A_1016 = tpu.vector_load %arg12[%swap3A_1014, %swap3A_1015] {strides = array<i32>} : memref<512x32xf32, #tpu.memory_space<vmem>>, vector<1x16xf32>,
      %swap3A_1017 = vector.shape_cast %swap3A_1016 : vector<1x16xf32> to vector<16xf32>
      %swap3A_1018 = vector.shape_cast %add3A_1009 : vector<16xf32> to vector<1x16xf32>
      tpu.vector_store %arg12[%swap3A_1014, %swap3A_1015], %swap3A_1018 {strides = array<i32>} : memref<512x32xf32, #tpu.memory_space<vmem>>, vector<1x16xf32>,
      %broadcast_in_dim3A_1019 = arith.constant 0.000000e+00 : f32
      %broadcast_in_dim3A_1020 = vector.broadcast %broadcast_in_dim3A_1019 : f32 to vector<16xf32>
      %scan3A_1021 = arith.constant 0 : i32
      %scan3A_1022 = arith.constant 25 : i32
      %scan3A_1023 = arith.addi %scan3A_1021, %scan3A_1022 : i32
      %scan3A_1024 = arith.constant 1 : i32
      %scan3A_1025:4 = scf.for %scan3A_1159 = %scan3A_1021 to %scan3A_1023 step %scan3A_1024 iter_args(%scan3A_1160 = %broadcast_in_dim3A_1020, %scan3A_1161 = %broadcast_in_dim3A_1020, %scan3A_1162 = %broadcast_in_dim3A_1020, %scan3A_1163 = %broadcast_in_dim3A_1020) -> (vector<16xf32>, vector<16xf32>, vector<16xf32>, vector<16xf32>)  : i32 {
        %mul3A_1164 = arith.constant 8 : i32
        %mul3A_1165 = arith.muli %scan3A_1159, %mul3A_1164 : i32
        %add3A_1166 = arith.constant 600 : i32
        %add3A_1167 = arith.addi %add3A_1166, %mul3A_1165 : i32
        %add3A_1168 = arith.constant 0 : i32
        %add3A_1169 = arith.addi %add3A_1167, %add3A_1168 : i32
        %get3A = arith.index_cast %add3A_1169 : i32 to index
        %get3A_1170 = arith.constant 0 : index
        %get3A_1171 = tpu.vector_load %arg11[%get3A, %get3A_1170] {strides = array<i32>} : memref<1600x32xf32, #tpu.memory_space<vmem>>, vector<1x16xf32>,
        %get3A_1172 = vector.shape_cast %get3A_1171 : vector<1x16xf32> to vector<16xf32>
        %add3A_1173 = arith.addf %scan3A_1160, %get3A_1172 : vector<16xf32>
        %add3A_1174 = arith.constant 0 : i32
        %add3A_1175 = arith.addi %add3A_1167, %add3A_1174 : i32
        %get3A_1176 = arith.index_cast %add3A_1175 : i32 to index
        %get3A_1177 = arith.constant 16 : index
        %get3A_1178 = tpu.vector_load %arg11[%get3A_1176, %get3A_1177] {strides = array<i32>} : memref<1600x32xf32, #tpu.memory_space<vmem>>, vector<1x16xf32>,
        %get3A_1179 = vector.shape_cast %get3A_1178 : vector<1x16xf32> to vector<16xf32>
        %add3A_1180 = arith.addf %scan3A_1161, %get3A_1179 : vector<16xf32>
        %add3A_1181 = arith.constant 0 : i32
        %add3A_1182 = arith.addi %add3A_1167, %add3A_1181 : i32
        %add3A_1183 = arith.constant 1 : i32
        %add3A_1184 = arith.addi %add3A_1182, %add3A_1183 : i32
        %get3A_1185 = arith.index_cast %add3A_1184 : i32 to index
        %get3A_1186 = arith.constant 0 : index
        %get3A_1187 = tpu.vector_load %arg11[%get3A_1185, %get3A_1186] {strides = array<i32>} : memref<1600x32xf32, #tpu.memory_space<vmem>>, vector<1x16xf32>,
        %get3A_1188 = vector.shape_cast %get3A_1187 : vector<1x16xf32> to vector<16xf32>
        %add3A_1189 = arith.addf %scan3A_1162, %get3A_1188 : vector<16xf32>
        %add3A_1190 = arith.constant 0 : i32
        %add3A_1191 = arith.addi %add3A_1167, %add3A_1190 : i32
        %add3A_1192 = arith.constant 1 : i32
        %add3A_1193 = arith.addi %add3A_1191, %add3A_1192 : i32
        %get3A_1194 = arith.index_cast %add3A_1193 : i32 to index
        %get3A_1195 = arith.constant 16 : index
        %get3A_1196 = tpu.vector_load %arg11[%get3A_1194, %get3A_1195] {strides = array<i32>} : memref<1600x32xf32, #tpu.memory_space<vmem>>, vector<1x16xf32>,
        %get3A_1197 = vector.shape_cast %get3A_1196 : vector<1x16xf32> to vector<16xf32>
        %add3A_1198 = arith.addf %scan3A_1163, %get3A_1197 : vector<16xf32>
        %add3A_1199 = arith.constant 2 : i32
        %add3A_1200 = arith.addi %add3A_1167, %add3A_1199 : i32
        %get3A_1201 = arith.index_cast %add3A_1200 : i32 to index
        %get3A_1202 = arith.constant 0 : index
        %get3A_1203 = tpu.vector_load %arg11[%get3A_1201, %get3A_1202] {strides = array<i32>} : memref<1600x32xf32, #tpu.memory_space<vmem>>, vector<1x16xf32>,
        %get3A_1204 = vector.shape_cast %get3A_1203 : vector<1x16xf32> to vector<16xf32>
        %add3A_1205 = arith.addf %add3A_1173, %get3A_1204 : vector<16xf32>
        %add3A_1206 = arith.constant 2 : i32
        %add3A_1207 = arith.addi %add3A_1167, %add3A_1206 : i32
        %get3A_1208 = arith.index_cast %add3A_1207 : i32 to index
        %get3A_1209 = arith.constant 16 : index
        %get3A_1210 = tpu.vector_load %arg11[%get3A_1208, %get3A_1209] {strides = array<i32>} : memref<1600x32xf32, #tpu.memory_space<vmem>>, vector<1x16xf32>,
        %get3A_1211 = vector.shape_cast %get3A_1210 : vector<1x16xf32> to vector<16xf32>
        %add3A_1212 = arith.addf %add3A_1180, %get3A_1211 : vector<16xf32>
        %add3A_1213 = arith.constant 2 : i32
        %add3A_1214 = arith.addi %add3A_1167, %add3A_1213 : i32
        %add3A_1215 = arith.constant 1 : i32
        %add3A_1216 = arith.addi %add3A_1214, %add3A_1215 : i32
        %get3A_1217 = arith.index_cast %add3A_1216 : i32 to index
        %get3A_1218 = arith.constant 0 : index
        %get3A_1219 = tpu.vector_load %arg11[%get3A_1217, %get3A_1218] {strides = array<i32>} : memref<1600x32xf32, #tpu.memory_space<vmem>>, vector<1x16xf32>,
        %get3A_1220 = vector.shape_cast %get3A_1219 : vector<1x16xf32> to vector<16xf32>
        %add3A_1221 = arith.addf %add3A_1189, %get3A_1220 : vector<16xf32>
        %add3A_1222 = arith.constant 2 : i32
        %add3A_1223 = arith.addi %add3A_1167, %add3A_1222 : i32
        %add3A_1224 = arith.constant 1 : i32
        %add3A_1225 = arith.addi %add3A_1223, %add3A_1224 : i32
        %get3A_1226 = arith.index_cast %add3A_1225 : i32 to index
        %get3A_1227 = arith.constant 16 : index
        %get3A_1228 = tpu.vector_load %arg11[%get3A_1226, %get3A_1227] {strides = array<i32>} : memref<1600x32xf32, #tpu.memory_space<vmem>>, vector<1x16xf32>,
        %get3A_1229 = vector.shape_cast %get3A_1228 : vector<1x16xf32> to vector<16xf32>
        %add3A_1230 = arith.addf %add3A_1198, %get3A_1229 : vector<16xf32>
        %add3A_1231 = arith.constant 4 : i32
        %add3A_1232 = arith.addi %add3A_1167, %add3A_1231 : i32
        %get3A_1233 = arith.index_cast %add3A_1232 : i32 to index
        %get3A_1234 = arith.constant 0 : index
        %get3A_1235 = tpu.vector_load %arg11[%get3A_1233, %get3A_1234] {strides = array<i32>} : memref<1600x32xf32, #tpu.memory_space<vmem>>, vector<1x16xf32>,
        %get3A_1236 = vector.shape_cast %get3A_1235 : vector<1x16xf32> to vector<16xf32>
        %add3A_1237 = arith.addf %add3A_1205, %get3A_1236 : vector<16xf32>
        %add3A_1238 = arith.constant 4 : i32
        %add3A_1239 = arith.addi %add3A_1167, %add3A_1238 : i32
        %get3A_1240 = arith.index_cast %add3A_1239 : i32 to index
        %get3A_1241 = arith.constant 16 : index
        %get3A_1242 = tpu.vector_load %arg11[%get3A_1240, %get3A_1241] {strides = array<i32>} : memref<1600x32xf32, #tpu.memory_space<vmem>>, vector<1x16xf32>,
        %get3A_1243 = vector.shape_cast %get3A_1242 : vector<1x16xf32> to vector<16xf32>
        %add3A_1244 = arith.addf %add3A_1212, %get3A_1243 : vector<16xf32>
        %add3A_1245 = arith.constant 4 : i32
        %add3A_1246 = arith.addi %add3A_1167, %add3A_1245 : i32
        %add3A_1247 = arith.constant 1 : i32
        %add3A_1248 = arith.addi %add3A_1246, %add3A_1247 : i32
        %get3A_1249 = arith.index_cast %add3A_1248 : i32 to index
        %get3A_1250 = arith.constant 0 : index
        %get3A_1251 = tpu.vector_load %arg11[%get3A_1249, %get3A_1250] {strides = array<i32>} : memref<1600x32xf32, #tpu.memory_space<vmem>>, vector<1x16xf32>,
        %get3A_1252 = vector.shape_cast %get3A_1251 : vector<1x16xf32> to vector<16xf32>
        %add3A_1253 = arith.addf %add3A_1221, %get3A_1252 : vector<16xf32>
        %add3A_1254 = arith.constant 4 : i32
        %add3A_1255 = arith.addi %add3A_1167, %add3A_1254 : i32
        %add3A_1256 = arith.constant 1 : i32
        %add3A_1257 = arith.addi %add3A_1255, %add3A_1256 : i32
        %get3A_1258 = arith.index_cast %add3A_1257 : i32 to index
        %get3A_1259 = arith.constant 16 : index
        %get3A_1260 = tpu.vector_load %arg11[%get3A_1258, %get3A_1259] {strides = array<i32>} : memref<1600x32xf32, #tpu.memory_space<vmem>>, vector<1x16xf32>,
        %get3A_1261 = vector.shape_cast %get3A_1260 : vector<1x16xf32> to vector<16xf32>
        %add3A_1262 = arith.addf %add3A_1230, %get3A_1261 : vector<16xf32>
        %add3A_1263 = arith.constant 6 : i32
        %add3A_1264 = arith.addi %add3A_1167, %add3A_1263 : i32
        %get3A_1265 = arith.index_cast %add3A_1264 : i32 to index
        %get3A_1266 = arith.constant 0 : index
        %get3A_1267 = tpu.vector_load %arg11[%get3A_1265, %get3A_1266] {strides = array<i32>} : memref<1600x32xf32, #tpu.memory_space<vmem>>, vector<1x16xf32>,
        %get3A_1268 = vector.shape_cast %get3A_1267 : vector<1x16xf32> to vector<16xf32>
        %add3A_1269 = arith.addf %add3A_1237, %get3A_1268 : vector<16xf32>
        %add3A_1270 = arith.constant 6 : i32
        %add3A_1271 = arith.addi %add3A_1167, %add3A_1270 : i32
        %get3A_1272 = arith.index_cast %add3A_1271 : i32 to index
        %get3A_1273 = arith.constant 16 : index
        %get3A_1274 = tpu.vector_load %arg11[%get3A_1272, %get3A_1273] {strides = array<i32>} : memref<1600x32xf32, #tpu.memory_space<vmem>>, vector<1x16xf32>,
        %get3A_1275 = vector.shape_cast %get3A_1274 : vector<1x16xf32> to vector<16xf32>
        %add3A_1276 = arith.addf %add3A_1244, %get3A_1275 : vector<16xf32>
        %add3A_1277 = arith.constant 6 : i32
        %add3A_1278 = arith.addi %add3A_1167, %add3A_1277 : i32
        %add3A_1279 = arith.constant 1 : i32
        %add3A_1280 = arith.addi %add3A_1278, %add3A_1279 : i32
        %get3A_1281 = arith.index_cast %add3A_1280 : i32 to index
        %get3A_1282 = arith.constant 0 : index
        %get3A_1283 = tpu.vector_load %arg11[%get3A_1281, %get3A_1282] {strides = array<i32>} : memref<1600x32xf32, #tpu.memory_space<vmem>>, vector<1x16xf32>,
        %get3A_1284 = vector.shape_cast %get3A_1283 : vector<1x16xf32> to vector<16xf32>
        %add3A_1285 = arith.addf %add3A_1253, %get3A_1284 : vector<16xf32>
        %add3A_1286 = arith.constant 6 : i32
        %add3A_1287 = arith.addi %add3A_1167, %add3A_1286 : i32
        %add3A_1288 = arith.constant 1 : i32
        %add3A_1289 = arith.addi %add3A_1287, %add3A_1288 : i32
        %get3A_1290 = arith.index_cast %add3A_1289 : i32 to index
        %get3A_1291 = arith.constant 16 : index
        %get3A_1292 = tpu.vector_load %arg11[%get3A_1290, %get3A_1291] {strides = array<i32>} : memref<1600x32xf32, #tpu.memory_space<vmem>>, vector<1x16xf32>,
        %get3A_1293 = vector.shape_cast %get3A_1292 : vector<1x16xf32> to vector<16xf32>
        %add3A_1294 = arith.addf %add3A_1262, %get3A_1293 : vector<16xf32>
        scf.yield %add3A_1269, %add3A_1276, %add3A_1285, %add3A_1294 : vector<16xf32>, vector<16xf32>, vector<16xf32>, vector<16xf32>
      }
      %scan3A_1026 = arith.constant 25 : i32
      %add3A_1027 = arith.addf %scan3A_1025#0, %scan3A_1025#2 : vector<16xf32>
      %mul3A_1028 = arith.constant 8 : i32
      %mul3A_1029 = arith.muli %add3A_934, %mul3A_1028 : i32
      %add3A_1030 = arith.constant 3 : i32
      %add3A_1031 = arith.addi %mul3A_1029, %add3A_1030 : i32
      %swap3A_1032 = arith.index_cast %add3A_1031 : i32 to index
      %swap3A_1033 = arith.constant 0 : index
      %swap3A_1034 = tpu.vector_load %arg12[%swap3A_1032, %swap3A_1033] {strides = array<i32>} : memref<512x32xf32, #tpu.memory_space<vmem>>, vector<1x16xf32>,
      %swap3A_1035 = vector.shape_cast %swap3A_1034 : vector<1x16xf32> to vector<16xf32>
      %swap3A_1036 = vector.shape_cast %add3A_1027 : vector<16xf32> to vector<1x16xf32>
      tpu.vector_store %arg12[%swap3A_1032, %swap3A_1033], %swap3A_1036 {strides = array<i32>} : memref<512x32xf32, #tpu.memory_space<vmem>>, vector<1x16xf32>,
      %add3A_1037 = arith.addf %scan3A_1025#1, %scan3A_1025#3 : vector<16xf32>
      %mul3A_1038 = arith.constant 8 : i32
      %mul3A_1039 = arith.muli %add3A_934, %mul3A_1038 : i32
      %add3A_1040 = arith.constant 3 : i32
      %add3A_1041 = arith.addi %mul3A_1039, %add3A_1040 : i32
      %swap3A_1042 = arith.index_cast %add3A_1041 : i32 to index
      %swap3A_1043 = arith.constant 16 : index
      %swap3A_1044 = tpu.vector_load %arg12[%swap3A_1042, %swap3A_1043] {strides = array<i32>} : memref<512x32xf32, #tpu.memory_space<vmem>>, vector<1x16xf32>,
      %swap3A_1045 = vector.shape_cast %swap3A_1044 : vector<1x16xf32> to vector<16xf32>
      %swap3A_1046 = vector.shape_cast %add3A_1037 : vector<16xf32> to vector<1x16xf32>
      tpu.vector_store %arg12[%swap3A_1042, %swap3A_1043], %swap3A_1046 {strides = array<i32>} : memref<512x32xf32, #tpu.memory_space<vmem>>, vector<1x16xf32>,
      %broadcast_in_dim3A_1047 = arith.constant 0.000000e+00 : f32
      %broadcast_in_dim3A_1048 = vector.broadcast %broadcast_in_dim3A_1047 : f32 to vector<16xf32>
      %scan3A_1049 = arith.constant 0 : i32
      %scan3A_1050 = arith.constant 25 : i32
      %scan3A_1051 = arith.addi %scan3A_1049, %scan3A_1050 : i32
      %scan3A_1052 = arith.constant 1 : i32
      %scan3A_1053:4 = scf.for %scan3A_1159 = %scan3A_1049 to %scan3A_1051 step %scan3A_1052 iter_args(%scan3A_1160 = %broadcast_in_dim3A_1048, %scan3A_1161 = %broadcast_in_dim3A_1048, %scan3A_1162 = %broadcast_in_dim3A_1048, %scan3A_1163 = %broadcast_in_dim3A_1048) -> (vector<16xf32>, vector<16xf32>, vector<16xf32>, vector<16xf32>)  : i32 {
        %mul3A_1164 = arith.constant 8 : i32
        %mul3A_1165 = arith.muli %scan3A_1159, %mul3A_1164 : i32
        %add3A_1166 = arith.constant 800 : i32
        %add3A_1167 = arith.addi %add3A_1166, %mul3A_1165 : i32
        %add3A_1168 = arith.constant 0 : i32
        %add3A_1169 = arith.addi %add3A_1167, %add3A_1168 : i32
        %get3A = arith.index_cast %add3A_1169 : i32 to index
        %get3A_1170 = arith.constant 0 : index
        %get3A_1171 = tpu.vector_load %arg11[%get3A, %get3A_1170] {strides = array<i32>} : memref<1600x32xf32, #tpu.memory_space<vmem>>, vector<1x16xf32>,
        %get3A_1172 = vector.shape_cast %get3A_1171 : vector<1x16xf32> to vector<16xf32>
        %add3A_1173 = arith.addf %scan3A_1160, %get3A_1172 : vector<16xf32>
        %add3A_1174 = arith.constant 0 : i32
        %add3A_1175 = arith.addi %add3A_1167, %add3A_1174 : i32
        %get3A_1176 = arith.index_cast %add3A_1175 : i32 to index
        %get3A_1177 = arith.constant 16 : index
        %get3A_1178 = tpu.vector_load %arg11[%get3A_1176, %get3A_1177] {strides = array<i32>} : memref<1600x32xf32, #tpu.memory_space<vmem>>, vector<1x16xf32>,
        %get3A_1179 = vector.shape_cast %get3A_1178 : vector<1x16xf32> to vector<16xf32>
        %add3A_1180 = arith.addf %scan3A_1161, %get3A_1179 : vector<16xf32>
        %add3A_1181 = arith.constant 0 : i32
        %add3A_1182 = arith.addi %add3A_1167, %add3A_1181 : i32
        %add3A_1183 = arith.constant 1 : i32
        %add3A_1184 = arith.addi %add3A_1182, %add3A_1183 : i32
        %get3A_1185 = arith.index_cast %add3A_1184 : i32 to index
        %get3A_1186 = arith.constant 0 : index
        %get3A_1187 = tpu.vector_load %arg11[%get3A_1185, %get3A_1186] {strides = array<i32>} : memref<1600x32xf32, #tpu.memory_space<vmem>>, vector<1x16xf32>,
        %get3A_1188 = vector.shape_cast %get3A_1187 : vector<1x16xf32> to vector<16xf32>
        %add3A_1189 = arith.addf %scan3A_1162, %get3A_1188 : vector<16xf32>
        %add3A_1190 = arith.constant 0 : i32
        %add3A_1191 = arith.addi %add3A_1167, %add3A_1190 : i32
        %add3A_1192 = arith.constant 1 : i32
        %add3A_1193 = arith.addi %add3A_1191, %add3A_1192 : i32
        %get3A_1194 = arith.index_cast %add3A_1193 : i32 to index
        %get3A_1195 = arith.constant 16 : index
        %get3A_1196 = tpu.vector_load %arg11[%get3A_1194, %get3A_1195] {strides = array<i32>} : memref<1600x32xf32, #tpu.memory_space<vmem>>, vector<1x16xf32>,
        %get3A_1197 = vector.shape_cast %get3A_1196 : vector<1x16xf32> to vector<16xf32>
        %add3A_1198 = arith.addf %scan3A_1163, %get3A_1197 : vector<16xf32>
        %add3A_1199 = arith.constant 2 : i32
        %add3A_1200 = arith.addi %add3A_1167, %add3A_1199 : i32
        %get3A_1201 = arith.index_cast %add3A_1200 : i32 to index
        %get3A_1202 = arith.constant 0 : index
        %get3A_1203 = tpu.vector_load %arg11[%get3A_1201, %get3A_1202] {strides = array<i32>} : memref<1600x32xf32, #tpu.memory_space<vmem>>, vector<1x16xf32>,
        %get3A_1204 = vector.shape_cast %get3A_1203 : vector<1x16xf32> to vector<16xf32>
        %add3A_1205 = arith.addf %add3A_1173, %get3A_1204 : vector<16xf32>
        %add3A_1206 = arith.constant 2 : i32
        %add3A_1207 = arith.addi %add3A_1167, %add3A_1206 : i32
        %get3A_1208 = arith.index_cast %add3A_1207 : i32 to index
        %get3A_1209 = arith.constant 16 : index
        %get3A_1210 = tpu.vector_load %arg11[%get3A_1208, %get3A_1209] {strides = array<i32>} : memref<1600x32xf32, #tpu.memory_space<vmem>>, vector<1x16xf32>,
        %get3A_1211 = vector.shape_cast %get3A_1210 : vector<1x16xf32> to vector<16xf32>
        %add3A_1212 = arith.addf %add3A_1180, %get3A_1211 : vector<16xf32>
        %add3A_1213 = arith.constant 2 : i32
        %add3A_1214 = arith.addi %add3A_1167, %add3A_1213 : i32
        %add3A_1215 = arith.constant 1 : i32
        %add3A_1216 = arith.addi %add3A_1214, %add3A_1215 : i32
        %get3A_1217 = arith.index_cast %add3A_1216 : i32 to index
        %get3A_1218 = arith.constant 0 : index
        %get3A_1219 = tpu.vector_load %arg11[%get3A_1217, %get3A_1218] {strides = array<i32>} : memref<1600x32xf32, #tpu.memory_space<vmem>>, vector<1x16xf32>,
        %get3A_1220 = vector.shape_cast %get3A_1219 : vector<1x16xf32> to vector<16xf32>
        %add3A_1221 = arith.addf %add3A_1189, %get3A_1220 : vector<16xf32>
        %add3A_1222 = arith.constant 2 : i32
        %add3A_1223 = arith.addi %add3A_1167, %add3A_1222 : i32
        %add3A_1224 = arith.constant 1 : i32
        %add3A_1225 = arith.addi %add3A_1223, %add3A_1224 : i32
        %get3A_1226 = arith.index_cast %add3A_1225 : i32 to index
        %get3A_1227 = arith.constant 16 : index
        %get3A_1228 = tpu.vector_load %arg11[%get3A_1226, %get3A_1227] {strides = array<i32>} : memref<1600x32xf32, #tpu.memory_space<vmem>>, vector<1x16xf32>,
        %get3A_1229 = vector.shape_cast %get3A_1228 : vector<1x16xf32> to vector<16xf32>
        %add3A_1230 = arith.addf %add3A_1198, %get3A_1229 : vector<16xf32>
        %add3A_1231 = arith.constant 4 : i32
        %add3A_1232 = arith.addi %add3A_1167, %add3A_1231 : i32
        %get3A_1233 = arith.index_cast %add3A_1232 : i32 to index
        %get3A_1234 = arith.constant 0 : index
        %get3A_1235 = tpu.vector_load %arg11[%get3A_1233, %get3A_1234] {strides = array<i32>} : memref<1600x32xf32, #tpu.memory_space<vmem>>, vector<1x16xf32>,
        %get3A_1236 = vector.shape_cast %get3A_1235 : vector<1x16xf32> to vector<16xf32>
        %add3A_1237 = arith.addf %add3A_1205, %get3A_1236 : vector<16xf32>
        %add3A_1238 = arith.constant 4 : i32
        %add3A_1239 = arith.addi %add3A_1167, %add3A_1238 : i32
        %get3A_1240 = arith.index_cast %add3A_1239 : i32 to index
        %get3A_1241 = arith.constant 16 : index
        %get3A_1242 = tpu.vector_load %arg11[%get3A_1240, %get3A_1241] {strides = array<i32>} : memref<1600x32xf32, #tpu.memory_space<vmem>>, vector<1x16xf32>,
        %get3A_1243 = vector.shape_cast %get3A_1242 : vector<1x16xf32> to vector<16xf32>
        %add3A_1244 = arith.addf %add3A_1212, %get3A_1243 : vector<16xf32>
        %add3A_1245 = arith.constant 4 : i32
        %add3A_1246 = arith.addi %add3A_1167, %add3A_1245 : i32
        %add3A_1247 = arith.constant 1 : i32
        %add3A_1248 = arith.addi %add3A_1246, %add3A_1247 : i32
        %get3A_1249 = arith.index_cast %add3A_1248 : i32 to index
        %get3A_1250 = arith.constant 0 : index
        %get3A_1251 = tpu.vector_load %arg11[%get3A_1249, %get3A_1250] {strides = array<i32>} : memref<1600x32xf32, #tpu.memory_space<vmem>>, vector<1x16xf32>,
        %get3A_1252 = vector.shape_cast %get3A_1251 : vector<1x16xf32> to vector<16xf32>
        %add3A_1253 = arith.addf %add3A_1221, %get3A_1252 : vector<16xf32>
        %add3A_1254 = arith.constant 4 : i32
        %add3A_1255 = arith.addi %add3A_1167, %add3A_1254 : i32
        %add3A_1256 = arith.constant 1 : i32
        %add3A_1257 = arith.addi %add3A_1255, %add3A_1256 : i32
        %get3A_1258 = arith.index_cast %add3A_1257 : i32 to index
        %get3A_1259 = arith.constant 16 : index
        %get3A_1260 = tpu.vector_load %arg11[%get3A_1258, %get3A_1259] {strides = array<i32>} : memref<1600x32xf32, #tpu.memory_space<vmem>>, vector<1x16xf32>,
        %get3A_1261 = vector.shape_cast %get3A_1260 : vector<1x16xf32> to vector<16xf32>
        %add3A_1262 = arith.addf %add3A_1230, %get3A_1261 : vector<16xf32>
        %add3A_1263 = arith.constant 6 : i32
        %add3A_1264 = arith.addi %add3A_1167, %add3A_1263 : i32
        %get3A_1265 = arith.index_cast %add3A_1264 : i32 to index
        %get3A_1266 = arith.constant 0 : index
        %get3A_1267 = tpu.vector_load %arg11[%get3A_1265, %get3A_1266] {strides = array<i32>} : memref<1600x32xf32, #tpu.memory_space<vmem>>, vector<1x16xf32>,
        %get3A_1268 = vector.shape_cast %get3A_1267 : vector<1x16xf32> to vector<16xf32>
        %add3A_1269 = arith.addf %add3A_1237, %get3A_1268 : vector<16xf32>
        %add3A_1270 = arith.constant 6 : i32
        %add3A_1271 = arith.addi %add3A_1167, %add3A_1270 : i32
        %get3A_1272 = arith.index_cast %add3A_1271 : i32 to index
        %get3A_1273 = arith.constant 16 : index
        %get3A_1274 = tpu.vector_load %arg11[%get3A_1272, %get3A_1273] {strides = array<i32>} : memref<1600x32xf32, #tpu.memory_space<vmem>>, vector<1x16xf32>,
        %get3A_1275 = vector.shape_cast %get3A_1274 : vector<1x16xf32> to vector<16xf32>
        %add3A_1276 = arith.addf %add3A_1244, %get3A_1275 : vector<16xf32>
        %add3A_1277 = arith.constant 6 : i32
        %add3A_1278 = arith.addi %add3A_1167, %add3A_1277 : i32
        %add3A_1279 = arith.constant 1 : i32
        %add3A_1280 = arith.addi %add3A_1278, %add3A_1279 : i32
        %get3A_1281 = arith.index_cast %add3A_1280 : i32 to index
        %get3A_1282 = arith.constant 0 : index
        %get3A_1283 = tpu.vector_load %arg11[%get3A_1281, %get3A_1282] {strides = array<i32>} : memref<1600x32xf32, #tpu.memory_space<vmem>>, vector<1x16xf32>,
        %get3A_1284 = vector.shape_cast %get3A_1283 : vector<1x16xf32> to vector<16xf32>
        %add3A_1285 = arith.addf %add3A_1253, %get3A_1284 : vector<16xf32>
        %add3A_1286 = arith.constant 6 : i32
        %add3A_1287 = arith.addi %add3A_1167, %add3A_1286 : i32
        %add3A_1288 = arith.constant 1 : i32
        %add3A_1289 = arith.addi %add3A_1287, %add3A_1288 : i32
        %get3A_1290 = arith.index_cast %add3A_1289 : i32 to index
        %get3A_1291 = arith.constant 16 : index
        %get3A_1292 = tpu.vector_load %arg11[%get3A_1290, %get3A_1291] {strides = array<i32>} : memref<1600x32xf32, #tpu.memory_space<vmem>>, vector<1x16xf32>,
        %get3A_1293 = vector.shape_cast %get3A_1292 : vector<1x16xf32> to vector<16xf32>
        %add3A_1294 = arith.addf %add3A_1262, %get3A_1293 : vector<16xf32>
        scf.yield %add3A_1269, %add3A_1276, %add3A_1285, %add3A_1294 : vector<16xf32>, vector<16xf32>, vector<16xf32>, vector<16xf32>
      }
      %scan3A_1054 = arith.constant 25 : i32
      %add3A_1055 = arith.addf %scan3A_1053#0, %scan3A_1053#2 : vector<16xf32>
      %mul3A_1056 = arith.constant 8 : i32
      %mul3A_1057 = arith.muli %add3A_934, %mul3A_1056 : i32
      %add3A_1058 = arith.constant 4 : i32
      %add3A_1059 = arith.addi %mul3A_1057, %add3A_1058 : i32
      %swap3A_1060 = arith.index_cast %add3A_1059 : i32 to index
      %swap3A_1061 = arith.constant 0 : index
      %swap3A_1062 = tpu.vector_load %arg12[%swap3A_1060, %swap3A_1061] {strides = array<i32>} : memref<512x32xf32, #tpu.memory_space<vmem>>, vector<1x16xf32>,
      %swap3A_1063 = vector.shape_cast %swap3A_1062 : vector<1x16xf32> to vector<16xf32>
      %swap3A_1064 = vector.shape_cast %add3A_1055 : vector<16xf32> to vector<1x16xf32>
      tpu.vector_store %arg12[%swap3A_1060, %swap3A_1061], %swap3A_1064 {strides = array<i32>} : memref<512x32xf32, #tpu.memory_space<vmem>>, vector<1x16xf32>,
      %add3A_1065 = arith.addf %scan3A_1053#1, %scan3A_1053#3 : vector<16xf32>
      %mul3A_1066 = arith.constant 8 : i32
      %mul3A_1067 = arith.muli %add3A_934, %mul3A_1066 : i32
      %add3A_1068 = arith.constant 4 : i32
      %add3A_1069 = arith.addi %mul3A_1067, %add3A_1068 : i32
      %swap3A_1070 = arith.index_cast %add3A_1069 : i32 to index
      %swap3A_1071 = arith.constant 16 : index
      %swap3A_1072 = tpu.vector_load %arg12[%swap3A_1070, %swap3A_1071] {strides = array<i32>} : memref<512x32xf32, #tpu.memory_space<vmem>>, vector<1x16xf32>,
      %swap3A_1073 = vector.shape_cast %swap3A_1072 : vector<1x16xf32> to vector<16xf32>
      %swap3A_1074 = vector.shape_cast %add3A_1065 : vector<16xf32> to vector<1x16xf32>
      tpu.vector_store %arg12[%swap3A_1070, %swap3A_1071], %swap3A_1074 {strides = array<i32>} : memref<512x32xf32, #tpu.memory_space<vmem>>, vector<1x16xf32>,
      %broadcast_in_dim3A_1075 = arith.constant 0.000000e+00 : f32
      %broadcast_in_dim3A_1076 = vector.broadcast %broadcast_in_dim3A_1075 : f32 to vector<16xf32>
      %scan3A_1077 = arith.constant 0 : i32
      %scan3A_1078 = arith.constant 25 : i32
      %scan3A_1079 = arith.addi %scan3A_1077, %scan3A_1078 : i32
      %scan3A_1080 = arith.constant 1 : i32
      %scan3A_1081:4 = scf.for %scan3A_1159 = %scan3A_1077 to %scan3A_1079 step %scan3A_1080 iter_args(%scan3A_1160 = %broadcast_in_dim3A_1076, %scan3A_1161 = %broadcast_in_dim3A_1076, %scan3A_1162 = %broadcast_in_dim3A_1076, %scan3A_1163 = %broadcast_in_dim3A_1076) -> (vector<16xf32>, vector<16xf32>, vector<16xf32>, vector<16xf32>)  : i32 {
        %mul3A_1164 = arith.constant 8 : i32
        %mul3A_1165 = arith.muli %scan3A_1159, %mul3A_1164 : i32
        %add3A_1166 = arith.constant 1000 : i32
        %add3A_1167 = arith.addi %add3A_1166, %mul3A_1165 : i32
        %add3A_1168 = arith.constant 0 : i32
        %add3A_1169 = arith.addi %add3A_1167, %add3A_1168 : i32
        %get3A = arith.index_cast %add3A_1169 : i32 to index
        %get3A_1170 = arith.constant 0 : index
        %get3A_1171 = tpu.vector_load %arg11[%get3A, %get3A_1170] {strides = array<i32>} : memref<1600x32xf32, #tpu.memory_space<vmem>>, vector<1x16xf32>,
        %get3A_1172 = vector.shape_cast %get3A_1171 : vector<1x16xf32> to vector<16xf32>
        %add3A_1173 = arith.addf %scan3A_1160, %get3A_1172 : vector<16xf32>
        %add3A_1174 = arith.constant 0 : i32
        %add3A_1175 = arith.addi %add3A_1167, %add3A_1174 : i32
        %get3A_1176 = arith.index_cast %add3A_1175 : i32 to index
        %get3A_1177 = arith.constant 16 : index
        %get3A_1178 = tpu.vector_load %arg11[%get3A_1176, %get3A_1177] {strides = array<i32>} : memref<1600x32xf32, #tpu.memory_space<vmem>>, vector<1x16xf32>,
        %get3A_1179 = vector.shape_cast %get3A_1178 : vector<1x16xf32> to vector<16xf32>
        %add3A_1180 = arith.addf %scan3A_1161, %get3A_1179 : vector<16xf32>
        %add3A_1181 = arith.constant 0 : i32
        %add3A_1182 = arith.addi %add3A_1167, %add3A_1181 : i32
        %add3A_1183 = arith.constant 1 : i32
        %add3A_1184 = arith.addi %add3A_1182, %add3A_1183 : i32
        %get3A_1185 = arith.index_cast %add3A_1184 : i32 to index
        %get3A_1186 = arith.constant 0 : index
        %get3A_1187 = tpu.vector_load %arg11[%get3A_1185, %get3A_1186] {strides = array<i32>} : memref<1600x32xf32, #tpu.memory_space<vmem>>, vector<1x16xf32>,
        %get3A_1188 = vector.shape_cast %get3A_1187 : vector<1x16xf32> to vector<16xf32>
        %add3A_1189 = arith.addf %scan3A_1162, %get3A_1188 : vector<16xf32>
        %add3A_1190 = arith.constant 0 : i32
        %add3A_1191 = arith.addi %add3A_1167, %add3A_1190 : i32
        %add3A_1192 = arith.constant 1 : i32
        %add3A_1193 = arith.addi %add3A_1191, %add3A_1192 : i32
        %get3A_1194 = arith.index_cast %add3A_1193 : i32 to index
        %get3A_1195 = arith.constant 16 : index
        %get3A_1196 = tpu.vector_load %arg11[%get3A_1194, %get3A_1195] {strides = array<i32>} : memref<1600x32xf32, #tpu.memory_space<vmem>>, vector<1x16xf32>,
        %get3A_1197 = vector.shape_cast %get3A_1196 : vector<1x16xf32> to vector<16xf32>
        %add3A_1198 = arith.addf %scan3A_1163, %get3A_1197 : vector<16xf32>
        %add3A_1199 = arith.constant 2 : i32
        %add3A_1200 = arith.addi %add3A_1167, %add3A_1199 : i32
        %get3A_1201 = arith.index_cast %add3A_1200 : i32 to index
        %get3A_1202 = arith.constant 0 : index
        %get3A_1203 = tpu.vector_load %arg11[%get3A_1201, %get3A_1202] {strides = array<i32>} : memref<1600x32xf32, #tpu.memory_space<vmem>>, vector<1x16xf32>,
        %get3A_1204 = vector.shape_cast %get3A_1203 : vector<1x16xf32> to vector<16xf32>
        %add3A_1205 = arith.addf %add3A_1173, %get3A_1204 : vector<16xf32>
        %add3A_1206 = arith.constant 2 : i32
        %add3A_1207 = arith.addi %add3A_1167, %add3A_1206 : i32
        %get3A_1208 = arith.index_cast %add3A_1207 : i32 to index
        %get3A_1209 = arith.constant 16 : index
        %get3A_1210 = tpu.vector_load %arg11[%get3A_1208, %get3A_1209] {strides = array<i32>} : memref<1600x32xf32, #tpu.memory_space<vmem>>, vector<1x16xf32>,
        %get3A_1211 = vector.shape_cast %get3A_1210 : vector<1x16xf32> to vector<16xf32>
        %add3A_1212 = arith.addf %add3A_1180, %get3A_1211 : vector<16xf32>
        %add3A_1213 = arith.constant 2 : i32
        %add3A_1214 = arith.addi %add3A_1167, %add3A_1213 : i32
        %add3A_1215 = arith.constant 1 : i32
        %add3A_1216 = arith.addi %add3A_1214, %add3A_1215 : i32
        %get3A_1217 = arith.index_cast %add3A_1216 : i32 to index
        %get3A_1218 = arith.constant 0 : index
        %get3A_1219 = tpu.vector_load %arg11[%get3A_1217, %get3A_1218] {strides = array<i32>} : memref<1600x32xf32, #tpu.memory_space<vmem>>, vector<1x16xf32>,
        %get3A_1220 = vector.shape_cast %get3A_1219 : vector<1x16xf32> to vector<16xf32>
        %add3A_1221 = arith.addf %add3A_1189, %get3A_1220 : vector<16xf32>
        %add3A_1222 = arith.constant 2 : i32
        %add3A_1223 = arith.addi %add3A_1167, %add3A_1222 : i32
        %add3A_1224 = arith.constant 1 : i32
        %add3A_1225 = arith.addi %add3A_1223, %add3A_1224 : i32
        %get3A_1226 = arith.index_cast %add3A_1225 : i32 to index
        %get3A_1227 = arith.constant 16 : index
        %get3A_1228 = tpu.vector_load %arg11[%get3A_1226, %get3A_1227] {strides = array<i32>} : memref<1600x32xf32, #tpu.memory_space<vmem>>, vector<1x16xf32>,
        %get3A_1229 = vector.shape_cast %get3A_1228 : vector<1x16xf32> to vector<16xf32>
        %add3A_1230 = arith.addf %add3A_1198, %get3A_1229 : vector<16xf32>
        %add3A_1231 = arith.constant 4 : i32
        %add3A_1232 = arith.addi %add3A_1167, %add3A_1231 : i32
        %get3A_1233 = arith.index_cast %add3A_1232 : i32 to index
        %get3A_1234 = arith.constant 0 : index
        %get3A_1235 = tpu.vector_load %arg11[%get3A_1233, %get3A_1234] {strides = array<i32>} : memref<1600x32xf32, #tpu.memory_space<vmem>>, vector<1x16xf32>,
        %get3A_1236 = vector.shape_cast %get3A_1235 : vector<1x16xf32> to vector<16xf32>
        %add3A_1237 = arith.addf %add3A_1205, %get3A_1236 : vector<16xf32>
        %add3A_1238 = arith.constant 4 : i32
        %add3A_1239 = arith.addi %add3A_1167, %add3A_1238 : i32
        %get3A_1240 = arith.index_cast %add3A_1239 : i32 to index
        %get3A_1241 = arith.constant 16 : index
        %get3A_1242 = tpu.vector_load %arg11[%get3A_1240, %get3A_1241] {strides = array<i32>} : memref<1600x32xf32, #tpu.memory_space<vmem>>, vector<1x16xf32>,
        %get3A_1243 = vector.shape_cast %get3A_1242 : vector<1x16xf32> to vector<16xf32>
        %add3A_1244 = arith.addf %add3A_1212, %get3A_1243 : vector<16xf32>
        %add3A_1245 = arith.constant 4 : i32
        %add3A_1246 = arith.addi %add3A_1167, %add3A_1245 : i32
        %add3A_1247 = arith.constant 1 : i32
        %add3A_1248 = arith.addi %add3A_1246, %add3A_1247 : i32
        %get3A_1249 = arith.index_cast %add3A_1248 : i32 to index
        %get3A_1250 = arith.constant 0 : index
        %get3A_1251 = tpu.vector_load %arg11[%get3A_1249, %get3A_1250] {strides = array<i32>} : memref<1600x32xf32, #tpu.memory_space<vmem>>, vector<1x16xf32>,
        %get3A_1252 = vector.shape_cast %get3A_1251 : vector<1x16xf32> to vector<16xf32>
        %add3A_1253 = arith.addf %add3A_1221, %get3A_1252 : vector<16xf32>
        %add3A_1254 = arith.constant 4 : i32
        %add3A_1255 = arith.addi %add3A_1167, %add3A_1254 : i32
        %add3A_1256 = arith.constant 1 : i32
        %add3A_1257 = arith.addi %add3A_1255, %add3A_1256 : i32
        %get3A_1258 = arith.index_cast %add3A_1257 : i32 to index
        %get3A_1259 = arith.constant 16 : index
        %get3A_1260 = tpu.vector_load %arg11[%get3A_1258, %get3A_1259] {strides = array<i32>} : memref<1600x32xf32, #tpu.memory_space<vmem>>, vector<1x16xf32>,
        %get3A_1261 = vector.shape_cast %get3A_1260 : vector<1x16xf32> to vector<16xf32>
        %add3A_1262 = arith.addf %add3A_1230, %get3A_1261 : vector<16xf32>
        %add3A_1263 = arith.constant 6 : i32
        %add3A_1264 = arith.addi %add3A_1167, %add3A_1263 : i32
        %get3A_1265 = arith.index_cast %add3A_1264 : i32 to index
        %get3A_1266 = arith.constant 0 : index
        %get3A_1267 = tpu.vector_load %arg11[%get3A_1265, %get3A_1266] {strides = array<i32>} : memref<1600x32xf32, #tpu.memory_space<vmem>>, vector<1x16xf32>,
        %get3A_1268 = vector.shape_cast %get3A_1267 : vector<1x16xf32> to vector<16xf32>
        %add3A_1269 = arith.addf %add3A_1237, %get3A_1268 : vector<16xf32>
        %add3A_1270 = arith.constant 6 : i32
        %add3A_1271 = arith.addi %add3A_1167, %add3A_1270 : i32
        %get3A_1272 = arith.index_cast %add3A_1271 : i32 to index
        %get3A_1273 = arith.constant 16 : index
        %get3A_1274 = tpu.vector_load %arg11[%get3A_1272, %get3A_1273] {strides = array<i32>} : memref<1600x32xf32, #tpu.memory_space<vmem>>, vector<1x16xf32>,
        %get3A_1275 = vector.shape_cast %get3A_1274 : vector<1x16xf32> to vector<16xf32>
        %add3A_1276 = arith.addf %add3A_1244, %get3A_1275 : vector<16xf32>
        %add3A_1277 = arith.constant 6 : i32
        %add3A_1278 = arith.addi %add3A_1167, %add3A_1277 : i32
        %add3A_1279 = arith.constant 1 : i32
        %add3A_1280 = arith.addi %add3A_1278, %add3A_1279 : i32
        %get3A_1281 = arith.index_cast %add3A_1280 : i32 to index
        %get3A_1282 = arith.constant 0 : index
        %get3A_1283 = tpu.vector_load %arg11[%get3A_1281, %get3A_1282] {strides = array<i32>} : memref<1600x32xf32, #tpu.memory_space<vmem>>, vector<1x16xf32>,
        %get3A_1284 = vector.shape_cast %get3A_1283 : vector<1x16xf32> to vector<16xf32>
        %add3A_1285 = arith.addf %add3A_1253, %get3A_1284 : vector<16xf32>
        %add3A_1286 = arith.constant 6 : i32
        %add3A_1287 = arith.addi %add3A_1167, %add3A_1286 : i32
        %add3A_1288 = arith.constant 1 : i32
        %add3A_1289 = arith.addi %add3A_1287, %add3A_1288 : i32
        %get3A_1290 = arith.index_cast %add3A_1289 : i32 to index
        %get3A_1291 = arith.constant 16 : index
        %get3A_1292 = tpu.vector_load %arg11[%get3A_1290, %get3A_1291] {strides = array<i32>} : memref<1600x32xf32, #tpu.memory_space<vmem>>, vector<1x16xf32>,
        %get3A_1293 = vector.shape_cast %get3A_1292 : vector<1x16xf32> to vector<16xf32>
        %add3A_1294 = arith.addf %add3A_1262, %get3A_1293 : vector<16xf32>
        scf.yield %add3A_1269, %add3A_1276, %add3A_1285, %add3A_1294 : vector<16xf32>, vector<16xf32>, vector<16xf32>, vector<16xf32>
      }
      %scan3A_1082 = arith.constant 25 : i32
      %add3A_1083 = arith.addf %scan3A_1081#0, %scan3A_1081#2 : vector<16xf32>
      %mul3A_1084 = arith.constant 8 : i32
      %mul3A_1085 = arith.muli %add3A_934, %mul3A_1084 : i32
      %add3A_1086 = arith.constant 5 : i32
      %add3A_1087 = arith.addi %mul3A_1085, %add3A_1086 : i32
      %swap3A_1088 = arith.index_cast %add3A_1087 : i32 to index
      %swap3A_1089 = arith.constant 0 : index
      %swap3A_1090 = tpu.vector_load %arg12[%swap3A_1088, %swap3A_1089] {strides = array<i32>} : memref<512x32xf32, #tpu.memory_space<vmem>>, vector<1x16xf32>,
      %swap3A_1091 = vector.shape_cast %swap3A_1090 : vector<1x16xf32> to vector<16xf32>
      %swap3A_1092 = vector.shape_cast %add3A_1083 : vector<16xf32> to vector<1x16xf32>
      tpu.vector_store %arg12[%swap3A_1088, %swap3A_1089], %swap3A_1092 {strides = array<i32>} : memref<512x32xf32, #tpu.memory_space<vmem>>, vector<1x16xf32>,
      %add3A_1093 = arith.addf %scan3A_1081#1, %scan3A_1081#3 : vector<16xf32>
      %mul3A_1094 = arith.constant 8 : i32
      %mul3A_1095 = arith.muli %add3A_934, %mul3A_1094 : i32
      %add3A_1096 = arith.constant 5 : i32
      %add3A_1097 = arith.addi %mul3A_1095, %add3A_1096 : i32
      %swap3A_1098 = arith.index_cast %add3A_1097 : i32 to index
      %swap3A_1099 = arith.constant 16 : index
      %swap3A_1100 = tpu.vector_load %arg12[%swap3A_1098, %swap3A_1099] {strides = array<i32>} : memref<512x32xf32, #tpu.memory_space<vmem>>, vector<1x16xf32>,
      %swap3A_1101 = vector.shape_cast %swap3A_1100 : vector<1x16xf32> to vector<16xf32>
      %swap3A_1102 = vector.shape_cast %add3A_1093 : vector<16xf32> to vector<1x16xf32>
      tpu.vector_store %arg12[%swap3A_1098, %swap3A_1099], %swap3A_1102 {strides = array<i32>} : memref<512x32xf32, #tpu.memory_space<vmem>>, vector<1x16xf32>,
      %broadcast_in_dim3A_1103 = arith.constant 0.000000e+00 : f32
      %broadcast_in_dim3A_1104 = vector.broadcast %broadcast_in_dim3A_1103 : f32 to vector<16xf32>
      %scan3A_1105 = arith.constant 0 : i32
      %scan3A_1106 = arith.constant 25 : i32
      %scan3A_1107 = arith.addi %scan3A_1105, %scan3A_1106 : i32
      %scan3A_1108 = arith.constant 1 : i32
      %scan3A_1109:4 = scf.for %scan3A_1159 = %scan3A_1105 to %scan3A_1107 step %scan3A_1108 iter_args(%scan3A_1160 = %broadcast_in_dim3A_1104, %scan3A_1161 = %broadcast_in_dim3A_1104, %scan3A_1162 = %broadcast_in_dim3A_1104, %scan3A_1163 = %broadcast_in_dim3A_1104) -> (vector<16xf32>, vector<16xf32>, vector<16xf32>, vector<16xf32>)  : i32 {
        %mul3A_1164 = arith.constant 8 : i32
        %mul3A_1165 = arith.muli %scan3A_1159, %mul3A_1164 : i32
        %add3A_1166 = arith.constant 1200 : i32
        %add3A_1167 = arith.addi %add3A_1166, %mul3A_1165 : i32
        %add3A_1168 = arith.constant 0 : i32
        %add3A_1169 = arith.addi %add3A_1167, %add3A_1168 : i32
        %get3A = arith.index_cast %add3A_1169 : i32 to index
        %get3A_1170 = arith.constant 0 : index
        %get3A_1171 = tpu.vector_load %arg11[%get3A, %get3A_1170] {strides = array<i32>} : memref<1600x32xf32, #tpu.memory_space<vmem>>, vector<1x16xf32>,
        %get3A_1172 = vector.shape_cast %get3A_1171 : vector<1x16xf32> to vector<16xf32>
        %add3A_1173 = arith.addf %scan3A_1160, %get3A_1172 : vector<16xf32>
        %add3A_1174 = arith.constant 0 : i32
        %add3A_1175 = arith.addi %add3A_1167, %add3A_1174 : i32
        %get3A_1176 = arith.index_cast %add3A_1175 : i32 to index
        %get3A_1177 = arith.constant 16 : index
        %get3A_1178 = tpu.vector_load %arg11[%get3A_1176, %get3A_1177] {strides = array<i32>} : memref<1600x32xf32, #tpu.memory_space<vmem>>, vector<1x16xf32>,
        %get3A_1179 = vector.shape_cast %get3A_1178 : vector<1x16xf32> to vector<16xf32>
        %add3A_1180 = arith.addf %scan3A_1161, %get3A_1179 : vector<16xf32>
        %add3A_1181 = arith.constant 0 : i32
        %add3A_1182 = arith.addi %add3A_1167, %add3A_1181 : i32
        %add3A_1183 = arith.constant 1 : i32
        %add3A_1184 = arith.addi %add3A_1182, %add3A_1183 : i32
        %get3A_1185 = arith.index_cast %add3A_1184 : i32 to index
        %get3A_1186 = arith.constant 0 : index
        %get3A_1187 = tpu.vector_load %arg11[%get3A_1185, %get3A_1186] {strides = array<i32>} : memref<1600x32xf32, #tpu.memory_space<vmem>>, vector<1x16xf32>,
        %get3A_1188 = vector.shape_cast %get3A_1187 : vector<1x16xf32> to vector<16xf32>
        %add3A_1189 = arith.addf %scan3A_1162, %get3A_1188 : vector<16xf32>
        %add3A_1190 = arith.constant 0 : i32
        %add3A_1191 = arith.addi %add3A_1167, %add3A_1190 : i32
        %add3A_1192 = arith.constant 1 : i32
        %add3A_1193 = arith.addi %add3A_1191, %add3A_1192 : i32
        %get3A_1194 = arith.index_cast %add3A_1193 : i32 to index
        %get3A_1195 = arith.constant 16 : index
        %get3A_1196 = tpu.vector_load %arg11[%get3A_1194, %get3A_1195] {strides = array<i32>} : memref<1600x32xf32, #tpu.memory_space<vmem>>, vector<1x16xf32>,
        %get3A_1197 = vector.shape_cast %get3A_1196 : vector<1x16xf32> to vector<16xf32>
        %add3A_1198 = arith.addf %scan3A_1163, %get3A_1197 : vector<16xf32>
        %add3A_1199 = arith.constant 2 : i32
        %add3A_1200 = arith.addi %add3A_1167, %add3A_1199 : i32
        %get3A_1201 = arith.index_cast %add3A_1200 : i32 to index
        %get3A_1202 = arith.constant 0 : index
        %get3A_1203 = tpu.vector_load %arg11[%get3A_1201, %get3A_1202] {strides = array<i32>} : memref<1600x32xf32, #tpu.memory_space<vmem>>, vector<1x16xf32>,
        %get3A_1204 = vector.shape_cast %get3A_1203 : vector<1x16xf32> to vector<16xf32>
        %add3A_1205 = arith.addf %add3A_1173, %get3A_1204 : vector<16xf32>
        %add3A_1206 = arith.constant 2 : i32
        %add3A_1207 = arith.addi %add3A_1167, %add3A_1206 : i32
        %get3A_1208 = arith.index_cast %add3A_1207 : i32 to index
        %get3A_1209 = arith.constant 16 : index
        %get3A_1210 = tpu.vector_load %arg11[%get3A_1208, %get3A_1209] {strides = array<i32>} : memref<1600x32xf32, #tpu.memory_space<vmem>>, vector<1x16xf32>,
        %get3A_1211 = vector.shape_cast %get3A_1210 : vector<1x16xf32> to vector<16xf32>
        %add3A_1212 = arith.addf %add3A_1180, %get3A_1211 : vector<16xf32>
        %add3A_1213 = arith.constant 2 : i32
        %add3A_1214 = arith.addi %add3A_1167, %add3A_1213 : i32
        %add3A_1215 = arith.constant 1 : i32
        %add3A_1216 = arith.addi %add3A_1214, %add3A_1215 : i32
        %get3A_1217 = arith.index_cast %add3A_1216 : i32 to index
        %get3A_1218 = arith.constant 0 : index
        %get3A_1219 = tpu.vector_load %arg11[%get3A_1217, %get3A_1218] {strides = array<i32>} : memref<1600x32xf32, #tpu.memory_space<vmem>>, vector<1x16xf32>,
        %get3A_1220 = vector.shape_cast %get3A_1219 : vector<1x16xf32> to vector<16xf32>
        %add3A_1221 = arith.addf %add3A_1189, %get3A_1220 : vector<16xf32>
        %add3A_1222 = arith.constant 2 : i32
        %add3A_1223 = arith.addi %add3A_1167, %add3A_1222 : i32
        %add3A_1224 = arith.constant 1 : i32
        %add3A_1225 = arith.addi %add3A_1223, %add3A_1224 : i32
        %get3A_1226 = arith.index_cast %add3A_1225 : i32 to index
        %get3A_1227 = arith.constant 16 : index
        %get3A_1228 = tpu.vector_load %arg11[%get3A_1226, %get3A_1227] {strides = array<i32>} : memref<1600x32xf32, #tpu.memory_space<vmem>>, vector<1x16xf32>,
        %get3A_1229 = vector.shape_cast %get3A_1228 : vector<1x16xf32> to vector<16xf32>
        %add3A_1230 = arith.addf %add3A_1198, %get3A_1229 : vector<16xf32>
        %add3A_1231 = arith.constant 4 : i32
        %add3A_1232 = arith.addi %add3A_1167, %add3A_1231 : i32
        %get3A_1233 = arith.index_cast %add3A_1232 : i32 to index
        %get3A_1234 = arith.constant 0 : index
        %get3A_1235 = tpu.vector_load %arg11[%get3A_1233, %get3A_1234] {strides = array<i32>} : memref<1600x32xf32, #tpu.memory_space<vmem>>, vector<1x16xf32>,
        %get3A_1236 = vector.shape_cast %get3A_1235 : vector<1x16xf32> to vector<16xf32>
        %add3A_1237 = arith.addf %add3A_1205, %get3A_1236 : vector<16xf32>
        %add3A_1238 = arith.constant 4 : i32
        %add3A_1239 = arith.addi %add3A_1167, %add3A_1238 : i32
        %get3A_1240 = arith.index_cast %add3A_1239 : i32 to index
        %get3A_1241 = arith.constant 16 : index
        %get3A_1242 = tpu.vector_load %arg11[%get3A_1240, %get3A_1241] {strides = array<i32>} : memref<1600x32xf32, #tpu.memory_space<vmem>>, vector<1x16xf32>,
        %get3A_1243 = vector.shape_cast %get3A_1242 : vector<1x16xf32> to vector<16xf32>
        %add3A_1244 = arith.addf %add3A_1212, %get3A_1243 : vector<16xf32>
        %add3A_1245 = arith.constant 4 : i32
        %add3A_1246 = arith.addi %add3A_1167, %add3A_1245 : i32
        %add3A_1247 = arith.constant 1 : i32
        %add3A_1248 = arith.addi %add3A_1246, %add3A_1247 : i32
        %get3A_1249 = arith.index_cast %add3A_1248 : i32 to index
        %get3A_1250 = arith.constant 0 : index
        %get3A_1251 = tpu.vector_load %arg11[%get3A_1249, %get3A_1250] {strides = array<i32>} : memref<1600x32xf32, #tpu.memory_space<vmem>>, vector<1x16xf32>,
        %get3A_1252 = vector.shape_cast %get3A_1251 : vector<1x16xf32> to vector<16xf32>
        %add3A_1253 = arith.addf %add3A_1221, %get3A_1252 : vector<16xf32>
        %add3A_1254 = arith.constant 4 : i32
        %add3A_1255 = arith.addi %add3A_1167, %add3A_1254 : i32
        %add3A_1256 = arith.constant 1 : i32
        %add3A_1257 = arith.addi %add3A_1255, %add3A_1256 : i32
        %get3A_1258 = arith.index_cast %add3A_1257 : i32 to index
        %get3A_1259 = arith.constant 16 : index
        %get3A_1260 = tpu.vector_load %arg11[%get3A_1258, %get3A_1259] {strides = array<i32>} : memref<1600x32xf32, #tpu.memory_space<vmem>>, vector<1x16xf32>,
        %get3A_1261 = vector.shape_cast %get3A_1260 : vector<1x16xf32> to vector<16xf32>
        %add3A_1262 = arith.addf %add3A_1230, %get3A_1261 : vector<16xf32>
        %add3A_1263 = arith.constant 6 : i32
        %add3A_1264 = arith.addi %add3A_1167, %add3A_1263 : i32
        %get3A_1265 = arith.index_cast %add3A_1264 : i32 to index
        %get3A_1266 = arith.constant 0 : index
        %get3A_1267 = tpu.vector_load %arg11[%get3A_1265, %get3A_1266] {strides = array<i32>} : memref<1600x32xf32, #tpu.memory_space<vmem>>, vector<1x16xf32>,
        %get3A_1268 = vector.shape_cast %get3A_1267 : vector<1x16xf32> to vector<16xf32>
        %add3A_1269 = arith.addf %add3A_1237, %get3A_1268 : vector<16xf32>
        %add3A_1270 = arith.constant 6 : i32
        %add3A_1271 = arith.addi %add3A_1167, %add3A_1270 : i32
        %get3A_1272 = arith.index_cast %add3A_1271 : i32 to index
        %get3A_1273 = arith.constant 16 : index
        %get3A_1274 = tpu.vector_load %arg11[%get3A_1272, %get3A_1273] {strides = array<i32>} : memref<1600x32xf32, #tpu.memory_space<vmem>>, vector<1x16xf32>,
        %get3A_1275 = vector.shape_cast %get3A_1274 : vector<1x16xf32> to vector<16xf32>
        %add3A_1276 = arith.addf %add3A_1244, %get3A_1275 : vector<16xf32>
        %add3A_1277 = arith.constant 6 : i32
        %add3A_1278 = arith.addi %add3A_1167, %add3A_1277 : i32
        %add3A_1279 = arith.constant 1 : i32
        %add3A_1280 = arith.addi %add3A_1278, %add3A_1279 : i32
        %get3A_1281 = arith.index_cast %add3A_1280 : i32 to index
        %get3A_1282 = arith.constant 0 : index
        %get3A_1283 = tpu.vector_load %arg11[%get3A_1281, %get3A_1282] {strides = array<i32>} : memref<1600x32xf32, #tpu.memory_space<vmem>>, vector<1x16xf32>,
        %get3A_1284 = vector.shape_cast %get3A_1283 : vector<1x16xf32> to vector<16xf32>
        %add3A_1285 = arith.addf %add3A_1253, %get3A_1284 : vector<16xf32>
        %add3A_1286 = arith.constant 6 : i32
        %add3A_1287 = arith.addi %add3A_1167, %add3A_1286 : i32
        %add3A_1288 = arith.constant 1 : i32
        %add3A_1289 = arith.addi %add3A_1287, %add3A_1288 : i32
        %get3A_1290 = arith.index_cast %add3A_1289 : i32 to index
        %get3A_1291 = arith.constant 16 : index
        %get3A_1292 = tpu.vector_load %arg11[%get3A_1290, %get3A_1291] {strides = array<i32>} : memref<1600x32xf32, #tpu.memory_space<vmem>>, vector<1x16xf32>,
        %get3A_1293 = vector.shape_cast %get3A_1292 : vector<1x16xf32> to vector<16xf32>
        %add3A_1294 = arith.addf %add3A_1262, %get3A_1293 : vector<16xf32>
        scf.yield %add3A_1269, %add3A_1276, %add3A_1285, %add3A_1294 : vector<16xf32>, vector<16xf32>, vector<16xf32>, vector<16xf32>
      }
      %scan3A_1110 = arith.constant 25 : i32
      %add3A_1111 = arith.addf %scan3A_1109#0, %scan3A_1109#2 : vector<16xf32>
      %mul3A_1112 = arith.constant 8 : i32
      %mul3A_1113 = arith.muli %add3A_934, %mul3A_1112 : i32
      %add3A_1114 = arith.constant 6 : i32
      %add3A_1115 = arith.addi %mul3A_1113, %add3A_1114 : i32
      %swap3A_1116 = arith.index_cast %add3A_1115 : i32 to index
      %swap3A_1117 = arith.constant 0 : index
      %swap3A_1118 = tpu.vector_load %arg12[%swap3A_1116, %swap3A_1117] {strides = array<i32>} : memref<512x32xf32, #tpu.memory_space<vmem>>, vector<1x16xf32>,
      %swap3A_1119 = vector.shape_cast %swap3A_1118 : vector<1x16xf32> to vector<16xf32>
      %swap3A_1120 = vector.shape_cast %add3A_1111 : vector<16xf32> to vector<1x16xf32>
      tpu.vector_store %arg12[%swap3A_1116, %swap3A_1117], %swap3A_1120 {strides = array<i32>} : memref<512x32xf32, #tpu.memory_space<vmem>>, vector<1x16xf32>,
      %add3A_1121 = arith.addf %scan3A_1109#1, %scan3A_1109#3 : vector<16xf32>
      %mul3A_1122 = arith.constant 8 : i32
      %mul3A_1123 = arith.muli %add3A_934, %mul3A_1122 : i32
      %add3A_1124 = arith.constant 6 : i32
      %add3A_1125 = arith.addi %mul3A_1123, %add3A_1124 : i32
      %swap3A_1126 = arith.index_cast %add3A_1125 : i32 to index
      %swap3A_1127 = arith.constant 16 : index
      %swap3A_1128 = tpu.vector_load %arg12[%swap3A_1126, %swap3A_1127] {strides = array<i32>} : memref<512x32xf32, #tpu.memory_space<vmem>>, vector<1x16xf32>,
      %swap3A_1129 = vector.shape_cast %swap3A_1128 : vector<1x16xf32> to vector<16xf32>
      %swap3A_1130 = vector.shape_cast %add3A_1121 : vector<16xf32> to vector<1x16xf32>
      tpu.vector_store %arg12[%swap3A_1126, %swap3A_1127], %swap3A_1130 {strides = array<i32>} : memref<512x32xf32, #tpu.memory_space<vmem>>, vector<1x16xf32>,
      %broadcast_in_dim3A_1131 = arith.constant 0.000000e+00 : f32
      %broadcast_in_dim3A_1132 = vector.broadcast %broadcast_in_dim3A_1131 : f32 to vector<16xf32>
      %scan3A_1133 = arith.constant 0 : i32
      %scan3A_1134 = arith.constant 25 : i32
      %scan3A_1135 = arith.addi %scan3A_1133, %scan3A_1134 : i32
      %scan3A_1136 = arith.constant 1 : i32
      %scan3A_1137:4 = scf.for %scan3A_1159 = %scan3A_1133 to %scan3A_1135 step %scan3A_1136 iter_args(%scan3A_1160 = %broadcast_in_dim3A_1132, %scan3A_1161 = %broadcast_in_dim3A_1132, %scan3A_1162 = %broadcast_in_dim3A_1132, %scan3A_1163 = %broadcast_in_dim3A_1132) -> (vector<16xf32>, vector<16xf32>, vector<16xf32>, vector<16xf32>)  : i32 {
        %mul3A_1164 = arith.constant 8 : i32
        %mul3A_1165 = arith.muli %scan3A_1159, %mul3A_1164 : i32
        %add3A_1166 = arith.constant 1400 : i32
        %add3A_1167 = arith.addi %add3A_1166, %mul3A_1165 : i32
        %add3A_1168 = arith.constant 0 : i32
        %add3A_1169 = arith.addi %add3A_1167, %add3A_1168 : i32
        %get3A = arith.index_cast %add3A_1169 : i32 to index
        %get3A_1170 = arith.constant 0 : index
        %get3A_1171 = tpu.vector_load %arg11[%get3A, %get3A_1170] {strides = array<i32>} : memref<1600x32xf32, #tpu.memory_space<vmem>>, vector<1x16xf32>,
        %get3A_1172 = vector.shape_cast %get3A_1171 : vector<1x16xf32> to vector<16xf32>
        %add3A_1173 = arith.addf %scan3A_1160, %get3A_1172 : vector<16xf32>
        %add3A_1174 = arith.constant 0 : i32
        %add3A_1175 = arith.addi %add3A_1167, %add3A_1174 : i32
        %get3A_1176 = arith.index_cast %add3A_1175 : i32 to index
        %get3A_1177 = arith.constant 16 : index
        %get3A_1178 = tpu.vector_load %arg11[%get3A_1176, %get3A_1177] {strides = array<i32>} : memref<1600x32xf32, #tpu.memory_space<vmem>>, vector<1x16xf32>,
        %get3A_1179 = vector.shape_cast %get3A_1178 : vector<1x16xf32> to vector<16xf32>
        %add3A_1180 = arith.addf %scan3A_1161, %get3A_1179 : vector<16xf32>
        %add3A_1181 = arith.constant 0 : i32
        %add3A_1182 = arith.addi %add3A_1167, %add3A_1181 : i32
        %add3A_1183 = arith.constant 1 : i32
        %add3A_1184 = arith.addi %add3A_1182, %add3A_1183 : i32
        %get3A_1185 = arith.index_cast %add3A_1184 : i32 to index
        %get3A_1186 = arith.constant 0 : index
        %get3A_1187 = tpu.vector_load %arg11[%get3A_1185, %get3A_1186] {strides = array<i32>} : memref<1600x32xf32, #tpu.memory_space<vmem>>, vector<1x16xf32>,
        %get3A_1188 = vector.shape_cast %get3A_1187 : vector<1x16xf32> to vector<16xf32>
        %add3A_1189 = arith.addf %scan3A_1162, %get3A_1188 : vector<16xf32>
        %add3A_1190 = arith.constant 0 : i32
        %add3A_1191 = arith.addi %add3A_1167, %add3A_1190 : i32
        %add3A_1192 = arith.constant 1 : i32
        %add3A_1193 = arith.addi %add3A_1191, %add3A_1192 : i32
        %get3A_1194 = arith.index_cast %add3A_1193 : i32 to index
        %get3A_1195 = arith.constant 16 : index
        %get3A_1196 = tpu.vector_load %arg11[%get3A_1194, %get3A_1195] {strides = array<i32>} : memref<1600x32xf32, #tpu.memory_space<vmem>>, vector<1x16xf32>,
        %get3A_1197 = vector.shape_cast %get3A_1196 : vector<1x16xf32> to vector<16xf32>
        %add3A_1198 = arith.addf %scan3A_1163, %get3A_1197 : vector<16xf32>
        %add3A_1199 = arith.constant 2 : i32
        %add3A_1200 = arith.addi %add3A_1167, %add3A_1199 : i32
        %get3A_1201 = arith.index_cast %add3A_1200 : i32 to index
        %get3A_1202 = arith.constant 0 : index
        %get3A_1203 = tpu.vector_load %arg11[%get3A_1201, %get3A_1202] {strides = array<i32>} : memref<1600x32xf32, #tpu.memory_space<vmem>>, vector<1x16xf32>,
        %get3A_1204 = vector.shape_cast %get3A_1203 : vector<1x16xf32> to vector<16xf32>
        %add3A_1205 = arith.addf %add3A_1173, %get3A_1204 : vector<16xf32>
        %add3A_1206 = arith.constant 2 : i32
        %add3A_1207 = arith.addi %add3A_1167, %add3A_1206 : i32
        %get3A_1208 = arith.index_cast %add3A_1207 : i32 to index
        %get3A_1209 = arith.constant 16 : index
        %get3A_1210 = tpu.vector_load %arg11[%get3A_1208, %get3A_1209] {strides = array<i32>} : memref<1600x32xf32, #tpu.memory_space<vmem>>, vector<1x16xf32>,
        %get3A_1211 = vector.shape_cast %get3A_1210 : vector<1x16xf32> to vector<16xf32>
        %add3A_1212 = arith.addf %add3A_1180, %get3A_1211 : vector<16xf32>
        %add3A_1213 = arith.constant 2 : i32
        %add3A_1214 = arith.addi %add3A_1167, %add3A_1213 : i32
        %add3A_1215 = arith.constant 1 : i32
        %add3A_1216 = arith.addi %add3A_1214, %add3A_1215 : i32
        %get3A_1217 = arith.index_cast %add3A_1216 : i32 to index
        %get3A_1218 = arith.constant 0 : index
        %get3A_1219 = tpu.vector_load %arg11[%get3A_1217, %get3A_1218] {strides = array<i32>} : memref<1600x32xf32, #tpu.memory_space<vmem>>, vector<1x16xf32>,
        %get3A_1220 = vector.shape_cast %get3A_1219 : vector<1x16xf32> to vector<16xf32>
        %add3A_1221 = arith.addf %add3A_1189, %get3A_1220 : vector<16xf32>
        %add3A_1222 = arith.constant 2 : i32
        %add3A_1223 = arith.addi %add3A_1167, %add3A_1222 : i32
        %add3A_1224 = arith.constant 1 : i32
        %add3A_1225 = arith.addi %add3A_1223, %add3A_1224 : i32
        %get3A_1226 = arith.index_cast %add3A_1225 : i32 to index
        %get3A_1227 = arith.constant 16 : index
        %get3A_1228 = tpu.vector_load %arg11[%get3A_1226, %get3A_1227] {strides = array<i32>} : memref<1600x32xf32, #tpu.memory_space<vmem>>, vector<1x16xf32>,
        %get3A_1229 = vector.shape_cast %get3A_1228 : vector<1x16xf32> to vector<16xf32>
        %add3A_1230 = arith.addf %add3A_1198, %get3A_1229 : vector<16xf32>
        %add3A_1231 = arith.constant 4 : i32
        %add3A_1232 = arith.addi %add3A_1167, %add3A_1231 : i32
        %get3A_1233 = arith.index_cast %add3A_1232 : i32 to index
        %get3A_1234 = arith.constant 0 : index
        %get3A_1235 = tpu.vector_load %arg11[%get3A_1233, %get3A_1234] {strides = array<i32>} : memref<1600x32xf32, #tpu.memory_space<vmem>>, vector<1x16xf32>,
        %get3A_1236 = vector.shape_cast %get3A_1235 : vector<1x16xf32> to vector<16xf32>
        %add3A_1237 = arith.addf %add3A_1205, %get3A_1236 : vector<16xf32>
        %add3A_1238 = arith.constant 4 : i32
        %add3A_1239 = arith.addi %add3A_1167, %add3A_1238 : i32
        %get3A_1240 = arith.index_cast %add3A_1239 : i32 to index
        %get3A_1241 = arith.constant 16 : index
        %get3A_1242 = tpu.vector_load %arg11[%get3A_1240, %get3A_1241] {strides = array<i32>} : memref<1600x32xf32, #tpu.memory_space<vmem>>, vector<1x16xf32>,
        %get3A_1243 = vector.shape_cast %get3A_1242 : vector<1x16xf32> to vector<16xf32>
        %add3A_1244 = arith.addf %add3A_1212, %get3A_1243 : vector<16xf32>
        %add3A_1245 = arith.constant 4 : i32
        %add3A_1246 = arith.addi %add3A_1167, %add3A_1245 : i32
        %add3A_1247 = arith.constant 1 : i32
        %add3A_1248 = arith.addi %add3A_1246, %add3A_1247 : i32
        %get3A_1249 = arith.index_cast %add3A_1248 : i32 to index
        %get3A_1250 = arith.constant 0 : index
        %get3A_1251 = tpu.vector_load %arg11[%get3A_1249, %get3A_1250] {strides = array<i32>} : memref<1600x32xf32, #tpu.memory_space<vmem>>, vector<1x16xf32>,
        %get3A_1252 = vector.shape_cast %get3A_1251 : vector<1x16xf32> to vector<16xf32>
        %add3A_1253 = arith.addf %add3A_1221, %get3A_1252 : vector<16xf32>
        %add3A_1254 = arith.constant 4 : i32
        %add3A_1255 = arith.addi %add3A_1167, %add3A_1254 : i32
        %add3A_1256 = arith.constant 1 : i32
        %add3A_1257 = arith.addi %add3A_1255, %add3A_1256 : i32
        %get3A_1258 = arith.index_cast %add3A_1257 : i32 to index
        %get3A_1259 = arith.constant 16 : index
        %get3A_1260 = tpu.vector_load %arg11[%get3A_1258, %get3A_1259] {strides = array<i32>} : memref<1600x32xf32, #tpu.memory_space<vmem>>, vector<1x16xf32>,
        %get3A_1261 = vector.shape_cast %get3A_1260 : vector<1x16xf32> to vector<16xf32>
        %add3A_1262 = arith.addf %add3A_1230, %get3A_1261 : vector<16xf32>
        %add3A_1263 = arith.constant 6 : i32
        %add3A_1264 = arith.addi %add3A_1167, %add3A_1263 : i32
        %get3A_1265 = arith.index_cast %add3A_1264 : i32 to index
        %get3A_1266 = arith.constant 0 : index
        %get3A_1267 = tpu.vector_load %arg11[%get3A_1265, %get3A_1266] {strides = array<i32>} : memref<1600x32xf32, #tpu.memory_space<vmem>>, vector<1x16xf32>,
        %get3A_1268 = vector.shape_cast %get3A_1267 : vector<1x16xf32> to vector<16xf32>
        %add3A_1269 = arith.addf %add3A_1237, %get3A_1268 : vector<16xf32>
        %add3A_1270 = arith.constant 6 : i32
        %add3A_1271 = arith.addi %add3A_1167, %add3A_1270 : i32
        %get3A_1272 = arith.index_cast %add3A_1271 : i32 to index
        %get3A_1273 = arith.constant 16 : index
        %get3A_1274 = tpu.vector_load %arg11[%get3A_1272, %get3A_1273] {strides = array<i32>} : memref<1600x32xf32, #tpu.memory_space<vmem>>, vector<1x16xf32>,
        %get3A_1275 = vector.shape_cast %get3A_1274 : vector<1x16xf32> to vector<16xf32>
        %add3A_1276 = arith.addf %add3A_1244, %get3A_1275 : vector<16xf32>
        %add3A_1277 = arith.constant 6 : i32
        %add3A_1278 = arith.addi %add3A_1167, %add3A_1277 : i32
        %add3A_1279 = arith.constant 1 : i32
        %add3A_1280 = arith.addi %add3A_1278, %add3A_1279 : i32
        %get3A_1281 = arith.index_cast %add3A_1280 : i32 to index
        %get3A_1282 = arith.constant 0 : index
        %get3A_1283 = tpu.vector_load %arg11[%get3A_1281, %get3A_1282] {strides = array<i32>} : memref<1600x32xf32, #tpu.memory_space<vmem>>, vector<1x16xf32>,
        %get3A_1284 = vector.shape_cast %get3A_1283 : vector<1x16xf32> to vector<16xf32>
        %add3A_1285 = arith.addf %add3A_1253, %get3A_1284 : vector<16xf32>
        %add3A_1286 = arith.constant 6 : i32
        %add3A_1287 = arith.addi %add3A_1167, %add3A_1286 : i32
        %add3A_1288 = arith.constant 1 : i32
        %add3A_1289 = arith.addi %add3A_1287, %add3A_1288 : i32
        %get3A_1290 = arith.index_cast %add3A_1289 : i32 to index
        %get3A_1291 = arith.constant 16 : index
        %get3A_1292 = tpu.vector_load %arg11[%get3A_1290, %get3A_1291] {strides = array<i32>} : memref<1600x32xf32, #tpu.memory_space<vmem>>, vector<1x16xf32>,
        %get3A_1293 = vector.shape_cast %get3A_1292 : vector<1x16xf32> to vector<16xf32>
        %add3A_1294 = arith.addf %add3A_1262, %get3A_1293 : vector<16xf32>
        scf.yield %add3A_1269, %add3A_1276, %add3A_1285, %add3A_1294 : vector<16xf32>, vector<16xf32>, vector<16xf32>, vector<16xf32>
      }
      %scan3A_1138 = arith.constant 25 : i32
      %add3A_1139 = arith.addf %scan3A_1137#0, %scan3A_1137#2 : vector<16xf32>
      %mul3A_1140 = arith.constant 8 : i32
      %mul3A_1141 = arith.muli %add3A_934, %mul3A_1140 : i32
      %add3A_1142 = arith.constant 7 : i32
      %add3A_1143 = arith.addi %mul3A_1141, %add3A_1142 : i32
      %swap3A_1144 = arith.index_cast %add3A_1143 : i32 to index
      %swap3A_1145 = arith.constant 0 : index
      %swap3A_1146 = tpu.vector_load %arg12[%swap3A_1144, %swap3A_1145] {strides = array<i32>} : memref<512x32xf32, #tpu.memory_space<vmem>>, vector<1x16xf32>,
      %swap3A_1147 = vector.shape_cast %swap3A_1146 : vector<1x16xf32> to vector<16xf32>
      %swap3A_1148 = vector.shape_cast %add3A_1139 : vector<16xf32> to vector<1x16xf32>
      tpu.vector_store %arg12[%swap3A_1144, %swap3A_1145], %swap3A_1148 {strides = array<i32>} : memref<512x32xf32, #tpu.memory_space<vmem>>, vector<1x16xf32>,
      %add3A_1149 = arith.addf %scan3A_1137#1, %scan3A_1137#3 : vector<16xf32>
      %mul3A_1150 = arith.constant 8 : i32
      %mul3A_1151 = arith.muli %add3A_934, %mul3A_1150 : i32
      %add3A_1152 = arith.constant 7 : i32
      %add3A_1153 = arith.addi %mul3A_1151, %add3A_1152 : i32
      %swap3A_1154 = arith.index_cast %add3A_1153 : i32 to index
      %swap3A_1155 = arith.constant 16 : index
      %swap3A_1156 = tpu.vector_load %arg12[%swap3A_1154, %swap3A_1155] {strides = array<i32>} : memref<512x32xf32, #tpu.memory_space<vmem>>, vector<1x16xf32>,
      %swap3A_1157 = vector.shape_cast %swap3A_1156 : vector<1x16xf32> to vector<16xf32>
      %swap3A_1158 = vector.shape_cast %add3A_1149 : vector<16xf32> to vector<1x16xf32>
      tpu.vector_store %arg12[%swap3A_1154, %swap3A_1155], %swap3A_1158 {strides = array<i32>} : memref<512x32xf32, #tpu.memory_space<vmem>>, vector<1x16xf32>,
    }
    %scan3A_192 = arith.constant 32 : i32
    %mul3A_193 = arith.constant 512 : i32
    %mul3A_194 = arith.muli %add3A, %mul3A_193 : i32
    "tpu.region"() ({
      %run_scoped3A = tpu.sem_alloc : memref<!tpu.dma_semaphore, #tpu.memory_space<semaphore_mem>>
      %dma_start3A_195 = arith.constant 0 : i32
      %dma_start3A_196 = tpu.memref_slice %arg5[%mul3A_194, %dma_start3A_195] : memref<16384x32xf32, #tpu.memory_space<hbm>> -> memref<512x32xf32, #tpu.memory_space<hbm>>
      %dma_start3A_197 = arith.constant 0 : i32
      %dma_start3A_198 = tpu.memref_slice %arg5[%mul3A_194, %dma_start3A_197] : memref<16384x32xf32, #tpu.memory_space<hbm>> -> memref<512x32xf32, #tpu.memory_space<hbm>>
      tpu.enqueue_dma source(%arg12 : memref<512x32xf32, #tpu.memory_space<vmem>>) target(%dma_start3A_198 : memref<512x32xf32, #tpu.memory_space<hbm>>) target_semaphore(%run_scoped3A : memref<!tpu.dma_semaphore, #tpu.memory_space<semaphore_mem>>)
      %dma_wait3A_199 = arith.constant 0 : i32
      %dma_wait3A_200 = tpu.memref_slice %arg5[%mul3A_194, %dma_wait3A_199] : memref<16384x32xf32, #tpu.memory_space<hbm>> -> memref<512x32xf32, #tpu.memory_space<hbm>>
      %dma_wait3A_201 = arith.constant 0 : i32
      %dma_wait3A_202 = tpu.memref_slice %arg5[%mul3A_194, %dma_wait3A_201] : memref<16384x32xf32, #tpu.memory_space<hbm>> -> memref<512x32xf32, #tpu.memory_space<hbm>>
      tpu.wait_dma2 semaphore(%run_scoped3A : memref<!tpu.dma_semaphore, #tpu.memory_space<semaphore_mem>>) src(%arg12 : memref<512x32xf32, #tpu.memory_space<vmem>>) dst(%dma_wait3A_202 : memref<512x32xf32, #tpu.memory_space<hbm>>)
      tpu.yield
    }) : () -> ()
    return
  }
}

module attributes {stable_mosaic.version = 14 : i64} {
  func.func @body(%arg0: i32, %arg1: memref<32x1024xf32, #tpu.memory_space<vmem>>, %arg2: memref<32x1024xf32, #tpu.memory_space<vmem>>, %arg3: memref<32x1024xf32, #tpu.memory_space<vmem>>, %arg4: memref<32x1024xf32, #tpu.memory_space<vmem>>, %arg5: memref<1024x128xf32, #tpu.memory_space<vmem>>) attributes {dimension_semantics = [#tpu.dimension_semantics<arbitrary>], iteration_bounds = array<i64: 245>, scalar_prefetch = 0 : i64, scratch_operands = 0 : i64, tpu.core_type = #tpu.core_type<tc>, window_params = [{transform_indices = @transform_0, window_bounds = array<i64: 32, 1024>}, {transform_indices = @transform_1, window_bounds = array<i64: 32, 1024>}, {transform_indices = @transform_2, window_bounds = array<i64: 32, 1024>}, {transform_indices = @transform_3, window_bounds = array<i64: 32, 1024>}, {transform_indices = @transform_4, window_bounds = array<i64: 1024, 128>}]} {
    %iota3A = tpu.iota {dimensions = array<i32: 0>} : vector<32x32xi32>
    %iota3A_0 = tpu.iota {dimensions = array<i32: 1>} : vector<32x32xi32>
    %eq3A = arith.cmpi eq, %iota3A, %iota3A_0 : vector<32x32xi32>
    %convert_element_type3A = arith.extui %eq3A : vector<32x32xi1> to vector<32x32xi32>
    %convert_element_type3A_1 = arith.sitofp %convert_element_type3A : vector<32x32xi32> to vector<32x32xf32>
    %get3A = arith.constant 0 : index
    %get3A_2 = arith.constant 0 : index
    %get3A_3 = vector.load %arg1[%get3A, %get3A_2] : memref<32x1024xf32, #tpu.memory_space<vmem>>, vector<32x1024xf32>
    "tpu.trace_start"() <{level = 10 : i32, message = "dc,dj->cj"}> : () -> ()
    %dot_general3A = arith.constant dense<0.000000e+00> : vector<1024x32xf32>
    %dot_general3A_4 = tpu.matmul %get3A_3, %convert_element_type3A_1, %dot_general3A {dimension_numbers = #tpu.dot_dimension_numbers<[0], [0], [1], [1], [0, 1, 1, 1], [], []>, transpose_lhs_hint = false} : vector<32x1024xf32>, vector<32x32xf32>, vector<1024x32xf32> -> vector<1024x32xf32>
    "tpu.trace_stop"() : () -> ()
    %get3A_5 = arith.constant 0 : index
    %get3A_6 = arith.constant 0 : index
    %get3A_7 = vector.load %arg2[%get3A_5, %get3A_6] : memref<32x1024xf32, #tpu.memory_space<vmem>>, vector<32x1024xf32>
    "tpu.trace_start"() <{level = 10 : i32, message = "dc,dj->cj"}> : () -> ()
    %dot_general3A_8 = arith.constant dense<0.000000e+00> : vector<1024x32xf32>
    %dot_general3A_9 = tpu.matmul %get3A_7, %convert_element_type3A_1, %dot_general3A_8 {dimension_numbers = #tpu.dot_dimension_numbers<[0], [0], [1], [1], [0, 1, 1, 1], [], []>, transpose_lhs_hint = false} : vector<32x1024xf32>, vector<32x32xf32>, vector<1024x32xf32> -> vector<1024x32xf32>
    "tpu.trace_stop"() : () -> ()
    %get3A_10 = arith.constant 0 : index
    %get3A_11 = arith.constant 0 : index
    %get3A_12 = vector.load %arg3[%get3A_10, %get3A_11] : memref<32x1024xf32, #tpu.memory_space<vmem>>, vector<32x1024xf32>
    "tpu.trace_start"() <{level = 10 : i32, message = "dc,dj->cj"}> : () -> ()
    %dot_general3A_13 = arith.constant dense<0.000000e+00> : vector<1024x32xf32>
    %dot_general3A_14 = tpu.matmul %get3A_12, %convert_element_type3A_1, %dot_general3A_13 {dimension_numbers = #tpu.dot_dimension_numbers<[0], [0], [1], [1], [0, 1, 1, 1], [], []>, transpose_lhs_hint = false} : vector<32x1024xf32>, vector<32x32xf32>, vector<1024x32xf32> -> vector<1024x32xf32>
    "tpu.trace_stop"() : () -> ()
    %get3A_15 = arith.constant 0 : index
    %get3A_16 = arith.constant 0 : index
    %get3A_17 = vector.load %arg4[%get3A_15, %get3A_16] : memref<32x1024xf32, #tpu.memory_space<vmem>>, vector<32x1024xf32>
    "tpu.trace_start"() <{level = 10 : i32, message = "dc,dj->cj"}> : () -> ()
    %dot_general3A_18 = arith.constant dense<0.000000e+00> : vector<1024x32xf32>
    %dot_general3A_19 = tpu.matmul %get3A_17, %convert_element_type3A_1, %dot_general3A_18 {dimension_numbers = #tpu.dot_dimension_numbers<[0], [0], [1], [1], [0, 1, 1, 1], [], []>, transpose_lhs_hint = false} : vector<32x1024xf32>, vector<32x32xf32>, vector<1024x32xf32> -> vector<1024x32xf32>
    "tpu.trace_stop"() : () -> ()
    %concatenate3A = tpu.concatenate %dot_general3A_4, %dot_general3A_9, %dot_general3A_14, %dot_general3A_19 in 1 : vector<1024x32xf32>, vector<1024x32xf32>, vector<1024x32xf32>, vector<1024x32xf32> -> vector<1024x128xf32>
    %swap3A = arith.constant 0 : index
    %swap3A_20 = arith.constant 0 : index
    %swap3A_21 = vector.load %arg5[%swap3A, %swap3A_20] : memref<1024x128xf32, #tpu.memory_space<vmem>>, vector<1024x128xf32>
    tpu.vector_store %arg5[%swap3A, %swap3A_20], %concatenate3A {strides = array<i32>} : memref<1024x128xf32, #tpu.memory_space<vmem>>, vector<1024x128xf32>,
    return
  }
  func.func @transform_0(%arg0: i32) -> (i32, i32) {
    %add3A = arith.constant 0 : i32
    %add3A_0 = arith.addi %add3A, %arg0 : i32
    %min3A = arith.constant 976 : i32
    %min3A_1 = arith.minsi %add3A_0, %min3A : i32
    %c0_i32 = arith.constant 0 : i32
    %c0_i32_2 = arith.constant 0 : i32
    return %c0_i32, %min3A_1 : i32, i32
  }
  func.func @transform_1(%arg0: i32) -> (i32, i32) {
    %add3A = arith.constant 245 : i32
    %add3A_0 = arith.addi %add3A, %arg0 : i32
    %min3A = arith.constant 976 : i32
    %min3A_1 = arith.minsi %add3A_0, %min3A : i32
    %c0_i32 = arith.constant 0 : i32
    %c0_i32_2 = arith.constant 0 : i32
    return %c0_i32, %min3A_1 : i32, i32
  }
  func.func @transform_2(%arg0: i32) -> (i32, i32) {
    %add3A = arith.constant 490 : i32
    %add3A_0 = arith.addi %add3A, %arg0 : i32
    %min3A = arith.constant 976 : i32
    %min3A_1 = arith.minsi %add3A_0, %min3A : i32
    %c0_i32 = arith.constant 0 : i32
    %c0_i32_2 = arith.constant 0 : i32
    return %c0_i32, %min3A_1 : i32, i32
  }
  func.func @transform_3(%arg0: i32) -> (i32, i32) {
    %add3A = arith.constant 735 : i32
    %add3A_0 = arith.addi %add3A, %arg0 : i32
    %min3A = arith.constant 976 : i32
    %min3A_1 = arith.minsi %add3A_0, %min3A : i32
    %c0_i32 = arith.constant 0 : i32
    %c0_i32_2 = arith.constant 0 : i32
    return %c0_i32, %min3A_1 : i32, i32
  }
  func.func @transform_4(%arg0: i32) -> (i32, i32) {
    %c0_i32 = arith.constant 0 : i32
    %c0_i32_0 = arith.constant 0 : i32
    return %arg0, %c0_i32 : i32, i32
  }
}

module attributes {stable_mosaic.version = 14 : i64} {
  func.func @body(%arg0: memref<16384x32xf32, #tpu.memory_space<vmem>>, %arg1: memref<32x16xf32, #tpu.memory_space<vmem>>, %arg2: memref<1x16xf32, #tpu.memory_space<vmem>>, %arg3: memref<16x1xf32, #tpu.memory_space<vmem>>, %arg4: memref<1x1xf32, #tpu.memory_space<vmem>>, %arg5: memref<16384x1xf32, #tpu.memory_space<vmem>>) attributes {dimension_semantics = [], scalar_prefetch = 0 : i64, scratch_operands = 0 : i64, tpu.core_type = #tpu.core_type<tc>} {
    %get3A = arith.constant 0 : index
    %get3A_0 = arith.constant 0 : index
    %get3A_1 = vector.load %arg0[%get3A, %get3A_0] : memref<16384x32xf32, #tpu.memory_space<vmem>>, vector<16384x32xf32>
    %mul3A = arith.constant 5.000000e-03 : f32
    %mul3A_2 = vector.broadcast %mul3A : f32 to vector<16384x32xf32>
    %mul3A_3 = arith.mulf %get3A_1, %mul3A_2 : vector<16384x32xf32>
    %get3A_4 = arith.constant 0 : index
    %get3A_5 = arith.constant 0 : index
    %get3A_6 = vector.load %arg1[%get3A_4, %get3A_5] : memref<32x16xf32, #tpu.memory_space<vmem>>, vector<32x16xf32>
    %dot_general3A = arith.constant dense<0.000000e+00> : vector<16384x16xf32>
    %dot_general3A_7 = tpu.matmul %mul3A_3, %get3A_6, %dot_general3A {dimension_numbers = #tpu.dot_dimension_numbers<[1], [0], [0], [1], [0, 0, 1, 1], [], []>, transpose_lhs_hint = false} : vector<16384x32xf32>, vector<32x16xf32>, vector<16384x16xf32> -> vector<16384x16xf32>
    %get3A_8 = arith.constant 0 : index
    %get3A_9 = arith.constant 0 : index
    %get3A_10 = vector.load %arg2[%get3A_8, %get3A_9] : memref<1x16xf32, #tpu.memory_space<vmem>>, vector<1x16xf32>
    %add3A = vector.broadcast %get3A_10 : vector<1x16xf32> to vector<16384x16xf32>
    %add3A_11 = arith.addf %dot_general3A_7, %add3A : vector<16384x16xf32>
    %logistic3A = arith.negf %add3A_11 : vector<16384x16xf32>
    %logistic3A_12 = math.exp %logistic3A : vector<16384x16xf32>
    %logistic3A_13 = arith.constant 1.000000e+00 : f32
    %logistic3A_14 = vector.broadcast %logistic3A_13 : f32 to vector<16384x16xf32>
    %logistic3A_15 = arith.addf %logistic3A_14, %logistic3A_12 : vector<16384x16xf32>
    %logistic3A_16 = arith.divf %logistic3A_14, %logistic3A_15 : vector<16384x16xf32>
    %get3A_17 = arith.constant 0 : index
    %get3A_18 = arith.constant 0 : index
    %get3A_19 = vector.load %arg3[%get3A_17, %get3A_18] : memref<16x1xf32, #tpu.memory_space<vmem>>, vector<16x1xf32>
    %dot_general3A_20 = arith.constant dense<0.000000e+00> : vector<16384x1xf32>
    %dot_general3A_21 = tpu.matmul %logistic3A_16, %get3A_19, %dot_general3A_20 {dimension_numbers = #tpu.dot_dimension_numbers<[1], [0], [0], [1], [0, 0, 1, 1], [], []>, transpose_lhs_hint = false} : vector<16384x16xf32>, vector<16x1xf32>, vector<16384x1xf32> -> vector<16384x1xf32>
    %get3A_22 = arith.constant 0 : index
    %get3A_23 = arith.constant 0 : index
    %get3A_24 = vector.load %arg4[%get3A_22, %get3A_23] : memref<1x1xf32, #tpu.memory_space<vmem>>, vector<1x1xf32>
    %add3A_25 = vector.broadcast %get3A_24 : vector<1x1xf32> to vector<16384x1xf32>
    %add3A_26 = arith.addf %dot_general3A_21, %add3A_25 : vector<16384x1xf32>
    %logistic3A_27 = arith.negf %add3A_26 : vector<16384x1xf32>
    %logistic3A_28 = math.exp %logistic3A_27 : vector<16384x1xf32>
    %logistic3A_29 = arith.constant 1.000000e+00 : f32
    %logistic3A_30 = vector.broadcast %logistic3A_29 : f32 to vector<16384x1xf32>
    %logistic3A_31 = arith.addf %logistic3A_30, %logistic3A_28 : vector<16384x1xf32>
    %logistic3A_32 = arith.divf %logistic3A_30, %logistic3A_31 : vector<16384x1xf32>
    %swap3A = arith.constant 0 : index
    %swap3A_33 = arith.constant 0 : index
    %swap3A_34 = vector.load %arg5[%swap3A, %swap3A_33] : memref<16384x1xf32, #tpu.memory_space<vmem>>, vector<16384x1xf32>
    tpu.vector_store %arg5[%swap3A, %swap3A_33], %logistic3A_32 {strides = array<i32>} : memref<16384x1xf32, #tpu.memory_space<vmem>>, vector<16384x1xf32>,
    return
  }
}

</mosaic_0001>

<sc_bundles>
// kernel: kernel.5.cloned.1.call-start
scs
__scs_entry_jumppad:
0x0: {  	(pc) =	sbr.rel $0x88, $3  }
0x1: {  	(tag) =	ssettag $0x0;
	lr =	simm.s32 $0x1  }
0x2: {  	[smem:$0x3F9B] =	sst lr;
	_ =	strace $0xD0000000  }
0x3: {  	_ = 	snop  }
0x4: {  	_ = 	snop  }
0x5: {  	_ = 	snop  }
0x6: {  	_ = 	snop  }
0x7: {  	_ = 	snop  }
__scs_overlays_trampoline_lowered:
0x8: {  	[smem:$0x3FAA] =	sst s0  }
0x9: {  	[smem:$0x3FAB] =	sst s1  }
0xa: {  	[smem:$0x3FAC] =	sst s2  }
0xb: {  	[smem:$0x3FAD] =	sst s3  }
0xc: {  	[smem:$0x3FAE] =	sst s4  }
0xd: {  	[smem:$0x3FAF] =	sst s5  }
0xe: {  	[smem:$0x3FB0] =	sst s6  }
0xf: {  	[smem:$0x3FB1] =	sst s7  }
0x10: {  	[smem:$0x3FB2] =	sst s8  }
0x11: {  	[smem:$0x3FB3] =	sst s9;
	s0 =	simm.s32 @!p0 $0x0  }
0x12: {  	s1 =	sld [smem:$0x3F99];
	s0 =	simm.s32 @p0 $0x1  }
0x13: {  	[smem:$0x3FB4] =	sst s0;
	s0 =	simm.s32 @!p1 $0x0  }
0x14: {  	s2 =	sld [smem:$0x3F98];
	s0 =	simm.s32 @p1 $0x1  }
0x15: {  	[smem:$0x3FB5] =	sst s0;
	s0 =	simm.s32 @!p2 $0x0  }
0x16: {  	s3 =	sld [smem:$0x3FDB];
	s0 =	simm.s32 @p2 $0x1  }
0x17: {  	s4 =	simm.s32 $0x1BF5;
	[smem:$0x3FB7] =	sst s0  }
0x18: {  	s0 =	sld [smem:$0x3F9A];
	_ =	swait.ge [sflag:s4], $0x0  }
0x19: {  	s7 =	sld [smem:$0x3F9B]  }
0x1a: {  	s8 =	sadd.s32 $0xFFFFE003, lr  }
0x1b: {  	s9 =	sadd.s32 $0xFFFFFEF7, lr;
	s5 =	simm.s32 $0xFFFFFFFF;
	p2 =	slt.u32 s8, $0xFFFFF086  }
0x1c: {  	p1 =	slt.u32 s9, $0xF7A;
	s5 =	simm.s32 @!p2 $0x0  }
0x1d: {  	s5 =	simm.s32 @p1 $0x1;
	p0 =	seq.s32 s7, s2  }
0x1e: {  	s7 =	smul.u32 @!p0 $0xF7A, s2;
	p2 =	seq.s32 @!p0 s5, $0x0  }
0x1f: {  	s9 =	smul.u32 $0xF7A, s1;
	s8 =	simm.s32 @!p0 $0x1BF5;
	p2 =	por !p2, p0  }
0x20: {  	[sflag:s8] =	ssyncset.s32 @!p0 $0xFFFFF086;
	s6 =	sadd.s32 @!p0 s3, s7;
	s7 =	simm.s32 @!p0 $0x108  }
0x21: {  	s3 =	sadd.s32 s3, s9;
	s6 =	sadd.s32 @!p0 $0x88, s6;
	s7 =	simm.s32 @p2 $0x1082  }
0x22: {  	[simem:s7], [sflag:s8] =	dma.local @!p0 [hbm:s6], $0xF7A  }
0x23: {  	s9 =	sor.u32 $0xD0000000, s2;
	s6 =	simm.s32 $0x108;
	_ =	swait.ge @!p0 [sflag:s8], $0x0  }
0x24: {  	s3 =	sadd.s32 $0x88, s3;
	s6 =	simm.s32 @!p1 $0x1082;
	[sflag:s4] =	ssyncset.s32 $0xFFFFF086  }
0x25: {  	[simem:s6], [sflag:s4] =	dma.local [hbm:s3], $0xF7A  }
0x26: {  	[smem:$0x3F9B] =	sst s1;
	(tag) =	ssettag s2;
	_ =	strace s9  }
0x27: {  	s1 =	sld [smem:$0x3FAB]  }
0x28: {  	s2 =	sld [smem:$0x3FAC]  }
0x29: {  	s4 =	sld [smem:$0x3FAE]  }
0x2a: {  	p0 =	seq.s32 s5, $0x0;
	s5 =	sld [smem:$0x3FAF]  }
0x2b: {  	s6 =	sld [smem:$0x3FB0]  }
0x2c: {  	s7 =	sld [smem:$0x3FB1]  }
0x2d: {  	s3 =	simm.s32 $0x108;
	s8 =	sld [smem:$0x3FB2]  }
0x2e: {  	s3 =	simm.s32 @!p0 $0x1082;
	s9 =	sld [smem:$0x3FB3]  }
0x2f: {  	lr =	sadd.s32 s0, s3;
	s0 =	sld [smem:$0x3FAA]  }
0x30: {  	s3 =	sld [smem:$0x3FAD]  }
0x31: {  	[smem:$0x3FB6] =	sst s10  }
0x32: {  	s10 =	sld [smem:$0x3FB4];
	_ =	sdelay $0x3  }
0x33: {  	p0 =	seq.s32 s10, $0x1;
	s10 =	sld [smem:$0x3FB6];
	_ =	sdelay $0x3  }
0x34: {  	[smem:$0x3FB6] =	sst s10  }
0x35: {  	s10 =	sld [smem:$0x3FB5];
	_ =	sdelay $0x3  }
0x36: {  	p1 =	seq.s32 s10, $0x1;
	s10 =	sld [smem:$0x3FB6];
	_ =	sdelay $0x3  }
0x37: {  	[smem:$0x3FB6] =	sst s10  }
0x38: {  	s10 =	sld [smem:$0x3FB7]  }
0x39: {  	_ = 	snop;
	(pc) =	sbr.ind lr, $3  }
0x3a: {  	_ = 	snop  }
0x3b: {  	_ = 	snop  }
0x3c: {  	p2 =	seq.s32 s10, $0x1;
	s10 =	sld [smem:$0x3FB6]  }
0x3d: {  	_ =	shalt  }
0x3e: {  	_ =	shalt  }
0x3f: {  	_ =	shalt  }
0x40: {  	_ =	shalt  }
0x41: {  	_ =	shalt  }
0x42: {  	_ =	shalt  }
0x43: {  	_ =	shalt  }
0x44: {  	_ =	shalt  }
0x45: {  	_ =	shalt  }
0x46: {  	_ =	shalt  }
0x47: {  	_ =	shalt  }
0x48: {  	_ =	shalt  }
0x49: {  	_ =	shalt  }
0x4a: {  	_ =	shalt  }
0x4b: {  	_ =	shalt  }
0x4c: {  	_ =	shalt  }
0x4d: {  	_ =	shalt  }
0x4e: {  	_ =	shalt  }
0x4f: {  	_ =	shalt  }
0x50: {  	_ =	shalt  }
0x51: {  	_ =	shalt  }
0x52: {  	_ =	shalt  }
0x53: {  	_ =	shalt  }
0x54: {  	_ =	shalt  }
0x55: {  	_ =	shalt  }
0x56: {  	_ =	shalt  }
0x57: {  	_ =	shalt  }
0x58: {  	_ =	shalt  }
0x59: {  	_ =	shalt  }
0x5a: {  	_ =	shalt  }
0x5b: {  	_ =	shalt  }
0x5c: {  	_ =	shalt  }
0x5d: {  	_ =	shalt  }
0x5e: {  	_ =	shalt  }
0x5f: {  	_ =	shalt  }
0x60: {  	_ =	shalt  }
0x61: {  	_ =	shalt  }
0x62: {  	_ =	shalt  }
0x63: {  	_ =	shalt  }
0x64: {  	_ =	shalt  }
0x65: {  	_ =	shalt  }
0x66: {  	_ =	shalt  }
0x67: {  	_ =	shalt  }
0x68: {  	_ =	shalt  }
0x69: {  	_ =	shalt  }
0x6a: {  	_ =	shalt  }
0x6b: {  	_ =	shalt  }
0x6c: {  	_ =	shalt  }
0x6d: {  	_ =	shalt  }
0x6e: {  	_ =	shalt  }
0x6f: {  	_ =	shalt  }
0x70: {  	_ =	shalt  }
0x71: {  	_ =	shalt  }
0x72: {  	_ =	shalt  }
0x73: {  	_ =	shalt  }
0x74: {  	_ =	shalt  }
0x75: {  	_ =	shalt  }
0x76: {  	_ =	shalt  }
0x77: {  	_ =	shalt  }
0x78: {  	_ =	shalt  }
0x79: {  	_ =	shalt  }
0x7a: {  	_ =	shalt  }
0x7b: {  	_ =	shalt  }
0x7c: {  	_ =	shalt  }
0x7d: {  	_ =	shalt  }
0x7e: {  	_ =	shalt  }
0x7f: {  	_ =	shalt  }
0x80: {  	_ =	shalt  }
0x81: {  	_ =	shalt  }
0x82: {  	_ =	shalt  }
0x83: {  	_ =	shalt  }
0x84: {  	_ =	shalt  }
0x85: {  	_ =	shalt  }
0x86: {  	_ =	shalt  }
0x87: {  	_ =	shalt  }
.Lfunc_end0:
.L_simem_size_0:
called_computation_lowered:
.L_overlay_start_0:
0x88: {  	s2 =	sld [smem:$0x3FD9]  }
0x89: {  	s3 =	sld [smem:$0x3FFE];
	_ =	sdelay $0x1  }
0x8a: {  	s1 =	srdreg.scid  }
0x8b: {  	s0 =	sand.u32 $0x1, s1  }
0x8c: {  	s16 =	sshll.u32 s0, $0xA;
	s2 =	sadd.s32 s3, s2  }
0x8d: {  	s2 =	sadd.s32 s2, s16  }
0x8e: {  	[smem:$0x3FC2] =	sst s2  }
0x8f: {  	_ = 	snop  }
0x90: {  	(tm) =	ssettm $0x1  }
0x91: {  	s17 =	sld [smem:$0x3FFB];
	_ =	sdelay $0x3  }
0x92: {  	_ =	strace s17  }
0x93: {  	s2 =	sld [smem:$0x3FFC];
	_ =	sdelay $0x3  }
0x94: {  	_ =	strace s2  }
0x95: {  	s2 =	sld [smem:$0x3FFD];
	_ =	sdelay $0x3  }
0x96: {  	_ =	strace s2  }
0x97: {  	_ =	strace $0x8FFFFFFF  }
0x98: {  	s18 =	sld [smem:$0x3FDB];
	_ =	sdelay $0x1  }
0x99: {  	s19 =	simm.s32 $_scs_section_size  }
0x9a: {  	s4 =	simm.s32 $_size__tile_overlayer_lowered;
	s5 =	simm.s32 $_tile_overlayer_lowered  }
0x9b: {  	s22 =	simm.s32 $0x1BFF;
	s21 =	sshll.u32 s5, $0x1;
	s2 =	sadd.s32 s19, s18  }
0x9c: {  	s6 =	simm.s32 $0x0;
	s20 =	sshll.u32 s4, $0x1;
	s4 =	sadd.s32 s21, s2  }
0x9d: {  	[timem:s6], [sflag:s22] =	dma.local [hbm:s4], s20  }
0x9e: {  	_ =	swait.ge [sflag:s22], s20  }
0x9f: {  	s3 =	ssub.s32 $0x0, s20;
	[sflag:s22] =	ssyncset.done $0x0  }
0xa0: {  	[sflag:s22] =	ssyncadd.s32 s3;
	_ =	sdelay $0x1  }
0xa1: {  	s23 =	simm.s32 $0x1B8B  }
0xa2: {  	_ =	swait.ge [sflag:s23], $0x1  }
0xa3: {  	[sflag:s23] =	ssyncset.done $0x0  }
0xa4: {  	s25 =	simm.s32 $0x1B8E;
	s24 =	sld [smem:$0x3FFE];
	[sflag:s23] =	ssyncadd.s32 $0xFFFFFFFF  }
0xa5: {  	s26 =	simm.s32 $execute0_lowered;
	[smem:$0x3FD2] =	sst s25  }
0xa6: {  	s4 =	sshll.u32 s26, $0x1;
	_ =	strace $0x80000046;
	[dreg:$0x1] =	wrdreg $0xFFFFFFFF  }
0xa7: {  	s28 =	simm.s32 $_size_execute0_lowered;
	s2 =	sadd.s32 s2, s4;
	[dreg:$0x0] =	wrdreg $0x0  }
0xa8: {  	s4 =	sshll.u32 s28, $0x1;
	[dreg:$0x2] =	wrdreg s2  }
0xa9: {  	[dreg:$0x3] =	wrdreg s4  }
0xaa: {  	[dreg:$0x4] =	wrdreg $0xC0  }
0xab: {  	_ =	task [dreg:s6], $0x5FFFF  }
0xac: {  	[dreg:$0x1] =	wrdreg $0xFFFFFFFF  }
0xad: {  	[dreg:$0x0] =	wrdreg $0x60  }
0xae: {  	[dreg:$0x2] =	wrdreg s24  }
0xaf: {  	[dreg:$0x3] =	wrdreg $0x9  }
0xb0: {  	_ =	task.clear_ibuf [dreg:s6], $0x4FFFF;
	_ =	strace $0x90000046  }
0xb1: {  	s29 =	simm.s32 $0x9;
	_ =	strace $0x80000048  }
0xb2: {  	_ =	swait.ge [sflag:s29], $0x1  }
0xb3: {  	[sflag:s29] =	ssyncadd.s32 $0xFFFFFFFF  }
0xb4: {  	_ =	strace $0x90000048  }
0xb5: {  	_ =	sfence  }
0xb6: {  	s30 =	sld [smem:$0x0];
	_ =	sdelay $0x2  }
0xb7: {  	s31 =	sshll.u32 s1, $0xD;
	s1 =	sshrl.u32 s1, $0x2  }
0xb8: {  	s3 =	sand.u32 $0x4000, s31;
	s1 =	sadd.s32 s1, s30  }
0xb9: {  	s0 =	sor.u32 s3, s0;
	s1 =	sshll.u32 s1, $0x11  }
0xba: {  	s0 =	sor.u32 s1, s0  }
0xbb: {  	s0 =	sadd.s32 $0x8F2B, s0  }
0xbc: {  	[sflag:s0] =	ssyncadd.remote.s32 $0x1  }
0xbd: {  	_ =	sfence.sel $0xFFFF  }
0xbe: {  	[dreg:$0x0] =	wrdreg $0xFFFFFFFF;
	(pc) =	sbr.abs _section_cstart, $3  }
0xbf: {  	[dreg:$0x1] =	wrdreg $0xFFFFFFFF  }
0xc0: {  	_ =	task.clear_ibuf [dreg:s6], $0x2FFFF;
	_ =	strace $0x9FFFFFFF  }
0xc1: {  	(tm) =	ssettm $0x7FFFFFFF  }
tec
execute0_lowered:
.L_overlay_start_1:
0x0: {  	(tag) =	ssettag $0x1  }
0x1: {  	s0 =	rddreg [dreg:$0x0];
	s1 =	srdreg.scid  }
0x2: {  	s2 =	stileid.u32;
	s12 =	simm.s32 $0x0;
	s16 =	simm.s32 $0x80  }
0x3: {  	s18 =	simm.s32 $0x48;
	s17 =	simm.s32 $0xA40;
	s19 =	simm.s32 $0x2  }
0x4: {  	s15 =	simm.s32 $0xBA8;
	s20 =	simm.s32 $0x16180;
	s21 =	simm.s32 $0x700  }
0x5: {  	s28 =	simm.s32 $0xC38;
	s29 =	simm.s32 $0x19380;
	s30 =	simm.s32 $0x3  }
0x6: {  	s31 =	simm.s32 $0x4;
	s1 =	sand.u32 $0x1, s1;
	s2 =	sshll.u32 s2, $0xA  }
0x7: {  	[smem:$0x7FF] =	sst s12;
	s4 =	sadd.s32 $0x1000, s0;
	s5 =	sadd.s32 $0xC1000, s0  }
0x8: {  	s3 =	sshll.u32 s1, $0x9;
	_ =	strace $0x80000047;
	s1 =	ssub.s32 $0x2, s1  }
0x9: {  	s2 =	sor.u32 s3, s2;
	s3 =	sadd.s32 $0x81000, s0;
	s8 =	sshrl.u32 s1, $0x1  }
0xa: {  	s6 =	sshll.u32 s2, $0x2;
	s22 =	smul.u32 $0x9, s2;
	s7 =	sor.u32 $0x8, s2  }
0xb: {  	s9 =	sshll.u32 s2, $0x4;
	s1 =	ssub.s32 s1, s8;
	s11 =	sor.u32 $0x18, s2  }
0xc: {  	s0 =	sadd.s32 s6, s0;
	s10 =	smul.u32 $0x9, s7;
	s23 =	sadd.s32 s3, s9  }
0xd: {  	s7 =	sshll.u32 s7, $0x4;
	s26 =	smax.u32 s1, $0x1;
	s1 =	simm.s32 $0x400  }
0xe: {  	[dreg:$0x2] =	wrdreg s23;
	s6 =	sadd.s32 s4, s22;
	s24 =	sadd.s32 s3, s7  }
0xf: {  	s0 =	sadd.s32 $0x25000, s0;
	[dreg:$0x7] =	wrdreg s26;
	s22 =	simm.s32 $0x16A80  }
0x10: {  	s23 =	simm.s32 $0xBF0;
	s26 =	simm.s32 $0x18380;
	[dreg:$0x3] =	wrdreg s6  }
0x11: {  	s7 =	simm.s32 $0x0;
	[dreg:$0x4] =	wrdreg s24;
	s25 =	sadd.s32 s4, s10  }
0x12: {  	s10 =	sor.u32 $0x10, s2;
	[dreg:$0x6] =	wrdreg s0;
	s2 =	simm.s32 $0x15180  }
0x13: {  	s24 =	simm.s32 $0x17A80;
	[dreg:$0x5] =	wrdreg s25;
	s25 =	simm.s32 $0x780  }
.LBB2_1:
0x14: {  	[dreg:$0x8] =	wrdreg s7  }
0x15: {  	s0 =	rddreg [dreg:$0x2]  }
0x16: {  	[tilespmem:s12], [sflag:$0x1] =	stream.linear.gather [hbm4b:s0+s12], $0x400, $0x38;
	[tilespmem:$0x1DC80] =	vst v63  }
0x17: {  	s8 =	rddreg [dreg:$0x3];
	s6 =	simm.s32 $0x800;
	s9 =	simm.s32 $0x1  }
0x18: {  	[tilespmem:s6], [sflag:$0x1] =	stream.linear.gather [hbm4b:s8+s12], $0x240, $0x38;
	[tilespmem:$0x1DC80] =	vst v63  }
0x19: {  	_ =	swait.ge [sflag:s9], $0x400  }
0x1a: {  	[sflag:s9] =	ssyncset.done $0x0  }
0x1b: {  	[sflag:s9] =	ssyncadd.s32 $0xFFFFFC00  }
0x1c: {  	_ =	swait.ge [sflag:s9], $0x240  }
0x1d: {  	[sflag:s9] =	ssyncset.done $0x0  }
0x1e: {  	s13 =	simm.s32 $0xC80;
	[sflag:s9] =	ssyncadd.s32 $0xFFFFFDC0  }
0x1f: {  	[tilespmem:s13], [sflag:$0x3] =	stream.indirect.gather [hbm4b:s5+s16], $0x20, s12, s16, $0xb8;
	[tilespmem:$0x1DC80] =	vst v63  }
0x20: {  	s14 =	simm.s32 $0x1C80  }
0x21: {  	[tilespmem:s14], [sflag:$0x3] =	stream.indirect.gather [hbm4b:s5+s18], $0x20, s6, s18, $0xb8;
	[tilespmem:$0x1DC80] =	vst v63  }
0x22: {  	s7 =	simm.s32 $0x2580  }
0x23: {  	[tilespmem:s7], [sflag:$0x3] =	stream.indirect.gather [hbm4b:s5+s16], $0x20, s16, s16, $0xb8;
	[tilespmem:$0x1DC80] =	vst v63  }
0x24: {  	s8 =	simm.s32 $0x848;
	s9 =	simm.s32 $0x3580  }
0x25: {  	[tilespmem:s9], [sflag:$0x3] =	stream.indirect.gather [hbm4b:s5+s18], $0x20, s8, s18, $0xb8;
	[tilespmem:$0x1DC80] =	vst v63  }
0x26: {  	s13 =	simm.s32 $0x100;
	s14 =	simm.s32 $0x3E80  }
0x27: {  	[tilespmem:s14], [sflag:$0x3] =	stream.indirect.gather [hbm4b:s5+s16], $0x20, s13, s16, $0xb8;
	[tilespmem:$0x1DC80] =	vst v63  }
0x28: {  	s6 =	simm.s32 $0x890;
	s7 =	simm.s32 $0x4E80  }
0x29: {  	[tilespmem:s7], [sflag:$0x3] =	stream.indirect.gather [hbm4b:s5+s18], $0x20, s6, s18, $0xb8;
	[tilespmem:$0x1DC80] =	vst v63  }
0x2a: {  	s8 =	simm.s32 $0x180;
	s9 =	simm.s32 $0x5780  }
0x2b: {  	[tilespmem:s9], [sflag:$0x3] =	stream.indirect.gather [hbm4b:s5+s16], $0x20, s8, s16, $0xb8;
	[tilespmem:$0x1DC80] =	vst v63  }
0x2c: {  	s13 =	simm.s32 $0x8D8;
	s14 =	simm.s32 $0x6780  }
0x2d: {  	[tilespmem:s14], [sflag:$0x3] =	stream.indirect.gather [hbm4b:s5+s18], $0x20, s13, s18, $0xb8;
	[tilespmem:$0x1DC80] =	vst v63  }
0x2e: {  	s6 =	simm.s32 $0x200;
	s7 =	simm.s32 $0x7080  }
0x2f: {  	[tilespmem:s7], [sflag:$0x3] =	stream.indirect.gather [hbm4b:s5+s16], $0x20, s6, s16, $0xb8;
	[tilespmem:$0x1DC80] =	vst v63  }
0x30: {  	s8 =	simm.s32 $0x920;
	s9 =	simm.s32 $0x8080  }
0x31: {  	[tilespmem:s9], [sflag:$0x3] =	stream.indirect.gather [hbm4b:s5+s18], $0x20, s8, s18, $0xb8;
	[tilespmem:$0x1DC80] =	vst v63  }
0x32: {  	s13 =	simm.s32 $0x280;
	s14 =	simm.s32 $0x8980  }
0x33: {  	[tilespmem:s14], [sflag:$0x3] =	stream.indirect.gather [hbm4b:s5+s16], $0x20, s13, s16, $0xb8;
	[tilespmem:$0x1DC80] =	vst v63  }
0x34: {  	s6 =	simm.s32 $0x968;
	s7 =	simm.s32 $0x9980  }
0x35: {  	[tilespmem:s7], [sflag:$0x3] =	stream.indirect.gather [hbm4b:s5+s18], $0x20, s6, s18, $0xb8;
	[tilespmem:$0x1DC80] =	vst v63  }
0x36: {  	s8 =	simm.s32 $0x300;
	s9 =	simm.s32 $0xA280  }
0x37: {  	[tilespmem:s9], [sflag:$0x3] =	stream.indirect.gather [hbm4b:s5+s16], $0x20, s8, s16, $0xb8;
	[tilespmem:$0x1DC80] =	vst v63  }
0x38: {  	s13 =	simm.s32 $0x9B0;
	s14 =	simm.s32 $0xB280  }
0x39: {  	[tilespmem:s14], [sflag:$0x3] =	stream.indirect.gather [hbm4b:s5+s18], $0x20, s13, s18, $0xb8;
	[tilespmem:$0x1DC80] =	vst v63  }
0x3a: {  	s6 =	simm.s32 $0x380;
	s7 =	simm.s32 $0xBB80  }
0x3b: {  	[tilespmem:s7], [sflag:$0x3] =	stream.indirect.gather [hbm4b:s5+s16], $0x20, s6, s16, $0xb8;
	[tilespmem:$0x1DC80] =	vst v63  }
0x3c: {  	s8 =	simm.s32 $0x9F8;
	s9 =	simm.s32 $0xCB80  }
0x3d: {  	[tilespmem:s9], [sflag:$0x3] =	stream.indirect.gather [hbm4b:s5+s18], $0x20, s8, s18, $0xb8;
	[tilespmem:$0x1DC80] =	vst v63  }
0x3e: {  	s13 =	rddreg [dreg:$0x4]  }
0x3f: {  	[tilespmem:s1], [sflag:$0x2] =	stream.linear.gather [hbm4b:s13+s12], $0x400, $0x38;
	[tilespmem:$0x1DC80] =	vst v63  }
0x40: {  	s0 =	simm.s32 $0x0;
	s14 =	rddreg [dreg:$0x5]  }
0x41: {  	[tilespmem:s17], [sflag:$0x2] =	stream.linear.gather [hbm4b:s14+s12], $0x240, $0x38;
	[tilespmem:$0x1DC80] =	vst v63  }
.LBB2_2:
0x42: {  	_ =	swait.ge [sflag:s19], $0x400  }
0x43: {  	[sflag:s19] =	ssyncset.done $0x0  }
0x44: {  	[sflag:s19] =	ssyncadd.s32 $0xFFFFFC00  }
0x45: {  	_ =	swait.ge [sflag:s19], $0x240  }
0x46: {  	[sflag:s19] =	ssyncset.done $0x0  }
0x47: {  	s6 =	simm.s32 $0xD480;
	[sflag:s19] =	ssyncadd.s32 $0xFFFFFDC0  }
0x48: {  	[tilespmem:s6], [sflag:$0x4] =	stream.indirect.gather [hbm4b:s5+s16], $0x20, s1, s16, $0xb8;
	[tilespmem:$0x1DC80] =	vst v63  }
0x49: {  	s7 =	simm.s32 $0xE480  }
0x4a: {  	[tilespmem:s7], [sflag:$0x4] =	stream.indirect.gather [hbm4b:s5+s18], $0x20, s17, s18, $0xb8;
	[tilespmem:$0x1DC80] =	vst v63  }
0x4b: {  	s8 =	simm.s32 $0x480;
	s7 =	simm.s32 $0xED80  }
0x4c: {  	[tilespmem:s7], [sflag:$0x4] =	stream.indirect.gather [hbm4b:s5+s16], $0x20, s8, s16, $0xb8;
	[tilespmem:$0x1DC80] =	vst v63  }
0x4d: {  	s9 =	simm.s32 $0xA88;
	s12 =	simm.s32 $0xFD80  }
0x4e: {  	[tilespmem:s12], [sflag:$0x4] =	stream.indirect.gather [hbm4b:s5+s18], $0x20, s9, s18, $0xb8;
	[tilespmem:$0x1DC80] =	vst v63  }
0x4f: {  	s13 =	simm.s32 $0x500;
	s14 =	simm.s32 $0x10680  }
0x50: {  	[tilespmem:s14], [sflag:$0x4] =	stream.indirect.gather [hbm4b:s5+s16], $0x20, s13, s16, $0xb8;
	[tilespmem:$0x1DC80] =	vst v63  }
0x51: {  	s7 =	simm.s32 $0xAD0;
	s8 =	simm.s32 $0x11680  }
0x52: {  	[tilespmem:s8], [sflag:$0x4] =	stream.indirect.gather [hbm4b:s5+s18], $0x20, s7, s18, $0xb8;
	[tilespmem:$0x1DC80] =	vst v63  }
0x53: {  	s9 =	simm.s32 $0x580;
	s12 =	simm.s32 $0x11F80  }
0x54: {  	[tilespmem:s12], [sflag:$0x4] =	stream.indirect.gather [hbm4b:s5+s16], $0x20, s9, s16, $0xb8;
	[tilespmem:$0x1DC80] =	vst v63  }
0x55: {  	s13 =	simm.s32 $0xB18;
	s14 =	simm.s32 $0x12F80  }
0x56: {  	[tilespmem:s14], [sflag:$0x4] =	stream.indirect.gather [hbm4b:s5+s18], $0x20, s13, s18, $0xb8;
	[tilespmem:$0x1DC80] =	vst v63  }
0x57: {  	s8 =	simm.s32 $0x600;
	s9 =	simm.s32 $0x13880  }
0x58: {  	[tilespmem:s9], [sflag:$0x4] =	stream.indirect.gather [hbm4b:s5+s16], $0x20, s8, s16, $0xb8;
	[tilespmem:$0x1DC80] =	vst v63  }
0x59: {  	s12 =	simm.s32 $0xB60;
	s13 =	simm.s32 $0x14880  }
0x5a: {  	[tilespmem:s13], [sflag:$0x4] =	stream.indirect.gather [hbm4b:s5+s18], $0x20, s12, s18, $0xb8;
	[tilespmem:$0x1DC80] =	vst v63  }
0x5b: {  	s14 =	simm.s32 $0x680  }
0x5c: {  	[tilespmem:s2], [sflag:$0x4] =	stream.indirect.gather [hbm4b:s5+s16], $0x20, s14, s16, $0xb8;
	[tilespmem:$0x1DC80] =	vst v63  }
0x5d: {  	_ = 	snop  }
0x5e: {  	[tilespmem:s20], [sflag:$0x4] =	stream.indirect.gather [hbm4b:s5+s18], $0x20, s15, s18, $0xb8;
	[tilespmem:$0x1DC80] =	vst v63  }
0x5f: {  	_ = 	snop  }
0x60: {  	[tilespmem:s22], [sflag:$0x4] =	stream.indirect.gather [hbm4b:s5+s16], $0x20, s21, s16, $0xb8;
	[tilespmem:$0x1DC80] =	vst v63  }
0x61: {  	_ = 	snop  }
0x62: {  	[tilespmem:s24], [sflag:$0x4] =	stream.indirect.gather [hbm4b:s5+s18], $0x20, s23, s18, $0xb8;
	[tilespmem:$0x1DC80] =	vst v63  }
0x63: {  	_ = 	snop  }
0x64: {  	[tilespmem:s26], [sflag:$0x4] =	stream.indirect.gather [hbm4b:s5+s16], $0x20, s25, s16, $0xb8;
	[tilespmem:$0x1DC80] =	vst v63  }
0x65: {  	_ = 	snop  }
0x66: {  	[tilespmem:s29], [sflag:$0x4] =	stream.indirect.gather [hbm4b:s5+s18], $0x20, s28, s18, $0xb8;
	[tilespmem:$0x1DC80] =	vst v63  }
0x67: {  	_ =	swait.ge [sflag:s30], $0x1000  }
0x68: {  	[sflag:s30] =	ssyncset.done $0x0  }
0x69: {  	[sflag:s30] =	ssyncadd.s32 $0xFFFFF000  }
0x6a: {  	_ =	swait.ge [sflag:s30], $0x900  }
0x6b: {  	[sflag:s30] =	ssyncset.done $0x0  }
0x6c: {  	[sflag:s30] =	ssyncadd.s32 $0xFFFFF700  }
0x6d: {  	_ =	swait.ge [sflag:s30], $0x1000  }
0x6e: {  	[sflag:s30] =	ssyncset.done $0x0  }
0x6f: {  	[sflag:s30] =	ssyncadd.s32 $0xFFFFF000  }
0x70: {  	_ =	swait.ge [sflag:s30], $0x900  }
0x71: {  	[sflag:s30] =	ssyncset.done $0x0  }
0x72: {  	[sflag:s30] =	ssyncadd.s32 $0xFFFFF700  }
0x73: {  	_ =	swait.ge [sflag:s30], $0x1000  }
0x74: {  	[sflag:s30] =	ssyncset.done $0x0  }
0x75: {  	[sflag:s30] =	ssyncadd.s32 $0xFFFFF000  }
0x76: {  	_ =	swait.ge [sflag:s30], $0x900  }
0x77: {  	[sflag:s30] =	ssyncset.done $0x0  }
0x78: {  	[sflag:s30] =	ssyncadd.s32 $0xFFFFF700  }
0x79: {  	_ =	swait.ge [sflag:s30], $0x1000  }
0x7a: {  	[sflag:s30] =	ssyncset.done $0x0  }
0x7b: {  	[sflag:s30] =	ssyncadd.s32 $0xFFFFF000  }
0x7c: {  	_ =	swait.ge [sflag:s30], $0x900  }
0x7d: {  	[sflag:s30] =	ssyncset.done $0x0  }
0x7e: {  	[sflag:s30] =	ssyncadd.s32 $0xFFFFF700  }
0x7f: {  	_ =	swait.ge [sflag:s30], $0x1000  }
0x80: {  	[sflag:s30] =	ssyncset.done $0x0  }
0x81: {  	[sflag:s30] =	ssyncadd.s32 $0xFFFFF000  }
0x82: {  	_ =	swait.ge [sflag:s30], $0x900  }
0x83: {  	[sflag:s30] =	ssyncset.done $0x0  }
0x84: {  	[sflag:s30] =	ssyncadd.s32 $0xFFFFF700  }
0x85: {  	_ =	swait.ge [sflag:s30], $0x1000  }
0x86: {  	[sflag:s30] =	ssyncset.done $0x0  }
0x87: {  	[sflag:s30] =	ssyncadd.s32 $0xFFFFF000  }
0x88: {  	_ =	swait.ge [sflag:s30], $0x900  }
0x89: {  	[sflag:s30] =	ssyncset.done $0x0  }
0x8a: {  	[sflag:s30] =	ssyncadd.s32 $0xFFFFF700  }
0x8b: {  	_ =	swait.ge [sflag:s30], $0x1000  }
0x8c: {  	[sflag:s30] =	ssyncset.done $0x0  }
0x8d: {  	[sflag:s30] =	ssyncadd.s32 $0xFFFFF000  }
0x8e: {  	_ =	swait.ge [sflag:s30], $0x900  }
0x8f: {  	[sflag:s30] =	ssyncset.done $0x0  }
0x90: {  	[sflag:s30] =	ssyncadd.s32 $0xFFFFF700  }
0x91: {  	_ =	swait.ge [sflag:s30], $0x1000  }
0x92: {  	[sflag:s30] =	ssyncset.done $0x0  }
0x93: {  	p0 =	seq.s32 s0, $0x1F;
	s6 =	sshll.u32 s0, $0x4;
	[sflag:s30] =	ssyncadd.s32 $0xFFFFF000  }
0x94: {  	s7 =	sadd.s32 @!p0 s6, s10;
	_ =	swait.ge [sflag:s30], $0x900  }
0x95: {  	s8 =	sshll.u32 @!p0 s7, $0x4;
	s7 =	smul.u32 @!p0 $0x9, s7;
	[sflag:s30] =	ssyncset.done $0x0  }
0x96: {  	s8 =	sadd.s32 @!p0 s3, s8;
	s14 =	simm.s32 @!p0 $0x0;
	[sflag:s30] =	ssyncadd.s32 $0xFFFFF700  }
0x97: {  	[tilespmem:s14], [sflag:$0x1] =	stream.linear.gather @!p0 [hbm4b:s8+s14], $0x400, $0x38;
	[tilespmem:$0x1DC80] =	vst v63  }
0x98: {  	s7 =	sadd.s32 @!p0 s4, s7;
	s8 =	simm.s32 @!p0 $0x800  }
0x99: {  	[tilespmem:s8], [sflag:$0x1] =	stream.linear.gather @!p0 [hbm4b:s7+s14], $0x240, $0x38;
	[tilespmem:$0x1DC80] =	vst v63  }
0x9a: {  	s7 =	simm.s32 $0x0  }
0x9b: {  	v0 =	vld [tilespmem:s7+$0xD40]  }
0x9c: {  	v1 =	vld [tilespmem:s7+$0xD50]  }
0x9d: {  	v2 =	vld [tilespmem:s7+$0xD00]  }
0x9e: {  	v3 =	vld [tilespmem:s7+$0xD10]  }
0x9f: {  	v4 =	vld [tilespmem:s7+$0xCC0]  }
0xa0: {  	v5 =	vld [tilespmem:s7+$0xCD0]  }
0xa1: {  	v10 =	vld [tilespmem:s7+$0xC80]  }
0xa2: {  	v6 =	vimm.f32 $0.0e+00;
	v11 =	vld [tilespmem:s7+$0xC90]  }
0xa3: {  	v7 =	vimm.f32 $0.0e+00;
	v9 =	vimm.f32 $0.0e+00;
	v8 =	vimm.f32 $0.0e+00;
	s14 =	simm.s32 $0x400;
	v12 =	vld [tilespmem:s7+$0xCA0]  }
.LBB2_3:
0xa4: {  	p1 =	sne.s32 s14, $0x6000;
	v13 =	vld [tilespmem:s7+$0xCB0]  }
0xa5: {  	v14 =	vld [tilespmem:s7+$0xCE0]  }
0xa6: {  	v15 =	vld [tilespmem:s7+$0xCF0]  }
0xa7: {  	v16 =	vld [tilespmem:s7+$0xD20]  }
0xa8: {  	v6 =	vadd.f32 v10, v6;
	v7 =	vadd.f32 v11, v7;
	v10 =	vld [tilespmem:s7+$0xD30]  }
0xa9: {  	v9 =	vadd.f32 v12, v9;
	v8 =	vadd.f32 v13, v8;
	v11 =	vld [tilespmem:s7+$0xD60]  }
0xaa: {  	v4 =	vadd.f32 v4, v6;
	v5 =	vadd.f32 v5, v7;
	v12 =	vld [tilespmem:s7+$0xD70];
	s7 =	sshra.s32 s14, $0x2  }
0xab: {  	v6 =	vadd.f32 v14, v9;
	v13 =	vld [tilespmem:s7+$0xD40];
	v7 =	vadd.f32 v15, v8  }
0xac: {  	v4 =	vadd.f32 v2, v4;
	v5 =	vadd.f32 v3, v5;
	v14 =	vld [tilespmem:s7+$0xD50]  }
0xad: {  	v8 =	vadd.f32 v16, v6;
	v2 =	vld [tilespmem:s7+$0xD00];
	v10 =	vadd.f32 v10, v7  }
0xae: {  	v6 =	vadd.f32 v0, v4;
	v7 =	vadd.f32 v1, v5;
	v3 =	vld [tilespmem:s7+$0xD10]  }
.Ltmp0:
0xaf: {  	v9 =	vadd.f32 v11, v8;
	v4 =	vld [tilespmem:s7+$0xCC0];
	v8 =	vadd.f32 v12, v10;
	(pc) =	sbr.rel @p1 .LBB2_3-.Ltmp0, $4  }
0xb0: {  	v5 =	vld [tilespmem:s7+$0xCD0];
	v0 =	vmov v13  }
0xb1: {  	v10 =	vld [tilespmem:s7+$0xC80];
	v1 =	vmov v14  }
0xb2: {  	v11 =	vld [tilespmem:s7+$0xC90]  }
0xb3: {  	s14 =	sadd.s32 $0x400, s14;
	v12 =	vld [tilespmem:s7+$0xCA0]  }
0xb4: {  	v13 =	vld [tilespmem:s7+$0xCB0]  }
0xb5: {  	v14 =	vld [tilespmem:s7+$0xCE0]  }
0xb6: {  	v15 =	vld [tilespmem:s7+$0xCF0]  }
0xb7: {  	v16 =	vld [tilespmem:s7+$0xD20]  }
0xb8: {  	v6 =	vadd.f32 v10, v6;
	v10 =	vld [tilespmem:s7+$0xD30];
	v9 =	vadd.f32 v12, v9  }
0xb9: {  	v7 =	vadd.f32 v11, v7;
	v11 =	vld [tilespmem:s7+$0xD60];
	v8 =	vadd.f32 v13, v8  }
0xba: {  	v4 =	vadd.f32 v4, v6;
	v6 =	vld [tilespmem:s7+$0xD70];
	v9 =	vadd.f32 v14, v9  }
0xbb: {  	v5 =	vadd.f32 v5, v7;
	v7 =	vadd.f32 v15, v8  }
0xbc: {  	v2 =	vadd.f32 v2, v4;
	v4 =	vadd.f32 v16, v9  }
0xbd: {  	v3 =	vadd.f32 v3, v5;
	v5 =	vadd.f32 v10, v7  }
0xbe: {  	v0 =	vadd.f32 v0, v2;
	v2 =	vadd.f32 v11, v4  }
0xbf: {  	v1 =	vadd.f32 v1, v3;
	v3 =	vadd.f32 v6, v5  }
0xc0: {  	s14 =	sshll.u32 s0, $0xB;
	v0 =	vadd.f32 v2, v0  }
0xc1: {  	s14 =	sshra.s32 s14, $0x2;
	v1 =	vadd.f32 v3, v1  }
0xc2: {  	[tilespmem:s14+$0x19C80] =	vst v0  }
0xc3: {  	s7 =	simm.s32 $0x0;
	[tilespmem:s14+$0x19C90] =	vst v1  }
0xc4: {  	v0 =	vld [tilespmem:s7+$0x2640]  }
0xc5: {  	v1 =	vld [tilespmem:s7+$0x2650]  }
0xc6: {  	v2 =	vld [tilespmem:s7+$0x2600]  }
0xc7: {  	v3 =	vld [tilespmem:s7+$0x2610]  }
0xc8: {  	v4 =	vld [tilespmem:s7+$0x25C0]  }
0xc9: {  	v5 =	vld [tilespmem:s7+$0x25D0]  }
0xca: {  	v10 =	vld [tilespmem:s7+$0x2580]  }
0xcb: {  	v8 =	vimm.f32 $0.0e+00;
	v11 =	vld [tilespmem:s7+$0x2590]  }
0xcc: {  	s8 =	simm.s32 $0x400;
	v9 =	vimm.f32 $0.0e+00;
	v7 =	vimm.f32 $0.0e+00;
	v6 =	vimm.f32 $0.0e+00;
	v12 =	vld [tilespmem:s7+$0x25A0]  }
.LBB2_5:
0xcd: {  	p1 =	sne.s32 s8, $0x6000;
	v13 =	vld [tilespmem:s7+$0x25B0]  }
0xce: {  	v14 =	vld [tilespmem:s7+$0x25E0]  }
0xcf: {  	v15 =	vld [tilespmem:s7+$0x25F0]  }
0xd0: {  	v16 =	vld [tilespmem:s7+$0x2620]  }
0xd1: {  	v6 =	vadd.f32 v10, v6;
	v7 =	vadd.f32 v11, v7;
	v10 =	vld [tilespmem:s7+$0x2630]  }
0xd2: {  	v9 =	vadd.f32 v12, v9;
	v8 =	vadd.f32 v13, v8;
	v11 =	vld [tilespmem:s7+$0x2660]  }
0xd3: {  	v4 =	vadd.f32 v4, v6;
	v5 =	vadd.f32 v5, v7;
	v12 =	vld [tilespmem:s7+$0x2670];
	s7 =	sshra.s32 s8, $0x2  }
0xd4: {  	v6 =	vadd.f32 v14, v9;
	v13 =	vld [tilespmem:s7+$0x2640];
	v7 =	vadd.f32 v15, v8  }
0xd5: {  	v4 =	vadd.f32 v2, v4;
	v5 =	vadd.f32 v3, v5;
	v14 =	vld [tilespmem:s7+$0x2650]  }
0xd6: {  	v8 =	vadd.f32 v16, v6;
	v2 =	vld [tilespmem:s7+$0x2600];
	v10 =	vadd.f32 v10, v7  }
0xd7: {  	v6 =	vadd.f32 v0, v4;
	v7 =	vadd.f32 v1, v5;
	v3 =	vld [tilespmem:s7+$0x2610]  }
.Ltmp1:
0xd8: {  	v9 =	vadd.f32 v11, v8;
	v4 =	vld [tilespmem:s7+$0x25C0];
	v8 =	vadd.f32 v12, v10;
	(pc) =	sbr.rel @p1 .LBB2_5-.Ltmp1, $4  }
0xd9: {  	v5 =	vld [tilespmem:s7+$0x25D0];
	v0 =	vmov v13  }
0xda: {  	v10 =	vld [tilespmem:s7+$0x2580];
	v1 =	vmov v14  }
0xdb: {  	v11 =	vld [tilespmem:s7+$0x2590]  }
0xdc: {  	s8 =	sadd.s32 $0x400, s8;
	v12 =	vld [tilespmem:s7+$0x25A0]  }
0xdd: {  	v13 =	vld [tilespmem:s7+$0x25B0]  }
0xde: {  	v14 =	vld [tilespmem:s7+$0x25E0]  }
0xdf: {  	v15 =	vld [tilespmem:s7+$0x25F0]  }
0xe0: {  	v16 =	vld [tilespmem:s7+$0x2620]  }
0xe1: {  	v6 =	vadd.f32 v10, v6;
	v10 =	vld [tilespmem:s7+$0x2630];
	v9 =	vadd.f32 v12, v9  }
0xe2: {  	v7 =	vadd.f32 v11, v7;
	v11 =	vld [tilespmem:s7+$0x2660];
	v8 =	vadd.f32 v13, v8  }
0xe3: {  	v4 =	vadd.f32 v4, v6;
	v6 =	vld [tilespmem:s7+$0x2670];
	v9 =	vadd.f32 v14, v9  }
0xe4: {  	v5 =	vadd.f32 v5, v7;
	v7 =	vadd.f32 v15, v8  }
0xe5: {  	v2 =	vadd.f32 v2, v4;
	v4 =	vadd.f32 v16, v9  }
0xe6: {  	v3 =	vadd.f32 v3, v5;
	v5 =	vadd.f32 v10, v7  }
0xe7: {  	v0 =	vadd.f32 v0, v2;
	v2 =	vadd.f32 v11, v4  }
0xe8: {  	v1 =	vadd.f32 v1, v3;
	v3 =	vadd.f32 v6, v5  }
0xe9: {  	v0 =	vadd.f32 v2, v0  }
0xea: {  	v1 =	vadd.f32 v3, v1  }
0xeb: {  	[tilespmem:s14+$0x19CA0] =	vst v0  }
0xec: {  	s7 =	simm.s32 $0x0;
	[tilespmem:s14+$0x19CB0] =	vst v1  }
0xed: {  	v0 =	vld [tilespmem:s7+$0x3F40]  }
0xee: {  	v1 =	vld [tilespmem:s7+$0x3F50]  }
0xef: {  	v2 =	vld [tilespmem:s7+$0x3F00]  }
0xf0: {  	v3 =	vld [tilespmem:s7+$0x3F10]  }
0xf1: {  	v4 =	vld [tilespmem:s7+$0x3EC0]  }
0xf2: {  	v5 =	vld [tilespmem:s7+$0x3ED0]  }
0xf3: {  	v10 =	vld [tilespmem:s7+$0x3E80]  }
0xf4: {  	v8 =	vimm.f32 $0.0e+00;
	v11 =	vld [tilespmem:s7+$0x3E90]  }
0xf5: {  	s8 =	simm.s32 $0x400;
	v9 =	vimm.f32 $0.0e+00;
	v7 =	vimm.f32 $0.0e+00;
	v6 =	vimm.f32 $0.0e+00;
	v12 =	vld [tilespmem:s7+$0x3EA0]  }
.LBB2_7:
0xf6: {  	p1 =	sne.s32 s8, $0x6000;
	v13 =	vld [tilespmem:s7+$0x3EB0]  }
0xf7: {  	v14 =	vld [tilespmem:s7+$0x3EE0]  }
0xf8: {  	v15 =	vld [tilespmem:s7+$0x3EF0]  }
0xf9: {  	v16 =	vld [tilespmem:s7+$0x3F20]  }
0xfa: {  	v6 =	vadd.f32 v10, v6;
	v7 =	vadd.f32 v11, v7;
	v10 =	vld [tilespmem:s7+$0x3F30]  }
0xfb: {  	v9 =	vadd.f32 v12, v9;
	v8 =	vadd.f32 v13, v8;
	v11 =	vld [tilespmem:s7+$0x3F60]  }
0xfc: {  	v4 =	vadd.f32 v4, v6;
	v5 =	vadd.f32 v5, v7;
	v12 =	vld [tilespmem:s7+$0x3F70];
	s7 =	sshra.s32 s8, $0x2  }
0xfd: {  	v6 =	vadd.f32 v14, v9;
	v13 =	vld [tilespmem:s7+$0x3F40];
	v7 =	vadd.f32 v15, v8  }
0xfe: {  	v4 =	vadd.f32 v2, v4;
	v5 =	vadd.f32 v3, v5;
	v14 =	vld [tilespmem:s7+$0x3F50]  }
0xff: {  	v8 =	vadd.f32 v16, v6;
	v2 =	vld [tilespmem:s7+$0x3F00];
	v10 =	vadd.f32 v10, v7  }
0x100: {  	v6 =	vadd.f32 v0, v4;
	v7 =	vadd.f32 v1, v5;
	v3 =	vld [tilespmem:s7+$0x3F10]  }
.Ltmp2:
0x101: {  	v9 =	vadd.f32 v11, v8;
	v4 =	vld [tilespmem:s7+$0x3EC0];
	v8 =	vadd.f32 v12, v10;
	(pc) =	sbr.rel @p1 .LBB2_7-.Ltmp2, $4  }
0x102: {  	v5 =	vld [tilespmem:s7+$0x3ED0];
	v0 =	vmov v13  }
0x103: {  	v10 =	vld [tilespmem:s7+$0x3E80];
	v1 =	vmov v14  }
0x104: {  	v11 =	vld [tilespmem:s7+$0x3E90]  }
0x105: {  	s8 =	sadd.s32 $0x400, s8;
	v12 =	vld [tilespmem:s7+$0x3EA0]  }
0x106: {  	v13 =	vld [tilespmem:s7+$0x3EB0]  }
0x107: {  	v14 =	vld [tilespmem:s7+$0x3EE0]  }
0x108: {  	v15 =	vld [tilespmem:s7+$0x3EF0]  }
0x109: {  	v16 =	vld [tilespmem:s7+$0x3F20]  }
0x10a: {  	v6 =	vadd.f32 v10, v6;
	v10 =	vld [tilespmem:s7+$0x3F30];
	v9 =	vadd.f32 v12, v9  }
0x10b: {  	v7 =	vadd.f32 v11, v7;
	v11 =	vld [tilespmem:s7+$0x3F60];
	v8 =	vadd.f32 v13, v8  }
0x10c: {  	v4 =	vadd.f32 v4, v6;
	v6 =	vld [tilespmem:s7+$0x3F70];
	v9 =	vadd.f32 v14, v9  }
0x10d: {  	v5 =	vadd.f32 v5, v7;
	v7 =	vadd.f32 v15, v8  }
0x10e: {  	v2 =	vadd.f32 v2, v4;
	v4 =	vadd.f32 v16, v9  }
0x10f: {  	v3 =	vadd.f32 v3, v5;
	v5 =	vadd.f32 v10, v7  }
0x110: {  	v0 =	vadd.f32 v0, v2;
	v2 =	vadd.f32 v11, v4  }
0x111: {  	v1 =	vadd.f32 v1, v3;
	v3 =	vadd.f32 v6, v5  }
0x112: {  	v0 =	vadd.f32 v2, v0  }
0x113: {  	v1 =	vadd.f32 v3, v1  }
0x114: {  	[tilespmem:s14+$0x19CC0] =	vst v0  }
0x115: {  	s7 =	simm.s32 $0x0;
	[tilespmem:s14+$0x19CD0] =	vst v1  }
0x116: {  	v0 =	vld [tilespmem:s7+$0x5840]  }
0x117: {  	v1 =	vld [tilespmem:s7+$0x5850]  }
0x118: {  	v2 =	vld [tilespmem:s7+$0x5800]  }
0x119: {  	v3 =	vld [tilespmem:s7+$0x5810]  }
0x11a: {  	v4 =	vld [tilespmem:s7+$0x57C0]  }
0x11b: {  	v5 =	vld [tilespmem:s7+$0x57D0]  }
0x11c: {  	v10 =	vld [tilespmem:s7+$0x5780]  }
0x11d: {  	v8 =	vimm.f32 $0.0e+00;
	v11 =	vld [tilespmem:s7+$0x5790]  }
0x11e: {  	s8 =	simm.s32 $0x400;
	v9 =	vimm.f32 $0.0e+00;
	v7 =	vimm.f32 $0.0e+00;
	v6 =	vimm.f32 $0.0e+00;
	v12 =	vld [tilespmem:s7+$0x57A0]  }
.LBB2_9:
0x11f: {  	p1 =	sne.s32 s8, $0x6000;
	v13 =	vld [tilespmem:s7+$0x57B0]  }
0x120: {  	v14 =	vld [tilespmem:s7+$0x57E0]  }
0x121: {  	v15 =	vld [tilespmem:s7+$0x57F0]  }
0x122: {  	v16 =	vld [tilespmem:s7+$0x5820]  }
0x123: {  	v6 =	vadd.f32 v10, v6;
	v7 =	vadd.f32 v11, v7;
	v10 =	vld [tilespmem:s7+$0x5830]  }
0x124: {  	v9 =	vadd.f32 v12, v9;
	v8 =	vadd.f32 v13, v8;
	v11 =	vld [tilespmem:s7+$0x5860]  }
0x125: {  	v4 =	vadd.f32 v4, v6;
	v5 =	vadd.f32 v5, v7;
	v12 =	vld [tilespmem:s7+$0x5870];
	s7 =	sshra.s32 s8, $0x2  }
0x126: {  	v6 =	vadd.f32 v14, v9;
	v13 =	vld [tilespmem:s7+$0x5840];
	v7 =	vadd.f32 v15, v8  }
0x127: {  	v4 =	vadd.f32 v2, v4;
	v5 =	vadd.f32 v3, v5;
	v14 =	vld [tilespmem:s7+$0x5850]  }
0x128: {  	v8 =	vadd.f32 v16, v6;
	v2 =	vld [tilespmem:s7+$0x5800];
	v10 =	vadd.f32 v10, v7  }
0x129: {  	v6 =	vadd.f32 v0, v4;
	v7 =	vadd.f32 v1, v5;
	v3 =	vld [tilespmem:s7+$0x5810]  }
.Ltmp3:
0x12a: {  	v9 =	vadd.f32 v11, v8;
	v4 =	vld [tilespmem:s7+$0x57C0];
	v8 =	vadd.f32 v12, v10;
	(pc) =	sbr.rel @p1 .LBB2_9-.Ltmp3, $4  }
0x12b: {  	v5 =	vld [tilespmem:s7+$0x57D0];
	v0 =	vmov v13  }
0x12c: {  	v10 =	vld [tilespmem:s7+$0x5780];
	v1 =	vmov v14  }
0x12d: {  	v11 =	vld [tilespmem:s7+$0x5790]  }
0x12e: {  	s8 =	sadd.s32 $0x400, s8;
	v12 =	vld [tilespmem:s7+$0x57A0]  }
0x12f: {  	v13 =	vld [tilespmem:s7+$0x57B0]  }
0x130: {  	v14 =	vld [tilespmem:s7+$0x57E0]  }
0x131: {  	v15 =	vld [tilespmem:s7+$0x57F0]  }
0x132: {  	v16 =	vld [tilespmem:s7+$0x5820]  }
0x133: {  	v6 =	vadd.f32 v10, v6;
	v10 =	vld [tilespmem:s7+$0x5830];
	v9 =	vadd.f32 v12, v9  }
0x134: {  	v7 =	vadd.f32 v11, v7;
	v11 =	vld [tilespmem:s7+$0x5860];
	v8 =	vadd.f32 v13, v8  }
0x135: {  	v4 =	vadd.f32 v4, v6;
	v6 =	vld [tilespmem:s7+$0x5870];
	v9 =	vadd.f32 v14, v9  }
0x136: {  	v5 =	vadd.f32 v5, v7;
	v7 =	vadd.f32 v15, v8  }
0x137: {  	v2 =	vadd.f32 v2, v4;
	v4 =	vadd.f32 v16, v9  }
0x138: {  	v3 =	vadd.f32 v3, v5;
	v5 =	vadd.f32 v10, v7  }
0x139: {  	v0 =	vadd.f32 v0, v2;
	v2 =	vadd.f32 v11, v4  }
0x13a: {  	v1 =	vadd.f32 v1, v3;
	v3 =	vadd.f32 v6, v5  }
0x13b: {  	v0 =	vadd.f32 v2, v0  }
0x13c: {  	v1 =	vadd.f32 v3, v1  }
0x13d: {  	[tilespmem:s14+$0x19CE0] =	vst v0  }
0x13e: {  	s7 =	simm.s32 $0x0;
	[tilespmem:s14+$0x19CF0] =	vst v1  }
0x13f: {  	v0 =	vld [tilespmem:s7+$0x7140]  }
0x140: {  	v1 =	vld [tilespmem:s7+$0x7150]  }
0x141: {  	v2 =	vld [tilespmem:s7+$0x7100]  }
0x142: {  	v3 =	vld [tilespmem:s7+$0x7110]  }
0x143: {  	v4 =	vld [tilespmem:s7+$0x70C0]  }
0x144: {  	v5 =	vld [tilespmem:s7+$0x70D0]  }
0x145: {  	v10 =	vld [tilespmem:s7+$0x7080]  }
0x146: {  	v8 =	vimm.f32 $0.0e+00;
	v11 =	vld [tilespmem:s7+$0x7090]  }
0x147: {  	s8 =	simm.s32 $0x400;
	v9 =	vimm.f32 $0.0e+00;
	v7 =	vimm.f32 $0.0e+00;
	v6 =	vimm.f32 $0.0e+00;
	v12 =	vld [tilespmem:s7+$0x70A0]  }
.LBB2_11:
0x148: {  	p1 =	sne.s32 s8, $0x6000;
	v13 =	vld [tilespmem:s7+$0x70B0]  }
0x149: {  	v14 =	vld [tilespmem:s7+$0x70E0]  }
0x14a: {  	v15 =	vld [tilespmem:s7+$0x70F0]  }
0x14b: {  	v16 =	vld [tilespmem:s7+$0x7120]  }
0x14c: {  	v6 =	vadd.f32 v10, v6;
	v7 =	vadd.f32 v11, v7;
	v10 =	vld [tilespmem:s7+$0x7130]  }
0x14d: {  	v9 =	vadd.f32 v12, v9;
	v8 =	vadd.f32 v13, v8;
	v11 =	vld [tilespmem:s7+$0x7160]  }
0x14e: {  	v4 =	vadd.f32 v4, v6;
	v5 =	vadd.f32 v5, v7;
	v12 =	vld [tilespmem:s7+$0x7170];
	s7 =	sshra.s32 s8, $0x2  }
0x14f: {  	v6 =	vadd.f32 v14, v9;
	v13 =	vld [tilespmem:s7+$0x7140];
	v7 =	vadd.f32 v15, v8  }
0x150: {  	v4 =	vadd.f32 v2, v4;
	v5 =	vadd.f32 v3, v5;
	v14 =	vld [tilespmem:s7+$0x7150]  }
0x151: {  	v8 =	vadd.f32 v16, v6;
	v2 =	vld [tilespmem:s7+$0x7100];
	v10 =	vadd.f32 v10, v7  }
0x152: {  	v6 =	vadd.f32 v0, v4;
	v7 =	vadd.f32 v1, v5;
	v3 =	vld [tilespmem:s7+$0x7110]  }
.Ltmp4:
0x153: {  	v9 =	vadd.f32 v11, v8;
	v4 =	vld [tilespmem:s7+$0x70C0];
	v8 =	vadd.f32 v12, v10;
	(pc) =	sbr.rel @p1 .LBB2_11-.Ltmp4, $4  }
0x154: {  	v5 =	vld [tilespmem:s7+$0x70D0];
	v0 =	vmov v13  }
0x155: {  	v10 =	vld [tilespmem:s7+$0x7080];
	v1 =	vmov v14  }
0x156: {  	v11 =	vld [tilespmem:s7+$0x7090]  }
0x157: {  	s8 =	sadd.s32 $0x400, s8;
	v12 =	vld [tilespmem:s7+$0x70A0]  }
0x158: {  	v13 =	vld [tilespmem:s7+$0x70B0]  }
0x159: {  	v14 =	vld [tilespmem:s7+$0x70E0]  }
0x15a: {  	v15 =	vld [tilespmem:s7+$0x70F0]  }
0x15b: {  	v16 =	vld [tilespmem:s7+$0x7120]  }
0x15c: {  	v6 =	vadd.f32 v10, v6;
	v10 =	vld [tilespmem:s7+$0x7130];
	v9 =	vadd.f32 v12, v9  }
0x15d: {  	v7 =	vadd.f32 v11, v7;
	v11 =	vld [tilespmem:s7+$0x7160];
	v8 =	vadd.f32 v13, v8  }
0x15e: {  	v4 =	vadd.f32 v4, v6;
	v6 =	vld [tilespmem:s7+$0x7170];
	v9 =	vadd.f32 v14, v9  }
0x15f: {  	v5 =	vadd.f32 v5, v7;
	v7 =	vadd.f32 v15, v8  }
0x160: {  	v2 =	vadd.f32 v2, v4;
	v4 =	vadd.f32 v16, v9  }
0x161: {  	v3 =	vadd.f32 v3, v5;
	v5 =	vadd.f32 v10, v7  }
0x162: {  	v0 =	vadd.f32 v0, v2;
	v2 =	vadd.f32 v11, v4  }
0x163: {  	v1 =	vadd.f32 v1, v3;
	v3 =	vadd.f32 v6, v5  }
0x164: {  	v0 =	vadd.f32 v2, v0  }
0x165: {  	v1 =	vadd.f32 v3, v1  }
0x166: {  	[tilespmem:s14+$0x19D00] =	vst v0  }
0x167: {  	s7 =	simm.s32 $0x0;
	[tilespmem:s14+$0x19D10] =	vst v1  }
0x168: {  	v0 =	vld [tilespmem:s7+$0x8A40]  }
0x169: {  	v1 =	vld [tilespmem:s7+$0x8A50]  }
0x16a: {  	v2 =	vld [tilespmem:s7+$0x8A00]  }
0x16b: {  	v3 =	vld [tilespmem:s7+$0x8A10]  }
0x16c: {  	v4 =	vld [tilespmem:s7+$0x89C0]  }
0x16d: {  	v5 =	vld [tilespmem:s7+$0x89D0]  }
0x16e: {  	v10 =	vld [tilespmem:s7+$0x8980]  }
0x16f: {  	v8 =	vimm.f32 $0.0e+00;
	v11 =	vld [tilespmem:s7+$0x8990]  }
0x170: {  	s8 =	simm.s32 $0x400;
	v9 =	vimm.f32 $0.0e+00;
	v7 =	vimm.f32 $0.0e+00;
	v6 =	vimm.f32 $0.0e+00;
	v12 =	vld [tilespmem:s7+$0x89A0]  }
.LBB2_13:
0x171: {  	p1 =	sne.s32 s8, $0x6000;
	v13 =	vld [tilespmem:s7+$0x89B0]  }
0x172: {  	v14 =	vld [tilespmem:s7+$0x89E0]  }
0x173: {  	v15 =	vld [tilespmem:s7+$0x89F0]  }
0x174: {  	v16 =	vld [tilespmem:s7+$0x8A20]  }
0x175: {  	v6 =	vadd.f32 v10, v6;
	v7 =	vadd.f32 v11, v7;
	v10 =	vld [tilespmem:s7+$0x8A30]  }
0x176: {  	v9 =	vadd.f32 v12, v9;
	v8 =	vadd.f32 v13, v8;
	v11 =	vld [tilespmem:s7+$0x8A60]  }
0x177: {  	v4 =	vadd.f32 v4, v6;
	v5 =	vadd.f32 v5, v7;
	v12 =	vld [tilespmem:s7+$0x8A70];
	s7 =	sshra.s32 s8, $0x2  }
0x178: {  	v6 =	vadd.f32 v14, v9;
	v13 =	vld [tilespmem:s7+$0x8A40];
	v7 =	vadd.f32 v15, v8  }
0x179: {  	v4 =	vadd.f32 v2, v4;
	v5 =	vadd.f32 v3, v5;
	v14 =	vld [tilespmem:s7+$0x8A50]  }
0x17a: {  	v8 =	vadd.f32 v16, v6;
	v2 =	vld [tilespmem:s7+$0x8A00];
	v10 =	vadd.f32 v10, v7  }
0x17b: {  	v6 =	vadd.f32 v0, v4;
	v7 =	vadd.f32 v1, v5;
	v3 =	vld [tilespmem:s7+$0x8A10]  }
.Ltmp5:
0x17c: {  	v9 =	vadd.f32 v11, v8;
	v4 =	vld [tilespmem:s7+$0x89C0];
	v8 =	vadd.f32 v12, v10;
	(pc) =	sbr.rel @p1 .LBB2_13-.Ltmp5, $4  }
0x17d: {  	v5 =	vld [tilespmem:s7+$0x89D0];
	v0 =	vmov v13  }
0x17e: {  	v10 =	vld [tilespmem:s7+$0x8980];
	v1 =	vmov v14  }
0x17f: {  	v11 =	vld [tilespmem:s7+$0x8990]  }
0x180: {  	s8 =	sadd.s32 $0x400, s8;
	v12 =	vld [tilespmem:s7+$0x89A0]  }
0x181: {  	v13 =	vld [tilespmem:s7+$0x89B0]  }
0x182: {  	v14 =	vld [tilespmem:s7+$0x89E0]  }
0x183: {  	v15 =	vld [tilespmem:s7+$0x89F0]  }
0x184: {  	v16 =	vld [tilespmem:s7+$0x8A20]  }
0x185: {  	v6 =	vadd.f32 v10, v6;
	v10 =	vld [tilespmem:s7+$0x8A30];
	v9 =	vadd.f32 v12, v9  }
0x186: {  	v7 =	vadd.f32 v11, v7;
	v11 =	vld [tilespmem:s7+$0x8A60];
	v8 =	vadd.f32 v13, v8  }
0x187: {  	v4 =	vadd.f32 v4, v6;
	v6 =	vld [tilespmem:s7+$0x8A70];
	v9 =	vadd.f32 v14, v9  }
0x188: {  	v5 =	vadd.f32 v5, v7;
	v7 =	vadd.f32 v15, v8  }
0x189: {  	v2 =	vadd.f32 v2, v4;
	v4 =	vadd.f32 v16, v9  }
0x18a: {  	v3 =	vadd.f32 v3, v5;
	v5 =	vadd.f32 v10, v7  }
0x18b: {  	v0 =	vadd.f32 v0, v2;
	v2 =	vadd.f32 v11, v4  }
0x18c: {  	v1 =	vadd.f32 v1, v3;
	v3 =	vadd.f32 v6, v5  }
0x18d: {  	v0 =	vadd.f32 v2, v0  }
0x18e: {  	v1 =	vadd.f32 v3, v1  }
0x18f: {  	[tilespmem:s14+$0x19D20] =	vst v0  }
0x190: {  	s7 =	simm.s32 $0x0;
	[tilespmem:s14+$0x19D30] =	vst v1  }
0x191: {  	v0 =	vld [tilespmem:s7+$0xA340]  }
0x192: {  	v1 =	vld [tilespmem:s7+$0xA350]  }
0x193: {  	v2 =	vld [tilespmem:s7+$0xA300]  }
0x194: {  	v3 =	vld [tilespmem:s7+$0xA310]  }
0x195: {  	v4 =	vld [tilespmem:s7+$0xA2C0]  }
0x196: {  	v5 =	vld [tilespmem:s7+$0xA2D0]  }
0x197: {  	v10 =	vld [tilespmem:s7+$0xA280]  }
0x198: {  	v8 =	vimm.f32 $0.0e+00;
	v11 =	vld [tilespmem:s7+$0xA290]  }
0x199: {  	s8 =	simm.s32 $0x400;
	v9 =	vimm.f32 $0.0e+00;
	v7 =	vimm.f32 $0.0e+00;
	v6 =	vimm.f32 $0.0e+00;
	v12 =	vld [tilespmem:s7+$0xA2A0]  }
.LBB2_15:
0x19a: {  	p1 =	sne.s32 s8, $0x6000;
	v13 =	vld [tilespmem:s7+$0xA2B0]  }
0x19b: {  	v14 =	vld [tilespmem:s7+$0xA2E0]  }
0x19c: {  	v15 =	vld [tilespmem:s7+$0xA2F0]  }
0x19d: {  	v16 =	vld [tilespmem:s7+$0xA320]  }
0x19e: {  	v6 =	vadd.f32 v10, v6;
	v7 =	vadd.f32 v11, v7;
	v10 =	vld [tilespmem:s7+$0xA330]  }
0x19f: {  	v9 =	vadd.f32 v12, v9;
	v8 =	vadd.f32 v13, v8;
	v11 =	vld [tilespmem:s7+$0xA360]  }
0x1a0: {  	v4 =	vadd.f32 v4, v6;
	v5 =	vadd.f32 v5, v7;
	v12 =	vld [tilespmem:s7+$0xA370];
	s7 =	sshra.s32 s8, $0x2  }
0x1a1: {  	v6 =	vadd.f32 v14, v9;
	v13 =	vld [tilespmem:s7+$0xA340];
	v7 =	vadd.f32 v15, v8  }
0x1a2: {  	v4 =	vadd.f32 v2, v4;
	v5 =	vadd.f32 v3, v5;
	v14 =	vld [tilespmem:s7+$0xA350]  }
0x1a3: {  	v8 =	vadd.f32 v16, v6;
	v2 =	vld [tilespmem:s7+$0xA300];
	v10 =	vadd.f32 v10, v7  }
0x1a4: {  	v6 =	vadd.f32 v0, v4;
	v7 =	vadd.f32 v1, v5;
	v3 =	vld [tilespmem:s7+$0xA310]  }
.Ltmp6:
0x1a5: {  	v9 =	vadd.f32 v11, v8;
	v4 =	vld [tilespmem:s7+$0xA2C0];
	v8 =	vadd.f32 v12, v10;
	(pc) =	sbr.rel @p1 .LBB2_15-.Ltmp6, $4  }
0x1a6: {  	v5 =	vld [tilespmem:s7+$0xA2D0];
	v0 =	vmov v13  }
0x1a7: {  	v10 =	vld [tilespmem:s7+$0xA280];
	v1 =	vmov v14  }
0x1a8: {  	v11 =	vld [tilespmem:s7+$0xA290]  }
0x1a9: {  	s8 =	sadd.s32 $0x400, s8;
	v12 =	vld [tilespmem:s7+$0xA2A0]  }
0x1aa: {  	v13 =	vld [tilespmem:s7+$0xA2B0]  }
0x1ab: {  	v14 =	vld [tilespmem:s7+$0xA2E0]  }
0x1ac: {  	v15 =	vld [tilespmem:s7+$0xA2F0]  }
0x1ad: {  	v16 =	vld [tilespmem:s7+$0xA320]  }
0x1ae: {  	v6 =	vadd.f32 v10, v6;
	v10 =	vld [tilespmem:s7+$0xA330];
	v9 =	vadd.f32 v12, v9  }
0x1af: {  	v7 =	vadd.f32 v11, v7;
	v11 =	vld [tilespmem:s7+$0xA360];
	v8 =	vadd.f32 v13, v8  }
0x1b0: {  	v4 =	vadd.f32 v4, v6;
	v6 =	vld [tilespmem:s7+$0xA370];
	v9 =	vadd.f32 v14, v9  }
0x1b1: {  	v5 =	vadd.f32 v5, v7;
	v7 =	vadd.f32 v15, v8  }
0x1b2: {  	v2 =	vadd.f32 v2, v4;
	v4 =	vadd.f32 v16, v9  }
0x1b3: {  	v3 =	vadd.f32 v3, v5;
	v5 =	vadd.f32 v10, v7  }
0x1b4: {  	v0 =	vadd.f32 v0, v2;
	v2 =	vadd.f32 v11, v4  }
0x1b5: {  	v1 =	vadd.f32 v1, v3;
	v3 =	vadd.f32 v6, v5  }
0x1b6: {  	v0 =	vadd.f32 v2, v0  }
0x1b7: {  	v1 =	vadd.f32 v3, v1  }
0x1b8: {  	[tilespmem:s14+$0x19D40] =	vst v0  }
0x1b9: {  	s7 =	simm.s32 $0x0;
	[tilespmem:s14+$0x19D50] =	vst v1  }
0x1ba: {  	v0 =	vld [tilespmem:s7+$0xBC40]  }
0x1bb: {  	v1 =	vld [tilespmem:s7+$0xBC50]  }
0x1bc: {  	v2 =	vld [tilespmem:s7+$0xBC00]  }
0x1bd: {  	v3 =	vld [tilespmem:s7+$0xBC10]  }
0x1be: {  	v4 =	vld [tilespmem:s7+$0xBBC0]  }
0x1bf: {  	v5 =	vld [tilespmem:s7+$0xBBD0]  }
0x1c0: {  	v10 =	vld [tilespmem:s7+$0xBB80]  }
0x1c1: {  	v8 =	vimm.f32 $0.0e+00;
	v11 =	vld [tilespmem:s7+$0xBB90]  }
0x1c2: {  	s8 =	simm.s32 $0x400;
	v9 =	vimm.f32 $0.0e+00;
	v7 =	vimm.f32 $0.0e+00;
	v6 =	vimm.f32 $0.0e+00;
	v12 =	vld [tilespmem:s7+$0xBBA0]  }
.LBB2_17:
0x1c3: {  	p1 =	sne.s32 s8, $0x6000;
	v13 =	vld [tilespmem:s7+$0xBBB0]  }
0x1c4: {  	v14 =	vld [tilespmem:s7+$0xBBE0]  }
0x1c5: {  	v15 =	vld [tilespmem:s7+$0xBBF0]  }
0x1c6: {  	v16 =	vld [tilespmem:s7+$0xBC20]  }
0x1c7: {  	v6 =	vadd.f32 v10, v6;
	v7 =	vadd.f32 v11, v7;
	v10 =	vld [tilespmem:s7+$0xBC30]  }
0x1c8: {  	v9 =	vadd.f32 v12, v9;
	v8 =	vadd.f32 v13, v8;
	v11 =	vld [tilespmem:s7+$0xBC60]  }
0x1c9: {  	v4 =	vadd.f32 v4, v6;
	v5 =	vadd.f32 v5, v7;
	v12 =	vld [tilespmem:s7+$0xBC70];
	s7 =	sshra.s32 s8, $0x2  }
0x1ca: {  	v6 =	vadd.f32 v14, v9;
	v13 =	vld [tilespmem:s7+$0xBC40];
	v7 =	vadd.f32 v15, v8  }
0x1cb: {  	v4 =	vadd.f32 v2, v4;
	v5 =	vadd.f32 v3, v5;
	v14 =	vld [tilespmem:s7+$0xBC50]  }
0x1cc: {  	v8 =	vadd.f32 v16, v6;
	v2 =	vld [tilespmem:s7+$0xBC00];
	v10 =	vadd.f32 v10, v7  }
0x1cd: {  	v6 =	vadd.f32 v0, v4;
	v7 =	vadd.f32 v1, v5;
	v3 =	vld [tilespmem:s7+$0xBC10]  }
.Ltmp7:
0x1ce: {  	v9 =	vadd.f32 v11, v8;
	v4 =	vld [tilespmem:s7+$0xBBC0];
	v8 =	vadd.f32 v12, v10;
	(pc) =	sbr.rel @p1 .LBB2_17-.Ltmp7, $4  }
0x1cf: {  	v5 =	vld [tilespmem:s7+$0xBBD0];
	v0 =	vmov v13  }
0x1d0: {  	v10 =	vld [tilespmem:s7+$0xBB80];
	v1 =	vmov v14  }
0x1d1: {  	v11 =	vld [tilespmem:s7+$0xBB90]  }
0x1d2: {  	s8 =	sadd.s32 $0x400, s8;
	v12 =	vld [tilespmem:s7+$0xBBA0]  }
0x1d3: {  	v13 =	vld [tilespmem:s7+$0xBBB0]  }
0x1d4: {  	v14 =	vld [tilespmem:s7+$0xBBE0]  }
0x1d5: {  	v15 =	vld [tilespmem:s7+$0xBBF0]  }
0x1d6: {  	v16 =	vld [tilespmem:s7+$0xBC20]  }
0x1d7: {  	v6 =	vadd.f32 v10, v6;
	v10 =	vld [tilespmem:s7+$0xBC30];
	v9 =	vadd.f32 v12, v9  }
0x1d8: {  	v7 =	vadd.f32 v11, v7;
	v11 =	vld [tilespmem:s7+$0xBC60];
	v8 =	vadd.f32 v13, v8  }
0x1d9: {  	v4 =	vadd.f32 v4, v6;
	v6 =	vld [tilespmem:s7+$0xBC70];
	v9 =	vadd.f32 v14, v9  }
0x1da: {  	v5 =	vadd.f32 v5, v7;
	v7 =	vadd.f32 v15, v8  }
0x1db: {  	v2 =	vadd.f32 v2, v4;
	v4 =	vadd.f32 v16, v9  }
0x1dc: {  	v3 =	vadd.f32 v3, v5;
	v5 =	vadd.f32 v10, v7  }
0x1dd: {  	v0 =	vadd.f32 v0, v2;
	v2 =	vadd.f32 v11, v4  }
0x1de: {  	v1 =	vadd.f32 v1, v3;
	v3 =	vadd.f32 v6, v5  }
0x1df: {  	v0 =	vadd.f32 v2, v0  }
0x1e0: {  	v1 =	vadd.f32 v3, v1  }
0x1e1: {  	[tilespmem:s14+$0x19D60] =	vst v0  }
0x1e2: {  	s7 =	simm.s32 @!p0 $0x1;
	[tilespmem:s14+$0x19D70] =	vst v1  }
0x1e3: {  	_ =	swait.ge @!p0 [sflag:s7], $0x400  }
0x1e4: {  	[sflag:s7] =	ssyncset.done @!p0 $0x0  }
0x1e5: {  	[sflag:s7] =	ssyncadd.s32 @!p0 $0xFFFFFC00  }
0x1e6: {  	_ =	swait.ge @!p0 [sflag:s7], $0x240  }
0x1e7: {  	s8 =	simm.s32 @!p0 $0x80;
	[sflag:s7] =	ssyncset.done @!p0 $0x0  }
0x1e8: {  	s9 =	simm.s32 @!p0 $0xC80;
	[sflag:s7] =	ssyncadd.s32 @!p0 $0xFFFFFDC0;
	s7 =	simm.s32 @!p0 $0x0  }
0x1e9: {  	[tilespmem:s9], [sflag:$0x3] =	stream.indirect.gather @!p0 [hbm4b:s5+s8], $0x20, s7, s8, $0xb8;
	[tilespmem:$0x1DC80] =	vst v63  }
0x1ea: {  	s12 =	simm.s32 @!p0 $0x800;
	s13 =	simm.s32 @!p0 $0x1C80;
	s9 =	simm.s32 @!p0 $0x48  }
0x1eb: {  	[tilespmem:s13], [sflag:$0x3] =	stream.indirect.gather @!p0 [hbm4b:s5+s9], $0x20, s12, s9, $0xb8;
	[tilespmem:$0x1DC80] =	vst v63  }
0x1ec: {  	s12 =	simm.s32 @!p0 $0x2580  }
0x1ed: {  	[tilespmem:s12], [sflag:$0x3] =	stream.indirect.gather @!p0 [hbm4b:s5+s8], $0x20, s8, s8, $0xb8;
	[tilespmem:$0x1DC80] =	vst v63  }
0x1ee: {  	s13 =	simm.s32 @!p0 $0x3580;
	s12 =	simm.s32 @!p0 $0x848  }
0x1ef: {  	[tilespmem:s13], [sflag:$0x3] =	stream.indirect.gather @!p0 [hbm4b:s5+s9], $0x20, s12, s9, $0xb8;
	[tilespmem:$0x1DC80] =	vst v63  }
0x1f0: {  	s12 =	simm.s32 @!p0 $0x100;
	s13 =	simm.s32 @!p0 $0x3E80  }
0x1f1: {  	[tilespmem:s13], [sflag:$0x3] =	stream.indirect.gather @!p0 [hbm4b:s5+s8], $0x20, s12, s8, $0xb8;
	[tilespmem:$0x1DC80] =	vst v63  }
0x1f2: {  	s12 =	simm.s32 @!p0 $0x890;
	s13 =	simm.s32 @!p0 $0x4E80  }
0x1f3: {  	[tilespmem:s13], [sflag:$0x3] =	stream.indirect.gather @!p0 [hbm4b:s5+s9], $0x20, s12, s9, $0xb8;
	[tilespmem:$0x1DC80] =	vst v63  }
0x1f4: {  	s12 =	simm.s32 @!p0 $0x180;
	s13 =	simm.s32 @!p0 $0x5780  }
0x1f5: {  	[tilespmem:s13], [sflag:$0x3] =	stream.indirect.gather @!p0 [hbm4b:s5+s8], $0x20, s12, s8, $0xb8;
	[tilespmem:$0x1DC80] =	vst v63  }
0x1f6: {  	s12 =	simm.s32 @!p0 $0x8D8;
	s13 =	simm.s32 @!p0 $0x6780  }
0x1f7: {  	[tilespmem:s13], [sflag:$0x3] =	stream.indirect.gather @!p0 [hbm4b:s5+s9], $0x20, s12, s9, $0xb8;
	[tilespmem:$0x1DC80] =	vst v63  }
0x1f8: {  	s12 =	simm.s32 @!p0 $0x200;
	s13 =	simm.s32 @!p0 $0x7080  }
0x1f9: {  	[tilespmem:s13], [sflag:$0x3] =	stream.indirect.gather @!p0 [hbm4b:s5+s8], $0x20, s12, s8, $0xb8;
	[tilespmem:$0x1DC80] =	vst v63  }
0x1fa: {  	s12 =	simm.s32 @!p0 $0x920;
	s13 =	simm.s32 @!p0 $0x8080  }
0x1fb: {  	[tilespmem:s13], [sflag:$0x3] =	stream.indirect.gather @!p0 [hbm4b:s5+s9], $0x20, s12, s9, $0xb8;
	[tilespmem:$0x1DC80] =	vst v63  }
0x1fc: {  	s12 =	simm.s32 @!p0 $0x280;
	s13 =	simm.s32 @!p0 $0x8980  }
0x1fd: {  	[tilespmem:s13], [sflag:$0x3] =	stream.indirect.gather @!p0 [hbm4b:s5+s8], $0x20, s12, s8, $0xb8;
	[tilespmem:$0x1DC80] =	vst v63  }
0x1fe: {  	s12 =	simm.s32 @!p0 $0x968;
	s13 =	simm.s32 @!p0 $0x9980  }
0x1ff: {  	[tilespmem:s13], [sflag:$0x3] =	stream.indirect.gather @!p0 [hbm4b:s5+s9], $0x20, s12, s9, $0xb8;
	[tilespmem:$0x1DC80] =	vst v63  }
0x200: {  	s12 =	simm.s32 @!p0 $0x300;
	s13 =	simm.s32 @!p0 $0xA280  }
0x201: {  	[tilespmem:s13], [sflag:$0x3] =	stream.indirect.gather @!p0 [hbm4b:s5+s8], $0x20, s12, s8, $0xb8;
	[tilespmem:$0x1DC80] =	vst v63  }
0x202: {  	s12 =	simm.s32 @!p0 $0x9B0;
	s13 =	simm.s32 @!p0 $0xB280  }
0x203: {  	[tilespmem:s13], [sflag:$0x3] =	stream.indirect.gather @!p0 [hbm4b:s5+s9], $0x20, s12, s9, $0xb8;
	[tilespmem:$0x1DC80] =	vst v63  }
0x204: {  	s12 =	simm.s32 @!p0 $0x380;
	s13 =	simm.s32 @!p0 $0xBB80  }
0x205: {  	[tilespmem:s13], [sflag:$0x3] =	stream.indirect.gather @!p0 [hbm4b:s5+s8], $0x20, s12, s8, $0xb8;
	[tilespmem:$0x1DC80] =	vst v63  }
0x206: {  	s8 =	simm.s32 @!p0 $0x9F8;
	s12 =	simm.s32 @!p0 $0xCB80  }
0x207: {  	[tilespmem:s12], [sflag:$0x3] =	stream.indirect.gather @!p0 [hbm4b:s5+s9], $0x20, s8, s9, $0xb8;
	[tilespmem:$0x1DC80] =	vst v63  }
0x208: {  	_ =	swait.ge [sflag:s31], $0x1000  }
0x209: {  	[sflag:s31] =	ssyncset.done $0x0  }
0x20a: {  	[sflag:s31] =	ssyncadd.s32 $0xFFFFF000  }
0x20b: {  	_ =	swait.ge [sflag:s31], $0x900  }
0x20c: {  	[sflag:s31] =	ssyncset.done $0x0  }
0x20d: {  	[sflag:s31] =	ssyncadd.s32 $0xFFFFF700  }
0x20e: {  	_ =	swait.ge [sflag:s31], $0x1000  }
0x20f: {  	[sflag:s31] =	ssyncset.done $0x0  }
0x210: {  	[sflag:s31] =	ssyncadd.s32 $0xFFFFF000  }
0x211: {  	_ =	swait.ge [sflag:s31], $0x900  }
0x212: {  	[sflag:s31] =	ssyncset.done $0x0  }
0x213: {  	[sflag:s31] =	ssyncadd.s32 $0xFFFFF700  }
0x214: {  	_ =	swait.ge [sflag:s31], $0x1000  }
0x215: {  	[sflag:s31] =	ssyncset.done $0x0  }
0x216: {  	[sflag:s31] =	ssyncadd.s32 $0xFFFFF000  }
0x217: {  	_ =	swait.ge [sflag:s31], $0x900  }
0x218: {  	[sflag:s31] =	ssyncset.done $0x0  }
0x219: {  	[sflag:s31] =	ssyncadd.s32 $0xFFFFF700  }
0x21a: {  	_ =	swait.ge [sflag:s31], $0x1000  }
0x21b: {  	[sflag:s31] =	ssyncset.done $0x0  }
0x21c: {  	[sflag:s31] =	ssyncadd.s32 $0xFFFFF000  }
0x21d: {  	_ =	swait.ge [sflag:s31], $0x900  }
0x21e: {  	[sflag:s31] =	ssyncset.done $0x0  }
0x21f: {  	[sflag:s31] =	ssyncadd.s32 $0xFFFFF700  }
0x220: {  	_ =	swait.ge [sflag:s31], $0x1000  }
0x221: {  	[sflag:s31] =	ssyncset.done $0x0  }
0x222: {  	[sflag:s31] =	ssyncadd.s32 $0xFFFFF000  }
0x223: {  	_ =	swait.ge [sflag:s31], $0x900  }
0x224: {  	[sflag:s31] =	ssyncset.done $0x0  }
0x225: {  	[sflag:s31] =	ssyncadd.s32 $0xFFFFF700  }
0x226: {  	_ =	swait.ge [sflag:s31], $0x1000  }
0x227: {  	[sflag:s31] =	ssyncset.done $0x0  }
0x228: {  	[sflag:s31] =	ssyncadd.s32 $0xFFFFF000  }
0x229: {  	_ =	swait.ge [sflag:s31], $0x900  }
0x22a: {  	[sflag:s31] =	ssyncset.done $0x0  }
0x22b: {  	[sflag:s31] =	ssyncadd.s32 $0xFFFFF700  }
0x22c: {  	_ =	swait.ge [sflag:s31], $0x1000  }
0x22d: {  	[sflag:s31] =	ssyncset.done $0x0  }
0x22e: {  	[sflag:s31] =	ssyncadd.s32 $0xFFFFF000  }
0x22f: {  	_ =	swait.ge [sflag:s31], $0x900  }
0x230: {  	[sflag:s31] =	ssyncset.done $0x0  }
0x231: {  	[sflag:s31] =	ssyncadd.s32 $0xFFFFF700  }
0x232: {  	_ =	swait.ge [sflag:s31], $0x1000  }
0x233: {  	[sflag:s31] =	ssyncset.done $0x0  }
0x234: {  	[sflag:s31] =	ssyncadd.s32 $0xFFFFF000  }
0x235: {  	s6 =	sadd.s32 @!p0 s6, s11;
	_ =	swait.ge [sflag:s31], $0x900  }
0x236: {  	s8 =	sshll.u32 @!p0 s6, $0x4;
	s9 =	simm.s32 @!p0 $0x400;
	[sflag:s31] =	ssyncset.done $0x0  }
0x237: {  	s6 =	smul.u32 @!p0 $0x9, s6;
	s8 =	sadd.s32 @!p0 s3, s8;
	[sflag:s31] =	ssyncadd.s32 $0xFFFFF700  }
0x238: {  	[tilespmem:s9], [sflag:$0x2] =	stream.linear.gather @!p0 [hbm4b:s8+s7], $0x400, $0x38;
	[tilespmem:$0x1DC80] =	vst v63  }
0x239: {  	s6 =	sadd.s32 @!p0 s4, s6;
	s8 =	simm.s32 @!p0 $0xA40  }
0x23a: {  	[tilespmem:s8], [sflag:$0x2] =	stream.linear.gather @!p0 [hbm4b:s6+s7], $0x240, $0x38;
	[tilespmem:$0x1DC80] =	vst v63  }
0x23b: {  	s6 =	simm.s32 $0x0  }
0x23c: {  	v0 =	vld [tilespmem:s6+$0xD540]  }
0x23d: {  	v1 =	vld [tilespmem:s6+$0xD550]  }
0x23e: {  	v2 =	vld [tilespmem:s6+$0xD500]  }
0x23f: {  	v3 =	vld [tilespmem:s6+$0xD510]  }
0x240: {  	v4 =	vld [tilespmem:s6+$0xD4C0]  }
0x241: {  	v5 =	vld [tilespmem:s6+$0xD4D0]  }
0x242: {  	v10 =	vld [tilespmem:s6+$0xD480]  }
0x243: {  	v8 =	vimm.f32 $0.0e+00;
	v11 =	vld [tilespmem:s6+$0xD490]  }
0x244: {  	v9 =	vimm.f32 $0.0e+00;
	v7 =	vimm.f32 $0.0e+00;
	v6 =	vimm.f32 $0.0e+00;
	s7 =	simm.s32 $0x400;
	v12 =	vld [tilespmem:s6+$0xD4A0]  }
.LBB2_19:
0x245: {  	p0 =	sne.s32 s7, $0x6000;
	v13 =	vld [tilespmem:s6+$0xD4B0]  }
0x246: {  	v14 =	vld [tilespmem:s6+$0xD4E0]  }
0x247: {  	v15 =	vld [tilespmem:s6+$0xD4F0]  }
0x248: {  	v16 =	vld [tilespmem:s6+$0xD520]  }
0x249: {  	v6 =	vadd.f32 v10, v6;
	v7 =	vadd.f32 v11, v7;
	v10 =	vld [tilespmem:s6+$0xD530]  }
0x24a: {  	v9 =	vadd.f32 v12, v9;
	v8 =	vadd.f32 v13, v8;
	v11 =	vld [tilespmem:s6+$0xD560]  }
0x24b: {  	v4 =	vadd.f32 v4, v6;
	v5 =	vadd.f32 v5, v7;
	v12 =	vld [tilespmem:s6+$0xD570];
	s6 =	sshra.s32 s7, $0x2  }
0x24c: {  	v6 =	vadd.f32 v14, v9;
	v13 =	vld [tilespmem:s6+$0xD540];
	v7 =	vadd.f32 v15, v8  }
0x24d: {  	v4 =	vadd.f32 v2, v4;
	v5 =	vadd.f32 v3, v5;
	v14 =	vld [tilespmem:s6+$0xD550]  }
0x24e: {  	v8 =	vadd.f32 v16, v6;
	v2 =	vld [tilespmem:s6+$0xD500];
	v10 =	vadd.f32 v10, v7  }
0x24f: {  	v6 =	vadd.f32 v0, v4;
	v7 =	vadd.f32 v1, v5;
	v3 =	vld [tilespmem:s6+$0xD510]  }
.Ltmp8:
0x250: {  	v9 =	vadd.f32 v11, v8;
	v4 =	vld [tilespmem:s6+$0xD4C0];
	v8 =	vadd.f32 v12, v10;
	(pc) =	sbr.rel @p0 .LBB2_19-.Ltmp8, $4  }
0x251: {  	v5 =	vld [tilespmem:s6+$0xD4D0];
	v0 =	vmov v13  }
0x252: {  	v10 =	vld [tilespmem:s6+$0xD480];
	v1 =	vmov v14  }
0x253: {  	v11 =	vld [tilespmem:s6+$0xD490]  }
0x254: {  	s7 =	sadd.s32 $0x400, s7;
	v12 =	vld [tilespmem:s6+$0xD4A0]  }
0x255: {  	v13 =	vld [tilespmem:s6+$0xD4B0]  }
0x256: {  	v14 =	vld [tilespmem:s6+$0xD4E0]  }
0x257: {  	v15 =	vld [tilespmem:s6+$0xD4F0]  }
0x258: {  	v16 =	vld [tilespmem:s6+$0xD520]  }
0x259: {  	v6 =	vadd.f32 v10, v6;
	v10 =	vld [tilespmem:s6+$0xD530];
	v9 =	vadd.f32 v12, v9  }
0x25a: {  	v7 =	vadd.f32 v11, v7;
	v11 =	vld [tilespmem:s6+$0xD560];
	v8 =	vadd.f32 v13, v8  }
0x25b: {  	v4 =	vadd.f32 v4, v6;
	v6 =	vld [tilespmem:s6+$0xD570];
	v9 =	vadd.f32 v14, v9  }
0x25c: {  	v5 =	vadd.f32 v5, v7;
	v7 =	vadd.f32 v15, v8  }
0x25d: {  	v2 =	vadd.f32 v2, v4;
	v4 =	vadd.f32 v16, v9  }
0x25e: {  	v3 =	vadd.f32 v3, v5;
	v5 =	vadd.f32 v10, v7  }
0x25f: {  	v0 =	vadd.f32 v0, v2;
	v2 =	vadd.f32 v11, v4  }
0x260: {  	v1 =	vadd.f32 v1, v3;
	v3 =	vadd.f32 v6, v5  }
0x261: {  	v0 =	vadd.f32 v2, v0  }
0x262: {  	v1 =	vadd.f32 v3, v1  }
0x263: {  	[tilespmem:s14+$0x19D80] =	vst v0  }
0x264: {  	s6 =	simm.s32 $0x0;
	[tilespmem:s14+$0x19D90] =	vst v1  }
0x265: {  	v0 =	vld [tilespmem:s6+$0xEE40]  }
0x266: {  	v1 =	vld [tilespmem:s6+$0xEE50]  }
0x267: {  	v2 =	vld [tilespmem:s6+$0xEE00]  }
0x268: {  	v3 =	vld [tilespmem:s6+$0xEE10]  }
0x269: {  	v4 =	vld [tilespmem:s6+$0xEDC0]  }
0x26a: {  	v5 =	vld [tilespmem:s6+$0xEDD0]  }
0x26b: {  	v10 =	vld [tilespmem:s6+$0xED80]  }
0x26c: {  	v8 =	vimm.f32 $0.0e+00;
	v11 =	vld [tilespmem:s6+$0xED90]  }
0x26d: {  	s7 =	simm.s32 $0x400;
	v9 =	vimm.f32 $0.0e+00;
	v7 =	vimm.f32 $0.0e+00;
	v6 =	vimm.f32 $0.0e+00;
	v12 =	vld [tilespmem:s6+$0xEDA0]  }
.LBB2_21:
0x26e: {  	p0 =	sne.s32 s7, $0x6000;
	v13 =	vld [tilespmem:s6+$0xEDB0]  }
0x26f: {  	v14 =	vld [tilespmem:s6+$0xEDE0]  }
0x270: {  	v15 =	vld [tilespmem:s6+$0xEDF0]  }
0x271: {  	v16 =	vld [tilespmem:s6+$0xEE20]  }
0x272: {  	v6 =	vadd.f32 v10, v6;
	v7 =	vadd.f32 v11, v7;
	v10 =	vld [tilespmem:s6+$0xEE30]  }
0x273: {  	v9 =	vadd.f32 v12, v9;
	v8 =	vadd.f32 v13, v8;
	v11 =	vld [tilespmem:s6+$0xEE60]  }
0x274: {  	v4 =	vadd.f32 v4, v6;
	v5 =	vadd.f32 v5, v7;
	v12 =	vld [tilespmem:s6+$0xEE70];
	s6 =	sshra.s32 s7, $0x2  }
0x275: {  	v6 =	vadd.f32 v14, v9;
	v13 =	vld [tilespmem:s6+$0xEE40];
	v7 =	vadd.f32 v15, v8  }
0x276: {  	v4 =	vadd.f32 v2, v4;
	v5 =	vadd.f32 v3, v5;
	v14 =	vld [tilespmem:s6+$0xEE50]  }
0x277: {  	v8 =	vadd.f32 v16, v6;
	v2 =	vld [tilespmem:s6+$0xEE00];
	v10 =	vadd.f32 v10, v7  }
0x278: {  	v6 =	vadd.f32 v0, v4;
	v7 =	vadd.f32 v1, v5;
	v3 =	vld [tilespmem:s6+$0xEE10]  }
.Ltmp9:
0x279: {  	v9 =	vadd.f32 v11, v8;
	v4 =	vld [tilespmem:s6+$0xEDC0];
	v8 =	vadd.f32 v12, v10;
	(pc) =	sbr.rel @p0 .LBB2_21-.Ltmp9, $4  }
0x27a: {  	v5 =	vld [tilespmem:s6+$0xEDD0];
	v0 =	vmov v13  }
0x27b: {  	v10 =	vld [tilespmem:s6+$0xED80];
	v1 =	vmov v14  }
0x27c: {  	v11 =	vld [tilespmem:s6+$0xED90]  }
0x27d: {  	s7 =	sadd.s32 $0x400, s7;
	v12 =	vld [tilespmem:s6+$0xEDA0]  }
0x27e: {  	v13 =	vld [tilespmem:s6+$0xEDB0]  }
0x27f: {  	v14 =	vld [tilespmem:s6+$0xEDE0]  }
0x280: {  	v15 =	vld [tilespmem:s6+$0xEDF0]  }
0x281: {  	v16 =	vld [tilespmem:s6+$0xEE20]  }
0x282: {  	v6 =	vadd.f32 v10, v6;
	v10 =	vld [tilespmem:s6+$0xEE30];
	v9 =	vadd.f32 v12, v9  }
0x283: {  	v7 =	vadd.f32 v11, v7;
	v11 =	vld [tilespmem:s6+$0xEE60];
	v8 =	vadd.f32 v13, v8  }
0x284: {  	v4 =	vadd.f32 v4, v6;
	v6 =	vld [tilespmem:s6+$0xEE70];
	v9 =	vadd.f32 v14, v9  }
0x285: {  	v5 =	vadd.f32 v5, v7;
	v7 =	vadd.f32 v15, v8  }
0x286: {  	v2 =	vadd.f32 v2, v4;
	v4 =	vadd.f32 v16, v9  }
0x287: {  	v3 =	vadd.f32 v3, v5;
	v5 =	vadd.f32 v10, v7  }
0x288: {  	v0 =	vadd.f32 v0, v2;
	v2 =	vadd.f32 v11, v4  }
0x289: {  	v1 =	vadd.f32 v1, v3;
	v3 =	vadd.f32 v6, v5  }
0x28a: {  	v0 =	vadd.f32 v2, v0  }
0x28b: {  	v1 =	vadd.f32 v3, v1  }
0x28c: {  	[tilespmem:s14+$0x19DA0] =	vst v0  }
0x28d: {  	s6 =	simm.s32 $0x0;
	[tilespmem:s14+$0x19DB0] =	vst v1  }
0x28e: {  	v0 =	vld [tilespmem:s6+$0x10740]  }
0x28f: {  	v1 =	vld [tilespmem:s6+$0x10750]  }
0x290: {  	v2 =	vld [tilespmem:s6+$0x10700]  }
0x291: {  	v3 =	vld [tilespmem:s6+$0x10710]  }
0x292: {  	v4 =	vld [tilespmem:s6+$0x106C0]  }
0x293: {  	v5 =	vld [tilespmem:s6+$0x106D0]  }
0x294: {  	v10 =	vld [tilespmem:s6+$0x10680]  }
0x295: {  	v8 =	vimm.f32 $0.0e+00;
	v11 =	vld [tilespmem:s6+$0x10690]  }
0x296: {  	s7 =	simm.s32 $0x400;
	v9 =	vimm.f32 $0.0e+00;
	v7 =	vimm.f32 $0.0e+00;
	v6 =	vimm.f32 $0.0e+00;
	v12 =	vld [tilespmem:s6+$0x106A0]  }
.LBB2_23:
0x297: {  	p0 =	sne.s32 s7, $0x6000;
	v13 =	vld [tilespmem:s6+$0x106B0]  }
0x298: {  	v14 =	vld [tilespmem:s6+$0x106E0]  }
0x299: {  	v15 =	vld [tilespmem:s6+$0x106F0]  }
0x29a: {  	v16 =	vld [tilespmem:s6+$0x10720]  }
0x29b: {  	v6 =	vadd.f32 v10, v6;
	v7 =	vadd.f32 v11, v7;
	v10 =	vld [tilespmem:s6+$0x10730]  }
0x29c: {  	v9 =	vadd.f32 v12, v9;
	v8 =	vadd.f32 v13, v8;
	v11 =	vld [tilespmem:s6+$0x10760]  }
0x29d: {  	v4 =	vadd.f32 v4, v6;
	v5 =	vadd.f32 v5, v7;
	v12 =	vld [tilespmem:s6+$0x10770];
	s6 =	sshra.s32 s7, $0x2  }
0x29e: {  	v6 =	vadd.f32 v14, v9;
	v13 =	vld [tilespmem:s6+$0x10740];
	v7 =	vadd.f32 v15, v8  }
0x29f: {  	v4 =	vadd.f32 v2, v4;
	v5 =	vadd.f32 v3, v5;
	v14 =	vld [tilespmem:s6+$0x10750]  }
0x2a0: {  	v8 =	vadd.f32 v16, v6;
	v2 =	vld [tilespmem:s6+$0x10700];
	v10 =	vadd.f32 v10, v7  }
0x2a1: {  	v6 =	vadd.f32 v0, v4;
	v7 =	vadd.f32 v1, v5;
	v3 =	vld [tilespmem:s6+$0x10710]  }
.Ltmp10:
0x2a2: {  	v9 =	vadd.f32 v11, v8;
	v4 =	vld [tilespmem:s6+$0x106C0];
	v8 =	vadd.f32 v12, v10;
	(pc) =	sbr.rel @p0 .LBB2_23-.Ltmp10, $4  }
0x2a3: {  	v5 =	vld [tilespmem:s6+$0x106D0];
	v0 =	vmov v13  }
0x2a4: {  	v10 =	vld [tilespmem:s6+$0x10680];
	v1 =	vmov v14  }
0x2a5: {  	v11 =	vld [tilespmem:s6+$0x10690]  }
0x2a6: {  	s7 =	sadd.s32 $0x400, s7;
	v12 =	vld [tilespmem:s6+$0x106A0]  }
0x2a7: {  	v13 =	vld [tilespmem:s6+$0x106B0]  }
0x2a8: {  	v14 =	vld [tilespmem:s6+$0x106E0]  }
0x2a9: {  	v15 =	vld [tilespmem:s6+$0x106F0]  }
0x2aa: {  	v16 =	vld [tilespmem:s6+$0x10720]  }
0x2ab: {  	v6 =	vadd.f32 v10, v6;
	v10 =	vld [tilespmem:s6+$0x10730];
	v9 =	vadd.f32 v12, v9  }
0x2ac: {  	v7 =	vadd.f32 v11, v7;
	v11 =	vld [tilespmem:s6+$0x10760];
	v8 =	vadd.f32 v13, v8  }
0x2ad: {  	v4 =	vadd.f32 v4, v6;
	v6 =	vld [tilespmem:s6+$0x10770];
	v9 =	vadd.f32 v14, v9  }
0x2ae: {  	v5 =	vadd.f32 v5, v7;
	v7 =	vadd.f32 v15, v8  }
0x2af: {  	v2 =	vadd.f32 v2, v4;
	v4 =	vadd.f32 v16, v9  }
0x2b0: {  	v3 =	vadd.f32 v3, v5;
	v5 =	vadd.f32 v10, v7  }
0x2b1: {  	v0 =	vadd.f32 v0, v2;
	v2 =	vadd.f32 v11, v4  }
0x2b2: {  	v1 =	vadd.f32 v1, v3;
	v3 =	vadd.f32 v6, v5  }
0x2b3: {  	v0 =	vadd.f32 v2, v0  }
0x2b4: {  	v1 =	vadd.f32 v3, v1  }
0x2b5: {  	[tilespmem:s14+$0x19DC0] =	vst v0  }
0x2b6: {  	s6 =	simm.s32 $0x0;
	[tilespmem:s14+$0x19DD0] =	vst v1  }
0x2b7: {  	v0 =	vld [tilespmem:s6+$0x12040]  }
0x2b8: {  	v1 =	vld [tilespmem:s6+$0x12050]  }
0x2b9: {  	v2 =	vld [tilespmem:s6+$0x12000]  }
0x2ba: {  	v3 =	vld [tilespmem:s6+$0x12010]  }
0x2bb: {  	v4 =	vld [tilespmem:s6+$0x11FC0]  }
0x2bc: {  	v5 =	vld [tilespmem:s6+$0x11FD0]  }
0x2bd: {  	v10 =	vld [tilespmem:s6+$0x11F80]  }
0x2be: {  	v8 =	vimm.f32 $0.0e+00;
	v11 =	vld [tilespmem:s6+$0x11F90]  }
0x2bf: {  	s7 =	simm.s32 $0x400;
	v9 =	vimm.f32 $0.0e+00;
	v7 =	vimm.f32 $0.0e+00;
	v6 =	vimm.f32 $0.0e+00;
	v12 =	vld [tilespmem:s6+$0x11FA0]  }
.LBB2_25:
0x2c0: {  	p0 =	sne.s32 s7, $0x6000;
	v13 =	vld [tilespmem:s6+$0x11FB0]  }
0x2c1: {  	v14 =	vld [tilespmem:s6+$0x11FE0]  }
0x2c2: {  	v15 =	vld [tilespmem:s6+$0x11FF0]  }
0x2c3: {  	v16 =	vld [tilespmem:s6+$0x12020]  }
0x2c4: {  	v6 =	vadd.f32 v10, v6;
	v7 =	vadd.f32 v11, v7;
	v10 =	vld [tilespmem:s6+$0x12030]  }
0x2c5: {  	v9 =	vadd.f32 v12, v9;
	v8 =	vadd.f32 v13, v8;
	v11 =	vld [tilespmem:s6+$0x12060]  }
0x2c6: {  	v4 =	vadd.f32 v4, v6;
	v5 =	vadd.f32 v5, v7;
	v12 =	vld [tilespmem:s6+$0x12070];
	s6 =	sshra.s32 s7, $0x2  }
0x2c7: {  	v6 =	vadd.f32 v14, v9;
	v13 =	vld [tilespmem:s6+$0x12040];
	v7 =	vadd.f32 v15, v8  }
0x2c8: {  	v4 =	vadd.f32 v2, v4;
	v5 =	vadd.f32 v3, v5;
	v14 =	vld [tilespmem:s6+$0x12050]  }
0x2c9: {  	v8 =	vadd.f32 v16, v6;
	v2 =	vld [tilespmem:s6+$0x12000];
	v10 =	vadd.f32 v10, v7  }
0x2ca: {  	v6 =	vadd.f32 v0, v4;
	v7 =	vadd.f32 v1, v5;
	v3 =	vld [tilespmem:s6+$0x12010]  }
.Ltmp11:
0x2cb: {  	v9 =	vadd.f32 v11, v8;
	v4 =	vld [tilespmem:s6+$0x11FC0];
	v8 =	vadd.f32 v12, v10;
	(pc) =	sbr.rel @p0 .LBB2_25-.Ltmp11, $4  }
0x2cc: {  	v5 =	vld [tilespmem:s6+$0x11FD0];
	v0 =	vmov v13  }
0x2cd: {  	v10 =	vld [tilespmem:s6+$0x11F80];
	v1 =	vmov v14  }
0x2ce: {  	v11 =	vld [tilespmem:s6+$0x11F90]  }
0x2cf: {  	s7 =	sadd.s32 $0x400, s7;
	v12 =	vld [tilespmem:s6+$0x11FA0]  }
0x2d0: {  	v13 =	vld [tilespmem:s6+$0x11FB0]  }
0x2d1: {  	v14 =	vld [tilespmem:s6+$0x11FE0]  }
0x2d2: {  	v15 =	vld [tilespmem:s6+$0x11FF0]  }
0x2d3: {  	v16 =	vld [tilespmem:s6+$0x12020]  }
0x2d4: {  	v6 =	vadd.f32 v10, v6;
	v10 =	vld [tilespmem:s6+$0x12030];
	v9 =	vadd.f32 v12, v9  }
0x2d5: {  	v7 =	vadd.f32 v11, v7;
	v11 =	vld [tilespmem:s6+$0x12060];
	v8 =	vadd.f32 v13, v8  }
0x2d6: {  	v4 =	vadd.f32 v4, v6;
	v6 =	vld [tilespmem:s6+$0x12070];
	v9 =	vadd.f32 v14, v9  }
0x2d7: {  	v5 =	vadd.f32 v5, v7;
	v7 =	vadd.f32 v15, v8  }
0x2d8: {  	v2 =	vadd.f32 v2, v4;
	v4 =	vadd.f32 v16, v9  }
0x2d9: {  	v3 =	vadd.f32 v3, v5;
	v5 =	vadd.f32 v10, v7  }
0x2da: {  	v0 =	vadd.f32 v0, v2;
	v2 =	vadd.f32 v11, v4  }
0x2db: {  	v1 =	vadd.f32 v1, v3;
	v3 =	vadd.f32 v6, v5  }
0x2dc: {  	v0 =	vadd.f32 v2, v0  }
0x2dd: {  	v1 =	vadd.f32 v3, v1  }
0x2de: {  	[tilespmem:s14+$0x19DE0] =	vst v0  }
0x2df: {  	s6 =	simm.s32 $0x0;
	[tilespmem:s14+$0x19DF0] =	vst v1  }
0x2e0: {  	v0 =	vld [tilespmem:s6+$0x13940]  }
0x2e1: {  	v1 =	vld [tilespmem:s6+$0x13950]  }
0x2e2: {  	v2 =	vld [tilespmem:s6+$0x13900]  }
0x2e3: {  	v3 =	vld [tilespmem:s6+$0x13910]  }
0x2e4: {  	v4 =	vld [tilespmem:s6+$0x138C0]  }
0x2e5: {  	v5 =	vld [tilespmem:s6+$0x138D0]  }
0x2e6: {  	v10 =	vld [tilespmem:s6+$0x13880]  }
0x2e7: {  	v8 =	vimm.f32 $0.0e+00;
	v11 =	vld [tilespmem:s6+$0x13890]  }
0x2e8: {  	s7 =	simm.s32 $0x400;
	v9 =	vimm.f32 $0.0e+00;
	v7 =	vimm.f32 $0.0e+00;
	v6 =	vimm.f32 $0.0e+00;
	v12 =	vld [tilespmem:s6+$0x138A0]  }
.LBB2_27:
0x2e9: {  	p0 =	sne.s32 s7, $0x6000;
	v13 =	vld [tilespmem:s6+$0x138B0]  }
0x2ea: {  	v14 =	vld [tilespmem:s6+$0x138E0]  }
0x2eb: {  	v15 =	vld [tilespmem:s6+$0x138F0]  }
0x2ec: {  	v16 =	vld [tilespmem:s6+$0x13920]  }
0x2ed: {  	v6 =	vadd.f32 v10, v6;
	v7 =	vadd.f32 v11, v7;
	v10 =	vld [tilespmem:s6+$0x13930]  }
0x2ee: {  	v9 =	vadd.f32 v12, v9;
	v8 =	vadd.f32 v13, v8;
	v11 =	vld [tilespmem:s6+$0x13960]  }
0x2ef: {  	v4 =	vadd.f32 v4, v6;
	v5 =	vadd.f32 v5, v7;
	v12 =	vld [tilespmem:s6+$0x13970];
	s6 =	sshra.s32 s7, $0x2  }
0x2f0: {  	v6 =	vadd.f32 v14, v9;
	v13 =	vld [tilespmem:s6+$0x13940];
	v7 =	vadd.f32 v15, v8  }
0x2f1: {  	v4 =	vadd.f32 v2, v4;
	v5 =	vadd.f32 v3, v5;
	v14 =	vld [tilespmem:s6+$0x13950]  }
0x2f2: {  	v8 =	vadd.f32 v16, v6;
	v2 =	vld [tilespmem:s6+$0x13900];
	v10 =	vadd.f32 v10, v7  }
0x2f3: {  	v6 =	vadd.f32 v0, v4;
	v7 =	vadd.f32 v1, v5;
	v3 =	vld [tilespmem:s6+$0x13910]  }
.Ltmp12:
0x2f4: {  	v9 =	vadd.f32 v11, v8;
	v4 =	vld [tilespmem:s6+$0x138C0];
	v8 =	vadd.f32 v12, v10;
	(pc) =	sbr.rel @p0 .LBB2_27-.Ltmp12, $4  }
0x2f5: {  	v5 =	vld [tilespmem:s6+$0x138D0];
	v0 =	vmov v13  }
0x2f6: {  	v10 =	vld [tilespmem:s6+$0x13880];
	v1 =	vmov v14  }
0x2f7: {  	v11 =	vld [tilespmem:s6+$0x13890]  }
0x2f8: {  	s7 =	sadd.s32 $0x400, s7;
	v12 =	vld [tilespmem:s6+$0x138A0]  }
0x2f9: {  	v13 =	vld [tilespmem:s6+$0x138B0]  }
0x2fa: {  	v14 =	vld [tilespmem:s6+$0x138E0]  }
0x2fb: {  	v15 =	vld [tilespmem:s6+$0x138F0]  }
0x2fc: {  	v16 =	vld [tilespmem:s6+$0x13920]  }
0x2fd: {  	v6 =	vadd.f32 v10, v6;
	v10 =	vld [tilespmem:s6+$0x13930];
	v9 =	vadd.f32 v12, v9  }
0x2fe: {  	v7 =	vadd.f32 v11, v7;
	v11 =	vld [tilespmem:s6+$0x13960];
	v8 =	vadd.f32 v13, v8  }
0x2ff: {  	v4 =	vadd.f32 v4, v6;
	v6 =	vld [tilespmem:s6+$0x13970];
	v9 =	vadd.f32 v14, v9  }
0x300: {  	v5 =	vadd.f32 v5, v7;
	v7 =	vadd.f32 v15, v8  }
0x301: {  	v2 =	vadd.f32 v2, v4;
	v4 =	vadd.f32 v16, v9  }
0x302: {  	v3 =	vadd.f32 v3, v5;
	v5 =	vadd.f32 v10, v7  }
0x303: {  	v0 =	vadd.f32 v0, v2;
	v2 =	vadd.f32 v11, v4  }
0x304: {  	v1 =	vadd.f32 v1, v3;
	v3 =	vadd.f32 v6, v5  }
0x305: {  	v0 =	vadd.f32 v2, v0  }
0x306: {  	v1 =	vadd.f32 v3, v1  }
0x307: {  	[tilespmem:s14+$0x19E00] =	vst v0  }
0x308: {  	s6 =	simm.s32 $0x0;
	[tilespmem:s14+$0x19E10] =	vst v1  }
0x309: {  	v0 =	vld [tilespmem:s6+$0x15240]  }
0x30a: {  	v1 =	vld [tilespmem:s6+$0x15250]  }
0x30b: {  	v2 =	vld [tilespmem:s6+$0x15200]  }
0x30c: {  	v3 =	vld [tilespmem:s6+$0x15210]  }
0x30d: {  	v4 =	vld [tilespmem:s6+$0x151C0]  }
0x30e: {  	v5 =	vld [tilespmem:s6+$0x151D0]  }
0x30f: {  	v10 =	vld [tilespmem:s6+$0x15180]  }
0x310: {  	v8 =	vimm.f32 $0.0e+00;
	v11 =	vld [tilespmem:s6+$0x15190]  }
0x311: {  	s7 =	simm.s32 $0x400;
	v9 =	vimm.f32 $0.0e+00;
	v7 =	vimm.f32 $0.0e+00;
	v6 =	vimm.f32 $0.0e+00;
	v12 =	vld [tilespmem:s6+$0x151A0]  }
.LBB2_29:
0x312: {  	p0 =	sne.s32 s7, $0x6000;
	v13 =	vld [tilespmem:s6+$0x151B0]  }
0x313: {  	v14 =	vld [tilespmem:s6+$0x151E0]  }
0x314: {  	v15 =	vld [tilespmem:s6+$0x151F0]  }
0x315: {  	v16 =	vld [tilespmem:s6+$0x15220]  }
0x316: {  	v6 =	vadd.f32 v10, v6;
	v7 =	vadd.f32 v11, v7;
	v10 =	vld [tilespmem:s6+$0x15230]  }
0x317: {  	v9 =	vadd.f32 v12, v9;
	v8 =	vadd.f32 v13, v8;
	v11 =	vld [tilespmem:s6+$0x15260]  }
0x318: {  	v4 =	vadd.f32 v4, v6;
	v5 =	vadd.f32 v5, v7;
	v12 =	vld [tilespmem:s6+$0x15270];
	s6 =	sshra.s32 s7, $0x2  }
0x319: {  	v6 =	vadd.f32 v14, v9;
	v13 =	vld [tilespmem:s6+$0x15240];
	v7 =	vadd.f32 v15, v8  }
0x31a: {  	v4 =	vadd.f32 v2, v4;
	v5 =	vadd.f32 v3, v5;
	v14 =	vld [tilespmem:s6+$0x15250]  }
0x31b: {  	v8 =	vadd.f32 v16, v6;
	v2 =	vld [tilespmem:s6+$0x15200];
	v10 =	vadd.f32 v10, v7  }
0x31c: {  	v6 =	vadd.f32 v0, v4;
	v7 =	vadd.f32 v1, v5;
	v3 =	vld [tilespmem:s6+$0x15210]  }
.Ltmp13:
0x31d: {  	v9 =	vadd.f32 v11, v8;
	v4 =	vld [tilespmem:s6+$0x151C0];
	v8 =	vadd.f32 v12, v10;
	(pc) =	sbr.rel @p0 .LBB2_29-.Ltmp13, $4  }
0x31e: {  	v5 =	vld [tilespmem:s6+$0x151D0];
	v0 =	vmov v13  }
0x31f: {  	v10 =	vld [tilespmem:s6+$0x15180];
	v1 =	vmov v14  }
0x320: {  	v11 =	vld [tilespmem:s6+$0x15190]  }
0x321: {  	s7 =	sadd.s32 $0x400, s7;
	v12 =	vld [tilespmem:s6+$0x151A0]  }
0x322: {  	v13 =	vld [tilespmem:s6+$0x151B0]  }
0x323: {  	v14 =	vld [tilespmem:s6+$0x151E0]  }
0x324: {  	v15 =	vld [tilespmem:s6+$0x151F0]  }
0x325: {  	v16 =	vld [tilespmem:s6+$0x15220]  }
0x326: {  	v6 =	vadd.f32 v10, v6;
	v10 =	vld [tilespmem:s6+$0x15230];
	v9 =	vadd.f32 v12, v9  }
0x327: {  	v7 =	vadd.f32 v11, v7;
	v11 =	vld [tilespmem:s6+$0x15260];
	v8 =	vadd.f32 v13, v8  }
0x328: {  	v4 =	vadd.f32 v4, v6;
	v6 =	vld [tilespmem:s6+$0x15270];
	v9 =	vadd.f32 v14, v9  }
0x329: {  	v5 =	vadd.f32 v5, v7;
	v7 =	vadd.f32 v15, v8  }
0x32a: {  	v2 =	vadd.f32 v2, v4;
	v4 =	vadd.f32 v16, v9  }
0x32b: {  	v3 =	vadd.f32 v3, v5;
	v5 =	vadd.f32 v10, v7  }
0x32c: {  	v0 =	vadd.f32 v0, v2;
	v2 =	vadd.f32 v11, v4  }
0x32d: {  	v1 =	vadd.f32 v1, v3;
	v3 =	vadd.f32 v6, v5  }
0x32e: {  	v0 =	vadd.f32 v2, v0  }
0x32f: {  	v1 =	vadd.f32 v3, v1  }
0x330: {  	[tilespmem:s14+$0x19E20] =	vst v0  }
0x331: {  	s6 =	simm.s32 $0x0;
	[tilespmem:s14+$0x19E30] =	vst v1  }
0x332: {  	v0 =	vld [tilespmem:s6+$0x16B40]  }
0x333: {  	v1 =	vld [tilespmem:s6+$0x16B50]  }
0x334: {  	v2 =	vld [tilespmem:s6+$0x16B00]  }
0x335: {  	v3 =	vld [tilespmem:s6+$0x16B10]  }
0x336: {  	v4 =	vld [tilespmem:s6+$0x16AC0]  }
0x337: {  	v5 =	vld [tilespmem:s6+$0x16AD0]  }
0x338: {  	v10 =	vld [tilespmem:s6+$0x16A80]  }
0x339: {  	v8 =	vimm.f32 $0.0e+00;
	v11 =	vld [tilespmem:s6+$0x16A90]  }
0x33a: {  	s7 =	simm.s32 $0x400;
	v9 =	vimm.f32 $0.0e+00;
	v7 =	vimm.f32 $0.0e+00;
	v6 =	vimm.f32 $0.0e+00;
	v12 =	vld [tilespmem:s6+$0x16AA0]  }
.LBB2_31:
0x33b: {  	p0 =	sne.s32 s7, $0x6000;
	v13 =	vld [tilespmem:s6+$0x16AB0]  }
0x33c: {  	v14 =	vld [tilespmem:s6+$0x16AE0]  }
0x33d: {  	v15 =	vld [tilespmem:s6+$0x16AF0]  }
0x33e: {  	v16 =	vld [tilespmem:s6+$0x16B20]  }
0x33f: {  	v6 =	vadd.f32 v10, v6;
	v7 =	vadd.f32 v11, v7;
	v10 =	vld [tilespmem:s6+$0x16B30]  }
0x340: {  	v9 =	vadd.f32 v12, v9;
	v8 =	vadd.f32 v13, v8;
	v11 =	vld [tilespmem:s6+$0x16B60]  }
0x341: {  	v4 =	vadd.f32 v4, v6;
	v5 =	vadd.f32 v5, v7;
	v12 =	vld [tilespmem:s6+$0x16B70];
	s6 =	sshra.s32 s7, $0x2  }
0x342: {  	v6 =	vadd.f32 v14, v9;
	v13 =	vld [tilespmem:s6+$0x16B40];
	v7 =	vadd.f32 v15, v8  }
0x343: {  	v4 =	vadd.f32 v2, v4;
	v5 =	vadd.f32 v3, v5;
	v14 =	vld [tilespmem:s6+$0x16B50]  }
0x344: {  	v8 =	vadd.f32 v16, v6;
	v2 =	vld [tilespmem:s6+$0x16B00];
	v10 =	vadd.f32 v10, v7  }
0x345: {  	v6 =	vadd.f32 v0, v4;
	v7 =	vadd.f32 v1, v5;
	v3 =	vld [tilespmem:s6+$0x16B10]  }
.Ltmp14:
0x346: {  	v9 =	vadd.f32 v11, v8;
	v4 =	vld [tilespmem:s6+$0x16AC0];
	v8 =	vadd.f32 v12, v10;
	(pc) =	sbr.rel @p0 .LBB2_31-.Ltmp14, $4  }
0x347: {  	v5 =	vld [tilespmem:s6+$0x16AD0];
	v0 =	vmov v13  }
0x348: {  	v10 =	vld [tilespmem:s6+$0x16A80];
	v1 =	vmov v14  }
0x349: {  	v11 =	vld [tilespmem:s6+$0x16A90]  }
0x34a: {  	s7 =	sadd.s32 $0x400, s7;
	v12 =	vld [tilespmem:s6+$0x16AA0]  }
0x34b: {  	v13 =	vld [tilespmem:s6+$0x16AB0]  }
0x34c: {  	v14 =	vld [tilespmem:s6+$0x16AE0]  }
0x34d: {  	v15 =	vld [tilespmem:s6+$0x16AF0]  }
0x34e: {  	v16 =	vld [tilespmem:s6+$0x16B20]  }
0x34f: {  	v6 =	vadd.f32 v10, v6;
	v10 =	vld [tilespmem:s6+$0x16B30];
	v9 =	vadd.f32 v12, v9  }
0x350: {  	v7 =	vadd.f32 v11, v7;
	v11 =	vld [tilespmem:s6+$0x16B60];
	v8 =	vadd.f32 v13, v8  }
0x351: {  	v4 =	vadd.f32 v4, v6;
	v6 =	vld [tilespmem:s6+$0x16B70];
	v9 =	vadd.f32 v14, v9  }
0x352: {  	v5 =	vadd.f32 v5, v7;
	v7 =	vadd.f32 v15, v8  }
0x353: {  	v2 =	vadd.f32 v2, v4;
	v4 =	vadd.f32 v16, v9  }
0x354: {  	v3 =	vadd.f32 v3, v5;
	v5 =	vadd.f32 v10, v7  }
0x355: {  	v0 =	vadd.f32 v0, v2;
	v2 =	vadd.f32 v11, v4  }
0x356: {  	v1 =	vadd.f32 v1, v3;
	v3 =	vadd.f32 v6, v5  }
0x357: {  	v0 =	vadd.f32 v2, v0  }
0x358: {  	v1 =	vadd.f32 v3, v1  }
0x359: {  	[tilespmem:s14+$0x19E40] =	vst v0  }
0x35a: {  	s6 =	simm.s32 $0x0;
	[tilespmem:s14+$0x19E50] =	vst v1  }
0x35b: {  	v0 =	vld [tilespmem:s6+$0x18440]  }
0x35c: {  	v1 =	vld [tilespmem:s6+$0x18450]  }
0x35d: {  	v2 =	vld [tilespmem:s6+$0x18400]  }
0x35e: {  	v3 =	vld [tilespmem:s6+$0x18410]  }
0x35f: {  	v4 =	vld [tilespmem:s6+$0x183C0]  }
0x360: {  	v5 =	vld [tilespmem:s6+$0x183D0]  }
0x361: {  	v10 =	vld [tilespmem:s6+$0x18380]  }
0x362: {  	v8 =	vimm.f32 $0.0e+00;
	v11 =	vld [tilespmem:s6+$0x18390]  }
0x363: {  	s7 =	simm.s32 $0x400;
	v9 =	vimm.f32 $0.0e+00;
	v7 =	vimm.f32 $0.0e+00;
	v6 =	vimm.f32 $0.0e+00;
	v12 =	vld [tilespmem:s6+$0x183A0]  }
.LBB2_33:
0x364: {  	p0 =	sne.s32 s7, $0x6000;
	v13 =	vld [tilespmem:s6+$0x183B0]  }
0x365: {  	v14 =	vld [tilespmem:s6+$0x183E0]  }
0x366: {  	v15 =	vld [tilespmem:s6+$0x183F0]  }
0x367: {  	v16 =	vld [tilespmem:s6+$0x18420]  }
0x368: {  	v6 =	vadd.f32 v10, v6;
	v7 =	vadd.f32 v11, v7;
	v10 =	vld [tilespmem:s6+$0x18430]  }
0x369: {  	v9 =	vadd.f32 v12, v9;
	v8 =	vadd.f32 v13, v8;
	v11 =	vld [tilespmem:s6+$0x18460]  }
0x36a: {  	v4 =	vadd.f32 v4, v6;
	v5 =	vadd.f32 v5, v7;
	v12 =	vld [tilespmem:s6+$0x18470];
	s6 =	sshra.s32 s7, $0x2  }
0x36b: {  	v6 =	vadd.f32 v14, v9;
	v13 =	vld [tilespmem:s6+$0x18440];
	v7 =	vadd.f32 v15, v8  }
0x36c: {  	v4 =	vadd.f32 v2, v4;
	v5 =	vadd.f32 v3, v5;
	v14 =	vld [tilespmem:s6+$0x18450]  }
0x36d: {  	v8 =	vadd.f32 v16, v6;
	v2 =	vld [tilespmem:s6+$0x18400];
	v10 =	vadd.f32 v10, v7  }
0x36e: {  	v6 =	vadd.f32 v0, v4;
	v7 =	vadd.f32 v1, v5;
	v3 =	vld [tilespmem:s6+$0x18410]  }
.Ltmp15:
0x36f: {  	v9 =	vadd.f32 v11, v8;
	v4 =	vld [tilespmem:s6+$0x183C0];
	v8 =	vadd.f32 v12, v10;
	(pc) =	sbr.rel @p0 .LBB2_33-.Ltmp15, $4  }
0x370: {  	v5 =	vld [tilespmem:s6+$0x183D0];
	v0 =	vmov v13  }
0x371: {  	v10 =	vld [tilespmem:s6+$0x18380];
	v1 =	vmov v14  }
0x372: {  	v11 =	vld [tilespmem:s6+$0x18390]  }
0x373: {  	s7 =	sadd.s32 $0x400, s7;
	v12 =	vld [tilespmem:s6+$0x183A0]  }
0x374: {  	v13 =	vld [tilespmem:s6+$0x183B0]  }
0x375: {  	v14 =	vld [tilespmem:s6+$0x183E0]  }
0x376: {  	v15 =	vld [tilespmem:s6+$0x183F0]  }
0x377: {  	v16 =	vld [tilespmem:s6+$0x18420]  }
0x378: {  	v56 =	vld [tilespmem:s6+$0x18430];
	v6 =	vadd.f32 v10, v6;
	v9 =	vadd.f32 v12, v9  }
0x379: {  	v57 =	vld [tilespmem:s6+$0x18460];
	v7 =	vadd.f32 v11, v7;
	v8 =	vadd.f32 v13, v8  }
0x37a: {  	v58 =	vld [tilespmem:s6+$0x18470];
	v4 =	vadd.f32 v4, v6;
	v9 =	vadd.f32 v14, v9  }
0x37b: {  	v5 =	vadd.f32 v5, v7;
	v59 =	vadd.f32 v15, v8  }
0x37c: {  	v2 =	vadd.f32 v2, v4;
	v60 =	vadd.f32 v16, v9  }
0x37d: {  	s0 =	sadd.s32 $0x1, s0;
	v3 =	vadd.f32 v3, v5;
	v61 =	vadd.f32 v56, v59  }
0x37e: {  	p0 =	sne.s32 s0, $0x20;
	v0 =	vadd.f32 v0, v2;
	v62 =	vadd.f32 v57, v60  }
.Ltmp16:
0x37f: {  	v1 =	vadd.f32 v1, v3;
	v63 =	vadd.f32 v58, v61;
	(pc) =	sbr.rel @p0 .LBB2_2-.Ltmp16, $4  }
0x380: {  	v0 =	vadd.f32 v62, v0  }
0x381: {  	v1 =	vadd.f32 v63, v1  }
0x382: {  	[tilespmem:s14+$0x19E60] =	vst v0  }
0x383: {  	[tilespmem:s14+$0x19E70] =	vst v1  }
0x384: {  	s12 =	simm.s32 $0x0  }
0x385: {  	s0 =	rddreg [dreg:$0x6];
	s6 =	simm.s32 $0x19C80;
	s13 =	simm.s32 $0x5  }
0x386: {  	[hbm4b:s0+s12] =	stream.linear.scatter [tilespmem:s6], [sflag:$0x5], $0x4000, $0x38;
	[tilespmem:$0x1DC80] =	vst v63  }
0x387: {  	_ =	swait.ge [sflag:s13], $0x4000  }
0x388: {  	s7 =	rddreg [dreg:$0x8]  }
0x389: {  	s14 =	rddreg [dreg:$0x7];
	s7 =	sadd.s32 $0x1, s7  }
0x38a: {  	p0 =	sne.s32 s7, s14  }
.Ltmp17:
0x38b: {  	_ = 	snop;
	(pc) =	sbr.rel @p0 .LBB2_1-.Ltmp17, $3  }
0x38c: {  	_ =	sdelay $0x1  }
0x38d: {  	[sflag:s13] =	ssyncset.done $0x0  }
0x38e: {  	[sflag:s13] =	ssyncadd.s32 $0xFFFFC000  }
0x38f: {  	_ =	sfence.sel $0x180000  }
0x390: {  	[bflag:$0x0] =	sbarrier.arrive $0xFFFF  }
0x391: {  	_ =	strace $0x90000047  }
0x392: {  	s0 =	stileid.u32;
	[bflag:$0x2] =	sbarrier.arrive $0xFFFF  }
0x393: {  	p0 =	sne.s32 s0, $0x0;
	s0 =	rddreg [dreg:$0x1]  }
0x394: {  	s0 =	sadd.s32 @!p0 $0x100000, s0  }
0x395: {  	[sflag:s0] =	ssyncadd.tile.s32 @!p0 $0x1;
	_ =	shalt  }
.Lfunc_end2:
_tile_overlayer_lowered:
.L_overlay_start_2:
0x396: {  	(tag) =	ssettag $0x2  }
0x397: {  	s0 =	rddreg [dreg:$0x0];
	s2 =	stileid.u32  }
0x398: {  	s1 =	rddreg [dreg:$0x1];
	p0 =	sne.s32 s2, $0x0  }
0x399: {  	s3 =	rddreg [dreg:$0x2];
	[bflag:$0x3] =	sbarrier.arrive $0xFFFF;
	s2 =	simm.s32 @!p0 $0x1C05  }
0x39a: {  	[timem:s3], [sflag:s2] =	dma.local @!p0 [hbm:s0], s1  }
0x39b: {  	s0 =	simm.s32 @!p0 $0x5  }
0x39c: {  	_ =	swait.ge @!p0 [sflag:s0], s1  }
0x39d: {  	s1 =	ssub.s32 @!p0 $0x0, s1;
	[sflag:s0] =	ssyncset.done @!p0 $0x0  }
0x39e: {  	[sflag:s0] =	ssyncadd.s32 @!p0 s1  }
0x39f: {  	[bflag:$0x3] =	sbarrier.arrive $0xFFFF  }
0x3a0: {  	_ =	shalt  }

</sc_bundles>
